<compile_context>
chip_gen: v7x
topology: tpu7x:2x2x1
jax: 0.10.2.dev20260603
libtpu: 0.0.44.dev20260713+nightly
codegen_flags: <defaults>
</compile_context>

<pallas_src>
import functools
import jax
import jax.numpy as jnp
from jax import lax
from jax.experimental import pallas as pl
from jax.experimental.pallas import tpu as pltpu
from jax.experimental.pallas import tpu_sc as plsc

B, H, W, C = 8, 128, 128, 96
HW = H * W
N = H * W * C
K = int(0.1 * N)
TD = float(K) / float(N)

QS = N // 4
W_E = 24576
N_WIN = QS // W_E
N_GRP = W_E // 96
NB_A = 2048
NB_C = 1024
NSLOT = B * 4
MININT = -2147483648


def _dkey(xv, bfv):
    boosted = xv * bfv
    bits = lax.bitcast_convert_type(boosted, jnp.int32)
    dk = jnp.where(bits < 0, bits, bits ^ jnp.int32(0x7FFFFFFF))
    return lax.bitcast_convert_type(dk, jnp.uint32)


def _make_sc_kernel():
    mesh = plsc.VectorSubcoreMesh(core_axis_name="c", subcore_axis_name="s")

    @functools.partial(
        pl.kernel,
        mesh=mesh,
        out_type=(
            jax.ShapeDtypeStruct((B * 16,), jnp.int32),
            jax.ShapeDtypeStruct((C,), jnp.float32),
            jax.ShapeDtypeStruct((NSLOT * NB_A,), jnp.int32),
        ),
        compiler_params=pltpu.CompilerParams(needs_layout_passes=False),
        scratch_types=[
            pltpu.VMEM((W_E,), jnp.float32),
            pltpu.VMEM((W_E,), jnp.float32),
            pltpu.SemaphoreType.DMA,
            pltpu.SemaphoreType.DMA,
            pltpu.VMEM((16 * NB_A,), jnp.int32),
            pltpu.VMEM((NB_A,), jnp.int32),
            pltpu.VMEM((NB_A,), jnp.int32),
            pltpu.VMEM((NB_A,), jnp.int32),
            pltpu.VMEM((NB_A,), jnp.int32),
            pltpu.VMEM((NB_A,), jnp.int32),
            pltpu.VMEM((96,), jnp.float32),
            pltpu.VMEM((96,), jnp.float32),
            pltpu.VMEM((16,), jnp.float32),
            pltpu.VMEM((16,), jnp.int32),
        ],
    )
    def sc_kernel(x_hbm, dc_hbm, bs_hbm, thr_hbm, bf_hbm, stage_hbm, win,
                  win2, sem0, sem1, hist16, histc, m0, m1, m2, m3, bf_v,
                  dc_v, bs_v, thr_v):
        c = lax.axis_index("c")
        s = lax.axis_index("s")
        rl = s // 4
        q = s % 4
        r = c * 4 + rl
        row_off = r * N + q * QS
        slot = r * 4 + q

        lane16 = jnp.arange(16, dtype=jnp.int32)
        ones16 = jnp.ones((16,), jnp.int32)
        zeros16i = jnp.zeros((16,), jnp.int32)

        pltpu.sync_copy(dc_hbm, dc_v)
        pltpu.sync_copy(bs_hbm, bs_v)
        bsv = jnp.maximum(bs_v[...], 0.0)
        for j in range(6):
            d = dc_v[pl.ds(j * 16, 16)]
            bf_v[pl.ds(j * 16, 16)] = jnp.exp((jnp.float32(TD) - d) * bsv)

        @pl.when(slot == 0)
        def _pub_bf():
            pltpu.sync_copy(bf_v, bf_hbm)

        @plsc.parallel_loop(0, 16 * NB_A // 16, unroll=4)
        def _zb(i):
            hist16[pl.ds(i * 16, 16)] = zeros16i

        def hist_pass(mode, prefix):
            nb = NB_C if mode == 2 else NB_A
            lane_off = lane16 * nb
            bf_regs = [bf_v[pl.ds(j * 16, 16)] for j in range(6)]

            def do_win(buf):
                @plsc.parallel_loop(0, N_GRP, unroll=2)
                def grp(g):
                    base = g * 96
                    xs = [buf[pl.ds(base + j * 16, 16)] for j in range(6)]
                    dks = [_dkey(xs[j], bf_regs[j]) for j in range(6)]
                    if mode == 0:
                        idxs = [(dk >> jnp.uint32(21)).astype(jnp.int32)
                                + lane_off for dk in dks]
                        acts = [None] * 6
                    elif mode == 1:
                        idxs = [((dk >> jnp.uint32(10))
                                 & jnp.uint32(0x7FF)).astype(jnp.int32)
                                + lane_off for dk in dks]
                        acts = [(dk >> jnp.uint32(21)) == prefix
                                for dk in dks]
                    else:
                        idxs = [(dk & jnp.uint32(0x3FF)).astype(jnp.int32)
                                + lane_off for dk in dks]
                        acts = [(dk >> jnp.uint32(10)) == prefix
                                for dk in dks]
                    for j in range(6):
                        plsc.addupdate_scatter(
                            hist16, [idxs[j]], ones16, mask=acts[j])

            pltpu.async_copy(x_hbm.at[pl.ds(row_off, W_E)], win, sem0)

            def pair_body(p, t):
                base = row_off + 2 * p * W_E
                pltpu.async_copy(x_hbm.at[pl.ds(base + W_E, W_E)], win2,
                                 sem1)
                pltpu.make_async_copy(
                    x_hbm.at[pl.ds(0, W_E)], win, sem0).wait()
                do_win(win)

                @pl.when(p < N_WIN // 2 - 1)
                def _next_even():
                    pltpu.async_copy(
                        x_hbm.at[pl.ds(base + 2 * W_E, W_E)], win, sem0)

                pltpu.make_async_copy(
                    x_hbm.at[pl.ds(0, W_E)], win2, sem1).wait()
                do_win(win2)
                return t
            lax.fori_loop(0, N_WIN // 2, pair_body, 0)

            @plsc.parallel_loop(0, nb // 16, unroll=2)
            def cb(i):
                acc = zeros16i
                for j in range(16):
                    sl = pl.ds(j * nb + i * 16, 16)
                    acc = acc + hist16[sl]
                for j in range(16):
                    hist16[pl.ds(j * nb + i * 16, 16)] = zeros16i
                histc[pl.ds(i * 16, 16)] = acc
            pltpu.sync_copy(histc.at[pl.ds(0, nb)],
                            stage_hbm.at[pl.ds(slot * NB_A, nb)])

        def merge_scan(nb, kv):
            rbase = r * 4 * NB_A
            pltpu.sync_copy(stage_hbm.at[pl.ds(rbase, nb)], m0.at[pl.ds(0, nb)])
            pltpu.sync_copy(stage_hbm.at[pl.ds(rbase + NB_A, nb)],
                            m1.at[pl.ds(0, nb)])
            pltpu.sync_copy(stage_hbm.at[pl.ds(rbase + 2 * NB_A, nb)],
                            m2.at[pl.ds(0, nb)])
            pltpu.sync_copy(stage_hbm.at[pl.ds(rbase + 3 * NB_A, nb)],
                            m3.at[pl.ds(0, nb)])

            def sb(i, carry):
                cnt, found, bsel, cbef = carry
                sl = pl.ds(i * 16, 16)
                v = m0[sl] + m1[sl] + m2[sl] + m3[sl]
                cum = jnp.cumsum(v) + cnt
                ge = cum >= kv
                hit = jnp.sum(ge.astype(jnp.int32))
                tot = jnp.sum(v)
                before_in = jnp.sum(jnp.where(ge, 0, v))
                isnew = jnp.logical_and(found == 0, hit > 0)
                bsel = jnp.where(isnew, i * 16 + (16 - hit), bsel)
                cbef = jnp.where(isnew, cnt + before_in, cbef)
                found = jnp.where(hit > 0, jnp.int32(1), found)
                return (cnt + tot, found, bsel, cbef)

            init = (jnp.int32(0), jnp.int32(0), jnp.int32(0), jnp.int32(0))
            _, _, bsel, cbef = lax.fori_loop(0, nb // 16, sb, init)
            return bsel, cbef

        hist_pass(0, None)
        plsc.subcore_barrier()
        b0, cb0 = merge_scan(NB_A, jnp.int32(K))
        k1 = jnp.int32(K) - cb0
        b0u = b0.astype(jnp.uint32)
        plsc.subcore_barrier()

        hist_pass(1, b0u)
        plsc.subcore_barrier()
        b1, cb1 = merge_scan(NB_A, k1)
        k2 = k1 - cb1
        b1u = b1.astype(jnp.uint32)
        plsc.subcore_barrier()

        p22 = (b0u << jnp.uint32(11)) | b1u
        hist_pass(2, p22)
        plsc.subcore_barrier()
        b2, _ = merge_scan(NB_C, k2)

        thr_i = (b0 << jnp.int32(21)) | (b1 << jnp.int32(10)) | b2
        sthr = thr_i ^ jnp.int32(MININT)

        @pl.when(q == 0)
        def _pub_thr():
            thr_v[...] = zeros16i + sthr
            pltpu.sync_copy(thr_v, thr_hbm.at[pl.ds(r * 16, 16)])

    return sc_kernel


_sc_kernel = _make_sc_kernel()


def _tc_mask_body(thr_ref, x_ref, bf_ref, o_ref):
    b = pl.program_id(0)
    sthr = thr_ref[b * 16]
    xb = x_ref[0]
    boosted = xb * bf_ref[...]
    bits = lax.bitcast_convert_type(boosted, jnp.int32)
    dk = jnp.where(bits < 0, bits, bits ^ jnp.int32(0x7FFFFFFF))
    skey = dk ^ jnp.int32(MININT)
    o_ref[0] = jnp.where(skey <= sthr, xb, jnp.float32(0.0))


@jax.jit
def kernel(x, duty_cycles, boost_strength):
    xf = x.reshape(B * N)
    dc = duty_cycles.reshape(C)
    bs16 = jnp.broadcast_to(boost_strength.reshape(1), (16,))
    thr, bf, _ = _sc_kernel(xf, dc, bs16)
    out = pl.pallas_call(
        _tc_mask_body,
        grid=(B,),
        in_specs=[
            pl.BlockSpec(memory_space=pltpu.SMEM),
            pl.BlockSpec((1, HW, C), lambda b: (b, 0, 0)),
            pl.BlockSpec((1, C), lambda b: (0, 0)),
        ],
        out_specs=pl.BlockSpec((1, HW, C), lambda b: (b, 0, 0)),
        out_shape=jax.ShapeDtypeStruct((B, HW, C), jnp.float32),
        compiler_params=pltpu.CompilerParams(
            dimension_semantics=("arbitrary",)
        ),
    )(thr, x.reshape(B, HW, C), bf.reshape(1, C))
    return out.reshape(B, H, W, C)

# --- scband reference (transcript-rebuilt; emitter-appended) ---
"""Pipeline reference for scband-kwinners2d-85796266705113 (READ-ONLY COPY).

The authoritative reference and input builder live on the scoring server;
editing this copy changes nothing except your own understanding.
"""

import jax, jax.numpy as jnp
import numpy as np

B, H, W, C = 8, 128, 128, 96
PERCENT_ON = 0.1
N_UNITS = H * W * C
K_WINNERS = int(PERCENT_ON * N_UNITS)


def setup_inputs(seed: int = 0) -> dict:
    key = jax.random.key(seed)
    k1, k2 = jax.random.split(key)
    x = jax.random.normal(k1, (B, H, W, C), dtype=jnp.float32)
    # duty_cycles is a non-trainable per-channel state variable, initialized to zeros
    # (broadcastable over batch and spatial dims for channels_last data format)
    duty_cycles = jnp.zeros((1, 1, 1, C), dtype=jnp.float32)
    # boost_strength non-trainable scalar variable, initialized from init kwarg (1.0)
    boost_strength = jnp.asarray(1.0, dtype=jnp.float32)
    return {"x": x, "duty_cycles": duty_cycles, "boost_strength": boost_strength}


def compute_kwinners(x, k, duty_cycles, boost_strength):
    boost_strength = jnp.maximum(boost_strength, 0.0)
    batch_size = x.shape[0]
    n = int(np.prod(x.shape[1:]))
    target_density = jnp.float32(k) / jnp.float32(n)
    boost_factors = jnp.exp((target_density - duty_cycles) * boost_strength)
    boosted = x * boost_factors
    boosted = boosted.reshape(batch_size, -1)
    flat_x = x.reshape(batch_size, -1)
    _, indices = jax.lax.top_k(boosted, k)
    # equivalent to sum of one-hots over the k winner indices (scatter form to
    # avoid materializing the [B, k, n] one-hot tensor)
    mask = jnp.zeros_like(flat_x).at[jnp.arange(batch_size)[:, None], indices].set(1.0)
    return (mask * flat_x).reshape(x.shape)


def reference(x, duty_cycles, boost_strength):
    # training-mode call: k = percent_on * n
    return compute_kwinners(x, K_WINNERS, duty_cycles, boost_strength)

if __name__ == "__main__":
    import jax
    _d = setup_inputs()
    print(jax.jit(kernel)(*tuple(_d.values())))

</pallas_src>

<mosaic_0001>
#map = affine_map<(d0, d1) -> (0)>
module attributes {stable_mosaic.version = 14 : i64} {
  func.func @sc_kernel(%arg0: i32, %arg1: i32, %arg2: memref<12582912xf32, #tpu.memory_space<hbm>>, %arg3: memref<96xf32, #tpu.memory_space<hbm>>, %arg4: memref<16xf32, #tpu.memory_space<hbm>>, %arg5: memref<128xi32, #tpu.memory_space<hbm>>, %arg6: memref<96xf32, #tpu.memory_space<hbm>>, %arg7: memref<65536xi32, #tpu.memory_space<hbm>>, %arg8: memref<24576xf32, #tpu.memory_space<vmem>>, %arg9: memref<24576xf32, #tpu.memory_space<vmem>>, %arg10: memref<!tpu.dma_semaphore, #tpu.memory_space<semaphore_mem>>, %arg11: memref<!tpu.dma_semaphore, #tpu.memory_space<semaphore_mem>>, %arg12: memref<32768xi32, #tpu.memory_space<vmem>>, %arg13: memref<2048xi32, #tpu.memory_space<vmem>>, %arg14: memref<2048xi32, #tpu.memory_space<vmem>>, %arg15: memref<2048xi32, #tpu.memory_space<vmem>>, %arg16: memref<2048xi32, #tpu.memory_space<vmem>>, %arg17: memref<2048xi32, #tpu.memory_space<vmem>>, %arg18: memref<96xf32, #tpu.memory_space<vmem>>, %arg19: memref<96xf32, #tpu.memory_space<vmem>>, %arg20: memref<16xf32, #tpu.memory_space<vmem>>, %arg21: memref<16xi32, #tpu.memory_space<vmem>>) attributes {dimension_semantics = [#tpu.dimension_semantics<core_parallel>, #tpu.dimension_semantics<subcore_parallel>], iteration_bounds = array<i64: 2, 16>, scalar_prefetch = 0 : i64, scratch_operands = 14 : i64, tpu.core_type = #tpu.core_type<sc_vector_subcore>, window_params = [{transform_indices = #map}, {transform_indices = #map}, {transform_indices = #map}, {transform_indices = #map}, {transform_indices = #map}, {transform_indices = #map}]} {
    %jit3A = arith.constant 4 : i32
    %div3A = arith.divsi %arg1, %jit3A : i32
    %sign3A = arith.constant 0 : i32
    %sign3A_0 = arith.cmpi sgt, %arg1, %sign3A : i32
    %sign3A_1 = arith.extui %sign3A_0 : i1 to i32
    %sign3A_2 = arith.constant 0 : i32
    %sign3A_3 = arith.cmpi slt, %arg1, %sign3A_2 : i32
    %sign3A_4 = arith.extui %sign3A_3 : i1 to i32
    %sign3A_5 = arith.subi %sign3A_1, %sign3A_4 : i32
    %sign3A_6 = arith.constant 0 : i32
    %sign3A_7 = arith.cmpi sgt, %jit3A, %sign3A_6 : i32
    %sign3A_8 = arith.extui %sign3A_7 : i1 to i32
    %sign3A_9 = arith.constant 0 : i32
    %sign3A_10 = arith.cmpi slt, %jit3A, %sign3A_9 : i32
    %sign3A_11 = arith.extui %sign3A_10 : i1 to i32
    %sign3A_12 = arith.subi %sign3A_8, %sign3A_11 : i32
    %ne3A = arith.cmpi ne, %sign3A_5, %sign3A_12 : i32
    %rem3A = arith.remsi %arg1, %jit3A : i32
    %ne3A_13 = arith.constant 0 : i32
    %ne3A_14 = arith.cmpi ne, %rem3A, %ne3A_13 : i32
    %and3A = arith.andi %ne3A, %ne3A_14 : i1
    %sub3A = arith.constant 1 : i32
    %sub3A_15 = arith.subi %div3A, %sub3A : i32
    %select_n3A = arith.select %and3A, %sub3A_15, %div3A : i32
    %jit3A_16 = arith.constant 4 : i32
    %eq3A = arith.constant 0 : i32
    %eq3A_17 = arith.cmpi eq, %jit3A_16, %eq3A : i32
    %jit3A_18 = arith.constant 1 : i32
    %select_n3A_19 = arith.select %eq3A_17, %jit3A_18, %jit3A_16 : i32
    %rem3A_20 = arith.remsi %arg1, %select_n3A_19 : i32
    %ne3A_21 = arith.constant 0 : i32
    %ne3A_22 = arith.cmpi ne, %rem3A_20, %ne3A_21 : i32
    %lt3A = arith.constant 0 : i32
    %lt3A_23 = arith.cmpi slt, %rem3A_20, %lt3A : i32
    %lt3A_24 = arith.constant 0 : i32
    %lt3A_25 = arith.cmpi slt, %select_n3A_19, %lt3A_24 : i32
    %ne3A_26 = arith.xori %lt3A_23, %lt3A_25 : i1
    %and3A_27 = arith.andi %ne3A_26, %ne3A_22 : i1
    %add3A = arith.addi %rem3A_20, %select_n3A_19 : i32
    %select_n3A_28 = arith.select %and3A_27, %add3A, %rem3A_20 : i32
    %mul3A = arith.constant 4 : i32
    %mul3A_29 = arith.muli %arg0, %mul3A : i32
    %add3A_30 = arith.addi %mul3A_29, %select_n3A : i32
    %mul3A_31 = arith.constant 1572864 : i32
    %mul3A_32 = arith.muli %add3A_30, %mul3A_31 : i32
    %mul3A_33 = arith.constant 393216 : i32
    %mul3A_34 = arith.muli %select_n3A_28, %mul3A_33 : i32
    %add3A_35 = arith.addi %mul3A_32, %mul3A_34 : i32
    %mul3A_36 = arith.constant 4 : i32
    %mul3A_37 = arith.muli %add3A_30, %mul3A_36 : i32
    %add3A_38 = arith.addi %mul3A_37, %select_n3A_28 : i32
    %iota3A = tpu.iota {dimensions = array<i32: 0>} : vector<16xi32>
    %broadcast_in_dim3A = arith.constant 1 : i32
    %broadcast_in_dim3A_39 = vector.broadcast %broadcast_in_dim3A : i32 to vector<16xi32>
    %broadcast_in_dim3A_40 = arith.constant 0 : i32
    %broadcast_in_dim3A_41 = vector.broadcast %broadcast_in_dim3A_40 : i32 to vector<16xi32>
    "tpu.region"() ({
      %run_scoped3A = tpu.sem_alloc : memref<!tpu.dma_semaphore, #tpu.memory_space<semaphore_mem>>
      tpu.enqueue_dma source(%arg3 : memref<96xf32, #tpu.memory_space<hbm>>) target(%arg19 : memref<96xf32, #tpu.memory_space<vmem>>) target_semaphore(%run_scoped3A : memref<!tpu.dma_semaphore, #tpu.memory_space<semaphore_mem>>)
      tpu.wait_dma2 semaphore(%run_scoped3A : memref<!tpu.dma_semaphore, #tpu.memory_space<semaphore_mem>>) src(%arg3 : memref<96xf32, #tpu.memory_space<hbm>>) dst(%arg19 : memref<96xf32, #tpu.memory_space<vmem>>)
      tpu.yield
    }) : () -> ()
    "tpu.region"() ({
      %run_scoped3A = tpu.sem_alloc : memref<!tpu.dma_semaphore, #tpu.memory_space<semaphore_mem>>
      tpu.enqueue_dma source(%arg4 : memref<16xf32, #tpu.memory_space<hbm>>) target(%arg20 : memref<16xf32, #tpu.memory_space<vmem>>) target_semaphore(%run_scoped3A : memref<!tpu.dma_semaphore, #tpu.memory_space<semaphore_mem>>)
      tpu.wait_dma2 semaphore(%run_scoped3A : memref<!tpu.dma_semaphore, #tpu.memory_space<semaphore_mem>>) src(%arg4 : memref<16xf32, #tpu.memory_space<hbm>>) dst(%arg20 : memref<16xf32, #tpu.memory_space<vmem>>)
      tpu.yield
    }) : () -> ()
    %get3A = arith.constant 0 : index
    %get3A_42 = tpu.vector_load %arg20[%get3A] {strides = array<i32>} : memref<16xf32, #tpu.memory_space<vmem>>, vector<16xf32>,
    %max3A = arith.constant 0.000000e+00 : f32
    %max3A_43 = vector.broadcast %max3A : f32 to vector<16xf32>
    %max3A_44 = arith.maximumf %get3A_42, %max3A_43 : vector<16xf32>
    %get3A_45 = arith.constant 0 : index
    %get3A_46 = tpu.vector_load %arg19[%get3A_45] {strides = array<i32>} : memref<96xf32, #tpu.memory_space<vmem>>, vector<16xf32>,
    %sub3A_47 = arith.constant 0.0999997481 : f32
    %sub3A_48 = vector.broadcast %sub3A_47 : f32 to vector<16xf32>
    %sub3A_49 = arith.subf %sub3A_48, %get3A_46 : vector<16xf32>
    %mul3A_50 = arith.mulf %sub3A_49, %max3A_44 : vector<16xf32>
    %exp3A = math.exp %mul3A_50 : vector<16xf32>
    %swap3A = arith.constant 0 : index
    %swap3A_51 = tpu.vector_load %arg18[%swap3A] {strides = array<i32>} : memref<96xf32, #tpu.memory_space<vmem>>, vector<16xf32>,
    tpu.vector_store %arg18[%swap3A], %exp3A {strides = array<i32>} : memref<96xf32, #tpu.memory_space<vmem>>, vector<16xf32>,
    %get3A_52 = arith.constant 16 : index
    %get3A_53 = tpu.vector_load %arg19[%get3A_52] {strides = array<i32>} : memref<96xf32, #tpu.memory_space<vmem>>, vector<16xf32>,
    %sub3A_54 = arith.constant 0.0999997481 : f32
    %sub3A_55 = vector.broadcast %sub3A_54 : f32 to vector<16xf32>
    %sub3A_56 = arith.subf %sub3A_55, %get3A_53 : vector<16xf32>
    %mul3A_57 = arith.mulf %sub3A_56, %max3A_44 : vector<16xf32>
    %exp3A_58 = math.exp %mul3A_57 : vector<16xf32>
    %swap3A_59 = arith.constant 16 : index
    %swap3A_60 = tpu.vector_load %arg18[%swap3A_59] {strides = array<i32>} : memref<96xf32, #tpu.memory_space<vmem>>, vector<16xf32>,
    tpu.vector_store %arg18[%swap3A_59], %exp3A_58 {strides = array<i32>} : memref<96xf32, #tpu.memory_space<vmem>>, vector<16xf32>,
    %get3A_61 = arith.constant 32 : index
    %get3A_62 = tpu.vector_load %arg19[%get3A_61] {strides = array<i32>} : memref<96xf32, #tpu.memory_space<vmem>>, vector<16xf32>,
    %sub3A_63 = arith.constant 0.0999997481 : f32
    %sub3A_64 = vector.broadcast %sub3A_63 : f32 to vector<16xf32>
    %sub3A_65 = arith.subf %sub3A_64, %get3A_62 : vector<16xf32>
    %mul3A_66 = arith.mulf %sub3A_65, %max3A_44 : vector<16xf32>
    %exp3A_67 = math.exp %mul3A_66 : vector<16xf32>
    %swap3A_68 = arith.constant 32 : index
    %swap3A_69 = tpu.vector_load %arg18[%swap3A_68] {strides = array<i32>} : memref<96xf32, #tpu.memory_space<vmem>>, vector<16xf32>,
    tpu.vector_store %arg18[%swap3A_68], %exp3A_67 {strides = array<i32>} : memref<96xf32, #tpu.memory_space<vmem>>, vector<16xf32>,
    %get3A_70 = arith.constant 48 : index
    %get3A_71 = tpu.vector_load %arg19[%get3A_70] {strides = array<i32>} : memref<96xf32, #tpu.memory_space<vmem>>, vector<16xf32>,
    %sub3A_72 = arith.constant 0.0999997481 : f32
    %sub3A_73 = vector.broadcast %sub3A_72 : f32 to vector<16xf32>
    %sub3A_74 = arith.subf %sub3A_73, %get3A_71 : vector<16xf32>
    %mul3A_75 = arith.mulf %sub3A_74, %max3A_44 : vector<16xf32>
    %exp3A_76 = math.exp %mul3A_75 : vector<16xf32>
    %swap3A_77 = arith.constant 48 : index
    %swap3A_78 = tpu.vector_load %arg18[%swap3A_77] {strides = array<i32>} : memref<96xf32, #tpu.memory_space<vmem>>, vector<16xf32>,
    tpu.vector_store %arg18[%swap3A_77], %exp3A_76 {strides = array<i32>} : memref<96xf32, #tpu.memory_space<vmem>>, vector<16xf32>,
    %get3A_79 = arith.constant 64 : index
    %get3A_80 = tpu.vector_load %arg19[%get3A_79] {strides = array<i32>} : memref<96xf32, #tpu.memory_space<vmem>>, vector<16xf32>,
    %sub3A_81 = arith.constant 0.0999997481 : f32
    %sub3A_82 = vector.broadcast %sub3A_81 : f32 to vector<16xf32>
    %sub3A_83 = arith.subf %sub3A_82, %get3A_80 : vector<16xf32>
    %mul3A_84 = arith.mulf %sub3A_83, %max3A_44 : vector<16xf32>
    %exp3A_85 = math.exp %mul3A_84 : vector<16xf32>
    %swap3A_86 = arith.constant 64 : index
    %swap3A_87 = tpu.vector_load %arg18[%swap3A_86] {strides = array<i32>} : memref<96xf32, #tpu.memory_space<vmem>>, vector<16xf32>,
    tpu.vector_store %arg18[%swap3A_86], %exp3A_85 {strides = array<i32>} : memref<96xf32, #tpu.memory_space<vmem>>, vector<16xf32>,
    %get3A_88 = arith.constant 80 : index
    %get3A_89 = tpu.vector_load %arg19[%get3A_88] {strides = array<i32>} : memref<96xf32, #tpu.memory_space<vmem>>, vector<16xf32>,
    %sub3A_90 = arith.constant 0.0999997481 : f32
    %sub3A_91 = vector.broadcast %sub3A_90 : f32 to vector<16xf32>
    %sub3A_92 = arith.subf %sub3A_91, %get3A_89 : vector<16xf32>
    %mul3A_93 = arith.mulf %sub3A_92, %max3A_44 : vector<16xf32>
    %exp3A_94 = math.exp %mul3A_93 : vector<16xf32>
    %swap3A_95 = arith.constant 80 : index
    %swap3A_96 = tpu.vector_load %arg18[%swap3A_95] {strides = array<i32>} : memref<96xf32, #tpu.memory_space<vmem>>, vector<16xf32>,
    tpu.vector_store %arg18[%swap3A_95], %exp3A_94 {strides = array<i32>} : memref<96xf32, #tpu.memory_space<vmem>>, vector<16xf32>,
    %eq3A_97 = arith.constant 0 : i32
    %eq3A_98 = arith.cmpi eq, %add3A_38, %eq3A_97 : i32
    %convert_element_type3A = arith.extui %eq3A_98 : i1 to i32
    %cond3A = arith.constant 0 : i32
    %cond3A_99 = arith.cmpi ne, %convert_element_type3A, %cond3A : i32
    scf.if %cond3A_99 {
      "tpu.region"() ({
        %run_scoped3A = tpu.sem_alloc : memref<!tpu.dma_semaphore, #tpu.memory_space<semaphore_mem>>
        tpu.enqueue_dma source(%arg18 : memref<96xf32, #tpu.memory_space<vmem>>) target(%arg6 : memref<96xf32, #tpu.memory_space<hbm>>) target_semaphore(%run_scoped3A : memref<!tpu.dma_semaphore, #tpu.memory_space<semaphore_mem>>)
        tpu.wait_dma2 semaphore(%run_scoped3A : memref<!tpu.dma_semaphore, #tpu.memory_space<semaphore_mem>>) src(%arg18 : memref<96xf32, #tpu.memory_space<vmem>>) dst(%arg6 : memref<96xf32, #tpu.memory_space<hbm>>)
        tpu.yield
      }) : () -> ()
    } else {
    }
    %parallel_loop3A = arith.constant 0 : i32
    %parallel_loop3A_100 = arith.constant 2048 : i32
    %parallel_loop3A_101 = arith.constant 1 : i32
    scf.for %parallel_loop3A_265 = %parallel_loop3A to %parallel_loop3A_100 step %parallel_loop3A_101  : i32 {
      %parallel_loop3A_266 = arith.constant 16 : i32
      %parallel_loop3A_267 = arith.muli %parallel_loop3A_265, %parallel_loop3A_266 : i32
      %parallel_loop3A_268 = arith.index_cast %parallel_loop3A_267 : i32 to index
      %parallel_loop3A_269 = tpu.vector_load %arg12[%parallel_loop3A_268] {strides = array<i32>} : memref<32768xi32, #tpu.memory_space<vmem>>, vector<16xi32>,
      tpu.vector_store %arg12[%parallel_loop3A_268], %broadcast_in_dim3A_41 {strides = array<i32>} : memref<32768xi32, #tpu.memory_space<vmem>>, vector<16xi32>,
    } {sc.loop_unroll_factor = 4 : i64, sc.parallel_access}
    %mul3A_102 = arith.constant 2048 : i32
    %mul3A_103 = vector.broadcast %mul3A_102 : i32 to vector<16xi32>
    %mul3A_104 = arith.muli %iota3A, %mul3A_103 : vector<16xi32>
    %get3A_105 = arith.constant 0 : index
    %get3A_106 = tpu.vector_load %arg18[%get3A_105] {strides = array<i32>} : memref<96xf32, #tpu.memory_space<vmem>>, vector<16xf32>,
    %get3A_107 = arith.constant 16 : index
    %get3A_108 = tpu.vector_load %arg18[%get3A_107] {strides = array<i32>} : memref<96xf32, #tpu.memory_space<vmem>>, vector<16xf32>,
    %get3A_109 = arith.constant 32 : index
    %get3A_110 = tpu.vector_load %arg18[%get3A_109] {strides = array<i32>} : memref<96xf32, #tpu.memory_space<vmem>>, vector<16xf32>,
    %get3A_111 = arith.constant 48 : index
    %get3A_112 = tpu.vector_load %arg18[%get3A_111] {strides = array<i32>} : memref<96xf32, #tpu.memory_space<vmem>>, vector<16xf32>,
    %get3A_113 = arith.constant 64 : index
    %get3A_114 = tpu.vector_load %arg18[%get3A_113] {strides = array<i32>} : memref<96xf32, #tpu.memory_space<vmem>>, vector<16xf32>,
    %get3A_115 = arith.constant 80 : index
    %get3A_116 = tpu.vector_load %arg18[%get3A_115] {strides = array<i32>} : memref<96xf32, #tpu.memory_space<vmem>>, vector<16xf32>,
    %dma_start3A = tpu.memref_slice %arg2[%add3A_35] : memref<12582912xf32, #tpu.memory_space<hbm>> -> memref<24576xf32, #tpu.memory_space<hbm>>
    %dma_start3A_117 = tpu.memref_slice %arg2[%add3A_35] : memref<12582912xf32, #tpu.memory_space<hbm>> -> memref<24576xf32, #tpu.memory_space<hbm>>
    tpu.enqueue_dma source(%dma_start3A_117 : memref<24576xf32, #tpu.memory_space<hbm>>) target(%arg8 : memref<24576xf32, #tpu.memory_space<vmem>>) target_semaphore(%arg10 : memref<!tpu.dma_semaphore, #tpu.memory_space<semaphore_mem>>)
    %scan3A = arith.constant 0 : i32
    %scan3A_118 = arith.constant 0 : i32
    %scan3A_119 = arith.constant 8 : i32
    %scan3A_120 = arith.addi %scan3A_118, %scan3A_119 : i32
    %scan3A_121 = arith.constant 1 : i32
    scf.for %scan3A_265 = %scan3A_118 to %scan3A_120 step %scan3A_121  : i32 {
      %mul3A_266 = arith.constant 2 : i32
      %mul3A_267 = arith.muli %mul3A_266, %scan3A_265 : i32
      %mul3A_268 = arith.constant 24576 : i32
      %mul3A_269 = arith.muli %mul3A_267, %mul3A_268 : i32
      %add3A_270 = arith.addi %add3A_35, %mul3A_269 : i32
      %add3A_271 = arith.constant 24576 : i32
      %add3A_272 = arith.addi %add3A_270, %add3A_271 : i32
      %dma_start3A_273 = tpu.memref_slice %arg2[%add3A_272] : memref<12582912xf32, #tpu.memory_space<hbm>> -> memref<24576xf32, #tpu.memory_space<hbm>>
      %dma_start3A_274 = tpu.memref_slice %arg2[%add3A_272] : memref<12582912xf32, #tpu.memory_space<hbm>> -> memref<24576xf32, #tpu.memory_space<hbm>>
      tpu.enqueue_dma source(%dma_start3A_274 : memref<24576xf32, #tpu.memory_space<hbm>>) target(%arg9 : memref<24576xf32, #tpu.memory_space<vmem>>) target_semaphore(%arg11 : memref<!tpu.dma_semaphore, #tpu.memory_space<semaphore_mem>>)
      %dma_wait3A = arith.constant 0 : i32
      %dma_wait3A_275 = tpu.memref_slice %arg2[%dma_wait3A] : memref<12582912xf32, #tpu.memory_space<hbm>> -> memref<24576xf32, #tpu.memory_space<hbm>>
      %dma_wait3A_276 = arith.constant 0 : i32
      %dma_wait3A_277 = tpu.memref_slice %arg2[%dma_wait3A_276] : memref<12582912xf32, #tpu.memory_space<hbm>> -> memref<24576xf32, #tpu.memory_space<hbm>>
      tpu.wait_dma2 semaphore(%arg10 : memref<!tpu.dma_semaphore, #tpu.memory_space<semaphore_mem>>) src(%dma_wait3A_277 : memref<24576xf32, #tpu.memory_space<hbm>>) dst(%arg8 : memref<24576xf32, #tpu.memory_space<vmem>>)
      %parallel_loop3A_278 = arith.constant 0 : i32
      %parallel_loop3A_279 = arith.constant 256 : i32
      %parallel_loop3A_280 = arith.constant 1 : i32
      scf.for %parallel_loop3A_293 = %parallel_loop3A_278 to %parallel_loop3A_279 step %parallel_loop3A_280  : i32 {
        %parallel_loop3A_294 = arith.constant 96 : i32
        %parallel_loop3A_295 = arith.muli %parallel_loop3A_293, %parallel_loop3A_294 : i32
        %parallel_loop3A_296 = arith.constant 0 : i32
        %parallel_loop3A_297 = arith.addi %parallel_loop3A_295, %parallel_loop3A_296 : i32
        %parallel_loop3A_298 = arith.index_cast %parallel_loop3A_297 : i32 to index
        %parallel_loop3A_299 = tpu.vector_load %arg8[%parallel_loop3A_298] {strides = array<i32>} : memref<24576xf32, #tpu.memory_space<vmem>>, vector<16xf32>,
        %parallel_loop3A_300 = arith.constant 16 : i32
        %parallel_loop3A_301 = arith.addi %parallel_loop3A_295, %parallel_loop3A_300 : i32
        %parallel_loop3A_302 = arith.index_cast %parallel_loop3A_301 : i32 to index
        %parallel_loop3A_303 = tpu.vector_load %arg8[%parallel_loop3A_302] {strides = array<i32>} : memref<24576xf32, #tpu.memory_space<vmem>>, vector<16xf32>,
        %parallel_loop3A_304 = arith.constant 32 : i32
        %parallel_loop3A_305 = arith.addi %parallel_loop3A_295, %parallel_loop3A_304 : i32
        %parallel_loop3A_306 = arith.index_cast %parallel_loop3A_305 : i32 to index
        %parallel_loop3A_307 = tpu.vector_load %arg8[%parallel_loop3A_306] {strides = array<i32>} : memref<24576xf32, #tpu.memory_space<vmem>>, vector<16xf32>,
        %parallel_loop3A_308 = arith.constant 48 : i32
        %parallel_loop3A_309 = arith.addi %parallel_loop3A_295, %parallel_loop3A_308 : i32
        %parallel_loop3A_310 = arith.index_cast %parallel_loop3A_309 : i32 to index
        %parallel_loop3A_311 = tpu.vector_load %arg8[%parallel_loop3A_310] {strides = array<i32>} : memref<24576xf32, #tpu.memory_space<vmem>>, vector<16xf32>,
        %parallel_loop3A_312 = arith.constant 64 : i32
        %parallel_loop3A_313 = arith.addi %parallel_loop3A_295, %parallel_loop3A_312 : i32
        %parallel_loop3A_314 = arith.index_cast %parallel_loop3A_313 : i32 to index
        %parallel_loop3A_315 = tpu.vector_load %arg8[%parallel_loop3A_314] {strides = array<i32>} : memref<24576xf32, #tpu.memory_space<vmem>>, vector<16xf32>,
        %parallel_loop3A_316 = arith.constant 80 : i32
        %parallel_loop3A_317 = arith.addi %parallel_loop3A_295, %parallel_loop3A_316 : i32
        %parallel_loop3A_318 = arith.index_cast %parallel_loop3A_317 : i32 to index
        %parallel_loop3A_319 = tpu.vector_load %arg8[%parallel_loop3A_318] {strides = array<i32>} : memref<24576xf32, #tpu.memory_space<vmem>>, vector<16xf32>,
        %parallel_loop3A_320 = arith.mulf %parallel_loop3A_299, %get3A_106 : vector<16xf32>
        %parallel_loop3A_321 = tpu.bitcast %parallel_loop3A_320 : vector<16xf32> -> vector<16xi32>
        %parallel_loop3A_322 = arith.constant 0 : i32
        %parallel_loop3A_323 = vector.broadcast %parallel_loop3A_322 : i32 to vector<16xi32>
        %parallel_loop3A_324 = arith.cmpi slt, %parallel_loop3A_321, %parallel_loop3A_323 : vector<16xi32>
        %parallel_loop3A_325 = arith.constant 2147483647 : i32
        %parallel_loop3A_326 = vector.broadcast %parallel_loop3A_325 : i32 to vector<16xi32>
        %parallel_loop3A_327 = arith.xori %parallel_loop3A_321, %parallel_loop3A_326 : vector<16xi32>
        %parallel_loop3A_328 = arith.select %parallel_loop3A_324, %parallel_loop3A_321, %parallel_loop3A_327 : vector<16xi1>, vector<16xi32>
        %parallel_loop3A_329 = tpu.bitcast %parallel_loop3A_328 : vector<16xi32> -> vector<16xi32>
        %parallel_loop3A_330 = arith.mulf %parallel_loop3A_303, %get3A_108 : vector<16xf32>
        %parallel_loop3A_331 = tpu.bitcast %parallel_loop3A_330 : vector<16xf32> -> vector<16xi32>
        %parallel_loop3A_332 = arith.constant 0 : i32
        %parallel_loop3A_333 = vector.broadcast %parallel_loop3A_332 : i32 to vector<16xi32>
        %parallel_loop3A_334 = arith.cmpi slt, %parallel_loop3A_331, %parallel_loop3A_333 : vector<16xi32>
        %parallel_loop3A_335 = arith.constant 2147483647 : i32
        %parallel_loop3A_336 = vector.broadcast %parallel_loop3A_335 : i32 to vector<16xi32>
        %parallel_loop3A_337 = arith.xori %parallel_loop3A_331, %parallel_loop3A_336 : vector<16xi32>
        %parallel_loop3A_338 = arith.select %parallel_loop3A_334, %parallel_loop3A_331, %parallel_loop3A_337 : vector<16xi1>, vector<16xi32>
        %parallel_loop3A_339 = tpu.bitcast %parallel_loop3A_338 : vector<16xi32> -> vector<16xi32>
        %parallel_loop3A_340 = arith.mulf %parallel_loop3A_307, %get3A_110 : vector<16xf32>
        %parallel_loop3A_341 = tpu.bitcast %parallel_loop3A_340 : vector<16xf32> -> vector<16xi32>
        %parallel_loop3A_342 = arith.constant 0 : i32
        %parallel_loop3A_343 = vector.broadcast %parallel_loop3A_342 : i32 to vector<16xi32>
        %parallel_loop3A_344 = arith.cmpi slt, %parallel_loop3A_341, %parallel_loop3A_343 : vector<16xi32>
        %parallel_loop3A_345 = arith.constant 2147483647 : i32
        %parallel_loop3A_346 = vector.broadcast %parallel_loop3A_345 : i32 to vector<16xi32>
        %parallel_loop3A_347 = arith.xori %parallel_loop3A_341, %parallel_loop3A_346 : vector<16xi32>
        %parallel_loop3A_348 = arith.select %parallel_loop3A_344, %parallel_loop3A_341, %parallel_loop3A_347 : vector<16xi1>, vector<16xi32>
        %parallel_loop3A_349 = tpu.bitcast %parallel_loop3A_348 : vector<16xi32> -> vector<16xi32>
        %parallel_loop3A_350 = arith.mulf %parallel_loop3A_311, %get3A_112 : vector<16xf32>
        %parallel_loop3A_351 = tpu.bitcast %parallel_loop3A_350 : vector<16xf32> -> vector<16xi32>
        %parallel_loop3A_352 = arith.constant 0 : i32
        %parallel_loop3A_353 = vector.broadcast %parallel_loop3A_352 : i32 to vector<16xi32>
        %parallel_loop3A_354 = arith.cmpi slt, %parallel_loop3A_351, %parallel_loop3A_353 : vector<16xi32>
        %parallel_loop3A_355 = arith.constant 2147483647 : i32
        %parallel_loop3A_356 = vector.broadcast %parallel_loop3A_355 : i32 to vector<16xi32>
        %parallel_loop3A_357 = arith.xori %parallel_loop3A_351, %parallel_loop3A_356 : vector<16xi32>
        %parallel_loop3A_358 = arith.select %parallel_loop3A_354, %parallel_loop3A_351, %parallel_loop3A_357 : vector<16xi1>, vector<16xi32>
        %parallel_loop3A_359 = tpu.bitcast %parallel_loop3A_358 : vector<16xi32> -> vector<16xi32>
        %parallel_loop3A_360 = arith.mulf %parallel_loop3A_315, %get3A_114 : vector<16xf32>
        %parallel_loop3A_361 = tpu.bitcast %parallel_loop3A_360 : vector<16xf32> -> vector<16xi32>
        %parallel_loop3A_362 = arith.constant 0 : i32
        %parallel_loop3A_363 = vector.broadcast %parallel_loop3A_362 : i32 to vector<16xi32>
        %parallel_loop3A_364 = arith.cmpi slt, %parallel_loop3A_361, %parallel_loop3A_363 : vector<16xi32>
        %parallel_loop3A_365 = arith.constant 2147483647 : i32
        %parallel_loop3A_366 = vector.broadcast %parallel_loop3A_365 : i32 to vector<16xi32>
        %parallel_loop3A_367 = arith.xori %parallel_loop3A_361, %parallel_loop3A_366 : vector<16xi32>
        %parallel_loop3A_368 = arith.select %parallel_loop3A_364, %parallel_loop3A_361, %parallel_loop3A_367 : vector<16xi1>, vector<16xi32>
        %parallel_loop3A_369 = tpu.bitcast %parallel_loop3A_368 : vector<16xi32> -> vector<16xi32>
        %parallel_loop3A_370 = arith.mulf %parallel_loop3A_319, %get3A_116 : vector<16xf32>
        %parallel_loop3A_371 = tpu.bitcast %parallel_loop3A_370 : vector<16xf32> -> vector<16xi32>
        %parallel_loop3A_372 = arith.constant 0 : i32
        %parallel_loop3A_373 = vector.broadcast %parallel_loop3A_372 : i32 to vector<16xi32>
        %parallel_loop3A_374 = arith.cmpi slt, %parallel_loop3A_371, %parallel_loop3A_373 : vector<16xi32>
        %parallel_loop3A_375 = arith.constant 2147483647 : i32
        %parallel_loop3A_376 = vector.broadcast %parallel_loop3A_375 : i32 to vector<16xi32>
        %parallel_loop3A_377 = arith.xori %parallel_loop3A_371, %parallel_loop3A_376 : vector<16xi32>
        %parallel_loop3A_378 = arith.select %parallel_loop3A_374, %parallel_loop3A_371, %parallel_loop3A_377 : vector<16xi1>, vector<16xi32>
        %parallel_loop3A_379 = tpu.bitcast %parallel_loop3A_378 : vector<16xi32> -> vector<16xi32>
        %parallel_loop3A_380 = arith.constant 21 : i32
        %parallel_loop3A_381 = vector.broadcast %parallel_loop3A_380 : i32 to vector<16xi32>
        %parallel_loop3A_382 = arith.shrui %parallel_loop3A_329, %parallel_loop3A_381 : vector<16xi32>
        %parallel_loop3A_383 = arith.addi %parallel_loop3A_382, %mul3A_104 : vector<16xi32>
        %parallel_loop3A_384 = arith.constant 21 : i32
        %parallel_loop3A_385 = vector.broadcast %parallel_loop3A_384 : i32 to vector<16xi32>
        %parallel_loop3A_386 = arith.shrui %parallel_loop3A_339, %parallel_loop3A_385 : vector<16xi32>
        %parallel_loop3A_387 = arith.addi %parallel_loop3A_386, %mul3A_104 : vector<16xi32>
        %parallel_loop3A_388 = arith.constant 21 : i32
        %parallel_loop3A_389 = vector.broadcast %parallel_loop3A_388 : i32 to vector<16xi32>
        %parallel_loop3A_390 = arith.shrui %parallel_loop3A_349, %parallel_loop3A_389 : vector<16xi32>
        %parallel_loop3A_391 = arith.addi %parallel_loop3A_390, %mul3A_104 : vector<16xi32>
        %parallel_loop3A_392 = arith.constant 21 : i32
        %parallel_loop3A_393 = vector.broadcast %parallel_loop3A_392 : i32 to vector<16xi32>
        %parallel_loop3A_394 = arith.shrui %parallel_loop3A_359, %parallel_loop3A_393 : vector<16xi32>
        %parallel_loop3A_395 = arith.addi %parallel_loop3A_394, %mul3A_104 : vector<16xi32>
        %parallel_loop3A_396 = arith.constant 21 : i32
        %parallel_loop3A_397 = vector.broadcast %parallel_loop3A_396 : i32 to vector<16xi32>
        %parallel_loop3A_398 = arith.shrui %parallel_loop3A_369, %parallel_loop3A_397 : vector<16xi32>
        %parallel_loop3A_399 = arith.addi %parallel_loop3A_398, %mul3A_104 : vector<16xi32>
        %parallel_loop3A_400 = arith.constant 21 : i32
        %parallel_loop3A_401 = vector.broadcast %parallel_loop3A_400 : i32 to vector<16xi32>
        %parallel_loop3A_402 = arith.shrui %parallel_loop3A_379, %parallel_loop3A_401 : vector<16xi32>
        %parallel_loop3A_403 = arith.addi %parallel_loop3A_402, %mul3A_104 : vector<16xi32>
        tpu.vector_store_idx %arg12[%parallel_loop3A_383], %broadcast_in_dim3A_39 {add = true} : memref<32768xi32, #tpu.memory_space<vmem>>[vector<16xi32>], vector<16xi32>,
        tpu.vector_store_idx %arg12[%parallel_loop3A_387], %broadcast_in_dim3A_39 {add = true} : memref<32768xi32, #tpu.memory_space<vmem>>[vector<16xi32>], vector<16xi32>,
        tpu.vector_store_idx %arg12[%parallel_loop3A_391], %broadcast_in_dim3A_39 {add = true} : memref<32768xi32, #tpu.memory_space<vmem>>[vector<16xi32>], vector<16xi32>,
        tpu.vector_store_idx %arg12[%parallel_loop3A_395], %broadcast_in_dim3A_39 {add = true} : memref<32768xi32, #tpu.memory_space<vmem>>[vector<16xi32>], vector<16xi32>,
        tpu.vector_store_idx %arg12[%parallel_loop3A_399], %broadcast_in_dim3A_39 {add = true} : memref<32768xi32, #tpu.memory_space<vmem>>[vector<16xi32>], vector<16xi32>,
        tpu.vector_store_idx %arg12[%parallel_loop3A_403], %broadcast_in_dim3A_39 {add = true} : memref<32768xi32, #tpu.memory_space<vmem>>[vector<16xi32>], vector<16xi32>,
      } {sc.loop_unroll_factor = 2 : i64, sc.parallel_access}
      %lt3A_281 = arith.constant 7 : i32
      %lt3A_282 = arith.cmpi slt, %scan3A_265, %lt3A_281 : i32
      %convert_element_type3A_283 = arith.extui %lt3A_282 : i1 to i32
      %cond3A_284 = arith.constant 0 : i32
      %cond3A_285 = arith.cmpi ne, %convert_element_type3A_283, %cond3A_284 : i32
      scf.if %cond3A_285 {
        %add3A_293 = arith.constant 49152 : i32
        %add3A_294 = arith.addi %add3A_270, %add3A_293 : i32
        %dma_start3A_295 = tpu.memref_slice %arg2[%add3A_294] : memref<12582912xf32, #tpu.memory_space<hbm>> -> memref<24576xf32, #tpu.memory_space<hbm>>
        %dma_start3A_296 = tpu.memref_slice %arg2[%add3A_294] : memref<12582912xf32, #tpu.memory_space<hbm>> -> memref<24576xf32, #tpu.memory_space<hbm>>
        tpu.enqueue_dma source(%dma_start3A_296 : memref<24576xf32, #tpu.memory_space<hbm>>) target(%arg8 : memref<24576xf32, #tpu.memory_space<vmem>>) target_semaphore(%arg10 : memref<!tpu.dma_semaphore, #tpu.memory_space<semaphore_mem>>)
      } else {
      }
      %dma_wait3A_286 = arith.constant 0 : i32
      %dma_wait3A_287 = tpu.memref_slice %arg2[%dma_wait3A_286] : memref<12582912xf32, #tpu.memory_space<hbm>> -> memref<24576xf32, #tpu.memory_space<hbm>>
      %dma_wait3A_288 = arith.constant 0 : i32
      %dma_wait3A_289 = tpu.memref_slice %arg2[%dma_wait3A_288] : memref<12582912xf32, #tpu.memory_space<hbm>> -> memref<24576xf32, #tpu.memory_space<hbm>>
      tpu.wait_dma2 semaphore(%arg11 : memref<!tpu.dma_semaphore, #tpu.memory_space<semaphore_mem>>) src(%dma_wait3A_289 : memref<24576xf32, #tpu.memory_space<hbm>>) dst(%arg9 : memref<24576xf32, #tpu.memory_space<vmem>>)
      %parallel_loop3A_290 = arith.constant 0 : i32
      %parallel_loop3A_291 = arith.constant 256 : i32
      %parallel_loop3A_292 = arith.constant 1 : i32
      scf.for %parallel_loop3A_293 = %parallel_loop3A_290 to %parallel_loop3A_291 step %parallel_loop3A_292  : i32 {
        %parallel_loop3A_294 = arith.constant 96 : i32
        %parallel_loop3A_295 = arith.muli %parallel_loop3A_293, %parallel_loop3A_294 : i32
        %parallel_loop3A_296 = arith.constant 0 : i32
        %parallel_loop3A_297 = arith.addi %parallel_loop3A_295, %parallel_loop3A_296 : i32
        %parallel_loop3A_298 = arith.index_cast %parallel_loop3A_297 : i32 to index
        %parallel_loop3A_299 = tpu.vector_load %arg9[%parallel_loop3A_298] {strides = array<i32>} : memref<24576xf32, #tpu.memory_space<vmem>>, vector<16xf32>,
        %parallel_loop3A_300 = arith.constant 16 : i32
        %parallel_loop3A_301 = arith.addi %parallel_loop3A_295, %parallel_loop3A_300 : i32
        %parallel_loop3A_302 = arith.index_cast %parallel_loop3A_301 : i32 to index
        %parallel_loop3A_303 = tpu.vector_load %arg9[%parallel_loop3A_302] {strides = array<i32>} : memref<24576xf32, #tpu.memory_space<vmem>>, vector<16xf32>,
        %parallel_loop3A_304 = arith.constant 32 : i32
        %parallel_loop3A_305 = arith.addi %parallel_loop3A_295, %parallel_loop3A_304 : i32
        %parallel_loop3A_306 = arith.index_cast %parallel_loop3A_305 : i32 to index
        %parallel_loop3A_307 = tpu.vector_load %arg9[%parallel_loop3A_306] {strides = array<i32>} : memref<24576xf32, #tpu.memory_space<vmem>>, vector<16xf32>,
        %parallel_loop3A_308 = arith.constant 48 : i32
        %parallel_loop3A_309 = arith.addi %parallel_loop3A_295, %parallel_loop3A_308 : i32
        %parallel_loop3A_310 = arith.index_cast %parallel_loop3A_309 : i32 to index
        %parallel_loop3A_311 = tpu.vector_load %arg9[%parallel_loop3A_310] {strides = array<i32>} : memref<24576xf32, #tpu.memory_space<vmem>>, vector<16xf32>,
        %parallel_loop3A_312 = arith.constant 64 : i32
        %parallel_loop3A_313 = arith.addi %parallel_loop3A_295, %parallel_loop3A_312 : i32
        %parallel_loop3A_314 = arith.index_cast %parallel_loop3A_313 : i32 to index
        %parallel_loop3A_315 = tpu.vector_load %arg9[%parallel_loop3A_314] {strides = array<i32>} : memref<24576xf32, #tpu.memory_space<vmem>>, vector<16xf32>,
        %parallel_loop3A_316 = arith.constant 80 : i32
        %parallel_loop3A_317 = arith.addi %parallel_loop3A_295, %parallel_loop3A_316 : i32
        %parallel_loop3A_318 = arith.index_cast %parallel_loop3A_317 : i32 to index
        %parallel_loop3A_319 = tpu.vector_load %arg9[%parallel_loop3A_318] {strides = array<i32>} : memref<24576xf32, #tpu.memory_space<vmem>>, vector<16xf32>,
        %parallel_loop3A_320 = arith.mulf %parallel_loop3A_299, %get3A_106 : vector<16xf32>
        %parallel_loop3A_321 = tpu.bitcast %parallel_loop3A_320 : vector<16xf32> -> vector<16xi32>
        %parallel_loop3A_322 = arith.constant 0 : i32
        %parallel_loop3A_323 = vector.broadcast %parallel_loop3A_322 : i32 to vector<16xi32>
        %parallel_loop3A_324 = arith.cmpi slt, %parallel_loop3A_321, %parallel_loop3A_323 : vector<16xi32>
        %parallel_loop3A_325 = arith.constant 2147483647 : i32
        %parallel_loop3A_326 = vector.broadcast %parallel_loop3A_325 : i32 to vector<16xi32>
        %parallel_loop3A_327 = arith.xori %parallel_loop3A_321, %parallel_loop3A_326 : vector<16xi32>
        %parallel_loop3A_328 = arith.select %parallel_loop3A_324, %parallel_loop3A_321, %parallel_loop3A_327 : vector<16xi1>, vector<16xi32>
        %parallel_loop3A_329 = tpu.bitcast %parallel_loop3A_328 : vector<16xi32> -> vector<16xi32>
        %parallel_loop3A_330 = arith.mulf %parallel_loop3A_303, %get3A_108 : vector<16xf32>
        %parallel_loop3A_331 = tpu.bitcast %parallel_loop3A_330 : vector<16xf32> -> vector<16xi32>
        %parallel_loop3A_332 = arith.constant 0 : i32
        %parallel_loop3A_333 = vector.broadcast %parallel_loop3A_332 : i32 to vector<16xi32>
        %parallel_loop3A_334 = arith.cmpi slt, %parallel_loop3A_331, %parallel_loop3A_333 : vector<16xi32>
        %parallel_loop3A_335 = arith.constant 2147483647 : i32
        %parallel_loop3A_336 = vector.broadcast %parallel_loop3A_335 : i32 to vector<16xi32>
        %parallel_loop3A_337 = arith.xori %parallel_loop3A_331, %parallel_loop3A_336 : vector<16xi32>
        %parallel_loop3A_338 = arith.select %parallel_loop3A_334, %parallel_loop3A_331, %parallel_loop3A_337 : vector<16xi1>, vector<16xi32>
        %parallel_loop3A_339 = tpu.bitcast %parallel_loop3A_338 : vector<16xi32> -> vector<16xi32>
        %parallel_loop3A_340 = arith.mulf %parallel_loop3A_307, %get3A_110 : vector<16xf32>
        %parallel_loop3A_341 = tpu.bitcast %parallel_loop3A_340 : vector<16xf32> -> vector<16xi32>
        %parallel_loop3A_342 = arith.constant 0 : i32
        %parallel_loop3A_343 = vector.broadcast %parallel_loop3A_342 : i32 to vector<16xi32>
        %parallel_loop3A_344 = arith.cmpi slt, %parallel_loop3A_341, %parallel_loop3A_343 : vector<16xi32>
        %parallel_loop3A_345 = arith.constant 2147483647 : i32
        %parallel_loop3A_346 = vector.broadcast %parallel_loop3A_345 : i32 to vector<16xi32>
        %parallel_loop3A_347 = arith.xori %parallel_loop3A_341, %parallel_loop3A_346 : vector<16xi32>
        %parallel_loop3A_348 = arith.select %parallel_loop3A_344, %parallel_loop3A_341, %parallel_loop3A_347 : vector<16xi1>, vector<16xi32>
        %parallel_loop3A_349 = tpu.bitcast %parallel_loop3A_348 : vector<16xi32> -> vector<16xi32>
        %parallel_loop3A_350 = arith.mulf %parallel_loop3A_311, %get3A_112 : vector<16xf32>
        %parallel_loop3A_351 = tpu.bitcast %parallel_loop3A_350 : vector<16xf32> -> vector<16xi32>
        %parallel_loop3A_352 = arith.constant 0 : i32
        %parallel_loop3A_353 = vector.broadcast %parallel_loop3A_352 : i32 to vector<16xi32>
        %parallel_loop3A_354 = arith.cmpi slt, %parallel_loop3A_351, %parallel_loop3A_353 : vector<16xi32>
        %parallel_loop3A_355 = arith.constant 2147483647 : i32
        %parallel_loop3A_356 = vector.broadcast %parallel_loop3A_355 : i32 to vector<16xi32>
        %parallel_loop3A_357 = arith.xori %parallel_loop3A_351, %parallel_loop3A_356 : vector<16xi32>
        %parallel_loop3A_358 = arith.select %parallel_loop3A_354, %parallel_loop3A_351, %parallel_loop3A_357 : vector<16xi1>, vector<16xi32>
        %parallel_loop3A_359 = tpu.bitcast %parallel_loop3A_358 : vector<16xi32> -> vector<16xi32>
        %parallel_loop3A_360 = arith.mulf %parallel_loop3A_315, %get3A_114 : vector<16xf32>
        %parallel_loop3A_361 = tpu.bitcast %parallel_loop3A_360 : vector<16xf32> -> vector<16xi32>
        %parallel_loop3A_362 = arith.constant 0 : i32
        %parallel_loop3A_363 = vector.broadcast %parallel_loop3A_362 : i32 to vector<16xi32>
        %parallel_loop3A_364 = arith.cmpi slt, %parallel_loop3A_361, %parallel_loop3A_363 : vector<16xi32>
        %parallel_loop3A_365 = arith.constant 2147483647 : i32
        %parallel_loop3A_366 = vector.broadcast %parallel_loop3A_365 : i32 to vector<16xi32>
        %parallel_loop3A_367 = arith.xori %parallel_loop3A_361, %parallel_loop3A_366 : vector<16xi32>
        %parallel_loop3A_368 = arith.select %parallel_loop3A_364, %parallel_loop3A_361, %parallel_loop3A_367 : vector<16xi1>, vector<16xi32>
        %parallel_loop3A_369 = tpu.bitcast %parallel_loop3A_368 : vector<16xi32> -> vector<16xi32>
        %parallel_loop3A_370 = arith.mulf %parallel_loop3A_319, %get3A_116 : vector<16xf32>
        %parallel_loop3A_371 = tpu.bitcast %parallel_loop3A_370 : vector<16xf32> -> vector<16xi32>
        %parallel_loop3A_372 = arith.constant 0 : i32
        %parallel_loop3A_373 = vector.broadcast %parallel_loop3A_372 : i32 to vector<16xi32>
        %parallel_loop3A_374 = arith.cmpi slt, %parallel_loop3A_371, %parallel_loop3A_373 : vector<16xi32>
        %parallel_loop3A_375 = arith.constant 2147483647 : i32
        %parallel_loop3A_376 = vector.broadcast %parallel_loop3A_375 : i32 to vector<16xi32>
        %parallel_loop3A_377 = arith.xori %parallel_loop3A_371, %parallel_loop3A_376 : vector<16xi32>
        %parallel_loop3A_378 = arith.select %parallel_loop3A_374, %parallel_loop3A_371, %parallel_loop3A_377 : vector<16xi1>, vector<16xi32>
        %parallel_loop3A_379 = tpu.bitcast %parallel_loop3A_378 : vector<16xi32> -> vector<16xi32>
        %parallel_loop3A_380 = arith.constant 21 : i32
        %parallel_loop3A_381 = vector.broadcast %parallel_loop3A_380 : i32 to vector<16xi32>
        %parallel_loop3A_382 = arith.shrui %parallel_loop3A_329, %parallel_loop3A_381 : vector<16xi32>
        %parallel_loop3A_383 = arith.addi %parallel_loop3A_382, %mul3A_104 : vector<16xi32>
        %parallel_loop3A_384 = arith.constant 21 : i32
        %parallel_loop3A_385 = vector.broadcast %parallel_loop3A_384 : i32 to vector<16xi32>
        %parallel_loop3A_386 = arith.shrui %parallel_loop3A_339, %parallel_loop3A_385 : vector<16xi32>
        %parallel_loop3A_387 = arith.addi %parallel_loop3A_386, %mul3A_104 : vector<16xi32>
        %parallel_loop3A_388 = arith.constant 21 : i32
        %parallel_loop3A_389 = vector.broadcast %parallel_loop3A_388 : i32 to vector<16xi32>
        %parallel_loop3A_390 = arith.shrui %parallel_loop3A_349, %parallel_loop3A_389 : vector<16xi32>
        %parallel_loop3A_391 = arith.addi %parallel_loop3A_390, %mul3A_104 : vector<16xi32>
        %parallel_loop3A_392 = arith.constant 21 : i32
        %parallel_loop3A_393 = vector.broadcast %parallel_loop3A_392 : i32 to vector<16xi32>
        %parallel_loop3A_394 = arith.shrui %parallel_loop3A_359, %parallel_loop3A_393 : vector<16xi32>
        %parallel_loop3A_395 = arith.addi %parallel_loop3A_394, %mul3A_104 : vector<16xi32>
        %parallel_loop3A_396 = arith.constant 21 : i32
        %parallel_loop3A_397 = vector.broadcast %parallel_loop3A_396 : i32 to vector<16xi32>
        %parallel_loop3A_398 = arith.shrui %parallel_loop3A_369, %parallel_loop3A_397 : vector<16xi32>
        %parallel_loop3A_399 = arith.addi %parallel_loop3A_398, %mul3A_104 : vector<16xi32>
        %parallel_loop3A_400 = arith.constant 21 : i32
        %parallel_loop3A_401 = vector.broadcast %parallel_loop3A_400 : i32 to vector<16xi32>
        %parallel_loop3A_402 = arith.shrui %parallel_loop3A_379, %parallel_loop3A_401 : vector<16xi32>
        %parallel_loop3A_403 = arith.addi %parallel_loop3A_402, %mul3A_104 : vector<16xi32>
        tpu.vector_store_idx %arg12[%parallel_loop3A_383], %broadcast_in_dim3A_39 {add = true} : memref<32768xi32, #tpu.memory_space<vmem>>[vector<16xi32>], vector<16xi32>,
        tpu.vector_store_idx %arg12[%parallel_loop3A_387], %broadcast_in_dim3A_39 {add = true} : memref<32768xi32, #tpu.memory_space<vmem>>[vector<16xi32>], vector<16xi32>,
        tpu.vector_store_idx %arg12[%parallel_loop3A_391], %broadcast_in_dim3A_39 {add = true} : memref<32768xi32, #tpu.memory_space<vmem>>[vector<16xi32>], vector<16xi32>,
        tpu.vector_store_idx %arg12[%parallel_loop3A_395], %broadcast_in_dim3A_39 {add = true} : memref<32768xi32, #tpu.memory_space<vmem>>[vector<16xi32>], vector<16xi32>,
        tpu.vector_store_idx %arg12[%parallel_loop3A_399], %broadcast_in_dim3A_39 {add = true} : memref<32768xi32, #tpu.memory_space<vmem>>[vector<16xi32>], vector<16xi32>,
        tpu.vector_store_idx %arg12[%parallel_loop3A_403], %broadcast_in_dim3A_39 {add = true} : memref<32768xi32, #tpu.memory_space<vmem>>[vector<16xi32>], vector<16xi32>,
      } {sc.loop_unroll_factor = 2 : i64, sc.parallel_access}
    }
    %scan3A_122 = arith.constant 8 : i32
    %parallel_loop3A_123 = arith.constant 0 : i32
    %parallel_loop3A_124 = arith.constant 128 : i32
    %parallel_loop3A_125 = arith.constant 1 : i32
    scf.for %parallel_loop3A_265 = %parallel_loop3A_123 to %parallel_loop3A_124 step %parallel_loop3A_125  : i32 {
      %parallel_loop3A_266 = arith.constant 16 : i32
      %parallel_loop3A_267 = arith.muli %parallel_loop3A_265, %parallel_loop3A_266 : i32
      %parallel_loop3A_268 = arith.constant 0 : i32
      %parallel_loop3A_269 = arith.addi %parallel_loop3A_268, %parallel_loop3A_267 : i32
      %parallel_loop3A_270 = arith.index_cast %parallel_loop3A_269 : i32 to index
      %parallel_loop3A_271 = tpu.vector_load %arg12[%parallel_loop3A_270] {strides = array<i32>} : memref<32768xi32, #tpu.memory_space<vmem>>, vector<16xi32>,
      %parallel_loop3A_272 = arith.addi %broadcast_in_dim3A_41, %parallel_loop3A_271 : vector<16xi32>
      %parallel_loop3A_273 = arith.constant 16 : i32
      %parallel_loop3A_274 = arith.muli %parallel_loop3A_265, %parallel_loop3A_273 : i32
      %parallel_loop3A_275 = arith.constant 2048 : i32
      %parallel_loop3A_276 = arith.addi %parallel_loop3A_275, %parallel_loop3A_274 : i32
      %parallel_loop3A_277 = arith.index_cast %parallel_loop3A_276 : i32 to index
      %parallel_loop3A_278 = tpu.vector_load %arg12[%parallel_loop3A_277] {strides = array<i32>} : memref<32768xi32, #tpu.memory_space<vmem>>, vector<16xi32>,
      %parallel_loop3A_279 = arith.addi %parallel_loop3A_272, %parallel_loop3A_278 : vector<16xi32>
      %parallel_loop3A_280 = arith.constant 16 : i32
      %parallel_loop3A_281 = arith.muli %parallel_loop3A_265, %parallel_loop3A_280 : i32
      %parallel_loop3A_282 = arith.constant 4096 : i32
      %parallel_loop3A_283 = arith.addi %parallel_loop3A_282, %parallel_loop3A_281 : i32
      %parallel_loop3A_284 = arith.index_cast %parallel_loop3A_283 : i32 to index
      %parallel_loop3A_285 = tpu.vector_load %arg12[%parallel_loop3A_284] {strides = array<i32>} : memref<32768xi32, #tpu.memory_space<vmem>>, vector<16xi32>,
      %parallel_loop3A_286 = arith.addi %parallel_loop3A_279, %parallel_loop3A_285 : vector<16xi32>
      %parallel_loop3A_287 = arith.constant 16 : i32
      %parallel_loop3A_288 = arith.muli %parallel_loop3A_265, %parallel_loop3A_287 : i32
      %parallel_loop3A_289 = arith.constant 6144 : i32
      %parallel_loop3A_290 = arith.addi %parallel_loop3A_289, %parallel_loop3A_288 : i32
      %parallel_loop3A_291 = arith.index_cast %parallel_loop3A_290 : i32 to index
      %parallel_loop3A_292 = tpu.vector_load %arg12[%parallel_loop3A_291] {strides = array<i32>} : memref<32768xi32, #tpu.memory_space<vmem>>, vector<16xi32>,
      %parallel_loop3A_293 = arith.addi %parallel_loop3A_286, %parallel_loop3A_292 : vector<16xi32>
      %parallel_loop3A_294 = arith.constant 16 : i32
      %parallel_loop3A_295 = arith.muli %parallel_loop3A_265, %parallel_loop3A_294 : i32
      %parallel_loop3A_296 = arith.constant 8192 : i32
      %parallel_loop3A_297 = arith.addi %parallel_loop3A_296, %parallel_loop3A_295 : i32
      %parallel_loop3A_298 = arith.index_cast %parallel_loop3A_297 : i32 to index
      %parallel_loop3A_299 = tpu.vector_load %arg12[%parallel_loop3A_298] {strides = array<i32>} : memref<32768xi32, #tpu.memory_space<vmem>>, vector<16xi32>,
      %parallel_loop3A_300 = arith.addi %parallel_loop3A_293, %parallel_loop3A_299 : vector<16xi32>
      %parallel_loop3A_301 = arith.constant 16 : i32
      %parallel_loop3A_302 = arith.muli %parallel_loop3A_265, %parallel_loop3A_301 : i32
      %parallel_loop3A_303 = arith.constant 10240 : i32
      %parallel_loop3A_304 = arith.addi %parallel_loop3A_303, %parallel_loop3A_302 : i32
      %parallel_loop3A_305 = arith.index_cast %parallel_loop3A_304 : i32 to index
      %parallel_loop3A_306 = tpu.vector_load %arg12[%parallel_loop3A_305] {strides = array<i32>} : memref<32768xi32, #tpu.memory_space<vmem>>, vector<16xi32>,
      %parallel_loop3A_307 = arith.addi %parallel_loop3A_300, %parallel_loop3A_306 : vector<16xi32>
      %parallel_loop3A_308 = arith.constant 16 : i32
      %parallel_loop3A_309 = arith.muli %parallel_loop3A_265, %parallel_loop3A_308 : i32
      %parallel_loop3A_310 = arith.constant 12288 : i32
      %parallel_loop3A_311 = arith.addi %parallel_loop3A_310, %parallel_loop3A_309 : i32
      %parallel_loop3A_312 = arith.index_cast %parallel_loop3A_311 : i32 to index
      %parallel_loop3A_313 = tpu.vector_load %arg12[%parallel_loop3A_312] {strides = array<i32>} : memref<32768xi32, #tpu.memory_space<vmem>>, vector<16xi32>,
      %parallel_loop3A_314 = arith.addi %parallel_loop3A_307, %parallel_loop3A_313 : vector<16xi32>
      %parallel_loop3A_315 = arith.constant 16 : i32
      %parallel_loop3A_316 = arith.muli %parallel_loop3A_265, %parallel_loop3A_315 : i32
      %parallel_loop3A_317 = arith.constant 14336 : i32
      %parallel_loop3A_318 = arith.addi %parallel_loop3A_317, %parallel_loop3A_316 : i32
      %parallel_loop3A_319 = arith.index_cast %parallel_loop3A_318 : i32 to index
      %parallel_loop3A_320 = tpu.vector_load %arg12[%parallel_loop3A_319] {strides = array<i32>} : memref<32768xi32, #tpu.memory_space<vmem>>, vector<16xi32>,
      %parallel_loop3A_321 = arith.addi %parallel_loop3A_314, %parallel_loop3A_320 : vector<16xi32>
      %parallel_loop3A_322 = arith.constant 16 : i32
      %parallel_loop3A_323 = arith.muli %parallel_loop3A_265, %parallel_loop3A_322 : i32
      %parallel_loop3A_324 = arith.constant 16384 : i32
      %parallel_loop3A_325 = arith.addi %parallel_loop3A_324, %parallel_loop3A_323 : i32
      %parallel_loop3A_326 = arith.index_cast %parallel_loop3A_325 : i32 to index
      %parallel_loop3A_327 = tpu.vector_load %arg12[%parallel_loop3A_326] {strides = array<i32>} : memref<32768xi32, #tpu.memory_space<vmem>>, vector<16xi32>,
      %parallel_loop3A_328 = arith.addi %parallel_loop3A_321, %parallel_loop3A_327 : vector<16xi32>
      %parallel_loop3A_329 = arith.constant 16 : i32
      %parallel_loop3A_330 = arith.muli %parallel_loop3A_265, %parallel_loop3A_329 : i32
      %parallel_loop3A_331 = arith.constant 18432 : i32
      %parallel_loop3A_332 = arith.addi %parallel_loop3A_331, %parallel_loop3A_330 : i32
      %parallel_loop3A_333 = arith.index_cast %parallel_loop3A_332 : i32 to index
      %parallel_loop3A_334 = tpu.vector_load %arg12[%parallel_loop3A_333] {strides = array<i32>} : memref<32768xi32, #tpu.memory_space<vmem>>, vector<16xi32>,
      %parallel_loop3A_335 = arith.addi %parallel_loop3A_328, %parallel_loop3A_334 : vector<16xi32>
      %parallel_loop3A_336 = arith.constant 16 : i32
      %parallel_loop3A_337 = arith.muli %parallel_loop3A_265, %parallel_loop3A_336 : i32
      %parallel_loop3A_338 = arith.constant 20480 : i32
      %parallel_loop3A_339 = arith.addi %parallel_loop3A_338, %parallel_loop3A_337 : i32
      %parallel_loop3A_340 = arith.index_cast %parallel_loop3A_339 : i32 to index
      %parallel_loop3A_341 = tpu.vector_load %arg12[%parallel_loop3A_340] {strides = array<i32>} : memref<32768xi32, #tpu.memory_space<vmem>>, vector<16xi32>,
      %parallel_loop3A_342 = arith.addi %parallel_loop3A_335, %parallel_loop3A_341 : vector<16xi32>
      %parallel_loop3A_343 = arith.constant 16 : i32
      %parallel_loop3A_344 = arith.muli %parallel_loop3A_265, %parallel_loop3A_343 : i32
      %parallel_loop3A_345 = arith.constant 22528 : i32
      %parallel_loop3A_346 = arith.addi %parallel_loop3A_345, %parallel_loop3A_344 : i32
      %parallel_loop3A_347 = arith.index_cast %parallel_loop3A_346 : i32 to index
      %parallel_loop3A_348 = tpu.vector_load %arg12[%parallel_loop3A_347] {strides = array<i32>} : memref<32768xi32, #tpu.memory_space<vmem>>, vector<16xi32>,
      %parallel_loop3A_349 = arith.addi %parallel_loop3A_342, %parallel_loop3A_348 : vector<16xi32>
      %parallel_loop3A_350 = arith.constant 16 : i32
      %parallel_loop3A_351 = arith.muli %parallel_loop3A_265, %parallel_loop3A_350 : i32
      %parallel_loop3A_352 = arith.constant 24576 : i32
      %parallel_loop3A_353 = arith.addi %parallel_loop3A_352, %parallel_loop3A_351 : i32
      %parallel_loop3A_354 = arith.index_cast %parallel_loop3A_353 : i32 to index
      %parallel_loop3A_355 = tpu.vector_load %arg12[%parallel_loop3A_354] {strides = array<i32>} : memref<32768xi32, #tpu.memory_space<vmem>>, vector<16xi32>,
      %parallel_loop3A_356 = arith.addi %parallel_loop3A_349, %parallel_loop3A_355 : vector<16xi32>
      %parallel_loop3A_357 = arith.constant 16 : i32
      %parallel_loop3A_358 = arith.muli %parallel_loop3A_265, %parallel_loop3A_357 : i32
      %parallel_loop3A_359 = arith.constant 26624 : i32
      %parallel_loop3A_360 = arith.addi %parallel_loop3A_359, %parallel_loop3A_358 : i32
      %parallel_loop3A_361 = arith.index_cast %parallel_loop3A_360 : i32 to index
      %parallel_loop3A_362 = tpu.vector_load %arg12[%parallel_loop3A_361] {strides = array<i32>} : memref<32768xi32, #tpu.memory_space<vmem>>, vector<16xi32>,
      %parallel_loop3A_363 = arith.addi %parallel_loop3A_356, %parallel_loop3A_362 : vector<16xi32>
      %parallel_loop3A_364 = arith.constant 16 : i32
      %parallel_loop3A_365 = arith.muli %parallel_loop3A_265, %parallel_loop3A_364 : i32
      %parallel_loop3A_366 = arith.constant 28672 : i32
      %parallel_loop3A_367 = arith.addi %parallel_loop3A_366, %parallel_loop3A_365 : i32
      %parallel_loop3A_368 = arith.index_cast %parallel_loop3A_367 : i32 to index
      %parallel_loop3A_369 = tpu.vector_load %arg12[%parallel_loop3A_368] {strides = array<i32>} : memref<32768xi32, #tpu.memory_space<vmem>>, vector<16xi32>,
      %parallel_loop3A_370 = arith.addi %parallel_loop3A_363, %parallel_loop3A_369 : vector<16xi32>
      %parallel_loop3A_371 = arith.constant 16 : i32
      %parallel_loop3A_372 = arith.muli %parallel_loop3A_265, %parallel_loop3A_371 : i32
      %parallel_loop3A_373 = arith.constant 30720 : i32
      %parallel_loop3A_374 = arith.addi %parallel_loop3A_373, %parallel_loop3A_372 : i32
      %parallel_loop3A_375 = arith.index_cast %parallel_loop3A_374 : i32 to index
      %parallel_loop3A_376 = tpu.vector_load %arg12[%parallel_loop3A_375] {strides = array<i32>} : memref<32768xi32, #tpu.memory_space<vmem>>, vector<16xi32>,
      %parallel_loop3A_377 = arith.addi %parallel_loop3A_370, %parallel_loop3A_376 : vector<16xi32>
      %parallel_loop3A_378 = arith.constant 16 : i32
      %parallel_loop3A_379 = arith.muli %parallel_loop3A_265, %parallel_loop3A_378 : i32
      %parallel_loop3A_380 = arith.constant 0 : i32
      %parallel_loop3A_381 = arith.addi %parallel_loop3A_380, %parallel_loop3A_379 : i32
      %parallel_loop3A_382 = arith.index_cast %parallel_loop3A_381 : i32 to index
      %parallel_loop3A_383 = tpu.vector_load %arg12[%parallel_loop3A_382] {strides = array<i32>} : memref<32768xi32, #tpu.memory_space<vmem>>, vector<16xi32>,
      tpu.vector_store %arg12[%parallel_loop3A_382], %broadcast_in_dim3A_41 {strides = array<i32>} : memref<32768xi32, #tpu.memory_space<vmem>>, vector<16xi32>,
      %parallel_loop3A_384 = arith.constant 16 : i32
      %parallel_loop3A_385 = arith.muli %parallel_loop3A_265, %parallel_loop3A_384 : i32
      %parallel_loop3A_386 = arith.constant 2048 : i32
      %parallel_loop3A_387 = arith.addi %parallel_loop3A_386, %parallel_loop3A_385 : i32
      %parallel_loop3A_388 = arith.index_cast %parallel_loop3A_387 : i32 to index
      %parallel_loop3A_389 = tpu.vector_load %arg12[%parallel_loop3A_388] {strides = array<i32>} : memref<32768xi32, #tpu.memory_space<vmem>>, vector<16xi32>,
      tpu.vector_store %arg12[%parallel_loop3A_388], %broadcast_in_dim3A_41 {strides = array<i32>} : memref<32768xi32, #tpu.memory_space<vmem>>, vector<16xi32>,
      %parallel_loop3A_390 = arith.constant 16 : i32
      %parallel_loop3A_391 = arith.muli %parallel_loop3A_265, %parallel_loop3A_390 : i32
      %parallel_loop3A_392 = arith.constant 4096 : i32
      %parallel_loop3A_393 = arith.addi %parallel_loop3A_392, %parallel_loop3A_391 : i32
      %parallel_loop3A_394 = arith.index_cast %parallel_loop3A_393 : i32 to index
      %parallel_loop3A_395 = tpu.vector_load %arg12[%parallel_loop3A_394] {strides = array<i32>} : memref<32768xi32, #tpu.memory_space<vmem>>, vector<16xi32>,
      tpu.vector_store %arg12[%parallel_loop3A_394], %broadcast_in_dim3A_41 {strides = array<i32>} : memref<32768xi32, #tpu.memory_space<vmem>>, vector<16xi32>,
      %parallel_loop3A_396 = arith.constant 16 : i32
      %parallel_loop3A_397 = arith.muli %parallel_loop3A_265, %parallel_loop3A_396 : i32
      %parallel_loop3A_398 = arith.constant 6144 : i32
      %parallel_loop3A_399 = arith.addi %parallel_loop3A_398, %parallel_loop3A_397 : i32
      %parallel_loop3A_400 = arith.index_cast %parallel_loop3A_399 : i32 to index
      %parallel_loop3A_401 = tpu.vector_load %arg12[%parallel_loop3A_400] {strides = array<i32>} : memref<32768xi32, #tpu.memory_space<vmem>>, vector<16xi32>,
      tpu.vector_store %arg12[%parallel_loop3A_400], %broadcast_in_dim3A_41 {strides = array<i32>} : memref<32768xi32, #tpu.memory_space<vmem>>, vector<16xi32>,
      %parallel_loop3A_402 = arith.constant 16 : i32
      %parallel_loop3A_403 = arith.muli %parallel_loop3A_265, %parallel_loop3A_402 : i32
      %parallel_loop3A_404 = arith.constant 8192 : i32
      %parallel_loop3A_405 = arith.addi %parallel_loop3A_404, %parallel_loop3A_403 : i32
      %parallel_loop3A_406 = arith.index_cast %parallel_loop3A_405 : i32 to index
      %parallel_loop3A_407 = tpu.vector_load %arg12[%parallel_loop3A_406] {strides = array<i32>} : memref<32768xi32, #tpu.memory_space<vmem>>, vector<16xi32>,
      tpu.vector_store %arg12[%parallel_loop3A_406], %broadcast_in_dim3A_41 {strides = array<i32>} : memref<32768xi32, #tpu.memory_space<vmem>>, vector<16xi32>,
      %parallel_loop3A_408 = arith.constant 16 : i32
      %parallel_loop3A_409 = arith.muli %parallel_loop3A_265, %parallel_loop3A_408 : i32
      %parallel_loop3A_410 = arith.constant 10240 : i32
      %parallel_loop3A_411 = arith.addi %parallel_loop3A_410, %parallel_loop3A_409 : i32
      %parallel_loop3A_412 = arith.index_cast %parallel_loop3A_411 : i32 to index
      %parallel_loop3A_413 = tpu.vector_load %arg12[%parallel_loop3A_412] {strides = array<i32>} : memref<32768xi32, #tpu.memory_space<vmem>>, vector<16xi32>,
      tpu.vector_store %arg12[%parallel_loop3A_412], %broadcast_in_dim3A_41 {strides = array<i32>} : memref<32768xi32, #tpu.memory_space<vmem>>, vector<16xi32>,
      %parallel_loop3A_414 = arith.constant 16 : i32
      %parallel_loop3A_415 = arith.muli %parallel_loop3A_265, %parallel_loop3A_414 : i32
      %parallel_loop3A_416 = arith.constant 12288 : i32
      %parallel_loop3A_417 = arith.addi %parallel_loop3A_416, %parallel_loop3A_415 : i32
      %parallel_loop3A_418 = arith.index_cast %parallel_loop3A_417 : i32 to index
      %parallel_loop3A_419 = tpu.vector_load %arg12[%parallel_loop3A_418] {strides = array<i32>} : memref<32768xi32, #tpu.memory_space<vmem>>, vector<16xi32>,
      tpu.vector_store %arg12[%parallel_loop3A_418], %broadcast_in_dim3A_41 {strides = array<i32>} : memref<32768xi32, #tpu.memory_space<vmem>>, vector<16xi32>,
      %parallel_loop3A_420 = arith.constant 16 : i32
      %parallel_loop3A_421 = arith.muli %parallel_loop3A_265, %parallel_loop3A_420 : i32
      %parallel_loop3A_422 = arith.constant 14336 : i32
      %parallel_loop3A_423 = arith.addi %parallel_loop3A_422, %parallel_loop3A_421 : i32
      %parallel_loop3A_424 = arith.index_cast %parallel_loop3A_423 : i32 to index
      %parallel_loop3A_425 = tpu.vector_load %arg12[%parallel_loop3A_424] {strides = array<i32>} : memref<32768xi32, #tpu.memory_space<vmem>>, vector<16xi32>,
      tpu.vector_store %arg12[%parallel_loop3A_424], %broadcast_in_dim3A_41 {strides = array<i32>} : memref<32768xi32, #tpu.memory_space<vmem>>, vector<16xi32>,
      %parallel_loop3A_426 = arith.constant 16 : i32
      %parallel_loop3A_427 = arith.muli %parallel_loop3A_265, %parallel_loop3A_426 : i32
      %parallel_loop3A_428 = arith.constant 16384 : i32
      %parallel_loop3A_429 = arith.addi %parallel_loop3A_428, %parallel_loop3A_427 : i32
      %parallel_loop3A_430 = arith.index_cast %parallel_loop3A_429 : i32 to index
      %parallel_loop3A_431 = tpu.vector_load %arg12[%parallel_loop3A_430] {strides = array<i32>} : memref<32768xi32, #tpu.memory_space<vmem>>, vector<16xi32>,
      tpu.vector_store %arg12[%parallel_loop3A_430], %broadcast_in_dim3A_41 {strides = array<i32>} : memref<32768xi32, #tpu.memory_space<vmem>>, vector<16xi32>,
      %parallel_loop3A_432 = arith.constant 16 : i32
      %parallel_loop3A_433 = arith.muli %parallel_loop3A_265, %parallel_loop3A_432 : i32
      %parallel_loop3A_434 = arith.constant 18432 : i32
      %parallel_loop3A_435 = arith.addi %parallel_loop3A_434, %parallel_loop3A_433 : i32
      %parallel_loop3A_436 = arith.index_cast %parallel_loop3A_435 : i32 to index
      %parallel_loop3A_437 = tpu.vector_load %arg12[%parallel_loop3A_436] {strides = array<i32>} : memref<32768xi32, #tpu.memory_space<vmem>>, vector<16xi32>,
      tpu.vector_store %arg12[%parallel_loop3A_436], %broadcast_in_dim3A_41 {strides = array<i32>} : memref<32768xi32, #tpu.memory_space<vmem>>, vector<16xi32>,
      %parallel_loop3A_438 = arith.constant 16 : i32
      %parallel_loop3A_439 = arith.muli %parallel_loop3A_265, %parallel_loop3A_438 : i32
      %parallel_loop3A_440 = arith.constant 20480 : i32
      %parallel_loop3A_441 = arith.addi %parallel_loop3A_440, %parallel_loop3A_439 : i32
      %parallel_loop3A_442 = arith.index_cast %parallel_loop3A_441 : i32 to index
      %parallel_loop3A_443 = tpu.vector_load %arg12[%parallel_loop3A_442] {strides = array<i32>} : memref<32768xi32, #tpu.memory_space<vmem>>, vector<16xi32>,
      tpu.vector_store %arg12[%parallel_loop3A_442], %broadcast_in_dim3A_41 {strides = array<i32>} : memref<32768xi32, #tpu.memory_space<vmem>>, vector<16xi32>,
      %parallel_loop3A_444 = arith.constant 16 : i32
      %parallel_loop3A_445 = arith.muli %parallel_loop3A_265, %parallel_loop3A_444 : i32
      %parallel_loop3A_446 = arith.constant 22528 : i32
      %parallel_loop3A_447 = arith.addi %parallel_loop3A_446, %parallel_loop3A_445 : i32
      %parallel_loop3A_448 = arith.index_cast %parallel_loop3A_447 : i32 to index
      %parallel_loop3A_449 = tpu.vector_load %arg12[%parallel_loop3A_448] {strides = array<i32>} : memref<32768xi32, #tpu.memory_space<vmem>>, vector<16xi32>,
      tpu.vector_store %arg12[%parallel_loop3A_448], %broadcast_in_dim3A_41 {strides = array<i32>} : memref<32768xi32, #tpu.memory_space<vmem>>, vector<16xi32>,
      %parallel_loop3A_450 = arith.constant 16 : i32
      %parallel_loop3A_451 = arith.muli %parallel_loop3A_265, %parallel_loop3A_450 : i32
      %parallel_loop3A_452 = arith.constant 24576 : i32
      %parallel_loop3A_453 = arith.addi %parallel_loop3A_452, %parallel_loop3A_451 : i32
      %parallel_loop3A_454 = arith.index_cast %parallel_loop3A_453 : i32 to index
      %parallel_loop3A_455 = tpu.vector_load %arg12[%parallel_loop3A_454] {strides = array<i32>} : memref<32768xi32, #tpu.memory_space<vmem>>, vector<16xi32>,
      tpu.vector_store %arg12[%parallel_loop3A_454], %broadcast_in_dim3A_41 {strides = array<i32>} : memref<32768xi32, #tpu.memory_space<vmem>>, vector<16xi32>,
      %parallel_loop3A_456 = arith.constant 16 : i32
      %parallel_loop3A_457 = arith.muli %parallel_loop3A_265, %parallel_loop3A_456 : i32
      %parallel_loop3A_458 = arith.constant 26624 : i32
      %parallel_loop3A_459 = arith.addi %parallel_loop3A_458, %parallel_loop3A_457 : i32
      %parallel_loop3A_460 = arith.index_cast %parallel_loop3A_459 : i32 to index
      %parallel_loop3A_461 = tpu.vector_load %arg12[%parallel_loop3A_460] {strides = array<i32>} : memref<32768xi32, #tpu.memory_space<vmem>>, vector<16xi32>,
      tpu.vector_store %arg12[%parallel_loop3A_460], %broadcast_in_dim3A_41 {strides = array<i32>} : memref<32768xi32, #tpu.memory_space<vmem>>, vector<16xi32>,
      %parallel_loop3A_462 = arith.constant 16 : i32
      %parallel_loop3A_463 = arith.muli %parallel_loop3A_265, %parallel_loop3A_462 : i32
      %parallel_loop3A_464 = arith.constant 28672 : i32
      %parallel_loop3A_465 = arith.addi %parallel_loop3A_464, %parallel_loop3A_463 : i32
      %parallel_loop3A_466 = arith.index_cast %parallel_loop3A_465 : i32 to index
      %parallel_loop3A_467 = tpu.vector_load %arg12[%parallel_loop3A_466] {strides = array<i32>} : memref<32768xi32, #tpu.memory_space<vmem>>, vector<16xi32>,
      tpu.vector_store %arg12[%parallel_loop3A_466], %broadcast_in_dim3A_41 {strides = array<i32>} : memref<32768xi32, #tpu.memory_space<vmem>>, vector<16xi32>,
      %parallel_loop3A_468 = arith.constant 16 : i32
      %parallel_loop3A_469 = arith.muli %parallel_loop3A_265, %parallel_loop3A_468 : i32
      %parallel_loop3A_470 = arith.constant 30720 : i32
      %parallel_loop3A_471 = arith.addi %parallel_loop3A_470, %parallel_loop3A_469 : i32
      %parallel_loop3A_472 = arith.index_cast %parallel_loop3A_471 : i32 to index
      %parallel_loop3A_473 = tpu.vector_load %arg12[%parallel_loop3A_472] {strides = array<i32>} : memref<32768xi32, #tpu.memory_space<vmem>>, vector<16xi32>,
      tpu.vector_store %arg12[%parallel_loop3A_472], %broadcast_in_dim3A_41 {strides = array<i32>} : memref<32768xi32, #tpu.memory_space<vmem>>, vector<16xi32>,
      %parallel_loop3A_474 = arith.constant 16 : i32
      %parallel_loop3A_475 = arith.muli %parallel_loop3A_265, %parallel_loop3A_474 : i32
      %parallel_loop3A_476 = arith.index_cast %parallel_loop3A_475 : i32 to index
      %parallel_loop3A_477 = tpu.vector_load %arg13[%parallel_loop3A_476] {strides = array<i32>} : memref<2048xi32, #tpu.memory_space<vmem>>, vector<16xi32>,
      tpu.vector_store %arg13[%parallel_loop3A_476], %parallel_loop3A_377 {strides = array<i32>} : memref<2048xi32, #tpu.memory_space<vmem>>, vector<16xi32>,
    } {sc.loop_unroll_factor = 2 : i64, sc.parallel_access}
    %mul3A_126 = arith.constant 2048 : i32
    %mul3A_127 = arith.muli %add3A_38, %mul3A_126 : i32
    "tpu.region"() ({
      %run_scoped3A = tpu.sem_alloc : memref<!tpu.dma_semaphore, #tpu.memory_space<semaphore_mem>>
      %dma_start3A_265 = arith.constant 0 : i32
      %dma_start3A_266 = tpu.memref_slice %arg13[%dma_start3A_265] : memref<2048xi32, #tpu.memory_space<vmem>> -> memref<2048xi32, #tpu.memory_space<vmem>>
      %dma_start3A_267 = tpu.memref_slice %arg7[%mul3A_127] : memref<65536xi32, #tpu.memory_space<hbm>> -> memref<2048xi32, #tpu.memory_space<hbm>>
      %dma_start3A_268 = tpu.memref_slice %arg7[%mul3A_127] : memref<65536xi32, #tpu.memory_space<hbm>> -> memref<2048xi32, #tpu.memory_space<hbm>>
      %dma_start3A_269 = arith.constant 0 : i32
      %dma_start3A_270 = tpu.memref_slice %arg13[%dma_start3A_269] : memref<2048xi32, #tpu.memory_space<vmem>> -> memref<2048xi32, #tpu.memory_space<vmem>>
      tpu.enqueue_dma source(%dma_start3A_270 : memref<2048xi32, #tpu.memory_space<vmem>>) target(%dma_start3A_268 : memref<2048xi32, #tpu.memory_space<hbm>>) target_semaphore(%run_scoped3A : memref<!tpu.dma_semaphore, #tpu.memory_space<semaphore_mem>>)
      %dma_wait3A = arith.constant 0 : i32
      %dma_wait3A_271 = tpu.memref_slice %arg13[%dma_wait3A] : memref<2048xi32, #tpu.memory_space<vmem>> -> memref<2048xi32, #tpu.memory_space<vmem>>
      %dma_wait3A_272 = tpu.memref_slice %arg7[%mul3A_127] : memref<65536xi32, #tpu.memory_space<hbm>> -> memref<2048xi32, #tpu.memory_space<hbm>>
      %dma_wait3A_273 = tpu.memref_slice %arg7[%mul3A_127] : memref<65536xi32, #tpu.memory_space<hbm>> -> memref<2048xi32, #tpu.memory_space<hbm>>
      %dma_wait3A_274 = arith.constant 0 : i32
      %dma_wait3A_275 = tpu.memref_slice %arg13[%dma_wait3A_274] : memref<2048xi32, #tpu.memory_space<vmem>> -> memref<2048xi32, #tpu.memory_space<vmem>>
      tpu.wait_dma2 semaphore(%run_scoped3A : memref<!tpu.dma_semaphore, #tpu.memory_space<semaphore_mem>>) src(%dma_wait3A_275 : memref<2048xi32, #tpu.memory_space<vmem>>) dst(%dma_wait3A_273 : memref<2048xi32, #tpu.memory_space<hbm>>)
      tpu.yield
    }) : () -> ()
    %barrier3A = arith.constant 0 : index
    tpu.barrier barrier_id(%barrier3A)
    %mul3A_128 = arith.constant 4 : i32
    %mul3A_129 = arith.muli %add3A_30, %mul3A_128 : i32
    %mul3A_130 = arith.constant 2048 : i32
    %mul3A_131 = arith.muli %mul3A_129, %mul3A_130 : i32
    "tpu.region"() ({
      %run_scoped3A = tpu.sem_alloc : memref<!tpu.dma_semaphore, #tpu.memory_space<semaphore_mem>>
      %dma_start3A_265 = arith.constant 0 : i32
      %dma_start3A_266 = tpu.memref_slice %arg14[%dma_start3A_265] : memref<2048xi32, #tpu.memory_space<vmem>> -> memref<2048xi32, #tpu.memory_space<vmem>>
      %dma_start3A_267 = tpu.memref_slice %arg7[%mul3A_131] : memref<65536xi32, #tpu.memory_space<hbm>> -> memref<2048xi32, #tpu.memory_space<hbm>>
      %dma_start3A_268 = arith.constant 0 : i32
      %dma_start3A_269 = tpu.memref_slice %arg14[%dma_start3A_268] : memref<2048xi32, #tpu.memory_space<vmem>> -> memref<2048xi32, #tpu.memory_space<vmem>>
      %dma_start3A_270 = tpu.memref_slice %arg7[%mul3A_131] : memref<65536xi32, #tpu.memory_space<hbm>> -> memref<2048xi32, #tpu.memory_space<hbm>>
      tpu.enqueue_dma source(%dma_start3A_270 : memref<2048xi32, #tpu.memory_space<hbm>>) target(%dma_start3A_269 : memref<2048xi32, #tpu.memory_space<vmem>>) target_semaphore(%run_scoped3A : memref<!tpu.dma_semaphore, #tpu.memory_space<semaphore_mem>>)
      %dma_wait3A = arith.constant 0 : i32
      %dma_wait3A_271 = tpu.memref_slice %arg14[%dma_wait3A] : memref<2048xi32, #tpu.memory_space<vmem>> -> memref<2048xi32, #tpu.memory_space<vmem>>
      %dma_wait3A_272 = tpu.memref_slice %arg7[%mul3A_131] : memref<65536xi32, #tpu.memory_space<hbm>> -> memref<2048xi32, #tpu.memory_space<hbm>>
      %dma_wait3A_273 = arith.constant 0 : i32
      %dma_wait3A_274 = tpu.memref_slice %arg14[%dma_wait3A_273] : memref<2048xi32, #tpu.memory_space<vmem>> -> memref<2048xi32, #tpu.memory_space<vmem>>
      %dma_wait3A_275 = tpu.memref_slice %arg7[%mul3A_131] : memref<65536xi32, #tpu.memory_space<hbm>> -> memref<2048xi32, #tpu.memory_space<hbm>>
      tpu.wait_dma2 semaphore(%run_scoped3A : memref<!tpu.dma_semaphore, #tpu.memory_space<semaphore_mem>>) src(%dma_wait3A_275 : memref<2048xi32, #tpu.memory_space<hbm>>) dst(%dma_wait3A_274 : memref<2048xi32, #tpu.memory_space<vmem>>)
      tpu.yield
    }) : () -> ()
    %add3A_132 = arith.constant 2048 : i32
    %add3A_133 = arith.addi %mul3A_131, %add3A_132 : i32
    "tpu.region"() ({
      %run_scoped3A = tpu.sem_alloc : memref<!tpu.dma_semaphore, #tpu.memory_space<semaphore_mem>>
      %dma_start3A_265 = arith.constant 0 : i32
      %dma_start3A_266 = tpu.memref_slice %arg15[%dma_start3A_265] : memref<2048xi32, #tpu.memory_space<vmem>> -> memref<2048xi32, #tpu.memory_space<vmem>>
      %dma_start3A_267 = tpu.memref_slice %arg7[%add3A_133] : memref<65536xi32, #tpu.memory_space<hbm>> -> memref<2048xi32, #tpu.memory_space<hbm>>
      %dma_start3A_268 = arith.constant 0 : i32
      %dma_start3A_269 = tpu.memref_slice %arg15[%dma_start3A_268] : memref<2048xi32, #tpu.memory_space<vmem>> -> memref<2048xi32, #tpu.memory_space<vmem>>
      %dma_start3A_270 = tpu.memref_slice %arg7[%add3A_133] : memref<65536xi32, #tpu.memory_space<hbm>> -> memref<2048xi32, #tpu.memory_space<hbm>>
      tpu.enqueue_dma source(%dma_start3A_270 : memref<2048xi32, #tpu.memory_space<hbm>>) target(%dma_start3A_269 : memref<2048xi32, #tpu.memory_space<vmem>>) target_semaphore(%run_scoped3A : memref<!tpu.dma_semaphore, #tpu.memory_space<semaphore_mem>>)
      %dma_wait3A = arith.constant 0 : i32
      %dma_wait3A_271 = tpu.memref_slice %arg15[%dma_wait3A] : memref<2048xi32, #tpu.memory_space<vmem>> -> memref<2048xi32, #tpu.memory_space<vmem>>
      %dma_wait3A_272 = tpu.memref_slice %arg7[%add3A_133] : memref<65536xi32, #tpu.memory_space<hbm>> -> memref<2048xi32, #tpu.memory_space<hbm>>
      %dma_wait3A_273 = arith.constant 0 : i32
      %dma_wait3A_274 = tpu.memref_slice %arg15[%dma_wait3A_273] : memref<2048xi32, #tpu.memory_space<vmem>> -> memref<2048xi32, #tpu.memory_space<vmem>>
      %dma_wait3A_275 = tpu.memref_slice %arg7[%add3A_133] : memref<65536xi32, #tpu.memory_space<hbm>> -> memref<2048xi32, #tpu.memory_space<hbm>>
      tpu.wait_dma2 semaphore(%run_scoped3A : memref<!tpu.dma_semaphore, #tpu.memory_space<semaphore_mem>>) src(%dma_wait3A_275 : memref<2048xi32, #tpu.memory_space<hbm>>) dst(%dma_wait3A_274 : memref<2048xi32, #tpu.memory_space<vmem>>)
      tpu.yield
    }) : () -> ()
    %add3A_134 = arith.constant 4096 : i32
    %add3A_135 = arith.addi %mul3A_131, %add3A_134 : i32
    "tpu.region"() ({
      %run_scoped3A = tpu.sem_alloc : memref<!tpu.dma_semaphore, #tpu.memory_space<semaphore_mem>>
      %dma_start3A_265 = arith.constant 0 : i32
      %dma_start3A_266 = tpu.memref_slice %arg16[%dma_start3A_265] : memref<2048xi32, #tpu.memory_space<vmem>> -> memref<2048xi32, #tpu.memory_space<vmem>>
      %dma_start3A_267 = tpu.memref_slice %arg7[%add3A_135] : memref<65536xi32, #tpu.memory_space<hbm>> -> memref<2048xi32, #tpu.memory_space<hbm>>
      %dma_start3A_268 = arith.constant 0 : i32
      %dma_start3A_269 = tpu.memref_slice %arg16[%dma_start3A_268] : memref<2048xi32, #tpu.memory_space<vmem>> -> memref<2048xi32, #tpu.memory_space<vmem>>
      %dma_start3A_270 = tpu.memref_slice %arg7[%add3A_135] : memref<65536xi32, #tpu.memory_space<hbm>> -> memref<2048xi32, #tpu.memory_space<hbm>>
      tpu.enqueue_dma source(%dma_start3A_270 : memref<2048xi32, #tpu.memory_space<hbm>>) target(%dma_start3A_269 : memref<2048xi32, #tpu.memory_space<vmem>>) target_semaphore(%run_scoped3A : memref<!tpu.dma_semaphore, #tpu.memory_space<semaphore_mem>>)
      %dma_wait3A = arith.constant 0 : i32
      %dma_wait3A_271 = tpu.memref_slice %arg16[%dma_wait3A] : memref<2048xi32, #tpu.memory_space<vmem>> -> memref<2048xi32, #tpu.memory_space<vmem>>
      %dma_wait3A_272 = tpu.memref_slice %arg7[%add3A_135] : memref<65536xi32, #tpu.memory_space<hbm>> -> memref<2048xi32, #tpu.memory_space<hbm>>
      %dma_wait3A_273 = arith.constant 0 : i32
      %dma_wait3A_274 = tpu.memref_slice %arg16[%dma_wait3A_273] : memref<2048xi32, #tpu.memory_space<vmem>> -> memref<2048xi32, #tpu.memory_space<vmem>>
      %dma_wait3A_275 = tpu.memref_slice %arg7[%add3A_135] : memref<65536xi32, #tpu.memory_space<hbm>> -> memref<2048xi32, #tpu.memory_space<hbm>>
      tpu.wait_dma2 semaphore(%run_scoped3A : memref<!tpu.dma_semaphore, #tpu.memory_space<semaphore_mem>>) src(%dma_wait3A_275 : memref<2048xi32, #tpu.memory_space<hbm>>) dst(%dma_wait3A_274 : memref<2048xi32, #tpu.memory_space<vmem>>)
      tpu.yield
    }) : () -> ()
    %add3A_136 = arith.constant 6144 : i32
    %add3A_137 = arith.addi %mul3A_131, %add3A_136 : i32
    "tpu.region"() ({
      %run_scoped3A = tpu.sem_alloc : memref<!tpu.dma_semaphore, #tpu.memory_space<semaphore_mem>>
      %dma_start3A_265 = arith.constant 0 : i32
      %dma_start3A_266 = tpu.memref_slice %arg17[%dma_start3A_265] : memref<2048xi32, #tpu.memory_space<vmem>> -> memref<2048xi32, #tpu.memory_space<vmem>>
      %dma_start3A_267 = tpu.memref_slice %arg7[%add3A_137] : memref<65536xi32, #tpu.memory_space<hbm>> -> memref<2048xi32, #tpu.memory_space<hbm>>
      %dma_start3A_268 = arith.constant 0 : i32
      %dma_start3A_269 = tpu.memref_slice %arg17[%dma_start3A_268] : memref<2048xi32, #tpu.memory_space<vmem>> -> memref<2048xi32, #tpu.memory_space<vmem>>
      %dma_start3A_270 = tpu.memref_slice %arg7[%add3A_137] : memref<65536xi32, #tpu.memory_space<hbm>> -> memref<2048xi32, #tpu.memory_space<hbm>>
      tpu.enqueue_dma source(%dma_start3A_270 : memref<2048xi32, #tpu.memory_space<hbm>>) target(%dma_start3A_269 : memref<2048xi32, #tpu.memory_space<vmem>>) target_semaphore(%run_scoped3A : memref<!tpu.dma_semaphore, #tpu.memory_space<semaphore_mem>>)
      %dma_wait3A = arith.constant 0 : i32
      %dma_wait3A_271 = tpu.memref_slice %arg17[%dma_wait3A] : memref<2048xi32, #tpu.memory_space<vmem>> -> memref<2048xi32, #tpu.memory_space<vmem>>
      %dma_wait3A_272 = tpu.memref_slice %arg7[%add3A_137] : memref<65536xi32, #tpu.memory_space<hbm>> -> memref<2048xi32, #tpu.memory_space<hbm>>
      %dma_wait3A_273 = arith.constant 0 : i32
      %dma_wait3A_274 = tpu.memref_slice %arg17[%dma_wait3A_273] : memref<2048xi32, #tpu.memory_space<vmem>> -> memref<2048xi32, #tpu.memory_space<vmem>>
      %dma_wait3A_275 = tpu.memref_slice %arg7[%add3A_137] : memref<65536xi32, #tpu.memory_space<hbm>> -> memref<2048xi32, #tpu.memory_space<hbm>>
      tpu.wait_dma2 semaphore(%run_scoped3A : memref<!tpu.dma_semaphore, #tpu.memory_space<semaphore_mem>>) src(%dma_wait3A_275 : memref<2048xi32, #tpu.memory_space<hbm>>) dst(%dma_wait3A_274 : memref<2048xi32, #tpu.memory_space<vmem>>)
      tpu.yield
    }) : () -> ()
    %scan3A_138 = arith.constant 157286 : i32
    %scan3A_139 = arith.constant 0 : i32
    %scan3A_140 = arith.constant 0 : i32
    %scan3A_141 = arith.constant 0 : i32
    %scan3A_142 = arith.constant 0 : i32
    %scan3A_143 = arith.constant 0 : i32
    %scan3A_144 = arith.constant 128 : i32
    %scan3A_145 = arith.addi %scan3A_143, %scan3A_144 : i32
    %scan3A_146 = arith.constant 1 : i32
    %scan3A_147:4 = scf.for %scan3A_265 = %scan3A_143 to %scan3A_145 step %scan3A_146 iter_args(%scan3A_266 = %scan3A_139, %scan3A_267 = %scan3A_140, %scan3A_268 = %scan3A_141, %scan3A_269 = %scan3A_142) -> (i32, i32, i32, i32)  : i32 {
      %mul3A_270 = arith.constant 16 : i32
      %mul3A_271 = arith.muli %scan3A_265, %mul3A_270 : i32
      %get3A_272 = arith.index_cast %mul3A_271 : i32 to index
      %get3A_273 = tpu.vector_load %arg14[%get3A_272] {strides = array<i32>} : memref<2048xi32, #tpu.memory_space<vmem>>, vector<16xi32>,
      %get3A_274 = arith.index_cast %mul3A_271 : i32 to index
      %get3A_275 = tpu.vector_load %arg15[%get3A_274] {strides = array<i32>} : memref<2048xi32, #tpu.memory_space<vmem>>, vector<16xi32>,
      %add3A_276 = arith.addi %get3A_273, %get3A_275 : vector<16xi32>
      %get3A_277 = arith.index_cast %mul3A_271 : i32 to index
      %get3A_278 = tpu.vector_load %arg16[%get3A_277] {strides = array<i32>} : memref<2048xi32, #tpu.memory_space<vmem>>, vector<16xi32>,
      %add3A_279 = arith.addi %add3A_276, %get3A_278 : vector<16xi32>
      %get3A_280 = arith.index_cast %mul3A_271 : i32 to index
      %get3A_281 = tpu.vector_load %arg17[%get3A_280] {strides = array<i32>} : memref<2048xi32, #tpu.memory_space<vmem>>, vector<16xi32>,
      %add3A_282 = arith.addi %add3A_279, %get3A_281 : vector<16xi32>
      %cumsum3A = arith.constant true
      %cumsum3A_283 = vector.broadcast %cumsum3A : i1 to vector<16xi1>
      %cumsum3A_284 = tpu.scan <sum>, %add3A_282 masked %cumsum3A_283 : vector<16xi32>, vector<16xi1> -> vector<16xi32>
      %add3A_285 = vector.broadcast %scan3A_266 : i32 to vector<16xi32>
      %add3A_286 = arith.addi %cumsum3A_284, %add3A_285 : vector<16xi32>
      %ge3A = vector.broadcast %scan3A_138 : i32 to vector<16xi32>
      %ge3A_287 = arith.cmpi sge, %add3A_286, %ge3A : vector<16xi32>
      %convert_element_type3A_288 = arith.extui %ge3A_287 : vector<16xi1> to vector<16xi32>
      %reduce_sum3A = arith.constant true
      %reduce_sum3A_289 = vector.broadcast %reduce_sum3A : i1 to vector<16xi1>
      %reduce_sum3A_290 = tpu.scan <sum>, %convert_element_type3A_288 masked %reduce_sum3A_289 : vector<16xi32>, vector<16xi1> -> vector<16xi32>
      %reduce_sum3A_291 = vector.extract %reduce_sum3A_290[15] : i32 from vector<16xi32>
      %reduce_sum3A_292 = arith.constant true
      %reduce_sum3A_293 = vector.broadcast %reduce_sum3A_292 : i1 to vector<16xi1>
      %reduce_sum3A_294 = tpu.scan <sum>, %add3A_282 masked %reduce_sum3A_293 : vector<16xi32>, vector<16xi1> -> vector<16xi32>
      %reduce_sum3A_295 = vector.extract %reduce_sum3A_294[15] : i32 from vector<16xi32>
      %jit3A_296 = arith.constant 0 : i32
      %broadcast_in_dim3A_297 = vector.broadcast %jit3A_296 : i32 to vector<16xi32>
      %select_n3A_298 = arith.select %ge3A_287, %broadcast_in_dim3A_297, %add3A_282 : vector<16xi1>, vector<16xi32>
      %reduce_sum3A_299 = arith.constant true
      %reduce_sum3A_300 = vector.broadcast %reduce_sum3A_299 : i1 to vector<16xi1>
      %reduce_sum3A_301 = tpu.scan <sum>, %select_n3A_298 masked %reduce_sum3A_300 : vector<16xi32>, vector<16xi1> -> vector<16xi32>
      %reduce_sum3A_302 = vector.extract %reduce_sum3A_301[15] : i32 from vector<16xi32>
      %eq3A_303 = arith.constant 0 : i32
      %eq3A_304 = arith.cmpi eq, %scan3A_267, %eq3A_303 : i32
      %gt3A = arith.constant 0 : i32
      %gt3A_305 = arith.cmpi sgt, %reduce_sum3A_291, %gt3A : i32
      %and3A_306 = arith.andi %eq3A_304, %gt3A_305 : i1
      %mul3A_307 = arith.constant 16 : i32
      %mul3A_308 = arith.muli %scan3A_265, %mul3A_307 : i32
      %sub3A_309 = arith.constant 16 : i32
      %sub3A_310 = arith.subi %sub3A_309, %reduce_sum3A_291 : i32
      %add3A_311 = arith.addi %mul3A_308, %sub3A_310 : i32
      %select_n3A_312 = arith.select %and3A_306, %add3A_311, %scan3A_268 : i32
      %add3A_313 = arith.addi %scan3A_266, %reduce_sum3A_302 : i32
      %select_n3A_314 = arith.select %and3A_306, %add3A_313, %scan3A_269 : i32
      %gt3A_315 = arith.constant 0 : i32
      %gt3A_316 = arith.cmpi sgt, %reduce_sum3A_291, %gt3A_315 : i32
      %jit3A_317 = arith.constant 1 : i32
      %select_n3A_318 = arith.select %gt3A_316, %jit3A_317, %scan3A_267 : i32
      %add3A_319 = arith.addi %scan3A_266, %reduce_sum3A_295 : i32
      scf.yield %add3A_319, %select_n3A_318, %select_n3A_312, %select_n3A_314 : i32, i32, i32, i32
    }
    %scan3A_148 = arith.constant 128 : i32
    %sub3A_149 = arith.constant 157286 : i32
    %sub3A_150 = arith.subi %sub3A_149, %scan3A_147#3 : i32
    %barrier3A_151 = arith.constant 0 : index
    tpu.barrier barrier_id(%barrier3A_151)
    %mul3A_152 = arith.constant 2048 : i32
    %mul3A_153 = vector.broadcast %mul3A_152 : i32 to vector<16xi32>
    %mul3A_154 = arith.muli %iota3A, %mul3A_153 : vector<16xi32>
    %get3A_155 = arith.constant 0 : index
    %get3A_156 = tpu.vector_load %arg18[%get3A_155] {strides = array<i32>} : memref<96xf32, #tpu.memory_space<vmem>>, vector<16xf32>,
    %get3A_157 = arith.constant 16 : index
    %get3A_158 = tpu.vector_load %arg18[%get3A_157] {strides = array<i32>} : memref<96xf32, #tpu.memory_space<vmem>>, vector<16xf32>,
    %get3A_159 = arith.constant 32 : index
    %get3A_160 = tpu.vector_load %arg18[%get3A_159] {strides = array<i32>} : memref<96xf32, #tpu.memory_space<vmem>>, vector<16xf32>,
    %get3A_161 = arith.constant 48 : index
    %get3A_162 = tpu.vector_load %arg18[%get3A_161] {strides = array<i32>} : memref<96xf32, #tpu.memory_space<vmem>>, vector<16xf32>,
    %get3A_163 = arith.constant 64 : index
    %get3A_164 = tpu.vector_load %arg18[%get3A_163] {strides = array<i32>} : memref<96xf32, #tpu.memory_space<vmem>>, vector<16xf32>,
    %get3A_165 = arith.constant 80 : index
    %get3A_166 = tpu.vector_load %arg18[%get3A_165] {strides = array<i32>} : memref<96xf32, #tpu.memory_space<vmem>>, vector<16xf32>,
    %dma_start3A_167 = tpu.memref_slice %arg2[%add3A_35] : memref<12582912xf32, #tpu.memory_space<hbm>> -> memref<24576xf32, #tpu.memory_space<hbm>>
    %dma_start3A_168 = tpu.memref_slice %arg2[%add3A_35] : memref<12582912xf32, #tpu.memory_space<hbm>> -> memref<24576xf32, #tpu.memory_space<hbm>>
    tpu.enqueue_dma source(%dma_start3A_168 : memref<24576xf32, #tpu.memory_space<hbm>>) target(%arg8 : memref<24576xf32, #tpu.memory_space<vmem>>) target_semaphore(%arg10 : memref<!tpu.dma_semaphore, #tpu.memory_space<semaphore_mem>>)
    %scan3A_169 = arith.constant 0 : i32
    %scan3A_170 = arith.constant 0 : i32
    %scan3A_171 = arith.constant 8 : i32
    %scan3A_172 = arith.addi %scan3A_170, %scan3A_171 : i32
    %scan3A_173 = arith.constant 1 : i32
    scf.for %scan3A_265 = %scan3A_170 to %scan3A_172 step %scan3A_173  : i32 {
      %mul3A_266 = arith.constant 2 : i32
      %mul3A_267 = arith.muli %mul3A_266, %scan3A_265 : i32
      %mul3A_268 = arith.constant 24576 : i32
      %mul3A_269 = arith.muli %mul3A_267, %mul3A_268 : i32
      %add3A_270 = arith.addi %add3A_35, %mul3A_269 : i32
      %add3A_271 = arith.constant 24576 : i32
      %add3A_272 = arith.addi %add3A_270, %add3A_271 : i32
      %dma_start3A_273 = tpu.memref_slice %arg2[%add3A_272] : memref<12582912xf32, #tpu.memory_space<hbm>> -> memref<24576xf32, #tpu.memory_space<hbm>>
      %dma_start3A_274 = tpu.memref_slice %arg2[%add3A_272] : memref<12582912xf32, #tpu.memory_space<hbm>> -> memref<24576xf32, #tpu.memory_space<hbm>>
      tpu.enqueue_dma source(%dma_start3A_274 : memref<24576xf32, #tpu.memory_space<hbm>>) target(%arg9 : memref<24576xf32, #tpu.memory_space<vmem>>) target_semaphore(%arg11 : memref<!tpu.dma_semaphore, #tpu.memory_space<semaphore_mem>>)
      %dma_wait3A = arith.constant 0 : i32
      %dma_wait3A_275 = tpu.memref_slice %arg2[%dma_wait3A] : memref<12582912xf32, #tpu.memory_space<hbm>> -> memref<24576xf32, #tpu.memory_space<hbm>>
      %dma_wait3A_276 = arith.constant 0 : i32
      %dma_wait3A_277 = tpu.memref_slice %arg2[%dma_wait3A_276] : memref<12582912xf32, #tpu.memory_space<hbm>> -> memref<24576xf32, #tpu.memory_space<hbm>>
      tpu.wait_dma2 semaphore(%arg10 : memref<!tpu.dma_semaphore, #tpu.memory_space<semaphore_mem>>) src(%dma_wait3A_277 : memref<24576xf32, #tpu.memory_space<hbm>>) dst(%arg8 : memref<24576xf32, #tpu.memory_space<vmem>>)
      %parallel_loop3A_278 = arith.constant 0 : i32
      %parallel_loop3A_279 = arith.constant 256 : i32
      %parallel_loop3A_280 = arith.constant 1 : i32
      scf.for %parallel_loop3A_293 = %parallel_loop3A_278 to %parallel_loop3A_279 step %parallel_loop3A_280  : i32 {
        %parallel_loop3A_294 = arith.constant 96 : i32
        %parallel_loop3A_295 = arith.muli %parallel_loop3A_293, %parallel_loop3A_294 : i32
        %parallel_loop3A_296 = arith.constant 0 : i32
        %parallel_loop3A_297 = arith.addi %parallel_loop3A_295, %parallel_loop3A_296 : i32
        %parallel_loop3A_298 = arith.index_cast %parallel_loop3A_297 : i32 to index
        %parallel_loop3A_299 = tpu.vector_load %arg8[%parallel_loop3A_298] {strides = array<i32>} : memref<24576xf32, #tpu.memory_space<vmem>>, vector<16xf32>,
        %parallel_loop3A_300 = arith.constant 16 : i32
        %parallel_loop3A_301 = arith.addi %parallel_loop3A_295, %parallel_loop3A_300 : i32
        %parallel_loop3A_302 = arith.index_cast %parallel_loop3A_301 : i32 to index
        %parallel_loop3A_303 = tpu.vector_load %arg8[%parallel_loop3A_302] {strides = array<i32>} : memref<24576xf32, #tpu.memory_space<vmem>>, vector<16xf32>,
        %parallel_loop3A_304 = arith.constant 32 : i32
        %parallel_loop3A_305 = arith.addi %parallel_loop3A_295, %parallel_loop3A_304 : i32
        %parallel_loop3A_306 = arith.index_cast %parallel_loop3A_305 : i32 to index
        %parallel_loop3A_307 = tpu.vector_load %arg8[%parallel_loop3A_306] {strides = array<i32>} : memref<24576xf32, #tpu.memory_space<vmem>>, vector<16xf32>,
        %parallel_loop3A_308 = arith.constant 48 : i32
        %parallel_loop3A_309 = arith.addi %parallel_loop3A_295, %parallel_loop3A_308 : i32
        %parallel_loop3A_310 = arith.index_cast %parallel_loop3A_309 : i32 to index
        %parallel_loop3A_311 = tpu.vector_load %arg8[%parallel_loop3A_310] {strides = array<i32>} : memref<24576xf32, #tpu.memory_space<vmem>>, vector<16xf32>,
        %parallel_loop3A_312 = arith.constant 64 : i32
        %parallel_loop3A_313 = arith.addi %parallel_loop3A_295, %parallel_loop3A_312 : i32
        %parallel_loop3A_314 = arith.index_cast %parallel_loop3A_313 : i32 to index
        %parallel_loop3A_315 = tpu.vector_load %arg8[%parallel_loop3A_314] {strides = array<i32>} : memref<24576xf32, #tpu.memory_space<vmem>>, vector<16xf32>,
        %parallel_loop3A_316 = arith.constant 80 : i32
        %parallel_loop3A_317 = arith.addi %parallel_loop3A_295, %parallel_loop3A_316 : i32
        %parallel_loop3A_318 = arith.index_cast %parallel_loop3A_317 : i32 to index
        %parallel_loop3A_319 = tpu.vector_load %arg8[%parallel_loop3A_318] {strides = array<i32>} : memref<24576xf32, #tpu.memory_space<vmem>>, vector<16xf32>,
        %parallel_loop3A_320 = arith.mulf %parallel_loop3A_299, %get3A_156 : vector<16xf32>
        %parallel_loop3A_321 = tpu.bitcast %parallel_loop3A_320 : vector<16xf32> -> vector<16xi32>
        %parallel_loop3A_322 = arith.constant 0 : i32
        %parallel_loop3A_323 = vector.broadcast %parallel_loop3A_322 : i32 to vector<16xi32>
        %parallel_loop3A_324 = arith.cmpi slt, %parallel_loop3A_321, %parallel_loop3A_323 : vector<16xi32>
        %parallel_loop3A_325 = arith.constant 2147483647 : i32
        %parallel_loop3A_326 = vector.broadcast %parallel_loop3A_325 : i32 to vector<16xi32>
        %parallel_loop3A_327 = arith.xori %parallel_loop3A_321, %parallel_loop3A_326 : vector<16xi32>
        %parallel_loop3A_328 = arith.select %parallel_loop3A_324, %parallel_loop3A_321, %parallel_loop3A_327 : vector<16xi1>, vector<16xi32>
        %parallel_loop3A_329 = tpu.bitcast %parallel_loop3A_328 : vector<16xi32> -> vector<16xi32>
        %parallel_loop3A_330 = arith.mulf %parallel_loop3A_303, %get3A_158 : vector<16xf32>
        %parallel_loop3A_331 = tpu.bitcast %parallel_loop3A_330 : vector<16xf32> -> vector<16xi32>
        %parallel_loop3A_332 = arith.constant 0 : i32
        %parallel_loop3A_333 = vector.broadcast %parallel_loop3A_332 : i32 to vector<16xi32>
        %parallel_loop3A_334 = arith.cmpi slt, %parallel_loop3A_331, %parallel_loop3A_333 : vector<16xi32>
        %parallel_loop3A_335 = arith.constant 2147483647 : i32
        %parallel_loop3A_336 = vector.broadcast %parallel_loop3A_335 : i32 to vector<16xi32>
        %parallel_loop3A_337 = arith.xori %parallel_loop3A_331, %parallel_loop3A_336 : vector<16xi32>
        %parallel_loop3A_338 = arith.select %parallel_loop3A_334, %parallel_loop3A_331, %parallel_loop3A_337 : vector<16xi1>, vector<16xi32>
        %parallel_loop3A_339 = tpu.bitcast %parallel_loop3A_338 : vector<16xi32> -> vector<16xi32>
        %parallel_loop3A_340 = arith.mulf %parallel_loop3A_307, %get3A_160 : vector<16xf32>
        %parallel_loop3A_341 = tpu.bitcast %parallel_loop3A_340 : vector<16xf32> -> vector<16xi32>
        %parallel_loop3A_342 = arith.constant 0 : i32
        %parallel_loop3A_343 = vector.broadcast %parallel_loop3A_342 : i32 to vector<16xi32>
        %parallel_loop3A_344 = arith.cmpi slt, %parallel_loop3A_341, %parallel_loop3A_343 : vector<16xi32>
        %parallel_loop3A_345 = arith.constant 2147483647 : i32
        %parallel_loop3A_346 = vector.broadcast %parallel_loop3A_345 : i32 to vector<16xi32>
        %parallel_loop3A_347 = arith.xori %parallel_loop3A_341, %parallel_loop3A_346 : vector<16xi32>
        %parallel_loop3A_348 = arith.select %parallel_loop3A_344, %parallel_loop3A_341, %parallel_loop3A_347 : vector<16xi1>, vector<16xi32>
        %parallel_loop3A_349 = tpu.bitcast %parallel_loop3A_348 : vector<16xi32> -> vector<16xi32>
        %parallel_loop3A_350 = arith.mulf %parallel_loop3A_311, %get3A_162 : vector<16xf32>
        %parallel_loop3A_351 = tpu.bitcast %parallel_loop3A_350 : vector<16xf32> -> vector<16xi32>
        %parallel_loop3A_352 = arith.constant 0 : i32
        %parallel_loop3A_353 = vector.broadcast %parallel_loop3A_352 : i32 to vector<16xi32>
        %parallel_loop3A_354 = arith.cmpi slt, %parallel_loop3A_351, %parallel_loop3A_353 : vector<16xi32>
        %parallel_loop3A_355 = arith.constant 2147483647 : i32
        %parallel_loop3A_356 = vector.broadcast %parallel_loop3A_355 : i32 to vector<16xi32>
        %parallel_loop3A_357 = arith.xori %parallel_loop3A_351, %parallel_loop3A_356 : vector<16xi32>
        %parallel_loop3A_358 = arith.select %parallel_loop3A_354, %parallel_loop3A_351, %parallel_loop3A_357 : vector<16xi1>, vector<16xi32>
        %parallel_loop3A_359 = tpu.bitcast %parallel_loop3A_358 : vector<16xi32> -> vector<16xi32>
        %parallel_loop3A_360 = arith.mulf %parallel_loop3A_315, %get3A_164 : vector<16xf32>
        %parallel_loop3A_361 = tpu.bitcast %parallel_loop3A_360 : vector<16xf32> -> vector<16xi32>
        %parallel_loop3A_362 = arith.constant 0 : i32
        %parallel_loop3A_363 = vector.broadcast %parallel_loop3A_362 : i32 to vector<16xi32>
        %parallel_loop3A_364 = arith.cmpi slt, %parallel_loop3A_361, %parallel_loop3A_363 : vector<16xi32>
        %parallel_loop3A_365 = arith.constant 2147483647 : i32
        %parallel_loop3A_366 = vector.broadcast %parallel_loop3A_365 : i32 to vector<16xi32>
        %parallel_loop3A_367 = arith.xori %parallel_loop3A_361, %parallel_loop3A_366 : vector<16xi32>
        %parallel_loop3A_368 = arith.select %parallel_loop3A_364, %parallel_loop3A_361, %parallel_loop3A_367 : vector<16xi1>, vector<16xi32>
        %parallel_loop3A_369 = tpu.bitcast %parallel_loop3A_368 : vector<16xi32> -> vector<16xi32>
        %parallel_loop3A_370 = arith.mulf %parallel_loop3A_319, %get3A_166 : vector<16xf32>
        %parallel_loop3A_371 = tpu.bitcast %parallel_loop3A_370 : vector<16xf32> -> vector<16xi32>
        %parallel_loop3A_372 = arith.constant 0 : i32
        %parallel_loop3A_373 = vector.broadcast %parallel_loop3A_372 : i32 to vector<16xi32>
        %parallel_loop3A_374 = arith.cmpi slt, %parallel_loop3A_371, %parallel_loop3A_373 : vector<16xi32>
        %parallel_loop3A_375 = arith.constant 2147483647 : i32
        %parallel_loop3A_376 = vector.broadcast %parallel_loop3A_375 : i32 to vector<16xi32>
        %parallel_loop3A_377 = arith.xori %parallel_loop3A_371, %parallel_loop3A_376 : vector<16xi32>
        %parallel_loop3A_378 = arith.select %parallel_loop3A_374, %parallel_loop3A_371, %parallel_loop3A_377 : vector<16xi1>, vector<16xi32>
        %parallel_loop3A_379 = tpu.bitcast %parallel_loop3A_378 : vector<16xi32> -> vector<16xi32>
        %parallel_loop3A_380 = arith.constant 10 : i32
        %parallel_loop3A_381 = vector.broadcast %parallel_loop3A_380 : i32 to vector<16xi32>
        %parallel_loop3A_382 = arith.shrui %parallel_loop3A_329, %parallel_loop3A_381 : vector<16xi32>
        %parallel_loop3A_383 = arith.constant 2047 : i32
        %parallel_loop3A_384 = vector.broadcast %parallel_loop3A_383 : i32 to vector<16xi32>
        %parallel_loop3A_385 = arith.andi %parallel_loop3A_382, %parallel_loop3A_384 : vector<16xi32>
        %parallel_loop3A_386 = arith.addi %parallel_loop3A_385, %mul3A_154 : vector<16xi32>
        %parallel_loop3A_387 = arith.constant 10 : i32
        %parallel_loop3A_388 = vector.broadcast %parallel_loop3A_387 : i32 to vector<16xi32>
        %parallel_loop3A_389 = arith.shrui %parallel_loop3A_339, %parallel_loop3A_388 : vector<16xi32>
        %parallel_loop3A_390 = arith.constant 2047 : i32
        %parallel_loop3A_391 = vector.broadcast %parallel_loop3A_390 : i32 to vector<16xi32>
        %parallel_loop3A_392 = arith.andi %parallel_loop3A_389, %parallel_loop3A_391 : vector<16xi32>
        %parallel_loop3A_393 = arith.addi %parallel_loop3A_392, %mul3A_154 : vector<16xi32>
        %parallel_loop3A_394 = arith.constant 10 : i32
        %parallel_loop3A_395 = vector.broadcast %parallel_loop3A_394 : i32 to vector<16xi32>
        %parallel_loop3A_396 = arith.shrui %parallel_loop3A_349, %parallel_loop3A_395 : vector<16xi32>
        %parallel_loop3A_397 = arith.constant 2047 : i32
        %parallel_loop3A_398 = vector.broadcast %parallel_loop3A_397 : i32 to vector<16xi32>
        %parallel_loop3A_399 = arith.andi %parallel_loop3A_396, %parallel_loop3A_398 : vector<16xi32>
        %parallel_loop3A_400 = arith.addi %parallel_loop3A_399, %mul3A_154 : vector<16xi32>
        %parallel_loop3A_401 = arith.constant 10 : i32
        %parallel_loop3A_402 = vector.broadcast %parallel_loop3A_401 : i32 to vector<16xi32>
        %parallel_loop3A_403 = arith.shrui %parallel_loop3A_359, %parallel_loop3A_402 : vector<16xi32>
        %parallel_loop3A_404 = arith.constant 2047 : i32
        %parallel_loop3A_405 = vector.broadcast %parallel_loop3A_404 : i32 to vector<16xi32>
        %parallel_loop3A_406 = arith.andi %parallel_loop3A_403, %parallel_loop3A_405 : vector<16xi32>
        %parallel_loop3A_407 = arith.addi %parallel_loop3A_406, %mul3A_154 : vector<16xi32>
        %parallel_loop3A_408 = arith.constant 10 : i32
        %parallel_loop3A_409 = vector.broadcast %parallel_loop3A_408 : i32 to vector<16xi32>
        %parallel_loop3A_410 = arith.shrui %parallel_loop3A_369, %parallel_loop3A_409 : vector<16xi32>
        %parallel_loop3A_411 = arith.constant 2047 : i32
        %parallel_loop3A_412 = vector.broadcast %parallel_loop3A_411 : i32 to vector<16xi32>
        %parallel_loop3A_413 = arith.andi %parallel_loop3A_410, %parallel_loop3A_412 : vector<16xi32>
        %parallel_loop3A_414 = arith.addi %parallel_loop3A_413, %mul3A_154 : vector<16xi32>
        %parallel_loop3A_415 = arith.constant 10 : i32
        %parallel_loop3A_416 = vector.broadcast %parallel_loop3A_415 : i32 to vector<16xi32>
        %parallel_loop3A_417 = arith.shrui %parallel_loop3A_379, %parallel_loop3A_416 : vector<16xi32>
        %parallel_loop3A_418 = arith.constant 2047 : i32
        %parallel_loop3A_419 = vector.broadcast %parallel_loop3A_418 : i32 to vector<16xi32>
        %parallel_loop3A_420 = arith.andi %parallel_loop3A_417, %parallel_loop3A_419 : vector<16xi32>
        %parallel_loop3A_421 = arith.addi %parallel_loop3A_420, %mul3A_154 : vector<16xi32>
        %parallel_loop3A_422 = arith.constant 21 : i32
        %parallel_loop3A_423 = vector.broadcast %parallel_loop3A_422 : i32 to vector<16xi32>
        %parallel_loop3A_424 = arith.shrui %parallel_loop3A_329, %parallel_loop3A_423 : vector<16xi32>
        %parallel_loop3A_425 = vector.broadcast %scan3A_147#2 : i32 to vector<16xi32>
        %parallel_loop3A_426 = arith.cmpi eq, %parallel_loop3A_424, %parallel_loop3A_425 : vector<16xi32>
        %parallel_loop3A_427 = arith.constant 21 : i32
        %parallel_loop3A_428 = vector.broadcast %parallel_loop3A_427 : i32 to vector<16xi32>
        %parallel_loop3A_429 = arith.shrui %parallel_loop3A_339, %parallel_loop3A_428 : vector<16xi32>
        %parallel_loop3A_430 = vector.broadcast %scan3A_147#2 : i32 to vector<16xi32>
        %parallel_loop3A_431 = arith.cmpi eq, %parallel_loop3A_429, %parallel_loop3A_430 : vector<16xi32>
        %parallel_loop3A_432 = arith.constant 21 : i32
        %parallel_loop3A_433 = vector.broadcast %parallel_loop3A_432 : i32 to vector<16xi32>
        %parallel_loop3A_434 = arith.shrui %parallel_loop3A_349, %parallel_loop3A_433 : vector<16xi32>
        %parallel_loop3A_435 = vector.broadcast %scan3A_147#2 : i32 to vector<16xi32>
        %parallel_loop3A_436 = arith.cmpi eq, %parallel_loop3A_434, %parallel_loop3A_435 : vector<16xi32>
        %parallel_loop3A_437 = arith.constant 21 : i32
        %parallel_loop3A_438 = vector.broadcast %parallel_loop3A_437 : i32 to vector<16xi32>
        %parallel_loop3A_439 = arith.shrui %parallel_loop3A_359, %parallel_loop3A_438 : vector<16xi32>
        %parallel_loop3A_440 = vector.broadcast %scan3A_147#2 : i32 to vector<16xi32>
        %parallel_loop3A_441 = arith.cmpi eq, %parallel_loop3A_439, %parallel_loop3A_440 : vector<16xi32>
        %parallel_loop3A_442 = arith.constant 21 : i32
        %parallel_loop3A_443 = vector.broadcast %parallel_loop3A_442 : i32 to vector<16xi32>
        %parallel_loop3A_444 = arith.shrui %parallel_loop3A_369, %parallel_loop3A_443 : vector<16xi32>
        %parallel_loop3A_445 = vector.broadcast %scan3A_147#2 : i32 to vector<16xi32>
        %parallel_loop3A_446 = arith.cmpi eq, %parallel_loop3A_444, %parallel_loop3A_445 : vector<16xi32>
        %parallel_loop3A_447 = arith.constant 21 : i32
        %parallel_loop3A_448 = vector.broadcast %parallel_loop3A_447 : i32 to vector<16xi32>
        %parallel_loop3A_449 = arith.shrui %parallel_loop3A_379, %parallel_loop3A_448 : vector<16xi32>
        %parallel_loop3A_450 = vector.broadcast %scan3A_147#2 : i32 to vector<16xi32>
        %parallel_loop3A_451 = arith.cmpi eq, %parallel_loop3A_449, %parallel_loop3A_450 : vector<16xi32>
        tpu.vector_store_idx %arg12[%parallel_loop3A_386], %broadcast_in_dim3A_39 masked %parallel_loop3A_426 {add = true} : memref<32768xi32, #tpu.memory_space<vmem>>[vector<16xi32>], vector<16xi32>, vector<16xi1>
        tpu.vector_store_idx %arg12[%parallel_loop3A_393], %broadcast_in_dim3A_39 masked %parallel_loop3A_431 {add = true} : memref<32768xi32, #tpu.memory_space<vmem>>[vector<16xi32>], vector<16xi32>, vector<16xi1>
        tpu.vector_store_idx %arg12[%parallel_loop3A_400], %broadcast_in_dim3A_39 masked %parallel_loop3A_436 {add = true} : memref<32768xi32, #tpu.memory_space<vmem>>[vector<16xi32>], vector<16xi32>, vector<16xi1>
        tpu.vector_store_idx %arg12[%parallel_loop3A_407], %broadcast_in_dim3A_39 masked %parallel_loop3A_441 {add = true} : memref<32768xi32, #tpu.memory_space<vmem>>[vector<16xi32>], vector<16xi32>, vector<16xi1>
        tpu.vector_store_idx %arg12[%parallel_loop3A_414], %broadcast_in_dim3A_39 masked %parallel_loop3A_446 {add = true} : memref<32768xi32, #tpu.memory_space<vmem>>[vector<16xi32>], vector<16xi32>, vector<16xi1>
        tpu.vector_store_idx %arg12[%parallel_loop3A_421], %broadcast_in_dim3A_39 masked %parallel_loop3A_451 {add = true} : memref<32768xi32, #tpu.memory_space<vmem>>[vector<16xi32>], vector<16xi32>, vector<16xi1>
      } {sc.loop_unroll_factor = 2 : i64, sc.parallel_access}
      %lt3A_281 = arith.constant 7 : i32
      %lt3A_282 = arith.cmpi slt, %scan3A_265, %lt3A_281 : i32
      %convert_element_type3A_283 = arith.extui %lt3A_282 : i1 to i32
      %cond3A_284 = arith.constant 0 : i32
      %cond3A_285 = arith.cmpi ne, %convert_element_type3A_283, %cond3A_284 : i32
      scf.if %cond3A_285 {
        %add3A_293 = arith.constant 49152 : i32
        %add3A_294 = arith.addi %add3A_270, %add3A_293 : i32
        %dma_start3A_295 = tpu.memref_slice %arg2[%add3A_294] : memref<12582912xf32, #tpu.memory_space<hbm>> -> memref<24576xf32, #tpu.memory_space<hbm>>
        %dma_start3A_296 = tpu.memref_slice %arg2[%add3A_294] : memref<12582912xf32, #tpu.memory_space<hbm>> -> memref<24576xf32, #tpu.memory_space<hbm>>
        tpu.enqueue_dma source(%dma_start3A_296 : memref<24576xf32, #tpu.memory_space<hbm>>) target(%arg8 : memref<24576xf32, #tpu.memory_space<vmem>>) target_semaphore(%arg10 : memref<!tpu.dma_semaphore, #tpu.memory_space<semaphore_mem>>)
      } else {
      }
      %dma_wait3A_286 = arith.constant 0 : i32
      %dma_wait3A_287 = tpu.memref_slice %arg2[%dma_wait3A_286] : memref<12582912xf32, #tpu.memory_space<hbm>> -> memref<24576xf32, #tpu.memory_space<hbm>>
      %dma_wait3A_288 = arith.constant 0 : i32
      %dma_wait3A_289 = tpu.memref_slice %arg2[%dma_wait3A_288] : memref<12582912xf32, #tpu.memory_space<hbm>> -> memref<24576xf32, #tpu.memory_space<hbm>>
      tpu.wait_dma2 semaphore(%arg11 : memref<!tpu.dma_semaphore, #tpu.memory_space<semaphore_mem>>) src(%dma_wait3A_289 : memref<24576xf32, #tpu.memory_space<hbm>>) dst(%arg9 : memref<24576xf32, #tpu.memory_space<vmem>>)
      %parallel_loop3A_290 = arith.constant 0 : i32
      %parallel_loop3A_291 = arith.constant 256 : i32
      %parallel_loop3A_292 = arith.constant 1 : i32
      scf.for %parallel_loop3A_293 = %parallel_loop3A_290 to %parallel_loop3A_291 step %parallel_loop3A_292  : i32 {
        %parallel_loop3A_294 = arith.constant 96 : i32
        %parallel_loop3A_295 = arith.muli %parallel_loop3A_293, %parallel_loop3A_294 : i32
        %parallel_loop3A_296 = arith.constant 0 : i32
        %parallel_loop3A_297 = arith.addi %parallel_loop3A_295, %parallel_loop3A_296 : i32
        %parallel_loop3A_298 = arith.index_cast %parallel_loop3A_297 : i32 to index
        %parallel_loop3A_299 = tpu.vector_load %arg9[%parallel_loop3A_298] {strides = array<i32>} : memref<24576xf32, #tpu.memory_space<vmem>>, vector<16xf32>,
        %parallel_loop3A_300 = arith.constant 16 : i32
        %parallel_loop3A_301 = arith.addi %parallel_loop3A_295, %parallel_loop3A_300 : i32
        %parallel_loop3A_302 = arith.index_cast %parallel_loop3A_301 : i32 to index
        %parallel_loop3A_303 = tpu.vector_load %arg9[%parallel_loop3A_302] {strides = array<i32>} : memref<24576xf32, #tpu.memory_space<vmem>>, vector<16xf32>,
        %parallel_loop3A_304 = arith.constant 32 : i32
        %parallel_loop3A_305 = arith.addi %parallel_loop3A_295, %parallel_loop3A_304 : i32
        %parallel_loop3A_306 = arith.index_cast %parallel_loop3A_305 : i32 to index
        %parallel_loop3A_307 = tpu.vector_load %arg9[%parallel_loop3A_306] {strides = array<i32>} : memref<24576xf32, #tpu.memory_space<vmem>>, vector<16xf32>,
        %parallel_loop3A_308 = arith.constant 48 : i32
        %parallel_loop3A_309 = arith.addi %parallel_loop3A_295, %parallel_loop3A_308 : i32
        %parallel_loop3A_310 = arith.index_cast %parallel_loop3A_309 : i32 to index
        %parallel_loop3A_311 = tpu.vector_load %arg9[%parallel_loop3A_310] {strides = array<i32>} : memref<24576xf32, #tpu.memory_space<vmem>>, vector<16xf32>,
        %parallel_loop3A_312 = arith.constant 64 : i32
        %parallel_loop3A_313 = arith.addi %parallel_loop3A_295, %parallel_loop3A_312 : i32
        %parallel_loop3A_314 = arith.index_cast %parallel_loop3A_313 : i32 to index
        %parallel_loop3A_315 = tpu.vector_load %arg9[%parallel_loop3A_314] {strides = array<i32>} : memref<24576xf32, #tpu.memory_space<vmem>>, vector<16xf32>,
        %parallel_loop3A_316 = arith.constant 80 : i32
        %parallel_loop3A_317 = arith.addi %parallel_loop3A_295, %parallel_loop3A_316 : i32
        %parallel_loop3A_318 = arith.index_cast %parallel_loop3A_317 : i32 to index
        %parallel_loop3A_319 = tpu.vector_load %arg9[%parallel_loop3A_318] {strides = array<i32>} : memref<24576xf32, #tpu.memory_space<vmem>>, vector<16xf32>,
        %parallel_loop3A_320 = arith.mulf %parallel_loop3A_299, %get3A_156 : vector<16xf32>
        %parallel_loop3A_321 = tpu.bitcast %parallel_loop3A_320 : vector<16xf32> -> vector<16xi32>
        %parallel_loop3A_322 = arith.constant 0 : i32
        %parallel_loop3A_323 = vector.broadcast %parallel_loop3A_322 : i32 to vector<16xi32>
        %parallel_loop3A_324 = arith.cmpi slt, %parallel_loop3A_321, %parallel_loop3A_323 : vector<16xi32>
        %parallel_loop3A_325 = arith.constant 2147483647 : i32
        %parallel_loop3A_326 = vector.broadcast %parallel_loop3A_325 : i32 to vector<16xi32>
        %parallel_loop3A_327 = arith.xori %parallel_loop3A_321, %parallel_loop3A_326 : vector<16xi32>
        %parallel_loop3A_328 = arith.select %parallel_loop3A_324, %parallel_loop3A_321, %parallel_loop3A_327 : vector<16xi1>, vector<16xi32>
        %parallel_loop3A_329 = tpu.bitcast %parallel_loop3A_328 : vector<16xi32> -> vector<16xi32>
        %parallel_loop3A_330 = arith.mulf %parallel_loop3A_303, %get3A_158 : vector<16xf32>
        %parallel_loop3A_331 = tpu.bitcast %parallel_loop3A_330 : vector<16xf32> -> vector<16xi32>
        %parallel_loop3A_332 = arith.constant 0 : i32
        %parallel_loop3A_333 = vector.broadcast %parallel_loop3A_332 : i32 to vector<16xi32>
        %parallel_loop3A_334 = arith.cmpi slt, %parallel_loop3A_331, %parallel_loop3A_333 : vector<16xi32>
        %parallel_loop3A_335 = arith.constant 2147483647 : i32
        %parallel_loop3A_336 = vector.broadcast %parallel_loop3A_335 : i32 to vector<16xi32>
        %parallel_loop3A_337 = arith.xori %parallel_loop3A_331, %parallel_loop3A_336 : vector<16xi32>
        %parallel_loop3A_338 = arith.select %parallel_loop3A_334, %parallel_loop3A_331, %parallel_loop3A_337 : vector<16xi1>, vector<16xi32>
        %parallel_loop3A_339 = tpu.bitcast %parallel_loop3A_338 : vector<16xi32> -> vector<16xi32>
        %parallel_loop3A_340 = arith.mulf %parallel_loop3A_307, %get3A_160 : vector<16xf32>
        %parallel_loop3A_341 = tpu.bitcast %parallel_loop3A_340 : vector<16xf32> -> vector<16xi32>
        %parallel_loop3A_342 = arith.constant 0 : i32
        %parallel_loop3A_343 = vector.broadcast %parallel_loop3A_342 : i32 to vector<16xi32>
        %parallel_loop3A_344 = arith.cmpi slt, %parallel_loop3A_341, %parallel_loop3A_343 : vector<16xi32>
        %parallel_loop3A_345 = arith.constant 2147483647 : i32
        %parallel_loop3A_346 = vector.broadcast %parallel_loop3A_345 : i32 to vector<16xi32>
        %parallel_loop3A_347 = arith.xori %parallel_loop3A_341, %parallel_loop3A_346 : vector<16xi32>
        %parallel_loop3A_348 = arith.select %parallel_loop3A_344, %parallel_loop3A_341, %parallel_loop3A_347 : vector<16xi1>, vector<16xi32>
        %parallel_loop3A_349 = tpu.bitcast %parallel_loop3A_348 : vector<16xi32> -> vector<16xi32>
        %parallel_loop3A_350 = arith.mulf %parallel_loop3A_311, %get3A_162 : vector<16xf32>
        %parallel_loop3A_351 = tpu.bitcast %parallel_loop3A_350 : vector<16xf32> -> vector<16xi32>
        %parallel_loop3A_352 = arith.constant 0 : i32
        %parallel_loop3A_353 = vector.broadcast %parallel_loop3A_352 : i32 to vector<16xi32>
        %parallel_loop3A_354 = arith.cmpi slt, %parallel_loop3A_351, %parallel_loop3A_353 : vector<16xi32>
        %parallel_loop3A_355 = arith.constant 2147483647 : i32
        %parallel_loop3A_356 = vector.broadcast %parallel_loop3A_355 : i32 to vector<16xi32>
        %parallel_loop3A_357 = arith.xori %parallel_loop3A_351, %parallel_loop3A_356 : vector<16xi32>
        %parallel_loop3A_358 = arith.select %parallel_loop3A_354, %parallel_loop3A_351, %parallel_loop3A_357 : vector<16xi1>, vector<16xi32>
        %parallel_loop3A_359 = tpu.bitcast %parallel_loop3A_358 : vector<16xi32> -> vector<16xi32>
        %parallel_loop3A_360 = arith.mulf %parallel_loop3A_315, %get3A_164 : vector<16xf32>
        %parallel_loop3A_361 = tpu.bitcast %parallel_loop3A_360 : vector<16xf32> -> vector<16xi32>
        %parallel_loop3A_362 = arith.constant 0 : i32
        %parallel_loop3A_363 = vector.broadcast %parallel_loop3A_362 : i32 to vector<16xi32>
        %parallel_loop3A_364 = arith.cmpi slt, %parallel_loop3A_361, %parallel_loop3A_363 : vector<16xi32>
        %parallel_loop3A_365 = arith.constant 2147483647 : i32
        %parallel_loop3A_366 = vector.broadcast %parallel_loop3A_365 : i32 to vector<16xi32>
        %parallel_loop3A_367 = arith.xori %parallel_loop3A_361, %parallel_loop3A_366 : vector<16xi32>
        %parallel_loop3A_368 = arith.select %parallel_loop3A_364, %parallel_loop3A_361, %parallel_loop3A_367 : vector<16xi1>, vector<16xi32>
        %parallel_loop3A_369 = tpu.bitcast %parallel_loop3A_368 : vector<16xi32> -> vector<16xi32>
        %parallel_loop3A_370 = arith.mulf %parallel_loop3A_319, %get3A_166 : vector<16xf32>
        %parallel_loop3A_371 = tpu.bitcast %parallel_loop3A_370 : vector<16xf32> -> vector<16xi32>
        %parallel_loop3A_372 = arith.constant 0 : i32
        %parallel_loop3A_373 = vector.broadcast %parallel_loop3A_372 : i32 to vector<16xi32>
        %parallel_loop3A_374 = arith.cmpi slt, %parallel_loop3A_371, %parallel_loop3A_373 : vector<16xi32>
        %parallel_loop3A_375 = arith.constant 2147483647 : i32
        %parallel_loop3A_376 = vector.broadcast %parallel_loop3A_375 : i32 to vector<16xi32>
        %parallel_loop3A_377 = arith.xori %parallel_loop3A_371, %parallel_loop3A_376 : vector<16xi32>
        %parallel_loop3A_378 = arith.select %parallel_loop3A_374, %parallel_loop3A_371, %parallel_loop3A_377 : vector<16xi1>, vector<16xi32>
        %parallel_loop3A_379 = tpu.bitcast %parallel_loop3A_378 : vector<16xi32> -> vector<16xi32>
        %parallel_loop3A_380 = arith.constant 10 : i32
        %parallel_loop3A_381 = vector.broadcast %parallel_loop3A_380 : i32 to vector<16xi32>
        %parallel_loop3A_382 = arith.shrui %parallel_loop3A_329, %parallel_loop3A_381 : vector<16xi32>
        %parallel_loop3A_383 = arith.constant 2047 : i32
        %parallel_loop3A_384 = vector.broadcast %parallel_loop3A_383 : i32 to vector<16xi32>
        %parallel_loop3A_385 = arith.andi %parallel_loop3A_382, %parallel_loop3A_384 : vector<16xi32>
        %parallel_loop3A_386 = arith.addi %parallel_loop3A_385, %mul3A_154 : vector<16xi32>
        %parallel_loop3A_387 = arith.constant 10 : i32
        %parallel_loop3A_388 = vector.broadcast %parallel_loop3A_387 : i32 to vector<16xi32>
        %parallel_loop3A_389 = arith.shrui %parallel_loop3A_339, %parallel_loop3A_388 : vector<16xi32>
        %parallel_loop3A_390 = arith.constant 2047 : i32
        %parallel_loop3A_391 = vector.broadcast %parallel_loop3A_390 : i32 to vector<16xi32>
        %parallel_loop3A_392 = arith.andi %parallel_loop3A_389, %parallel_loop3A_391 : vector<16xi32>
        %parallel_loop3A_393 = arith.addi %parallel_loop3A_392, %mul3A_154 : vector<16xi32>
        %parallel_loop3A_394 = arith.constant 10 : i32
        %parallel_loop3A_395 = vector.broadcast %parallel_loop3A_394 : i32 to vector<16xi32>
        %parallel_loop3A_396 = arith.shrui %parallel_loop3A_349, %parallel_loop3A_395 : vector<16xi32>
        %parallel_loop3A_397 = arith.constant 2047 : i32
        %parallel_loop3A_398 = vector.broadcast %parallel_loop3A_397 : i32 to vector<16xi32>
        %parallel_loop3A_399 = arith.andi %parallel_loop3A_396, %parallel_loop3A_398 : vector<16xi32>
        %parallel_loop3A_400 = arith.addi %parallel_loop3A_399, %mul3A_154 : vector<16xi32>
        %parallel_loop3A_401 = arith.constant 10 : i32
        %parallel_loop3A_402 = vector.broadcast %parallel_loop3A_401 : i32 to vector<16xi32>
        %parallel_loop3A_403 = arith.shrui %parallel_loop3A_359, %parallel_loop3A_402 : vector<16xi32>
        %parallel_loop3A_404 = arith.constant 2047 : i32
        %parallel_loop3A_405 = vector.broadcast %parallel_loop3A_404 : i32 to vector<16xi32>
        %parallel_loop3A_406 = arith.andi %parallel_loop3A_403, %parallel_loop3A_405 : vector<16xi32>
        %parallel_loop3A_407 = arith.addi %parallel_loop3A_406, %mul3A_154 : vector<16xi32>
        %parallel_loop3A_408 = arith.constant 10 : i32
        %parallel_loop3A_409 = vector.broadcast %parallel_loop3A_408 : i32 to vector<16xi32>
        %parallel_loop3A_410 = arith.shrui %parallel_loop3A_369, %parallel_loop3A_409 : vector<16xi32>
        %parallel_loop3A_411 = arith.constant 2047 : i32
        %parallel_loop3A_412 = vector.broadcast %parallel_loop3A_411 : i32 to vector<16xi32>
        %parallel_loop3A_413 = arith.andi %parallel_loop3A_410, %parallel_loop3A_412 : vector<16xi32>
        %parallel_loop3A_414 = arith.addi %parallel_loop3A_413, %mul3A_154 : vector<16xi32>
        %parallel_loop3A_415 = arith.constant 10 : i32
        %parallel_loop3A_416 = vector.broadcast %parallel_loop3A_415 : i32 to vector<16xi32>
        %parallel_loop3A_417 = arith.shrui %parallel_loop3A_379, %parallel_loop3A_416 : vector<16xi32>
        %parallel_loop3A_418 = arith.constant 2047 : i32
        %parallel_loop3A_419 = vector.broadcast %parallel_loop3A_418 : i32 to vector<16xi32>
        %parallel_loop3A_420 = arith.andi %parallel_loop3A_417, %parallel_loop3A_419 : vector<16xi32>
        %parallel_loop3A_421 = arith.addi %parallel_loop3A_420, %mul3A_154 : vector<16xi32>
        %parallel_loop3A_422 = arith.constant 21 : i32
        %parallel_loop3A_423 = vector.broadcast %parallel_loop3A_422 : i32 to vector<16xi32>
        %parallel_loop3A_424 = arith.shrui %parallel_loop3A_329, %parallel_loop3A_423 : vector<16xi32>
        %parallel_loop3A_425 = vector.broadcast %scan3A_147#2 : i32 to vector<16xi32>
        %parallel_loop3A_426 = arith.cmpi eq, %parallel_loop3A_424, %parallel_loop3A_425 : vector<16xi32>
        %parallel_loop3A_427 = arith.constant 21 : i32
        %parallel_loop3A_428 = vector.broadcast %parallel_loop3A_427 : i32 to vector<16xi32>
        %parallel_loop3A_429 = arith.shrui %parallel_loop3A_339, %parallel_loop3A_428 : vector<16xi32>
        %parallel_loop3A_430 = vector.broadcast %scan3A_147#2 : i32 to vector<16xi32>
        %parallel_loop3A_431 = arith.cmpi eq, %parallel_loop3A_429, %parallel_loop3A_430 : vector<16xi32>
        %parallel_loop3A_432 = arith.constant 21 : i32
        %parallel_loop3A_433 = vector.broadcast %parallel_loop3A_432 : i32 to vector<16xi32>
        %parallel_loop3A_434 = arith.shrui %parallel_loop3A_349, %parallel_loop3A_433 : vector<16xi32>
        %parallel_loop3A_435 = vector.broadcast %scan3A_147#2 : i32 to vector<16xi32>
        %parallel_loop3A_436 = arith.cmpi eq, %parallel_loop3A_434, %parallel_loop3A_435 : vector<16xi32>
        %parallel_loop3A_437 = arith.constant 21 : i32
        %parallel_loop3A_438 = vector.broadcast %parallel_loop3A_437 : i32 to vector<16xi32>
        %parallel_loop3A_439 = arith.shrui %parallel_loop3A_359, %parallel_loop3A_438 : vector<16xi32>
        %parallel_loop3A_440 = vector.broadcast %scan3A_147#2 : i32 to vector<16xi32>
        %parallel_loop3A_441 = arith.cmpi eq, %parallel_loop3A_439, %parallel_loop3A_440 : vector<16xi32>
        %parallel_loop3A_442 = arith.constant 21 : i32
        %parallel_loop3A_443 = vector.broadcast %parallel_loop3A_442 : i32 to vector<16xi32>
        %parallel_loop3A_444 = arith.shrui %parallel_loop3A_369, %parallel_loop3A_443 : vector<16xi32>
        %parallel_loop3A_445 = vector.broadcast %scan3A_147#2 : i32 to vector<16xi32>
        %parallel_loop3A_446 = arith.cmpi eq, %parallel_loop3A_444, %parallel_loop3A_445 : vector<16xi32>
        %parallel_loop3A_447 = arith.constant 21 : i32
        %parallel_loop3A_448 = vector.broadcast %parallel_loop3A_447 : i32 to vector<16xi32>
        %parallel_loop3A_449 = arith.shrui %parallel_loop3A_379, %parallel_loop3A_448 : vector<16xi32>
        %parallel_loop3A_450 = vector.broadcast %scan3A_147#2 : i32 to vector<16xi32>
        %parallel_loop3A_451 = arith.cmpi eq, %parallel_loop3A_449, %parallel_loop3A_450 : vector<16xi32>
        tpu.vector_store_idx %arg12[%parallel_loop3A_386], %broadcast_in_dim3A_39 masked %parallel_loop3A_426 {add = true} : memref<32768xi32, #tpu.memory_space<vmem>>[vector<16xi32>], vector<16xi32>, vector<16xi1>
        tpu.vector_store_idx %arg12[%parallel_loop3A_393], %broadcast_in_dim3A_39 masked %parallel_loop3A_431 {add = true} : memref<32768xi32, #tpu.memory_space<vmem>>[vector<16xi32>], vector<16xi32>, vector<16xi1>
        tpu.vector_store_idx %arg12[%parallel_loop3A_400], %broadcast_in_dim3A_39 masked %parallel_loop3A_436 {add = true} : memref<32768xi32, #tpu.memory_space<vmem>>[vector<16xi32>], vector<16xi32>, vector<16xi1>
        tpu.vector_store_idx %arg12[%parallel_loop3A_407], %broadcast_in_dim3A_39 masked %parallel_loop3A_441 {add = true} : memref<32768xi32, #tpu.memory_space<vmem>>[vector<16xi32>], vector<16xi32>, vector<16xi1>
        tpu.vector_store_idx %arg12[%parallel_loop3A_414], %broadcast_in_dim3A_39 masked %parallel_loop3A_446 {add = true} : memref<32768xi32, #tpu.memory_space<vmem>>[vector<16xi32>], vector<16xi32>, vector<16xi1>
        tpu.vector_store_idx %arg12[%parallel_loop3A_421], %broadcast_in_dim3A_39 masked %parallel_loop3A_451 {add = true} : memref<32768xi32, #tpu.memory_space<vmem>>[vector<16xi32>], vector<16xi32>, vector<16xi1>
      } {sc.loop_unroll_factor = 2 : i64, sc.parallel_access}
    }
    %scan3A_174 = arith.constant 8 : i32
    %parallel_loop3A_175 = arith.constant 0 : i32
    %parallel_loop3A_176 = arith.constant 128 : i32
    %parallel_loop3A_177 = arith.constant 1 : i32
    scf.for %parallel_loop3A_265 = %parallel_loop3A_175 to %parallel_loop3A_176 step %parallel_loop3A_177  : i32 {
      %parallel_loop3A_266 = arith.constant 16 : i32
      %parallel_loop3A_267 = arith.muli %parallel_loop3A_265, %parallel_loop3A_266 : i32
      %parallel_loop3A_268 = arith.constant 0 : i32
      %parallel_loop3A_269 = arith.addi %parallel_loop3A_268, %parallel_loop3A_267 : i32
      %parallel_loop3A_270 = arith.index_cast %parallel_loop3A_269 : i32 to index
      %parallel_loop3A_271 = tpu.vector_load %arg12[%parallel_loop3A_270] {strides = array<i32>} : memref<32768xi32, #tpu.memory_space<vmem>>, vector<16xi32>,
      %parallel_loop3A_272 = arith.addi %broadcast_in_dim3A_41, %parallel_loop3A_271 : vector<16xi32>
      %parallel_loop3A_273 = arith.constant 16 : i32
      %parallel_loop3A_274 = arith.muli %parallel_loop3A_265, %parallel_loop3A_273 : i32
      %parallel_loop3A_275 = arith.constant 2048 : i32
      %parallel_loop3A_276 = arith.addi %parallel_loop3A_275, %parallel_loop3A_274 : i32
      %parallel_loop3A_277 = arith.index_cast %parallel_loop3A_276 : i32 to index
      %parallel_loop3A_278 = tpu.vector_load %arg12[%parallel_loop3A_277] {strides = array<i32>} : memref<32768xi32, #tpu.memory_space<vmem>>, vector<16xi32>,
      %parallel_loop3A_279 = arith.addi %parallel_loop3A_272, %parallel_loop3A_278 : vector<16xi32>
      %parallel_loop3A_280 = arith.constant 16 : i32
      %parallel_loop3A_281 = arith.muli %parallel_loop3A_265, %parallel_loop3A_280 : i32
      %parallel_loop3A_282 = arith.constant 4096 : i32
      %parallel_loop3A_283 = arith.addi %parallel_loop3A_282, %parallel_loop3A_281 : i32
      %parallel_loop3A_284 = arith.index_cast %parallel_loop3A_283 : i32 to index
      %parallel_loop3A_285 = tpu.vector_load %arg12[%parallel_loop3A_284] {strides = array<i32>} : memref<32768xi32, #tpu.memory_space<vmem>>, vector<16xi32>,
      %parallel_loop3A_286 = arith.addi %parallel_loop3A_279, %parallel_loop3A_285 : vector<16xi32>
      %parallel_loop3A_287 = arith.constant 16 : i32
      %parallel_loop3A_288 = arith.muli %parallel_loop3A_265, %parallel_loop3A_287 : i32
      %parallel_loop3A_289 = arith.constant 6144 : i32
      %parallel_loop3A_290 = arith.addi %parallel_loop3A_289, %parallel_loop3A_288 : i32
      %parallel_loop3A_291 = arith.index_cast %parallel_loop3A_290 : i32 to index
      %parallel_loop3A_292 = tpu.vector_load %arg12[%parallel_loop3A_291] {strides = array<i32>} : memref<32768xi32, #tpu.memory_space<vmem>>, vector<16xi32>,
      %parallel_loop3A_293 = arith.addi %parallel_loop3A_286, %parallel_loop3A_292 : vector<16xi32>
      %parallel_loop3A_294 = arith.constant 16 : i32
      %parallel_loop3A_295 = arith.muli %parallel_loop3A_265, %parallel_loop3A_294 : i32
      %parallel_loop3A_296 = arith.constant 8192 : i32
      %parallel_loop3A_297 = arith.addi %parallel_loop3A_296, %parallel_loop3A_295 : i32
      %parallel_loop3A_298 = arith.index_cast %parallel_loop3A_297 : i32 to index
      %parallel_loop3A_299 = tpu.vector_load %arg12[%parallel_loop3A_298] {strides = array<i32>} : memref<32768xi32, #tpu.memory_space<vmem>>, vector<16xi32>,
      %parallel_loop3A_300 = arith.addi %parallel_loop3A_293, %parallel_loop3A_299 : vector<16xi32>
      %parallel_loop3A_301 = arith.constant 16 : i32
      %parallel_loop3A_302 = arith.muli %parallel_loop3A_265, %parallel_loop3A_301 : i32
      %parallel_loop3A_303 = arith.constant 10240 : i32
      %parallel_loop3A_304 = arith.addi %parallel_loop3A_303, %parallel_loop3A_302 : i32
      %parallel_loop3A_305 = arith.index_cast %parallel_loop3A_304 : i32 to index
      %parallel_loop3A_306 = tpu.vector_load %arg12[%parallel_loop3A_305] {strides = array<i32>} : memref<32768xi32, #tpu.memory_space<vmem>>, vector<16xi32>,
      %parallel_loop3A_307 = arith.addi %parallel_loop3A_300, %parallel_loop3A_306 : vector<16xi32>
      %parallel_loop3A_308 = arith.constant 16 : i32
      %parallel_loop3A_309 = arith.muli %parallel_loop3A_265, %parallel_loop3A_308 : i32
      %parallel_loop3A_310 = arith.constant 12288 : i32
      %parallel_loop3A_311 = arith.addi %parallel_loop3A_310, %parallel_loop3A_309 : i32
      %parallel_loop3A_312 = arith.index_cast %parallel_loop3A_311 : i32 to index
      %parallel_loop3A_313 = tpu.vector_load %arg12[%parallel_loop3A_312] {strides = array<i32>} : memref<32768xi32, #tpu.memory_space<vmem>>, vector<16xi32>,
      %parallel_loop3A_314 = arith.addi %parallel_loop3A_307, %parallel_loop3A_313 : vector<16xi32>
      %parallel_loop3A_315 = arith.constant 16 : i32
      %parallel_loop3A_316 = arith.muli %parallel_loop3A_265, %parallel_loop3A_315 : i32
      %parallel_loop3A_317 = arith.constant 14336 : i32
      %parallel_loop3A_318 = arith.addi %parallel_loop3A_317, %parallel_loop3A_316 : i32
      %parallel_loop3A_319 = arith.index_cast %parallel_loop3A_318 : i32 to index
      %parallel_loop3A_320 = tpu.vector_load %arg12[%parallel_loop3A_319] {strides = array<i32>} : memref<32768xi32, #tpu.memory_space<vmem>>, vector<16xi32>,
      %parallel_loop3A_321 = arith.addi %parallel_loop3A_314, %parallel_loop3A_320 : vector<16xi32>
      %parallel_loop3A_322 = arith.constant 16 : i32
      %parallel_loop3A_323 = arith.muli %parallel_loop3A_265, %parallel_loop3A_322 : i32
      %parallel_loop3A_324 = arith.constant 16384 : i32
      %parallel_loop3A_325 = arith.addi %parallel_loop3A_324, %parallel_loop3A_323 : i32
      %parallel_loop3A_326 = arith.index_cast %parallel_loop3A_325 : i32 to index
      %parallel_loop3A_327 = tpu.vector_load %arg12[%parallel_loop3A_326] {strides = array<i32>} : memref<32768xi32, #tpu.memory_space<vmem>>, vector<16xi32>,
      %parallel_loop3A_328 = arith.addi %parallel_loop3A_321, %parallel_loop3A_327 : vector<16xi32>
      %parallel_loop3A_329 = arith.constant 16 : i32
      %parallel_loop3A_330 = arith.muli %parallel_loop3A_265, %parallel_loop3A_329 : i32
      %parallel_loop3A_331 = arith.constant 18432 : i32
      %parallel_loop3A_332 = arith.addi %parallel_loop3A_331, %parallel_loop3A_330 : i32
      %parallel_loop3A_333 = arith.index_cast %parallel_loop3A_332 : i32 to index
      %parallel_loop3A_334 = tpu.vector_load %arg12[%parallel_loop3A_333] {strides = array<i32>} : memref<32768xi32, #tpu.memory_space<vmem>>, vector<16xi32>,
      %parallel_loop3A_335 = arith.addi %parallel_loop3A_328, %parallel_loop3A_334 : vector<16xi32>
      %parallel_loop3A_336 = arith.constant 16 : i32
      %parallel_loop3A_337 = arith.muli %parallel_loop3A_265, %parallel_loop3A_336 : i32
      %parallel_loop3A_338 = arith.constant 20480 : i32
      %parallel_loop3A_339 = arith.addi %parallel_loop3A_338, %parallel_loop3A_337 : i32
      %parallel_loop3A_340 = arith.index_cast %parallel_loop3A_339 : i32 to index
      %parallel_loop3A_341 = tpu.vector_load %arg12[%parallel_loop3A_340] {strides = array<i32>} : memref<32768xi32, #tpu.memory_space<vmem>>, vector<16xi32>,
      %parallel_loop3A_342 = arith.addi %parallel_loop3A_335, %parallel_loop3A_341 : vector<16xi32>
      %parallel_loop3A_343 = arith.constant 16 : i32
      %parallel_loop3A_344 = arith.muli %parallel_loop3A_265, %parallel_loop3A_343 : i32
      %parallel_loop3A_345 = arith.constant 22528 : i32
      %parallel_loop3A_346 = arith.addi %parallel_loop3A_345, %parallel_loop3A_344 : i32
      %parallel_loop3A_347 = arith.index_cast %parallel_loop3A_346 : i32 to index
      %parallel_loop3A_348 = tpu.vector_load %arg12[%parallel_loop3A_347] {strides = array<i32>} : memref<32768xi32, #tpu.memory_space<vmem>>, vector<16xi32>,
      %parallel_loop3A_349 = arith.addi %parallel_loop3A_342, %parallel_loop3A_348 : vector<16xi32>
      %parallel_loop3A_350 = arith.constant 16 : i32
      %parallel_loop3A_351 = arith.muli %parallel_loop3A_265, %parallel_loop3A_350 : i32
      %parallel_loop3A_352 = arith.constant 24576 : i32
      %parallel_loop3A_353 = arith.addi %parallel_loop3A_352, %parallel_loop3A_351 : i32
      %parallel_loop3A_354 = arith.index_cast %parallel_loop3A_353 : i32 to index
      %parallel_loop3A_355 = tpu.vector_load %arg12[%parallel_loop3A_354] {strides = array<i32>} : memref<32768xi32, #tpu.memory_space<vmem>>, vector<16xi32>,
      %parallel_loop3A_356 = arith.addi %parallel_loop3A_349, %parallel_loop3A_355 : vector<16xi32>
      %parallel_loop3A_357 = arith.constant 16 : i32
      %parallel_loop3A_358 = arith.muli %parallel_loop3A_265, %parallel_loop3A_357 : i32
      %parallel_loop3A_359 = arith.constant 26624 : i32
      %parallel_loop3A_360 = arith.addi %parallel_loop3A_359, %parallel_loop3A_358 : i32
      %parallel_loop3A_361 = arith.index_cast %parallel_loop3A_360 : i32 to index
      %parallel_loop3A_362 = tpu.vector_load %arg12[%parallel_loop3A_361] {strides = array<i32>} : memref<32768xi32, #tpu.memory_space<vmem>>, vector<16xi32>,
      %parallel_loop3A_363 = arith.addi %parallel_loop3A_356, %parallel_loop3A_362 : vector<16xi32>
      %parallel_loop3A_364 = arith.constant 16 : i32
      %parallel_loop3A_365 = arith.muli %parallel_loop3A_265, %parallel_loop3A_364 : i32
      %parallel_loop3A_366 = arith.constant 28672 : i32
      %parallel_loop3A_367 = arith.addi %parallel_loop3A_366, %parallel_loop3A_365 : i32
      %parallel_loop3A_368 = arith.index_cast %parallel_loop3A_367 : i32 to index
      %parallel_loop3A_369 = tpu.vector_load %arg12[%parallel_loop3A_368] {strides = array<i32>} : memref<32768xi32, #tpu.memory_space<vmem>>, vector<16xi32>,
      %parallel_loop3A_370 = arith.addi %parallel_loop3A_363, %parallel_loop3A_369 : vector<16xi32>
      %parallel_loop3A_371 = arith.constant 16 : i32
      %parallel_loop3A_372 = arith.muli %parallel_loop3A_265, %parallel_loop3A_371 : i32
      %parallel_loop3A_373 = arith.constant 30720 : i32
      %parallel_loop3A_374 = arith.addi %parallel_loop3A_373, %parallel_loop3A_372 : i32
      %parallel_loop3A_375 = arith.index_cast %parallel_loop3A_374 : i32 to index
      %parallel_loop3A_376 = tpu.vector_load %arg12[%parallel_loop3A_375] {strides = array<i32>} : memref<32768xi32, #tpu.memory_space<vmem>>, vector<16xi32>,
      %parallel_loop3A_377 = arith.addi %parallel_loop3A_370, %parallel_loop3A_376 : vector<16xi32>
      %parallel_loop3A_378 = arith.constant 16 : i32
      %parallel_loop3A_379 = arith.muli %parallel_loop3A_265, %parallel_loop3A_378 : i32
      %parallel_loop3A_380 = arith.constant 0 : i32
      %parallel_loop3A_381 = arith.addi %parallel_loop3A_380, %parallel_loop3A_379 : i32
      %parallel_loop3A_382 = arith.index_cast %parallel_loop3A_381 : i32 to index
      %parallel_loop3A_383 = tpu.vector_load %arg12[%parallel_loop3A_382] {strides = array<i32>} : memref<32768xi32, #tpu.memory_space<vmem>>, vector<16xi32>,
      tpu.vector_store %arg12[%parallel_loop3A_382], %broadcast_in_dim3A_41 {strides = array<i32>} : memref<32768xi32, #tpu.memory_space<vmem>>, vector<16xi32>,
      %parallel_loop3A_384 = arith.constant 16 : i32
      %parallel_loop3A_385 = arith.muli %parallel_loop3A_265, %parallel_loop3A_384 : i32
      %parallel_loop3A_386 = arith.constant 2048 : i32
      %parallel_loop3A_387 = arith.addi %parallel_loop3A_386, %parallel_loop3A_385 : i32
      %parallel_loop3A_388 = arith.index_cast %parallel_loop3A_387 : i32 to index
      %parallel_loop3A_389 = tpu.vector_load %arg12[%parallel_loop3A_388] {strides = array<i32>} : memref<32768xi32, #tpu.memory_space<vmem>>, vector<16xi32>,
      tpu.vector_store %arg12[%parallel_loop3A_388], %broadcast_in_dim3A_41 {strides = array<i32>} : memref<32768xi32, #tpu.memory_space<vmem>>, vector<16xi32>,
      %parallel_loop3A_390 = arith.constant 16 : i32
      %parallel_loop3A_391 = arith.muli %parallel_loop3A_265, %parallel_loop3A_390 : i32
      %parallel_loop3A_392 = arith.constant 4096 : i32
      %parallel_loop3A_393 = arith.addi %parallel_loop3A_392, %parallel_loop3A_391 : i32
      %parallel_loop3A_394 = arith.index_cast %parallel_loop3A_393 : i32 to index
      %parallel_loop3A_395 = tpu.vector_load %arg12[%parallel_loop3A_394] {strides = array<i32>} : memref<32768xi32, #tpu.memory_space<vmem>>, vector<16xi32>,
      tpu.vector_store %arg12[%parallel_loop3A_394], %broadcast_in_dim3A_41 {strides = array<i32>} : memref<32768xi32, #tpu.memory_space<vmem>>, vector<16xi32>,
      %parallel_loop3A_396 = arith.constant 16 : i32
      %parallel_loop3A_397 = arith.muli %parallel_loop3A_265, %parallel_loop3A_396 : i32
      %parallel_loop3A_398 = arith.constant 6144 : i32
      %parallel_loop3A_399 = arith.addi %parallel_loop3A_398, %parallel_loop3A_397 : i32
      %parallel_loop3A_400 = arith.index_cast %parallel_loop3A_399 : i32 to index
      %parallel_loop3A_401 = tpu.vector_load %arg12[%parallel_loop3A_400] {strides = array<i32>} : memref<32768xi32, #tpu.memory_space<vmem>>, vector<16xi32>,
      tpu.vector_store %arg12[%parallel_loop3A_400], %broadcast_in_dim3A_41 {strides = array<i32>} : memref<32768xi32, #tpu.memory_space<vmem>>, vector<16xi32>,
      %parallel_loop3A_402 = arith.constant 16 : i32
      %parallel_loop3A_403 = arith.muli %parallel_loop3A_265, %parallel_loop3A_402 : i32
      %parallel_loop3A_404 = arith.constant 8192 : i32
      %parallel_loop3A_405 = arith.addi %parallel_loop3A_404, %parallel_loop3A_403 : i32
      %parallel_loop3A_406 = arith.index_cast %parallel_loop3A_405 : i32 to index
      %parallel_loop3A_407 = tpu.vector_load %arg12[%parallel_loop3A_406] {strides = array<i32>} : memref<32768xi32, #tpu.memory_space<vmem>>, vector<16xi32>,
      tpu.vector_store %arg12[%parallel_loop3A_406], %broadcast_in_dim3A_41 {strides = array<i32>} : memref<32768xi32, #tpu.memory_space<vmem>>, vector<16xi32>,
      %parallel_loop3A_408 = arith.constant 16 : i32
      %parallel_loop3A_409 = arith.muli %parallel_loop3A_265, %parallel_loop3A_408 : i32
      %parallel_loop3A_410 = arith.constant 10240 : i32
      %parallel_loop3A_411 = arith.addi %parallel_loop3A_410, %parallel_loop3A_409 : i32
      %parallel_loop3A_412 = arith.index_cast %parallel_loop3A_411 : i32 to index
      %parallel_loop3A_413 = tpu.vector_load %arg12[%parallel_loop3A_412] {strides = array<i32>} : memref<32768xi32, #tpu.memory_space<vmem>>, vector<16xi32>,
      tpu.vector_store %arg12[%parallel_loop3A_412], %broadcast_in_dim3A_41 {strides = array<i32>} : memref<32768xi32, #tpu.memory_space<vmem>>, vector<16xi32>,
      %parallel_loop3A_414 = arith.constant 16 : i32
      %parallel_loop3A_415 = arith.muli %parallel_loop3A_265, %parallel_loop3A_414 : i32
      %parallel_loop3A_416 = arith.constant 12288 : i32
      %parallel_loop3A_417 = arith.addi %parallel_loop3A_416, %parallel_loop3A_415 : i32
      %parallel_loop3A_418 = arith.index_cast %parallel_loop3A_417 : i32 to index
      %parallel_loop3A_419 = tpu.vector_load %arg12[%parallel_loop3A_418] {strides = array<i32>} : memref<32768xi32, #tpu.memory_space<vmem>>, vector<16xi32>,
      tpu.vector_store %arg12[%parallel_loop3A_418], %broadcast_in_dim3A_41 {strides = array<i32>} : memref<32768xi32, #tpu.memory_space<vmem>>, vector<16xi32>,
      %parallel_loop3A_420 = arith.constant 16 : i32
      %parallel_loop3A_421 = arith.muli %parallel_loop3A_265, %parallel_loop3A_420 : i32
      %parallel_loop3A_422 = arith.constant 14336 : i32
      %parallel_loop3A_423 = arith.addi %parallel_loop3A_422, %parallel_loop3A_421 : i32
      %parallel_loop3A_424 = arith.index_cast %parallel_loop3A_423 : i32 to index
      %parallel_loop3A_425 = tpu.vector_load %arg12[%parallel_loop3A_424] {strides = array<i32>} : memref<32768xi32, #tpu.memory_space<vmem>>, vector<16xi32>,
      tpu.vector_store %arg12[%parallel_loop3A_424], %broadcast_in_dim3A_41 {strides = array<i32>} : memref<32768xi32, #tpu.memory_space<vmem>>, vector<16xi32>,
      %parallel_loop3A_426 = arith.constant 16 : i32
      %parallel_loop3A_427 = arith.muli %parallel_loop3A_265, %parallel_loop3A_426 : i32
      %parallel_loop3A_428 = arith.constant 16384 : i32
      %parallel_loop3A_429 = arith.addi %parallel_loop3A_428, %parallel_loop3A_427 : i32
      %parallel_loop3A_430 = arith.index_cast %parallel_loop3A_429 : i32 to index
      %parallel_loop3A_431 = tpu.vector_load %arg12[%parallel_loop3A_430] {strides = array<i32>} : memref<32768xi32, #tpu.memory_space<vmem>>, vector<16xi32>,
      tpu.vector_store %arg12[%parallel_loop3A_430], %broadcast_in_dim3A_41 {strides = array<i32>} : memref<32768xi32, #tpu.memory_space<vmem>>, vector<16xi32>,
      %parallel_loop3A_432 = arith.constant 16 : i32
      %parallel_loop3A_433 = arith.muli %parallel_loop3A_265, %parallel_loop3A_432 : i32
      %parallel_loop3A_434 = arith.constant 18432 : i32
      %parallel_loop3A_435 = arith.addi %parallel_loop3A_434, %parallel_loop3A_433 : i32
      %parallel_loop3A_436 = arith.index_cast %parallel_loop3A_435 : i32 to index
      %parallel_loop3A_437 = tpu.vector_load %arg12[%parallel_loop3A_436] {strides = array<i32>} : memref<32768xi32, #tpu.memory_space<vmem>>, vector<16xi32>,
      tpu.vector_store %arg12[%parallel_loop3A_436], %broadcast_in_dim3A_41 {strides = array<i32>} : memref<32768xi32, #tpu.memory_space<vmem>>, vector<16xi32>,
      %parallel_loop3A_438 = arith.constant 16 : i32
      %parallel_loop3A_439 = arith.muli %parallel_loop3A_265, %parallel_loop3A_438 : i32
      %parallel_loop3A_440 = arith.constant 20480 : i32
      %parallel_loop3A_441 = arith.addi %parallel_loop3A_440, %parallel_loop3A_439 : i32
      %parallel_loop3A_442 = arith.index_cast %parallel_loop3A_441 : i32 to index
      %parallel_loop3A_443 = tpu.vector_load %arg12[%parallel_loop3A_442] {strides = array<i32>} : memref<32768xi32, #tpu.memory_space<vmem>>, vector<16xi32>,
      tpu.vector_store %arg12[%parallel_loop3A_442], %broadcast_in_dim3A_41 {strides = array<i32>} : memref<32768xi32, #tpu.memory_space<vmem>>, vector<16xi32>,
      %parallel_loop3A_444 = arith.constant 16 : i32
      %parallel_loop3A_445 = arith.muli %parallel_loop3A_265, %parallel_loop3A_444 : i32
      %parallel_loop3A_446 = arith.constant 22528 : i32
      %parallel_loop3A_447 = arith.addi %parallel_loop3A_446, %parallel_loop3A_445 : i32
      %parallel_loop3A_448 = arith.index_cast %parallel_loop3A_447 : i32 to index
      %parallel_loop3A_449 = tpu.vector_load %arg12[%parallel_loop3A_448] {strides = array<i32>} : memref<32768xi32, #tpu.memory_space<vmem>>, vector<16xi32>,
      tpu.vector_store %arg12[%parallel_loop3A_448], %broadcast_in_dim3A_41 {strides = array<i32>} : memref<32768xi32, #tpu.memory_space<vmem>>, vector<16xi32>,
      %parallel_loop3A_450 = arith.constant 16 : i32
      %parallel_loop3A_451 = arith.muli %parallel_loop3A_265, %parallel_loop3A_450 : i32
      %parallel_loop3A_452 = arith.constant 24576 : i32
      %parallel_loop3A_453 = arith.addi %parallel_loop3A_452, %parallel_loop3A_451 : i32
      %parallel_loop3A_454 = arith.index_cast %parallel_loop3A_453 : i32 to index
      %parallel_loop3A_455 = tpu.vector_load %arg12[%parallel_loop3A_454] {strides = array<i32>} : memref<32768xi32, #tpu.memory_space<vmem>>, vector<16xi32>,
      tpu.vector_store %arg12[%parallel_loop3A_454], %broadcast_in_dim3A_41 {strides = array<i32>} : memref<32768xi32, #tpu.memory_space<vmem>>, vector<16xi32>,
      %parallel_loop3A_456 = arith.constant 16 : i32
      %parallel_loop3A_457 = arith.muli %parallel_loop3A_265, %parallel_loop3A_456 : i32
      %parallel_loop3A_458 = arith.constant 26624 : i32
      %parallel_loop3A_459 = arith.addi %parallel_loop3A_458, %parallel_loop3A_457 : i32
      %parallel_loop3A_460 = arith.index_cast %parallel_loop3A_459 : i32 to index
      %parallel_loop3A_461 = tpu.vector_load %arg12[%parallel_loop3A_460] {strides = array<i32>} : memref<32768xi32, #tpu.memory_space<vmem>>, vector<16xi32>,
      tpu.vector_store %arg12[%parallel_loop3A_460], %broadcast_in_dim3A_41 {strides = array<i32>} : memref<32768xi32, #tpu.memory_space<vmem>>, vector<16xi32>,
      %parallel_loop3A_462 = arith.constant 16 : i32
      %parallel_loop3A_463 = arith.muli %parallel_loop3A_265, %parallel_loop3A_462 : i32
      %parallel_loop3A_464 = arith.constant 28672 : i32
      %parallel_loop3A_465 = arith.addi %parallel_loop3A_464, %parallel_loop3A_463 : i32
      %parallel_loop3A_466 = arith.index_cast %parallel_loop3A_465 : i32 to index
      %parallel_loop3A_467 = tpu.vector_load %arg12[%parallel_loop3A_466] {strides = array<i32>} : memref<32768xi32, #tpu.memory_space<vmem>>, vector<16xi32>,
      tpu.vector_store %arg12[%parallel_loop3A_466], %broadcast_in_dim3A_41 {strides = array<i32>} : memref<32768xi32, #tpu.memory_space<vmem>>, vector<16xi32>,
      %parallel_loop3A_468 = arith.constant 16 : i32
      %parallel_loop3A_469 = arith.muli %parallel_loop3A_265, %parallel_loop3A_468 : i32
      %parallel_loop3A_470 = arith.constant 30720 : i32
      %parallel_loop3A_471 = arith.addi %parallel_loop3A_470, %parallel_loop3A_469 : i32
      %parallel_loop3A_472 = arith.index_cast %parallel_loop3A_471 : i32 to index
      %parallel_loop3A_473 = tpu.vector_load %arg12[%parallel_loop3A_472] {strides = array<i32>} : memref<32768xi32, #tpu.memory_space<vmem>>, vector<16xi32>,
      tpu.vector_store %arg12[%parallel_loop3A_472], %broadcast_in_dim3A_41 {strides = array<i32>} : memref<32768xi32, #tpu.memory_space<vmem>>, vector<16xi32>,
      %parallel_loop3A_474 = arith.constant 16 : i32
      %parallel_loop3A_475 = arith.muli %parallel_loop3A_265, %parallel_loop3A_474 : i32
      %parallel_loop3A_476 = arith.index_cast %parallel_loop3A_475 : i32 to index
      %parallel_loop3A_477 = tpu.vector_load %arg13[%parallel_loop3A_476] {strides = array<i32>} : memref<2048xi32, #tpu.memory_space<vmem>>, vector<16xi32>,
      tpu.vector_store %arg13[%parallel_loop3A_476], %parallel_loop3A_377 {strides = array<i32>} : memref<2048xi32, #tpu.memory_space<vmem>>, vector<16xi32>,
    } {sc.loop_unroll_factor = 2 : i64, sc.parallel_access}
    %mul3A_178 = arith.constant 2048 : i32
    %mul3A_179 = arith.muli %add3A_38, %mul3A_178 : i32
    "tpu.region"() ({
      %run_scoped3A = tpu.sem_alloc : memref<!tpu.dma_semaphore, #tpu.memory_space<semaphore_mem>>
      %dma_start3A_265 = arith.constant 0 : i32
      %dma_start3A_266 = tpu.memref_slice %arg13[%dma_start3A_265] : memref<2048xi32, #tpu.memory_space<vmem>> -> memref<2048xi32, #tpu.memory_space<vmem>>
      %dma_start3A_267 = tpu.memref_slice %arg7[%mul3A_179] : memref<65536xi32, #tpu.memory_space<hbm>> -> memref<2048xi32, #tpu.memory_space<hbm>>
      %dma_start3A_268 = tpu.memref_slice %arg7[%mul3A_179] : memref<65536xi32, #tpu.memory_space<hbm>> -> memref<2048xi32, #tpu.memory_space<hbm>>
      %dma_start3A_269 = arith.constant 0 : i32
      %dma_start3A_270 = tpu.memref_slice %arg13[%dma_start3A_269] : memref<2048xi32, #tpu.memory_space<vmem>> -> memref<2048xi32, #tpu.memory_space<vmem>>
      tpu.enqueue_dma source(%dma_start3A_270 : memref<2048xi32, #tpu.memory_space<vmem>>) target(%dma_start3A_268 : memref<2048xi32, #tpu.memory_space<hbm>>) target_semaphore(%run_scoped3A : memref<!tpu.dma_semaphore, #tpu.memory_space<semaphore_mem>>)
      %dma_wait3A = arith.constant 0 : i32
      %dma_wait3A_271 = tpu.memref_slice %arg13[%dma_wait3A] : memref<2048xi32, #tpu.memory_space<vmem>> -> memref<2048xi32, #tpu.memory_space<vmem>>
      %dma_wait3A_272 = tpu.memref_slice %arg7[%mul3A_179] : memref<65536xi32, #tpu.memory_space<hbm>> -> memref<2048xi32, #tpu.memory_space<hbm>>
      %dma_wait3A_273 = tpu.memref_slice %arg7[%mul3A_179] : memref<65536xi32, #tpu.memory_space<hbm>> -> memref<2048xi32, #tpu.memory_space<hbm>>
      %dma_wait3A_274 = arith.constant 0 : i32
      %dma_wait3A_275 = tpu.memref_slice %arg13[%dma_wait3A_274] : memref<2048xi32, #tpu.memory_space<vmem>> -> memref<2048xi32, #tpu.memory_space<vmem>>
      tpu.wait_dma2 semaphore(%run_scoped3A : memref<!tpu.dma_semaphore, #tpu.memory_space<semaphore_mem>>) src(%dma_wait3A_275 : memref<2048xi32, #tpu.memory_space<vmem>>) dst(%dma_wait3A_273 : memref<2048xi32, #tpu.memory_space<hbm>>)
      tpu.yield
    }) : () -> ()
    %barrier3A_180 = arith.constant 0 : index
    tpu.barrier barrier_id(%barrier3A_180)
    %mul3A_181 = arith.constant 4 : i32
    %mul3A_182 = arith.muli %add3A_30, %mul3A_181 : i32
    %mul3A_183 = arith.constant 2048 : i32
    %mul3A_184 = arith.muli %mul3A_182, %mul3A_183 : i32
    "tpu.region"() ({
      %run_scoped3A = tpu.sem_alloc : memref<!tpu.dma_semaphore, #tpu.memory_space<semaphore_mem>>
      %dma_start3A_265 = arith.constant 0 : i32
      %dma_start3A_266 = tpu.memref_slice %arg14[%dma_start3A_265] : memref<2048xi32, #tpu.memory_space<vmem>> -> memref<2048xi32, #tpu.memory_space<vmem>>
      %dma_start3A_267 = tpu.memref_slice %arg7[%mul3A_184] : memref<65536xi32, #tpu.memory_space<hbm>> -> memref<2048xi32, #tpu.memory_space<hbm>>
      %dma_start3A_268 = arith.constant 0 : i32
      %dma_start3A_269 = tpu.memref_slice %arg14[%dma_start3A_268] : memref<2048xi32, #tpu.memory_space<vmem>> -> memref<2048xi32, #tpu.memory_space<vmem>>
      %dma_start3A_270 = tpu.memref_slice %arg7[%mul3A_184] : memref<65536xi32, #tpu.memory_space<hbm>> -> memref<2048xi32, #tpu.memory_space<hbm>>
      tpu.enqueue_dma source(%dma_start3A_270 : memref<2048xi32, #tpu.memory_space<hbm>>) target(%dma_start3A_269 : memref<2048xi32, #tpu.memory_space<vmem>>) target_semaphore(%run_scoped3A : memref<!tpu.dma_semaphore, #tpu.memory_space<semaphore_mem>>)
      %dma_wait3A = arith.constant 0 : i32
      %dma_wait3A_271 = tpu.memref_slice %arg14[%dma_wait3A] : memref<2048xi32, #tpu.memory_space<vmem>> -> memref<2048xi32, #tpu.memory_space<vmem>>
      %dma_wait3A_272 = tpu.memref_slice %arg7[%mul3A_184] : memref<65536xi32, #tpu.memory_space<hbm>> -> memref<2048xi32, #tpu.memory_space<hbm>>
      %dma_wait3A_273 = arith.constant 0 : i32
      %dma_wait3A_274 = tpu.memref_slice %arg14[%dma_wait3A_273] : memref<2048xi32, #tpu.memory_space<vmem>> -> memref<2048xi32, #tpu.memory_space<vmem>>
      %dma_wait3A_275 = tpu.memref_slice %arg7[%mul3A_184] : memref<65536xi32, #tpu.memory_space<hbm>> -> memref<2048xi32, #tpu.memory_space<hbm>>
      tpu.wait_dma2 semaphore(%run_scoped3A : memref<!tpu.dma_semaphore, #tpu.memory_space<semaphore_mem>>) src(%dma_wait3A_275 : memref<2048xi32, #tpu.memory_space<hbm>>) dst(%dma_wait3A_274 : memref<2048xi32, #tpu.memory_space<vmem>>)
      tpu.yield
    }) : () -> ()
    %add3A_185 = arith.constant 2048 : i32
    %add3A_186 = arith.addi %mul3A_184, %add3A_185 : i32
    "tpu.region"() ({
      %run_scoped3A = tpu.sem_alloc : memref<!tpu.dma_semaphore, #tpu.memory_space<semaphore_mem>>
      %dma_start3A_265 = arith.constant 0 : i32
      %dma_start3A_266 = tpu.memref_slice %arg15[%dma_start3A_265] : memref<2048xi32, #tpu.memory_space<vmem>> -> memref<2048xi32, #tpu.memory_space<vmem>>
      %dma_start3A_267 = tpu.memref_slice %arg7[%add3A_186] : memref<65536xi32, #tpu.memory_space<hbm>> -> memref<2048xi32, #tpu.memory_space<hbm>>
      %dma_start3A_268 = arith.constant 0 : i32
      %dma_start3A_269 = tpu.memref_slice %arg15[%dma_start3A_268] : memref<2048xi32, #tpu.memory_space<vmem>> -> memref<2048xi32, #tpu.memory_space<vmem>>
      %dma_start3A_270 = tpu.memref_slice %arg7[%add3A_186] : memref<65536xi32, #tpu.memory_space<hbm>> -> memref<2048xi32, #tpu.memory_space<hbm>>
      tpu.enqueue_dma source(%dma_start3A_270 : memref<2048xi32, #tpu.memory_space<hbm>>) target(%dma_start3A_269 : memref<2048xi32, #tpu.memory_space<vmem>>) target_semaphore(%run_scoped3A : memref<!tpu.dma_semaphore, #tpu.memory_space<semaphore_mem>>)
      %dma_wait3A = arith.constant 0 : i32
      %dma_wait3A_271 = tpu.memref_slice %arg15[%dma_wait3A] : memref<2048xi32, #tpu.memory_space<vmem>> -> memref<2048xi32, #tpu.memory_space<vmem>>
      %dma_wait3A_272 = tpu.memref_slice %arg7[%add3A_186] : memref<65536xi32, #tpu.memory_space<hbm>> -> memref<2048xi32, #tpu.memory_space<hbm>>
      %dma_wait3A_273 = arith.constant 0 : i32
      %dma_wait3A_274 = tpu.memref_slice %arg15[%dma_wait3A_273] : memref<2048xi32, #tpu.memory_space<vmem>> -> memref<2048xi32, #tpu.memory_space<vmem>>
      %dma_wait3A_275 = tpu.memref_slice %arg7[%add3A_186] : memref<65536xi32, #tpu.memory_space<hbm>> -> memref<2048xi32, #tpu.memory_space<hbm>>
      tpu.wait_dma2 semaphore(%run_scoped3A : memref<!tpu.dma_semaphore, #tpu.memory_space<semaphore_mem>>) src(%dma_wait3A_275 : memref<2048xi32, #tpu.memory_space<hbm>>) dst(%dma_wait3A_274 : memref<2048xi32, #tpu.memory_space<vmem>>)
      tpu.yield
    }) : () -> ()
    %add3A_187 = arith.constant 4096 : i32
    %add3A_188 = arith.addi %mul3A_184, %add3A_187 : i32
    "tpu.region"() ({
      %run_scoped3A = tpu.sem_alloc : memref<!tpu.dma_semaphore, #tpu.memory_space<semaphore_mem>>
      %dma_start3A_265 = arith.constant 0 : i32
      %dma_start3A_266 = tpu.memref_slice %arg16[%dma_start3A_265] : memref<2048xi32, #tpu.memory_space<vmem>> -> memref<2048xi32, #tpu.memory_space<vmem>>
      %dma_start3A_267 = tpu.memref_slice %arg7[%add3A_188] : memref<65536xi32, #tpu.memory_space<hbm>> -> memref<2048xi32, #tpu.memory_space<hbm>>
      %dma_start3A_268 = arith.constant 0 : i32
      %dma_start3A_269 = tpu.memref_slice %arg16[%dma_start3A_268] : memref<2048xi32, #tpu.memory_space<vmem>> -> memref<2048xi32, #tpu.memory_space<vmem>>
      %dma_start3A_270 = tpu.memref_slice %arg7[%add3A_188] : memref<65536xi32, #tpu.memory_space<hbm>> -> memref<2048xi32, #tpu.memory_space<hbm>>
      tpu.enqueue_dma source(%dma_start3A_270 : memref<2048xi32, #tpu.memory_space<hbm>>) target(%dma_start3A_269 : memref<2048xi32, #tpu.memory_space<vmem>>) target_semaphore(%run_scoped3A : memref<!tpu.dma_semaphore, #tpu.memory_space<semaphore_mem>>)
      %dma_wait3A = arith.constant 0 : i32
      %dma_wait3A_271 = tpu.memref_slice %arg16[%dma_wait3A] : memref<2048xi32, #tpu.memory_space<vmem>> -> memref<2048xi32, #tpu.memory_space<vmem>>
      %dma_wait3A_272 = tpu.memref_slice %arg7[%add3A_188] : memref<65536xi32, #tpu.memory_space<hbm>> -> memref<2048xi32, #tpu.memory_space<hbm>>
      %dma_wait3A_273 = arith.constant 0 : i32
      %dma_wait3A_274 = tpu.memref_slice %arg16[%dma_wait3A_273] : memref<2048xi32, #tpu.memory_space<vmem>> -> memref<2048xi32, #tpu.memory_space<vmem>>
      %dma_wait3A_275 = tpu.memref_slice %arg7[%add3A_188] : memref<65536xi32, #tpu.memory_space<hbm>> -> memref<2048xi32, #tpu.memory_space<hbm>>
      tpu.wait_dma2 semaphore(%run_scoped3A : memref<!tpu.dma_semaphore, #tpu.memory_space<semaphore_mem>>) src(%dma_wait3A_275 : memref<2048xi32, #tpu.memory_space<hbm>>) dst(%dma_wait3A_274 : memref<2048xi32, #tpu.memory_space<vmem>>)
      tpu.yield
    }) : () -> ()
    %add3A_189 = arith.constant 6144 : i32
    %add3A_190 = arith.addi %mul3A_184, %add3A_189 : i32
    "tpu.region"() ({
      %run_scoped3A = tpu.sem_alloc : memref<!tpu.dma_semaphore, #tpu.memory_space<semaphore_mem>>
      %dma_start3A_265 = arith.constant 0 : i32
      %dma_start3A_266 = tpu.memref_slice %arg17[%dma_start3A_265] : memref<2048xi32, #tpu.memory_space<vmem>> -> memref<2048xi32, #tpu.memory_space<vmem>>
      %dma_start3A_267 = tpu.memref_slice %arg7[%add3A_190] : memref<65536xi32, #tpu.memory_space<hbm>> -> memref<2048xi32, #tpu.memory_space<hbm>>
      %dma_start3A_268 = arith.constant 0 : i32
      %dma_start3A_269 = tpu.memref_slice %arg17[%dma_start3A_268] : memref<2048xi32, #tpu.memory_space<vmem>> -> memref<2048xi32, #tpu.memory_space<vmem>>
      %dma_start3A_270 = tpu.memref_slice %arg7[%add3A_190] : memref<65536xi32, #tpu.memory_space<hbm>> -> memref<2048xi32, #tpu.memory_space<hbm>>
      tpu.enqueue_dma source(%dma_start3A_270 : memref<2048xi32, #tpu.memory_space<hbm>>) target(%dma_start3A_269 : memref<2048xi32, #tpu.memory_space<vmem>>) target_semaphore(%run_scoped3A : memref<!tpu.dma_semaphore, #tpu.memory_space<semaphore_mem>>)
      %dma_wait3A = arith.constant 0 : i32
      %dma_wait3A_271 = tpu.memref_slice %arg17[%dma_wait3A] : memref<2048xi32, #tpu.memory_space<vmem>> -> memref<2048xi32, #tpu.memory_space<vmem>>
      %dma_wait3A_272 = tpu.memref_slice %arg7[%add3A_190] : memref<65536xi32, #tpu.memory_space<hbm>> -> memref<2048xi32, #tpu.memory_space<hbm>>
      %dma_wait3A_273 = arith.constant 0 : i32
      %dma_wait3A_274 = tpu.memref_slice %arg17[%dma_wait3A_273] : memref<2048xi32, #tpu.memory_space<vmem>> -> memref<2048xi32, #tpu.memory_space<vmem>>
      %dma_wait3A_275 = tpu.memref_slice %arg7[%add3A_190] : memref<65536xi32, #tpu.memory_space<hbm>> -> memref<2048xi32, #tpu.memory_space<hbm>>
      tpu.wait_dma2 semaphore(%run_scoped3A : memref<!tpu.dma_semaphore, #tpu.memory_space<semaphore_mem>>) src(%dma_wait3A_275 : memref<2048xi32, #tpu.memory_space<hbm>>) dst(%dma_wait3A_274 : memref<2048xi32, #tpu.memory_space<vmem>>)
      tpu.yield
    }) : () -> ()
    %scan3A_191 = arith.constant 0 : i32
    %scan3A_192 = arith.constant 0 : i32
    %scan3A_193 = arith.constant 0 : i32
    %scan3A_194 = arith.constant 0 : i32
    %scan3A_195 = arith.constant 0 : i32
    %scan3A_196 = arith.constant 128 : i32
    %scan3A_197 = arith.addi %scan3A_195, %scan3A_196 : i32
    %scan3A_198 = arith.constant 1 : i32
    %scan3A_199:4 = scf.for %scan3A_265 = %scan3A_195 to %scan3A_197 step %scan3A_198 iter_args(%scan3A_266 = %scan3A_191, %scan3A_267 = %scan3A_192, %scan3A_268 = %scan3A_193, %scan3A_269 = %scan3A_194) -> (i32, i32, i32, i32)  : i32 {
      %mul3A_270 = arith.constant 16 : i32
      %mul3A_271 = arith.muli %scan3A_265, %mul3A_270 : i32
      %get3A_272 = arith.index_cast %mul3A_271 : i32 to index
      %get3A_273 = tpu.vector_load %arg14[%get3A_272] {strides = array<i32>} : memref<2048xi32, #tpu.memory_space<vmem>>, vector<16xi32>,
      %get3A_274 = arith.index_cast %mul3A_271 : i32 to index
      %get3A_275 = tpu.vector_load %arg15[%get3A_274] {strides = array<i32>} : memref<2048xi32, #tpu.memory_space<vmem>>, vector<16xi32>,
      %add3A_276 = arith.addi %get3A_273, %get3A_275 : vector<16xi32>
      %get3A_277 = arith.index_cast %mul3A_271 : i32 to index
      %get3A_278 = tpu.vector_load %arg16[%get3A_277] {strides = array<i32>} : memref<2048xi32, #tpu.memory_space<vmem>>, vector<16xi32>,
      %add3A_279 = arith.addi %add3A_276, %get3A_278 : vector<16xi32>
      %get3A_280 = arith.index_cast %mul3A_271 : i32 to index
      %get3A_281 = tpu.vector_load %arg17[%get3A_280] {strides = array<i32>} : memref<2048xi32, #tpu.memory_space<vmem>>, vector<16xi32>,
      %add3A_282 = arith.addi %add3A_279, %get3A_281 : vector<16xi32>
      %cumsum3A = arith.constant true
      %cumsum3A_283 = vector.broadcast %cumsum3A : i1 to vector<16xi1>
      %cumsum3A_284 = tpu.scan <sum>, %add3A_282 masked %cumsum3A_283 : vector<16xi32>, vector<16xi1> -> vector<16xi32>
      %add3A_285 = vector.broadcast %scan3A_266 : i32 to vector<16xi32>
      %add3A_286 = arith.addi %cumsum3A_284, %add3A_285 : vector<16xi32>
      %ge3A = vector.broadcast %sub3A_150 : i32 to vector<16xi32>
      %ge3A_287 = arith.cmpi sge, %add3A_286, %ge3A : vector<16xi32>
      %convert_element_type3A_288 = arith.extui %ge3A_287 : vector<16xi1> to vector<16xi32>
      %reduce_sum3A = arith.constant true
      %reduce_sum3A_289 = vector.broadcast %reduce_sum3A : i1 to vector<16xi1>
      %reduce_sum3A_290 = tpu.scan <sum>, %convert_element_type3A_288 masked %reduce_sum3A_289 : vector<16xi32>, vector<16xi1> -> vector<16xi32>
      %reduce_sum3A_291 = vector.extract %reduce_sum3A_290[15] : i32 from vector<16xi32>
      %reduce_sum3A_292 = arith.constant true
      %reduce_sum3A_293 = vector.broadcast %reduce_sum3A_292 : i1 to vector<16xi1>
      %reduce_sum3A_294 = tpu.scan <sum>, %add3A_282 masked %reduce_sum3A_293 : vector<16xi32>, vector<16xi1> -> vector<16xi32>
      %reduce_sum3A_295 = vector.extract %reduce_sum3A_294[15] : i32 from vector<16xi32>
      %jit3A_296 = arith.constant 0 : i32
      %broadcast_in_dim3A_297 = vector.broadcast %jit3A_296 : i32 to vector<16xi32>
      %select_n3A_298 = arith.select %ge3A_287, %broadcast_in_dim3A_297, %add3A_282 : vector<16xi1>, vector<16xi32>
      %reduce_sum3A_299 = arith.constant true
      %reduce_sum3A_300 = vector.broadcast %reduce_sum3A_299 : i1 to vector<16xi1>
      %reduce_sum3A_301 = tpu.scan <sum>, %select_n3A_298 masked %reduce_sum3A_300 : vector<16xi32>, vector<16xi1> -> vector<16xi32>
      %reduce_sum3A_302 = vector.extract %reduce_sum3A_301[15] : i32 from vector<16xi32>
      %eq3A_303 = arith.constant 0 : i32
      %eq3A_304 = arith.cmpi eq, %scan3A_267, %eq3A_303 : i32
      %gt3A = arith.constant 0 : i32
      %gt3A_305 = arith.cmpi sgt, %reduce_sum3A_291, %gt3A : i32
      %and3A_306 = arith.andi %eq3A_304, %gt3A_305 : i1
      %mul3A_307 = arith.constant 16 : i32
      %mul3A_308 = arith.muli %scan3A_265, %mul3A_307 : i32
      %sub3A_309 = arith.constant 16 : i32
      %sub3A_310 = arith.subi %sub3A_309, %reduce_sum3A_291 : i32
      %add3A_311 = arith.addi %mul3A_308, %sub3A_310 : i32
      %select_n3A_312 = arith.select %and3A_306, %add3A_311, %scan3A_268 : i32
      %add3A_313 = arith.addi %scan3A_266, %reduce_sum3A_302 : i32
      %select_n3A_314 = arith.select %and3A_306, %add3A_313, %scan3A_269 : i32
      %gt3A_315 = arith.constant 0 : i32
      %gt3A_316 = arith.cmpi sgt, %reduce_sum3A_291, %gt3A_315 : i32
      %jit3A_317 = arith.constant 1 : i32
      %select_n3A_318 = arith.select %gt3A_316, %jit3A_317, %scan3A_267 : i32
      %add3A_319 = arith.addi %scan3A_266, %reduce_sum3A_295 : i32
      scf.yield %add3A_319, %select_n3A_318, %select_n3A_312, %select_n3A_314 : i32, i32, i32, i32
    }
    %scan3A_200 = arith.constant 128 : i32
    %sub3A_201 = arith.subi %sub3A_150, %scan3A_199#3 : i32
    %barrier3A_202 = arith.constant 0 : index
    tpu.barrier barrier_id(%barrier3A_202)
    %shift_left3A = arith.constant 11 : i32
    %shift_left3A_203 = arith.shli %scan3A_147#2, %shift_left3A : i32
    %or3A = arith.ori %shift_left3A_203, %scan3A_199#2 : i32
    %mul3A_204 = arith.constant 1024 : i32
    %mul3A_205 = vector.broadcast %mul3A_204 : i32 to vector<16xi32>
    %mul3A_206 = arith.muli %iota3A, %mul3A_205 : vector<16xi32>
    %get3A_207 = arith.constant 0 : index
    %get3A_208 = tpu.vector_load %arg18[%get3A_207] {strides = array<i32>} : memref<96xf32, #tpu.memory_space<vmem>>, vector<16xf32>,
    %get3A_209 = arith.constant 16 : index
    %get3A_210 = tpu.vector_load %arg18[%get3A_209] {strides = array<i32>} : memref<96xf32, #tpu.memory_space<vmem>>, vector<16xf32>,
    %get3A_211 = arith.constant 32 : index
    %get3A_212 = tpu.vector_load %arg18[%get3A_211] {strides = array<i32>} : memref<96xf32, #tpu.memory_space<vmem>>, vector<16xf32>,
    %get3A_213 = arith.constant 48 : index
    %get3A_214 = tpu.vector_load %arg18[%get3A_213] {strides = array<i32>} : memref<96xf32, #tpu.memory_space<vmem>>, vector<16xf32>,
    %get3A_215 = arith.constant 64 : index
    %get3A_216 = tpu.vector_load %arg18[%get3A_215] {strides = array<i32>} : memref<96xf32, #tpu.memory_space<vmem>>, vector<16xf32>,
    %get3A_217 = arith.constant 80 : index
    %get3A_218 = tpu.vector_load %arg18[%get3A_217] {strides = array<i32>} : memref<96xf32, #tpu.memory_space<vmem>>, vector<16xf32>,
    %dma_start3A_219 = tpu.memref_slice %arg2[%add3A_35] : memref<12582912xf32, #tpu.memory_space<hbm>> -> memref<24576xf32, #tpu.memory_space<hbm>>
    %dma_start3A_220 = tpu.memref_slice %arg2[%add3A_35] : memref<12582912xf32, #tpu.memory_space<hbm>> -> memref<24576xf32, #tpu.memory_space<hbm>>
    tpu.enqueue_dma source(%dma_start3A_220 : memref<24576xf32, #tpu.memory_space<hbm>>) target(%arg8 : memref<24576xf32, #tpu.memory_space<vmem>>) target_semaphore(%arg10 : memref<!tpu.dma_semaphore, #tpu.memory_space<semaphore_mem>>)
    %scan3A_221 = arith.constant 0 : i32
    %scan3A_222 = arith.constant 0 : i32
    %scan3A_223 = arith.constant 8 : i32
    %scan3A_224 = arith.addi %scan3A_222, %scan3A_223 : i32
    %scan3A_225 = arith.constant 1 : i32
    scf.for %scan3A_265 = %scan3A_222 to %scan3A_224 step %scan3A_225  : i32 {
      %mul3A_266 = arith.constant 2 : i32
      %mul3A_267 = arith.muli %mul3A_266, %scan3A_265 : i32
      %mul3A_268 = arith.constant 24576 : i32
      %mul3A_269 = arith.muli %mul3A_267, %mul3A_268 : i32
      %add3A_270 = arith.addi %add3A_35, %mul3A_269 : i32
      %add3A_271 = arith.constant 24576 : i32
      %add3A_272 = arith.addi %add3A_270, %add3A_271 : i32
      %dma_start3A_273 = tpu.memref_slice %arg2[%add3A_272] : memref<12582912xf32, #tpu.memory_space<hbm>> -> memref<24576xf32, #tpu.memory_space<hbm>>
      %dma_start3A_274 = tpu.memref_slice %arg2[%add3A_272] : memref<12582912xf32, #tpu.memory_space<hbm>> -> memref<24576xf32, #tpu.memory_space<hbm>>
      tpu.enqueue_dma source(%dma_start3A_274 : memref<24576xf32, #tpu.memory_space<hbm>>) target(%arg9 : memref<24576xf32, #tpu.memory_space<vmem>>) target_semaphore(%arg11 : memref<!tpu.dma_semaphore, #tpu.memory_space<semaphore_mem>>)
      %dma_wait3A = arith.constant 0 : i32
      %dma_wait3A_275 = tpu.memref_slice %arg2[%dma_wait3A] : memref<12582912xf32, #tpu.memory_space<hbm>> -> memref<24576xf32, #tpu.memory_space<hbm>>
      %dma_wait3A_276 = arith.constant 0 : i32
      %dma_wait3A_277 = tpu.memref_slice %arg2[%dma_wait3A_276] : memref<12582912xf32, #tpu.memory_space<hbm>> -> memref<24576xf32, #tpu.memory_space<hbm>>
      tpu.wait_dma2 semaphore(%arg10 : memref<!tpu.dma_semaphore, #tpu.memory_space<semaphore_mem>>) src(%dma_wait3A_277 : memref<24576xf32, #tpu.memory_space<hbm>>) dst(%arg8 : memref<24576xf32, #tpu.memory_space<vmem>>)
      %parallel_loop3A_278 = arith.constant 0 : i32
      %parallel_loop3A_279 = arith.constant 256 : i32
      %parallel_loop3A_280 = arith.constant 1 : i32
      scf.for %parallel_loop3A_293 = %parallel_loop3A_278 to %parallel_loop3A_279 step %parallel_loop3A_280  : i32 {
        %parallel_loop3A_294 = arith.constant 96 : i32
        %parallel_loop3A_295 = arith.muli %parallel_loop3A_293, %parallel_loop3A_294 : i32
        %parallel_loop3A_296 = arith.constant 0 : i32
        %parallel_loop3A_297 = arith.addi %parallel_loop3A_295, %parallel_loop3A_296 : i32
        %parallel_loop3A_298 = arith.index_cast %parallel_loop3A_297 : i32 to index
        %parallel_loop3A_299 = tpu.vector_load %arg8[%parallel_loop3A_298] {strides = array<i32>} : memref<24576xf32, #tpu.memory_space<vmem>>, vector<16xf32>,
        %parallel_loop3A_300 = arith.constant 16 : i32
        %parallel_loop3A_301 = arith.addi %parallel_loop3A_295, %parallel_loop3A_300 : i32
        %parallel_loop3A_302 = arith.index_cast %parallel_loop3A_301 : i32 to index
        %parallel_loop3A_303 = tpu.vector_load %arg8[%parallel_loop3A_302] {strides = array<i32>} : memref<24576xf32, #tpu.memory_space<vmem>>, vector<16xf32>,
        %parallel_loop3A_304 = arith.constant 32 : i32
        %parallel_loop3A_305 = arith.addi %parallel_loop3A_295, %parallel_loop3A_304 : i32
        %parallel_loop3A_306 = arith.index_cast %parallel_loop3A_305 : i32 to index
        %parallel_loop3A_307 = tpu.vector_load %arg8[%parallel_loop3A_306] {strides = array<i32>} : memref<24576xf32, #tpu.memory_space<vmem>>, vector<16xf32>,
        %parallel_loop3A_308 = arith.constant 48 : i32
        %parallel_loop3A_309 = arith.addi %parallel_loop3A_295, %parallel_loop3A_308 : i32
        %parallel_loop3A_310 = arith.index_cast %parallel_loop3A_309 : i32 to index
        %parallel_loop3A_311 = tpu.vector_load %arg8[%parallel_loop3A_310] {strides = array<i32>} : memref<24576xf32, #tpu.memory_space<vmem>>, vector<16xf32>,
        %parallel_loop3A_312 = arith.constant 64 : i32
        %parallel_loop3A_313 = arith.addi %parallel_loop3A_295, %parallel_loop3A_312 : i32
        %parallel_loop3A_314 = arith.index_cast %parallel_loop3A_313 : i32 to index
        %parallel_loop3A_315 = tpu.vector_load %arg8[%parallel_loop3A_314] {strides = array<i32>} : memref<24576xf32, #tpu.memory_space<vmem>>, vector<16xf32>,
        %parallel_loop3A_316 = arith.constant 80 : i32
        %parallel_loop3A_317 = arith.addi %parallel_loop3A_295, %parallel_loop3A_316 : i32
        %parallel_loop3A_318 = arith.index_cast %parallel_loop3A_317 : i32 to index
        %parallel_loop3A_319 = tpu.vector_load %arg8[%parallel_loop3A_318] {strides = array<i32>} : memref<24576xf32, #tpu.memory_space<vmem>>, vector<16xf32>,
        %parallel_loop3A_320 = arith.mulf %parallel_loop3A_299, %get3A_208 : vector<16xf32>
        %parallel_loop3A_321 = tpu.bitcast %parallel_loop3A_320 : vector<16xf32> -> vector<16xi32>
        %parallel_loop3A_322 = arith.constant 0 : i32
        %parallel_loop3A_323 = vector.broadcast %parallel_loop3A_322 : i32 to vector<16xi32>
        %parallel_loop3A_324 = arith.cmpi slt, %parallel_loop3A_321, %parallel_loop3A_323 : vector<16xi32>
        %parallel_loop3A_325 = arith.constant 2147483647 : i32
        %parallel_loop3A_326 = vector.broadcast %parallel_loop3A_325 : i32 to vector<16xi32>
        %parallel_loop3A_327 = arith.xori %parallel_loop3A_321, %parallel_loop3A_326 : vector<16xi32>
        %parallel_loop3A_328 = arith.select %parallel_loop3A_324, %parallel_loop3A_321, %parallel_loop3A_327 : vector<16xi1>, vector<16xi32>
        %parallel_loop3A_329 = tpu.bitcast %parallel_loop3A_328 : vector<16xi32> -> vector<16xi32>
        %parallel_loop3A_330 = arith.mulf %parallel_loop3A_303, %get3A_210 : vector<16xf32>
        %parallel_loop3A_331 = tpu.bitcast %parallel_loop3A_330 : vector<16xf32> -> vector<16xi32>
        %parallel_loop3A_332 = arith.constant 0 : i32
        %parallel_loop3A_333 = vector.broadcast %parallel_loop3A_332 : i32 to vector<16xi32>
        %parallel_loop3A_334 = arith.cmpi slt, %parallel_loop3A_331, %parallel_loop3A_333 : vector<16xi32>
        %parallel_loop3A_335 = arith.constant 2147483647 : i32
        %parallel_loop3A_336 = vector.broadcast %parallel_loop3A_335 : i32 to vector<16xi32>
        %parallel_loop3A_337 = arith.xori %parallel_loop3A_331, %parallel_loop3A_336 : vector<16xi32>
        %parallel_loop3A_338 = arith.select %parallel_loop3A_334, %parallel_loop3A_331, %parallel_loop3A_337 : vector<16xi1>, vector<16xi32>
        %parallel_loop3A_339 = tpu.bitcast %parallel_loop3A_338 : vector<16xi32> -> vector<16xi32>
        %parallel_loop3A_340 = arith.mulf %parallel_loop3A_307, %get3A_212 : vector<16xf32>
        %parallel_loop3A_341 = tpu.bitcast %parallel_loop3A_340 : vector<16xf32> -> vector<16xi32>
        %parallel_loop3A_342 = arith.constant 0 : i32
        %parallel_loop3A_343 = vector.broadcast %parallel_loop3A_342 : i32 to vector<16xi32>
        %parallel_loop3A_344 = arith.cmpi slt, %parallel_loop3A_341, %parallel_loop3A_343 : vector<16xi32>
        %parallel_loop3A_345 = arith.constant 2147483647 : i32
        %parallel_loop3A_346 = vector.broadcast %parallel_loop3A_345 : i32 to vector<16xi32>
        %parallel_loop3A_347 = arith.xori %parallel_loop3A_341, %parallel_loop3A_346 : vector<16xi32>
        %parallel_loop3A_348 = arith.select %parallel_loop3A_344, %parallel_loop3A_341, %parallel_loop3A_347 : vector<16xi1>, vector<16xi32>
        %parallel_loop3A_349 = tpu.bitcast %parallel_loop3A_348 : vector<16xi32> -> vector<16xi32>
        %parallel_loop3A_350 = arith.mulf %parallel_loop3A_311, %get3A_214 : vector<16xf32>
        %parallel_loop3A_351 = tpu.bitcast %parallel_loop3A_350 : vector<16xf32> -> vector<16xi32>
        %parallel_loop3A_352 = arith.constant 0 : i32
        %parallel_loop3A_353 = vector.broadcast %parallel_loop3A_352 : i32 to vector<16xi32>
        %parallel_loop3A_354 = arith.cmpi slt, %parallel_loop3A_351, %parallel_loop3A_353 : vector<16xi32>
        %parallel_loop3A_355 = arith.constant 2147483647 : i32
        %parallel_loop3A_356 = vector.broadcast %parallel_loop3A_355 : i32 to vector<16xi32>
        %parallel_loop3A_357 = arith.xori %parallel_loop3A_351, %parallel_loop3A_356 : vector<16xi32>
        %parallel_loop3A_358 = arith.select %parallel_loop3A_354, %parallel_loop3A_351, %parallel_loop3A_357 : vector<16xi1>, vector<16xi32>
        %parallel_loop3A_359 = tpu.bitcast %parallel_loop3A_358 : vector<16xi32> -> vector<16xi32>
        %parallel_loop3A_360 = arith.mulf %parallel_loop3A_315, %get3A_216 : vector<16xf32>
        %parallel_loop3A_361 = tpu.bitcast %parallel_loop3A_360 : vector<16xf32> -> vector<16xi32>
        %parallel_loop3A_362 = arith.constant 0 : i32
        %parallel_loop3A_363 = vector.broadcast %parallel_loop3A_362 : i32 to vector<16xi32>
        %parallel_loop3A_364 = arith.cmpi slt, %parallel_loop3A_361, %parallel_loop3A_363 : vector<16xi32>
        %parallel_loop3A_365 = arith.constant 2147483647 : i32
        %parallel_loop3A_366 = vector.broadcast %parallel_loop3A_365 : i32 to vector<16xi32>
        %parallel_loop3A_367 = arith.xori %parallel_loop3A_361, %parallel_loop3A_366 : vector<16xi32>
        %parallel_loop3A_368 = arith.select %parallel_loop3A_364, %parallel_loop3A_361, %parallel_loop3A_367 : vector<16xi1>, vector<16xi32>
        %parallel_loop3A_369 = tpu.bitcast %parallel_loop3A_368 : vector<16xi32> -> vector<16xi32>
        %parallel_loop3A_370 = arith.mulf %parallel_loop3A_319, %get3A_218 : vector<16xf32>
        %parallel_loop3A_371 = tpu.bitcast %parallel_loop3A_370 : vector<16xf32> -> vector<16xi32>
        %parallel_loop3A_372 = arith.constant 0 : i32
        %parallel_loop3A_373 = vector.broadcast %parallel_loop3A_372 : i32 to vector<16xi32>
        %parallel_loop3A_374 = arith.cmpi slt, %parallel_loop3A_371, %parallel_loop3A_373 : vector<16xi32>
        %parallel_loop3A_375 = arith.constant 2147483647 : i32
        %parallel_loop3A_376 = vector.broadcast %parallel_loop3A_375 : i32 to vector<16xi32>
        %parallel_loop3A_377 = arith.xori %parallel_loop3A_371, %parallel_loop3A_376 : vector<16xi32>
        %parallel_loop3A_378 = arith.select %parallel_loop3A_374, %parallel_loop3A_371, %parallel_loop3A_377 : vector<16xi1>, vector<16xi32>
        %parallel_loop3A_379 = tpu.bitcast %parallel_loop3A_378 : vector<16xi32> -> vector<16xi32>
        %parallel_loop3A_380 = arith.constant 1023 : i32
        %parallel_loop3A_381 = vector.broadcast %parallel_loop3A_380 : i32 to vector<16xi32>
        %parallel_loop3A_382 = arith.andi %parallel_loop3A_329, %parallel_loop3A_381 : vector<16xi32>
        %parallel_loop3A_383 = arith.addi %parallel_loop3A_382, %mul3A_206 : vector<16xi32>
        %parallel_loop3A_384 = arith.constant 1023 : i32
        %parallel_loop3A_385 = vector.broadcast %parallel_loop3A_384 : i32 to vector<16xi32>
        %parallel_loop3A_386 = arith.andi %parallel_loop3A_339, %parallel_loop3A_385 : vector<16xi32>
        %parallel_loop3A_387 = arith.addi %parallel_loop3A_386, %mul3A_206 : vector<16xi32>
        %parallel_loop3A_388 = arith.constant 1023 : i32
        %parallel_loop3A_389 = vector.broadcast %parallel_loop3A_388 : i32 to vector<16xi32>
        %parallel_loop3A_390 = arith.andi %parallel_loop3A_349, %parallel_loop3A_389 : vector<16xi32>
        %parallel_loop3A_391 = arith.addi %parallel_loop3A_390, %mul3A_206 : vector<16xi32>
        %parallel_loop3A_392 = arith.constant 1023 : i32
        %parallel_loop3A_393 = vector.broadcast %parallel_loop3A_392 : i32 to vector<16xi32>
        %parallel_loop3A_394 = arith.andi %parallel_loop3A_359, %parallel_loop3A_393 : vector<16xi32>
        %parallel_loop3A_395 = arith.addi %parallel_loop3A_394, %mul3A_206 : vector<16xi32>
        %parallel_loop3A_396 = arith.constant 1023 : i32
        %parallel_loop3A_397 = vector.broadcast %parallel_loop3A_396 : i32 to vector<16xi32>
        %parallel_loop3A_398 = arith.andi %parallel_loop3A_369, %parallel_loop3A_397 : vector<16xi32>
        %parallel_loop3A_399 = arith.addi %parallel_loop3A_398, %mul3A_206 : vector<16xi32>
        %parallel_loop3A_400 = arith.constant 1023 : i32
        %parallel_loop3A_401 = vector.broadcast %parallel_loop3A_400 : i32 to vector<16xi32>
        %parallel_loop3A_402 = arith.andi %parallel_loop3A_379, %parallel_loop3A_401 : vector<16xi32>
        %parallel_loop3A_403 = arith.addi %parallel_loop3A_402, %mul3A_206 : vector<16xi32>
        %parallel_loop3A_404 = arith.constant 10 : i32
        %parallel_loop3A_405 = vector.broadcast %parallel_loop3A_404 : i32 to vector<16xi32>
        %parallel_loop3A_406 = arith.shrui %parallel_loop3A_329, %parallel_loop3A_405 : vector<16xi32>
        %parallel_loop3A_407 = vector.broadcast %or3A : i32 to vector<16xi32>
        %parallel_loop3A_408 = arith.cmpi eq, %parallel_loop3A_406, %parallel_loop3A_407 : vector<16xi32>
        %parallel_loop3A_409 = arith.constant 10 : i32
        %parallel_loop3A_410 = vector.broadcast %parallel_loop3A_409 : i32 to vector<16xi32>
        %parallel_loop3A_411 = arith.shrui %parallel_loop3A_339, %parallel_loop3A_410 : vector<16xi32>
        %parallel_loop3A_412 = vector.broadcast %or3A : i32 to vector<16xi32>
        %parallel_loop3A_413 = arith.cmpi eq, %parallel_loop3A_411, %parallel_loop3A_412 : vector<16xi32>
        %parallel_loop3A_414 = arith.constant 10 : i32
        %parallel_loop3A_415 = vector.broadcast %parallel_loop3A_414 : i32 to vector<16xi32>
        %parallel_loop3A_416 = arith.shrui %parallel_loop3A_349, %parallel_loop3A_415 : vector<16xi32>
        %parallel_loop3A_417 = vector.broadcast %or3A : i32 to vector<16xi32>
        %parallel_loop3A_418 = arith.cmpi eq, %parallel_loop3A_416, %parallel_loop3A_417 : vector<16xi32>
        %parallel_loop3A_419 = arith.constant 10 : i32
        %parallel_loop3A_420 = vector.broadcast %parallel_loop3A_419 : i32 to vector<16xi32>
        %parallel_loop3A_421 = arith.shrui %parallel_loop3A_359, %parallel_loop3A_420 : vector<16xi32>
        %parallel_loop3A_422 = vector.broadcast %or3A : i32 to vector<16xi32>
        %parallel_loop3A_423 = arith.cmpi eq, %parallel_loop3A_421, %parallel_loop3A_422 : vector<16xi32>
        %parallel_loop3A_424 = arith.constant 10 : i32
        %parallel_loop3A_425 = vector.broadcast %parallel_loop3A_424 : i32 to vector<16xi32>
        %parallel_loop3A_426 = arith.shrui %parallel_loop3A_369, %parallel_loop3A_425 : vector<16xi32>
        %parallel_loop3A_427 = vector.broadcast %or3A : i32 to vector<16xi32>
        %parallel_loop3A_428 = arith.cmpi eq, %parallel_loop3A_426, %parallel_loop3A_427 : vector<16xi32>
        %parallel_loop3A_429 = arith.constant 10 : i32
        %parallel_loop3A_430 = vector.broadcast %parallel_loop3A_429 : i32 to vector<16xi32>
        %parallel_loop3A_431 = arith.shrui %parallel_loop3A_379, %parallel_loop3A_430 : vector<16xi32>
        %parallel_loop3A_432 = vector.broadcast %or3A : i32 to vector<16xi32>
        %parallel_loop3A_433 = arith.cmpi eq, %parallel_loop3A_431, %parallel_loop3A_432 : vector<16xi32>
        tpu.vector_store_idx %arg12[%parallel_loop3A_383], %broadcast_in_dim3A_39 masked %parallel_loop3A_408 {add = true} : memref<32768xi32, #tpu.memory_space<vmem>>[vector<16xi32>], vector<16xi32>, vector<16xi1>
        tpu.vector_store_idx %arg12[%parallel_loop3A_387], %broadcast_in_dim3A_39 masked %parallel_loop3A_413 {add = true} : memref<32768xi32, #tpu.memory_space<vmem>>[vector<16xi32>], vector<16xi32>, vector<16xi1>
        tpu.vector_store_idx %arg12[%parallel_loop3A_391], %broadcast_in_dim3A_39 masked %parallel_loop3A_418 {add = true} : memref<32768xi32, #tpu.memory_space<vmem>>[vector<16xi32>], vector<16xi32>, vector<16xi1>
        tpu.vector_store_idx %arg12[%parallel_loop3A_395], %broadcast_in_dim3A_39 masked %parallel_loop3A_423 {add = true} : memref<32768xi32, #tpu.memory_space<vmem>>[vector<16xi32>], vector<16xi32>, vector<16xi1>
        tpu.vector_store_idx %arg12[%parallel_loop3A_399], %broadcast_in_dim3A_39 masked %parallel_loop3A_428 {add = true} : memref<32768xi32, #tpu.memory_space<vmem>>[vector<16xi32>], vector<16xi32>, vector<16xi1>
        tpu.vector_store_idx %arg12[%parallel_loop3A_403], %broadcast_in_dim3A_39 masked %parallel_loop3A_433 {add = true} : memref<32768xi32, #tpu.memory_space<vmem>>[vector<16xi32>], vector<16xi32>, vector<16xi1>
      } {sc.loop_unroll_factor = 2 : i64, sc.parallel_access}
      %lt3A_281 = arith.constant 7 : i32
      %lt3A_282 = arith.cmpi slt, %scan3A_265, %lt3A_281 : i32
      %convert_element_type3A_283 = arith.extui %lt3A_282 : i1 to i32
      %cond3A_284 = arith.constant 0 : i32
      %cond3A_285 = arith.cmpi ne, %convert_element_type3A_283, %cond3A_284 : i32
      scf.if %cond3A_285 {
        %add3A_293 = arith.constant 49152 : i32
        %add3A_294 = arith.addi %add3A_270, %add3A_293 : i32
        %dma_start3A_295 = tpu.memref_slice %arg2[%add3A_294] : memref<12582912xf32, #tpu.memory_space<hbm>> -> memref<24576xf32, #tpu.memory_space<hbm>>
        %dma_start3A_296 = tpu.memref_slice %arg2[%add3A_294] : memref<12582912xf32, #tpu.memory_space<hbm>> -> memref<24576xf32, #tpu.memory_space<hbm>>
        tpu.enqueue_dma source(%dma_start3A_296 : memref<24576xf32, #tpu.memory_space<hbm>>) target(%arg8 : memref<24576xf32, #tpu.memory_space<vmem>>) target_semaphore(%arg10 : memref<!tpu.dma_semaphore, #tpu.memory_space<semaphore_mem>>)
      } else {
      }
      %dma_wait3A_286 = arith.constant 0 : i32
      %dma_wait3A_287 = tpu.memref_slice %arg2[%dma_wait3A_286] : memref<12582912xf32, #tpu.memory_space<hbm>> -> memref<24576xf32, #tpu.memory_space<hbm>>
      %dma_wait3A_288 = arith.constant 0 : i32
      %dma_wait3A_289 = tpu.memref_slice %arg2[%dma_wait3A_288] : memref<12582912xf32, #tpu.memory_space<hbm>> -> memref<24576xf32, #tpu.memory_space<hbm>>
      tpu.wait_dma2 semaphore(%arg11 : memref<!tpu.dma_semaphore, #tpu.memory_space<semaphore_mem>>) src(%dma_wait3A_289 : memref<24576xf32, #tpu.memory_space<hbm>>) dst(%arg9 : memref<24576xf32, #tpu.memory_space<vmem>>)
      %parallel_loop3A_290 = arith.constant 0 : i32
      %parallel_loop3A_291 = arith.constant 256 : i32
      %parallel_loop3A_292 = arith.constant 1 : i32
      scf.for %parallel_loop3A_293 = %parallel_loop3A_290 to %parallel_loop3A_291 step %parallel_loop3A_292  : i32 {
        %parallel_loop3A_294 = arith.constant 96 : i32
        %parallel_loop3A_295 = arith.muli %parallel_loop3A_293, %parallel_loop3A_294 : i32
        %parallel_loop3A_296 = arith.constant 0 : i32
        %parallel_loop3A_297 = arith.addi %parallel_loop3A_295, %parallel_loop3A_296 : i32
        %parallel_loop3A_298 = arith.index_cast %parallel_loop3A_297 : i32 to index
        %parallel_loop3A_299 = tpu.vector_load %arg9[%parallel_loop3A_298] {strides = array<i32>} : memref<24576xf32, #tpu.memory_space<vmem>>, vector<16xf32>,
        %parallel_loop3A_300 = arith.constant 16 : i32
        %parallel_loop3A_301 = arith.addi %parallel_loop3A_295, %parallel_loop3A_300 : i32
        %parallel_loop3A_302 = arith.index_cast %parallel_loop3A_301 : i32 to index
        %parallel_loop3A_303 = tpu.vector_load %arg9[%parallel_loop3A_302] {strides = array<i32>} : memref<24576xf32, #tpu.memory_space<vmem>>, vector<16xf32>,
        %parallel_loop3A_304 = arith.constant 32 : i32
        %parallel_loop3A_305 = arith.addi %parallel_loop3A_295, %parallel_loop3A_304 : i32
        %parallel_loop3A_306 = arith.index_cast %parallel_loop3A_305 : i32 to index
        %parallel_loop3A_307 = tpu.vector_load %arg9[%parallel_loop3A_306] {strides = array<i32>} : memref<24576xf32, #tpu.memory_space<vmem>>, vector<16xf32>,
        %parallel_loop3A_308 = arith.constant 48 : i32
        %parallel_loop3A_309 = arith.addi %parallel_loop3A_295, %parallel_loop3A_308 : i32
        %parallel_loop3A_310 = arith.index_cast %parallel_loop3A_309 : i32 to index
        %parallel_loop3A_311 = tpu.vector_load %arg9[%parallel_loop3A_310] {strides = array<i32>} : memref<24576xf32, #tpu.memory_space<vmem>>, vector<16xf32>,
        %parallel_loop3A_312 = arith.constant 64 : i32
        %parallel_loop3A_313 = arith.addi %parallel_loop3A_295, %parallel_loop3A_312 : i32
        %parallel_loop3A_314 = arith.index_cast %parallel_loop3A_313 : i32 to index
        %parallel_loop3A_315 = tpu.vector_load %arg9[%parallel_loop3A_314] {strides = array<i32>} : memref<24576xf32, #tpu.memory_space<vmem>>, vector<16xf32>,
        %parallel_loop3A_316 = arith.constant 80 : i32
        %parallel_loop3A_317 = arith.addi %parallel_loop3A_295, %parallel_loop3A_316 : i32
        %parallel_loop3A_318 = arith.index_cast %parallel_loop3A_317 : i32 to index
        %parallel_loop3A_319 = tpu.vector_load %arg9[%parallel_loop3A_318] {strides = array<i32>} : memref<24576xf32, #tpu.memory_space<vmem>>, vector<16xf32>,
        %parallel_loop3A_320 = arith.mulf %parallel_loop3A_299, %get3A_208 : vector<16xf32>
        %parallel_loop3A_321 = tpu.bitcast %parallel_loop3A_320 : vector<16xf32> -> vector<16xi32>
        %parallel_loop3A_322 = arith.constant 0 : i32
        %parallel_loop3A_323 = vector.broadcast %parallel_loop3A_322 : i32 to vector<16xi32>
        %parallel_loop3A_324 = arith.cmpi slt, %parallel_loop3A_321, %parallel_loop3A_323 : vector<16xi32>
        %parallel_loop3A_325 = arith.constant 2147483647 : i32
        %parallel_loop3A_326 = vector.broadcast %parallel_loop3A_325 : i32 to vector<16xi32>
        %parallel_loop3A_327 = arith.xori %parallel_loop3A_321, %parallel_loop3A_326 : vector<16xi32>
        %parallel_loop3A_328 = arith.select %parallel_loop3A_324, %parallel_loop3A_321, %parallel_loop3A_327 : vector<16xi1>, vector<16xi32>
        %parallel_loop3A_329 = tpu.bitcast %parallel_loop3A_328 : vector<16xi32> -> vector<16xi32>
        %parallel_loop3A_330 = arith.mulf %parallel_loop3A_303, %get3A_210 : vector<16xf32>
        %parallel_loop3A_331 = tpu.bitcast %parallel_loop3A_330 : vector<16xf32> -> vector<16xi32>
        %parallel_loop3A_332 = arith.constant 0 : i32
        %parallel_loop3A_333 = vector.broadcast %parallel_loop3A_332 : i32 to vector<16xi32>
        %parallel_loop3A_334 = arith.cmpi slt, %parallel_loop3A_331, %parallel_loop3A_333 : vector<16xi32>
        %parallel_loop3A_335 = arith.constant 2147483647 : i32
        %parallel_loop3A_336 = vector.broadcast %parallel_loop3A_335 : i32 to vector<16xi32>
        %parallel_loop3A_337 = arith.xori %parallel_loop3A_331, %parallel_loop3A_336 : vector<16xi32>
        %parallel_loop3A_338 = arith.select %parallel_loop3A_334, %parallel_loop3A_331, %parallel_loop3A_337 : vector<16xi1>, vector<16xi32>
        %parallel_loop3A_339 = tpu.bitcast %parallel_loop3A_338 : vector<16xi32> -> vector<16xi32>
        %parallel_loop3A_340 = arith.mulf %parallel_loop3A_307, %get3A_212 : vector<16xf32>
        %parallel_loop3A_341 = tpu.bitcast %parallel_loop3A_340 : vector<16xf32> -> vector<16xi32>
        %parallel_loop3A_342 = arith.constant 0 : i32
        %parallel_loop3A_343 = vector.broadcast %parallel_loop3A_342 : i32 to vector<16xi32>
        %parallel_loop3A_344 = arith.cmpi slt, %parallel_loop3A_341, %parallel_loop3A_343 : vector<16xi32>
        %parallel_loop3A_345 = arith.constant 2147483647 : i32
        %parallel_loop3A_346 = vector.broadcast %parallel_loop3A_345 : i32 to vector<16xi32>
        %parallel_loop3A_347 = arith.xori %parallel_loop3A_341, %parallel_loop3A_346 : vector<16xi32>
        %parallel_loop3A_348 = arith.select %parallel_loop3A_344, %parallel_loop3A_341, %parallel_loop3A_347 : vector<16xi1>, vector<16xi32>
        %parallel_loop3A_349 = tpu.bitcast %parallel_loop3A_348 : vector<16xi32> -> vector<16xi32>
        %parallel_loop3A_350 = arith.mulf %parallel_loop3A_311, %get3A_214 : vector<16xf32>
        %parallel_loop3A_351 = tpu.bitcast %parallel_loop3A_350 : vector<16xf32> -> vector<16xi32>
        %parallel_loop3A_352 = arith.constant 0 : i32
        %parallel_loop3A_353 = vector.broadcast %parallel_loop3A_352 : i32 to vector<16xi32>
        %parallel_loop3A_354 = arith.cmpi slt, %parallel_loop3A_351, %parallel_loop3A_353 : vector<16xi32>
        %parallel_loop3A_355 = arith.constant 2147483647 : i32
        %parallel_loop3A_356 = vector.broadcast %parallel_loop3A_355 : i32 to vector<16xi32>
        %parallel_loop3A_357 = arith.xori %parallel_loop3A_351, %parallel_loop3A_356 : vector<16xi32>
        %parallel_loop3A_358 = arith.select %parallel_loop3A_354, %parallel_loop3A_351, %parallel_loop3A_357 : vector<16xi1>, vector<16xi32>
        %parallel_loop3A_359 = tpu.bitcast %parallel_loop3A_358 : vector<16xi32> -> vector<16xi32>
        %parallel_loop3A_360 = arith.mulf %parallel_loop3A_315, %get3A_216 : vector<16xf32>
        %parallel_loop3A_361 = tpu.bitcast %parallel_loop3A_360 : vector<16xf32> -> vector<16xi32>
        %parallel_loop3A_362 = arith.constant 0 : i32
        %parallel_loop3A_363 = vector.broadcast %parallel_loop3A_362 : i32 to vector<16xi32>
        %parallel_loop3A_364 = arith.cmpi slt, %parallel_loop3A_361, %parallel_loop3A_363 : vector<16xi32>
        %parallel_loop3A_365 = arith.constant 2147483647 : i32
        %parallel_loop3A_366 = vector.broadcast %parallel_loop3A_365 : i32 to vector<16xi32>
        %parallel_loop3A_367 = arith.xori %parallel_loop3A_361, %parallel_loop3A_366 : vector<16xi32>
        %parallel_loop3A_368 = arith.select %parallel_loop3A_364, %parallel_loop3A_361, %parallel_loop3A_367 : vector<16xi1>, vector<16xi32>
        %parallel_loop3A_369 = tpu.bitcast %parallel_loop3A_368 : vector<16xi32> -> vector<16xi32>
        %parallel_loop3A_370 = arith.mulf %parallel_loop3A_319, %get3A_218 : vector<16xf32>
        %parallel_loop3A_371 = tpu.bitcast %parallel_loop3A_370 : vector<16xf32> -> vector<16xi32>
        %parallel_loop3A_372 = arith.constant 0 : i32
        %parallel_loop3A_373 = vector.broadcast %parallel_loop3A_372 : i32 to vector<16xi32>
        %parallel_loop3A_374 = arith.cmpi slt, %parallel_loop3A_371, %parallel_loop3A_373 : vector<16xi32>
        %parallel_loop3A_375 = arith.constant 2147483647 : i32
        %parallel_loop3A_376 = vector.broadcast %parallel_loop3A_375 : i32 to vector<16xi32>
        %parallel_loop3A_377 = arith.xori %parallel_loop3A_371, %parallel_loop3A_376 : vector<16xi32>
        %parallel_loop3A_378 = arith.select %parallel_loop3A_374, %parallel_loop3A_371, %parallel_loop3A_377 : vector<16xi1>, vector<16xi32>
        %parallel_loop3A_379 = tpu.bitcast %parallel_loop3A_378 : vector<16xi32> -> vector<16xi32>
        %parallel_loop3A_380 = arith.constant 1023 : i32
        %parallel_loop3A_381 = vector.broadcast %parallel_loop3A_380 : i32 to vector<16xi32>
        %parallel_loop3A_382 = arith.andi %parallel_loop3A_329, %parallel_loop3A_381 : vector<16xi32>
        %parallel_loop3A_383 = arith.addi %parallel_loop3A_382, %mul3A_206 : vector<16xi32>
        %parallel_loop3A_384 = arith.constant 1023 : i32
        %parallel_loop3A_385 = vector.broadcast %parallel_loop3A_384 : i32 to vector<16xi32>
        %parallel_loop3A_386 = arith.andi %parallel_loop3A_339, %parallel_loop3A_385 : vector<16xi32>
        %parallel_loop3A_387 = arith.addi %parallel_loop3A_386, %mul3A_206 : vector<16xi32>
        %parallel_loop3A_388 = arith.constant 1023 : i32
        %parallel_loop3A_389 = vector.broadcast %parallel_loop3A_388 : i32 to vector<16xi32>
        %parallel_loop3A_390 = arith.andi %parallel_loop3A_349, %parallel_loop3A_389 : vector<16xi32>
        %parallel_loop3A_391 = arith.addi %parallel_loop3A_390, %mul3A_206 : vector<16xi32>
        %parallel_loop3A_392 = arith.constant 1023 : i32
        %parallel_loop3A_393 = vector.broadcast %parallel_loop3A_392 : i32 to vector<16xi32>
        %parallel_loop3A_394 = arith.andi %parallel_loop3A_359, %parallel_loop3A_393 : vector<16xi32>
        %parallel_loop3A_395 = arith.addi %parallel_loop3A_394, %mul3A_206 : vector<16xi32>
        %parallel_loop3A_396 = arith.constant 1023 : i32
        %parallel_loop3A_397 = vector.broadcast %parallel_loop3A_396 : i32 to vector<16xi32>
        %parallel_loop3A_398 = arith.andi %parallel_loop3A_369, %parallel_loop3A_397 : vector<16xi32>
        %parallel_loop3A_399 = arith.addi %parallel_loop3A_398, %mul3A_206 : vector<16xi32>
        %parallel_loop3A_400 = arith.constant 1023 : i32
        %parallel_loop3A_401 = vector.broadcast %parallel_loop3A_400 : i32 to vector<16xi32>
        %parallel_loop3A_402 = arith.andi %parallel_loop3A_379, %parallel_loop3A_401 : vector<16xi32>
        %parallel_loop3A_403 = arith.addi %parallel_loop3A_402, %mul3A_206 : vector<16xi32>
        %parallel_loop3A_404 = arith.constant 10 : i32
        %parallel_loop3A_405 = vector.broadcast %parallel_loop3A_404 : i32 to vector<16xi32>
        %parallel_loop3A_406 = arith.shrui %parallel_loop3A_329, %parallel_loop3A_405 : vector<16xi32>
        %parallel_loop3A_407 = vector.broadcast %or3A : i32 to vector<16xi32>
        %parallel_loop3A_408 = arith.cmpi eq, %parallel_loop3A_406, %parallel_loop3A_407 : vector<16xi32>
        %parallel_loop3A_409 = arith.constant 10 : i32
        %parallel_loop3A_410 = vector.broadcast %parallel_loop3A_409 : i32 to vector<16xi32>
        %parallel_loop3A_411 = arith.shrui %parallel_loop3A_339, %parallel_loop3A_410 : vector<16xi32>
        %parallel_loop3A_412 = vector.broadcast %or3A : i32 to vector<16xi32>
        %parallel_loop3A_413 = arith.cmpi eq, %parallel_loop3A_411, %parallel_loop3A_412 : vector<16xi32>
        %parallel_loop3A_414 = arith.constant 10 : i32
        %parallel_loop3A_415 = vector.broadcast %parallel_loop3A_414 : i32 to vector<16xi32>
        %parallel_loop3A_416 = arith.shrui %parallel_loop3A_349, %parallel_loop3A_415 : vector<16xi32>
        %parallel_loop3A_417 = vector.broadcast %or3A : i32 to vector<16xi32>
        %parallel_loop3A_418 = arith.cmpi eq, %parallel_loop3A_416, %parallel_loop3A_417 : vector<16xi32>
        %parallel_loop3A_419 = arith.constant 10 : i32
        %parallel_loop3A_420 = vector.broadcast %parallel_loop3A_419 : i32 to vector<16xi32>
        %parallel_loop3A_421 = arith.shrui %parallel_loop3A_359, %parallel_loop3A_420 : vector<16xi32>
        %parallel_loop3A_422 = vector.broadcast %or3A : i32 to vector<16xi32>
        %parallel_loop3A_423 = arith.cmpi eq, %parallel_loop3A_421, %parallel_loop3A_422 : vector<16xi32>
        %parallel_loop3A_424 = arith.constant 10 : i32
        %parallel_loop3A_425 = vector.broadcast %parallel_loop3A_424 : i32 to vector<16xi32>
        %parallel_loop3A_426 = arith.shrui %parallel_loop3A_369, %parallel_loop3A_425 : vector<16xi32>
        %parallel_loop3A_427 = vector.broadcast %or3A : i32 to vector<16xi32>
        %parallel_loop3A_428 = arith.cmpi eq, %parallel_loop3A_426, %parallel_loop3A_427 : vector<16xi32>
        %parallel_loop3A_429 = arith.constant 10 : i32
        %parallel_loop3A_430 = vector.broadcast %parallel_loop3A_429 : i32 to vector<16xi32>
        %parallel_loop3A_431 = arith.shrui %parallel_loop3A_379, %parallel_loop3A_430 : vector<16xi32>
        %parallel_loop3A_432 = vector.broadcast %or3A : i32 to vector<16xi32>
        %parallel_loop3A_433 = arith.cmpi eq, %parallel_loop3A_431, %parallel_loop3A_432 : vector<16xi32>
        tpu.vector_store_idx %arg12[%parallel_loop3A_383], %broadcast_in_dim3A_39 masked %parallel_loop3A_408 {add = true} : memref<32768xi32, #tpu.memory_space<vmem>>[vector<16xi32>], vector<16xi32>, vector<16xi1>
        tpu.vector_store_idx %arg12[%parallel_loop3A_387], %broadcast_in_dim3A_39 masked %parallel_loop3A_413 {add = true} : memref<32768xi32, #tpu.memory_space<vmem>>[vector<16xi32>], vector<16xi32>, vector<16xi1>
        tpu.vector_store_idx %arg12[%parallel_loop3A_391], %broadcast_in_dim3A_39 masked %parallel_loop3A_418 {add = true} : memref<32768xi32, #tpu.memory_space<vmem>>[vector<16xi32>], vector<16xi32>, vector<16xi1>
        tpu.vector_store_idx %arg12[%parallel_loop3A_395], %broadcast_in_dim3A_39 masked %parallel_loop3A_423 {add = true} : memref<32768xi32, #tpu.memory_space<vmem>>[vector<16xi32>], vector<16xi32>, vector<16xi1>
        tpu.vector_store_idx %arg12[%parallel_loop3A_399], %broadcast_in_dim3A_39 masked %parallel_loop3A_428 {add = true} : memref<32768xi32, #tpu.memory_space<vmem>>[vector<16xi32>], vector<16xi32>, vector<16xi1>
        tpu.vector_store_idx %arg12[%parallel_loop3A_403], %broadcast_in_dim3A_39 masked %parallel_loop3A_433 {add = true} : memref<32768xi32, #tpu.memory_space<vmem>>[vector<16xi32>], vector<16xi32>, vector<16xi1>
      } {sc.loop_unroll_factor = 2 : i64, sc.parallel_access}
    }
    %scan3A_226 = arith.constant 8 : i32
    %parallel_loop3A_227 = arith.constant 0 : i32
    %parallel_loop3A_228 = arith.constant 64 : i32
    %parallel_loop3A_229 = arith.constant 1 : i32
    scf.for %parallel_loop3A_265 = %parallel_loop3A_227 to %parallel_loop3A_228 step %parallel_loop3A_229  : i32 {
      %parallel_loop3A_266 = arith.constant 16 : i32
      %parallel_loop3A_267 = arith.muli %parallel_loop3A_265, %parallel_loop3A_266 : i32
      %parallel_loop3A_268 = arith.constant 0 : i32
      %parallel_loop3A_269 = arith.addi %parallel_loop3A_268, %parallel_loop3A_267 : i32
      %parallel_loop3A_270 = arith.index_cast %parallel_loop3A_269 : i32 to index
      %parallel_loop3A_271 = tpu.vector_load %arg12[%parallel_loop3A_270] {strides = array<i32>} : memref<32768xi32, #tpu.memory_space<vmem>>, vector<16xi32>,
      %parallel_loop3A_272 = arith.addi %broadcast_in_dim3A_41, %parallel_loop3A_271 : vector<16xi32>
      %parallel_loop3A_273 = arith.constant 16 : i32
      %parallel_loop3A_274 = arith.muli %parallel_loop3A_265, %parallel_loop3A_273 : i32
      %parallel_loop3A_275 = arith.constant 1024 : i32
      %parallel_loop3A_276 = arith.addi %parallel_loop3A_275, %parallel_loop3A_274 : i32
      %parallel_loop3A_277 = arith.index_cast %parallel_loop3A_276 : i32 to index
      %parallel_loop3A_278 = tpu.vector_load %arg12[%parallel_loop3A_277] {strides = array<i32>} : memref<32768xi32, #tpu.memory_space<vmem>>, vector<16xi32>,
      %parallel_loop3A_279 = arith.addi %parallel_loop3A_272, %parallel_loop3A_278 : vector<16xi32>
      %parallel_loop3A_280 = arith.constant 16 : i32
      %parallel_loop3A_281 = arith.muli %parallel_loop3A_265, %parallel_loop3A_280 : i32
      %parallel_loop3A_282 = arith.constant 2048 : i32
      %parallel_loop3A_283 = arith.addi %parallel_loop3A_282, %parallel_loop3A_281 : i32
      %parallel_loop3A_284 = arith.index_cast %parallel_loop3A_283 : i32 to index
      %parallel_loop3A_285 = tpu.vector_load %arg12[%parallel_loop3A_284] {strides = array<i32>} : memref<32768xi32, #tpu.memory_space<vmem>>, vector<16xi32>,
      %parallel_loop3A_286 = arith.addi %parallel_loop3A_279, %parallel_loop3A_285 : vector<16xi32>
      %parallel_loop3A_287 = arith.constant 16 : i32
      %parallel_loop3A_288 = arith.muli %parallel_loop3A_265, %parallel_loop3A_287 : i32
      %parallel_loop3A_289 = arith.constant 3072 : i32
      %parallel_loop3A_290 = arith.addi %parallel_loop3A_289, %parallel_loop3A_288 : i32
      %parallel_loop3A_291 = arith.index_cast %parallel_loop3A_290 : i32 to index
      %parallel_loop3A_292 = tpu.vector_load %arg12[%parallel_loop3A_291] {strides = array<i32>} : memref<32768xi32, #tpu.memory_space<vmem>>, vector<16xi32>,
      %parallel_loop3A_293 = arith.addi %parallel_loop3A_286, %parallel_loop3A_292 : vector<16xi32>
      %parallel_loop3A_294 = arith.constant 16 : i32
      %parallel_loop3A_295 = arith.muli %parallel_loop3A_265, %parallel_loop3A_294 : i32
      %parallel_loop3A_296 = arith.constant 4096 : i32
      %parallel_loop3A_297 = arith.addi %parallel_loop3A_296, %parallel_loop3A_295 : i32
      %parallel_loop3A_298 = arith.index_cast %parallel_loop3A_297 : i32 to index
      %parallel_loop3A_299 = tpu.vector_load %arg12[%parallel_loop3A_298] {strides = array<i32>} : memref<32768xi32, #tpu.memory_space<vmem>>, vector<16xi32>,
      %parallel_loop3A_300 = arith.addi %parallel_loop3A_293, %parallel_loop3A_299 : vector<16xi32>
      %parallel_loop3A_301 = arith.constant 16 : i32
      %parallel_loop3A_302 = arith.muli %parallel_loop3A_265, %parallel_loop3A_301 : i32
      %parallel_loop3A_303 = arith.constant 5120 : i32
      %parallel_loop3A_304 = arith.addi %parallel_loop3A_303, %parallel_loop3A_302 : i32
      %parallel_loop3A_305 = arith.index_cast %parallel_loop3A_304 : i32 to index
      %parallel_loop3A_306 = tpu.vector_load %arg12[%parallel_loop3A_305] {strides = array<i32>} : memref<32768xi32, #tpu.memory_space<vmem>>, vector<16xi32>,
      %parallel_loop3A_307 = arith.addi %parallel_loop3A_300, %parallel_loop3A_306 : vector<16xi32>
      %parallel_loop3A_308 = arith.constant 16 : i32
      %parallel_loop3A_309 = arith.muli %parallel_loop3A_265, %parallel_loop3A_308 : i32
      %parallel_loop3A_310 = arith.constant 6144 : i32
      %parallel_loop3A_311 = arith.addi %parallel_loop3A_310, %parallel_loop3A_309 : i32
      %parallel_loop3A_312 = arith.index_cast %parallel_loop3A_311 : i32 to index
      %parallel_loop3A_313 = tpu.vector_load %arg12[%parallel_loop3A_312] {strides = array<i32>} : memref<32768xi32, #tpu.memory_space<vmem>>, vector<16xi32>,
      %parallel_loop3A_314 = arith.addi %parallel_loop3A_307, %parallel_loop3A_313 : vector<16xi32>
      %parallel_loop3A_315 = arith.constant 16 : i32
      %parallel_loop3A_316 = arith.muli %parallel_loop3A_265, %parallel_loop3A_315 : i32
      %parallel_loop3A_317 = arith.constant 7168 : i32
      %parallel_loop3A_318 = arith.addi %parallel_loop3A_317, %parallel_loop3A_316 : i32
      %parallel_loop3A_319 = arith.index_cast %parallel_loop3A_318 : i32 to index
      %parallel_loop3A_320 = tpu.vector_load %arg12[%parallel_loop3A_319] {strides = array<i32>} : memref<32768xi32, #tpu.memory_space<vmem>>, vector<16xi32>,
      %parallel_loop3A_321 = arith.addi %parallel_loop3A_314, %parallel_loop3A_320 : vector<16xi32>
      %parallel_loop3A_322 = arith.constant 16 : i32
      %parallel_loop3A_323 = arith.muli %parallel_loop3A_265, %parallel_loop3A_322 : i32
      %parallel_loop3A_324 = arith.constant 8192 : i32
      %parallel_loop3A_325 = arith.addi %parallel_loop3A_324, %parallel_loop3A_323 : i32
      %parallel_loop3A_326 = arith.index_cast %parallel_loop3A_325 : i32 to index
      %parallel_loop3A_327 = tpu.vector_load %arg12[%parallel_loop3A_326] {strides = array<i32>} : memref<32768xi32, #tpu.memory_space<vmem>>, vector<16xi32>,
      %parallel_loop3A_328 = arith.addi %parallel_loop3A_321, %parallel_loop3A_327 : vector<16xi32>
      %parallel_loop3A_329 = arith.constant 16 : i32
      %parallel_loop3A_330 = arith.muli %parallel_loop3A_265, %parallel_loop3A_329 : i32
      %parallel_loop3A_331 = arith.constant 9216 : i32
      %parallel_loop3A_332 = arith.addi %parallel_loop3A_331, %parallel_loop3A_330 : i32
      %parallel_loop3A_333 = arith.index_cast %parallel_loop3A_332 : i32 to index
      %parallel_loop3A_334 = tpu.vector_load %arg12[%parallel_loop3A_333] {strides = array<i32>} : memref<32768xi32, #tpu.memory_space<vmem>>, vector<16xi32>,
      %parallel_loop3A_335 = arith.addi %parallel_loop3A_328, %parallel_loop3A_334 : vector<16xi32>
      %parallel_loop3A_336 = arith.constant 16 : i32
      %parallel_loop3A_337 = arith.muli %parallel_loop3A_265, %parallel_loop3A_336 : i32
      %parallel_loop3A_338 = arith.constant 10240 : i32
      %parallel_loop3A_339 = arith.addi %parallel_loop3A_338, %parallel_loop3A_337 : i32
      %parallel_loop3A_340 = arith.index_cast %parallel_loop3A_339 : i32 to index
      %parallel_loop3A_341 = tpu.vector_load %arg12[%parallel_loop3A_340] {strides = array<i32>} : memref<32768xi32, #tpu.memory_space<vmem>>, vector<16xi32>,
      %parallel_loop3A_342 = arith.addi %parallel_loop3A_335, %parallel_loop3A_341 : vector<16xi32>
      %parallel_loop3A_343 = arith.constant 16 : i32
      %parallel_loop3A_344 = arith.muli %parallel_loop3A_265, %parallel_loop3A_343 : i32
      %parallel_loop3A_345 = arith.constant 11264 : i32
      %parallel_loop3A_346 = arith.addi %parallel_loop3A_345, %parallel_loop3A_344 : i32
      %parallel_loop3A_347 = arith.index_cast %parallel_loop3A_346 : i32 to index
      %parallel_loop3A_348 = tpu.vector_load %arg12[%parallel_loop3A_347] {strides = array<i32>} : memref<32768xi32, #tpu.memory_space<vmem>>, vector<16xi32>,
      %parallel_loop3A_349 = arith.addi %parallel_loop3A_342, %parallel_loop3A_348 : vector<16xi32>
      %parallel_loop3A_350 = arith.constant 16 : i32
      %parallel_loop3A_351 = arith.muli %parallel_loop3A_265, %parallel_loop3A_350 : i32
      %parallel_loop3A_352 = arith.constant 12288 : i32
      %parallel_loop3A_353 = arith.addi %parallel_loop3A_352, %parallel_loop3A_351 : i32
      %parallel_loop3A_354 = arith.index_cast %parallel_loop3A_353 : i32 to index
      %parallel_loop3A_355 = tpu.vector_load %arg12[%parallel_loop3A_354] {strides = array<i32>} : memref<32768xi32, #tpu.memory_space<vmem>>, vector<16xi32>,
      %parallel_loop3A_356 = arith.addi %parallel_loop3A_349, %parallel_loop3A_355 : vector<16xi32>
      %parallel_loop3A_357 = arith.constant 16 : i32
      %parallel_loop3A_358 = arith.muli %parallel_loop3A_265, %parallel_loop3A_357 : i32
      %parallel_loop3A_359 = arith.constant 13312 : i32
      %parallel_loop3A_360 = arith.addi %parallel_loop3A_359, %parallel_loop3A_358 : i32
      %parallel_loop3A_361 = arith.index_cast %parallel_loop3A_360 : i32 to index
      %parallel_loop3A_362 = tpu.vector_load %arg12[%parallel_loop3A_361] {strides = array<i32>} : memref<32768xi32, #tpu.memory_space<vmem>>, vector<16xi32>,
      %parallel_loop3A_363 = arith.addi %parallel_loop3A_356, %parallel_loop3A_362 : vector<16xi32>
      %parallel_loop3A_364 = arith.constant 16 : i32
      %parallel_loop3A_365 = arith.muli %parallel_loop3A_265, %parallel_loop3A_364 : i32
      %parallel_loop3A_366 = arith.constant 14336 : i32
      %parallel_loop3A_367 = arith.addi %parallel_loop3A_366, %parallel_loop3A_365 : i32
      %parallel_loop3A_368 = arith.index_cast %parallel_loop3A_367 : i32 to index
      %parallel_loop3A_369 = tpu.vector_load %arg12[%parallel_loop3A_368] {strides = array<i32>} : memref<32768xi32, #tpu.memory_space<vmem>>, vector<16xi32>,
      %parallel_loop3A_370 = arith.addi %parallel_loop3A_363, %parallel_loop3A_369 : vector<16xi32>
      %parallel_loop3A_371 = arith.constant 16 : i32
      %parallel_loop3A_372 = arith.muli %parallel_loop3A_265, %parallel_loop3A_371 : i32
      %parallel_loop3A_373 = arith.constant 15360 : i32
      %parallel_loop3A_374 = arith.addi %parallel_loop3A_373, %parallel_loop3A_372 : i32
      %parallel_loop3A_375 = arith.index_cast %parallel_loop3A_374 : i32 to index
      %parallel_loop3A_376 = tpu.vector_load %arg12[%parallel_loop3A_375] {strides = array<i32>} : memref<32768xi32, #tpu.memory_space<vmem>>, vector<16xi32>,
      %parallel_loop3A_377 = arith.addi %parallel_loop3A_370, %parallel_loop3A_376 : vector<16xi32>
      %parallel_loop3A_378 = arith.constant 16 : i32
      %parallel_loop3A_379 = arith.muli %parallel_loop3A_265, %parallel_loop3A_378 : i32
      %parallel_loop3A_380 = arith.constant 0 : i32
      %parallel_loop3A_381 = arith.addi %parallel_loop3A_380, %parallel_loop3A_379 : i32
      %parallel_loop3A_382 = arith.index_cast %parallel_loop3A_381 : i32 to index
      %parallel_loop3A_383 = tpu.vector_load %arg12[%parallel_loop3A_382] {strides = array<i32>} : memref<32768xi32, #tpu.memory_space<vmem>>, vector<16xi32>,
      tpu.vector_store %arg12[%parallel_loop3A_382], %broadcast_in_dim3A_41 {strides = array<i32>} : memref<32768xi32, #tpu.memory_space<vmem>>, vector<16xi32>,
      %parallel_loop3A_384 = arith.constant 16 : i32
      %parallel_loop3A_385 = arith.muli %parallel_loop3A_265, %parallel_loop3A_384 : i32
      %parallel_loop3A_386 = arith.constant 1024 : i32
      %parallel_loop3A_387 = arith.addi %parallel_loop3A_386, %parallel_loop3A_385 : i32
      %parallel_loop3A_388 = arith.index_cast %parallel_loop3A_387 : i32 to index
      %parallel_loop3A_389 = tpu.vector_load %arg12[%parallel_loop3A_388] {strides = array<i32>} : memref<32768xi32, #tpu.memory_space<vmem>>, vector<16xi32>,
      tpu.vector_store %arg12[%parallel_loop3A_388], %broadcast_in_dim3A_41 {strides = array<i32>} : memref<32768xi32, #tpu.memory_space<vmem>>, vector<16xi32>,
      %parallel_loop3A_390 = arith.constant 16 : i32
      %parallel_loop3A_391 = arith.muli %parallel_loop3A_265, %parallel_loop3A_390 : i32
      %parallel_loop3A_392 = arith.constant 2048 : i32
      %parallel_loop3A_393 = arith.addi %parallel_loop3A_392, %parallel_loop3A_391 : i32
      %parallel_loop3A_394 = arith.index_cast %parallel_loop3A_393 : i32 to index
      %parallel_loop3A_395 = tpu.vector_load %arg12[%parallel_loop3A_394] {strides = array<i32>} : memref<32768xi32, #tpu.memory_space<vmem>>, vector<16xi32>,
      tpu.vector_store %arg12[%parallel_loop3A_394], %broadcast_in_dim3A_41 {strides = array<i32>} : memref<32768xi32, #tpu.memory_space<vmem>>, vector<16xi32>,
      %parallel_loop3A_396 = arith.constant 16 : i32
      %parallel_loop3A_397 = arith.muli %parallel_loop3A_265, %parallel_loop3A_396 : i32
      %parallel_loop3A_398 = arith.constant 3072 : i32
      %parallel_loop3A_399 = arith.addi %parallel_loop3A_398, %parallel_loop3A_397 : i32
      %parallel_loop3A_400 = arith.index_cast %parallel_loop3A_399 : i32 to index
      %parallel_loop3A_401 = tpu.vector_load %arg12[%parallel_loop3A_400] {strides = array<i32>} : memref<32768xi32, #tpu.memory_space<vmem>>, vector<16xi32>,
      tpu.vector_store %arg12[%parallel_loop3A_400], %broadcast_in_dim3A_41 {strides = array<i32>} : memref<32768xi32, #tpu.memory_space<vmem>>, vector<16xi32>,
      %parallel_loop3A_402 = arith.constant 16 : i32
      %parallel_loop3A_403 = arith.muli %parallel_loop3A_265, %parallel_loop3A_402 : i32
      %parallel_loop3A_404 = arith.constant 4096 : i32
      %parallel_loop3A_405 = arith.addi %parallel_loop3A_404, %parallel_loop3A_403 : i32
      %parallel_loop3A_406 = arith.index_cast %parallel_loop3A_405 : i32 to index
      %parallel_loop3A_407 = tpu.vector_load %arg12[%parallel_loop3A_406] {strides = array<i32>} : memref<32768xi32, #tpu.memory_space<vmem>>, vector<16xi32>,
      tpu.vector_store %arg12[%parallel_loop3A_406], %broadcast_in_dim3A_41 {strides = array<i32>} : memref<32768xi32, #tpu.memory_space<vmem>>, vector<16xi32>,
      %parallel_loop3A_408 = arith.constant 16 : i32
      %parallel_loop3A_409 = arith.muli %parallel_loop3A_265, %parallel_loop3A_408 : i32
      %parallel_loop3A_410 = arith.constant 5120 : i32
      %parallel_loop3A_411 = arith.addi %parallel_loop3A_410, %parallel_loop3A_409 : i32
      %parallel_loop3A_412 = arith.index_cast %parallel_loop3A_411 : i32 to index
      %parallel_loop3A_413 = tpu.vector_load %arg12[%parallel_loop3A_412] {strides = array<i32>} : memref<32768xi32, #tpu.memory_space<vmem>>, vector<16xi32>,
      tpu.vector_store %arg12[%parallel_loop3A_412], %broadcast_in_dim3A_41 {strides = array<i32>} : memref<32768xi32, #tpu.memory_space<vmem>>, vector<16xi32>,
      %parallel_loop3A_414 = arith.constant 16 : i32
      %parallel_loop3A_415 = arith.muli %parallel_loop3A_265, %parallel_loop3A_414 : i32
      %parallel_loop3A_416 = arith.constant 6144 : i32
      %parallel_loop3A_417 = arith.addi %parallel_loop3A_416, %parallel_loop3A_415 : i32
      %parallel_loop3A_418 = arith.index_cast %parallel_loop3A_417 : i32 to index
      %parallel_loop3A_419 = tpu.vector_load %arg12[%parallel_loop3A_418] {strides = array<i32>} : memref<32768xi32, #tpu.memory_space<vmem>>, vector<16xi32>,
      tpu.vector_store %arg12[%parallel_loop3A_418], %broadcast_in_dim3A_41 {strides = array<i32>} : memref<32768xi32, #tpu.memory_space<vmem>>, vector<16xi32>,
      %parallel_loop3A_420 = arith.constant 16 : i32
      %parallel_loop3A_421 = arith.muli %parallel_loop3A_265, %parallel_loop3A_420 : i32
      %parallel_loop3A_422 = arith.constant 7168 : i32
      %parallel_loop3A_423 = arith.addi %parallel_loop3A_422, %parallel_loop3A_421 : i32
      %parallel_loop3A_424 = arith.index_cast %parallel_loop3A_423 : i32 to index
      %parallel_loop3A_425 = tpu.vector_load %arg12[%parallel_loop3A_424] {strides = array<i32>} : memref<32768xi32, #tpu.memory_space<vmem>>, vector<16xi32>,
      tpu.vector_store %arg12[%parallel_loop3A_424], %broadcast_in_dim3A_41 {strides = array<i32>} : memref<32768xi32, #tpu.memory_space<vmem>>, vector<16xi32>,
      %parallel_loop3A_426 = arith.constant 16 : i32
      %parallel_loop3A_427 = arith.muli %parallel_loop3A_265, %parallel_loop3A_426 : i32
      %parallel_loop3A_428 = arith.constant 8192 : i32
      %parallel_loop3A_429 = arith.addi %parallel_loop3A_428, %parallel_loop3A_427 : i32
      %parallel_loop3A_430 = arith.index_cast %parallel_loop3A_429 : i32 to index
      %parallel_loop3A_431 = tpu.vector_load %arg12[%parallel_loop3A_430] {strides = array<i32>} : memref<32768xi32, #tpu.memory_space<vmem>>, vector<16xi32>,
      tpu.vector_store %arg12[%parallel_loop3A_430], %broadcast_in_dim3A_41 {strides = array<i32>} : memref<32768xi32, #tpu.memory_space<vmem>>, vector<16xi32>,
      %parallel_loop3A_432 = arith.constant 16 : i32
      %parallel_loop3A_433 = arith.muli %parallel_loop3A_265, %parallel_loop3A_432 : i32
      %parallel_loop3A_434 = arith.constant 9216 : i32
      %parallel_loop3A_435 = arith.addi %parallel_loop3A_434, %parallel_loop3A_433 : i32
      %parallel_loop3A_436 = arith.index_cast %parallel_loop3A_435 : i32 to index
      %parallel_loop3A_437 = tpu.vector_load %arg12[%parallel_loop3A_436] {strides = array<i32>} : memref<32768xi32, #tpu.memory_space<vmem>>, vector<16xi32>,
      tpu.vector_store %arg12[%parallel_loop3A_436], %broadcast_in_dim3A_41 {strides = array<i32>} : memref<32768xi32, #tpu.memory_space<vmem>>, vector<16xi32>,
      %parallel_loop3A_438 = arith.constant 16 : i32
      %parallel_loop3A_439 = arith.muli %parallel_loop3A_265, %parallel_loop3A_438 : i32
      %parallel_loop3A_440 = arith.constant 10240 : i32
      %parallel_loop3A_441 = arith.addi %parallel_loop3A_440, %parallel_loop3A_439 : i32
      %parallel_loop3A_442 = arith.index_cast %parallel_loop3A_441 : i32 to index
      %parallel_loop3A_443 = tpu.vector_load %arg12[%parallel_loop3A_442] {strides = array<i32>} : memref<32768xi32, #tpu.memory_space<vmem>>, vector<16xi32>,
      tpu.vector_store %arg12[%parallel_loop3A_442], %broadcast_in_dim3A_41 {strides = array<i32>} : memref<32768xi32, #tpu.memory_space<vmem>>, vector<16xi32>,
      %parallel_loop3A_444 = arith.constant 16 : i32
      %parallel_loop3A_445 = arith.muli %parallel_loop3A_265, %parallel_loop3A_444 : i32
      %parallel_loop3A_446 = arith.constant 11264 : i32
      %parallel_loop3A_447 = arith.addi %parallel_loop3A_446, %parallel_loop3A_445 : i32
      %parallel_loop3A_448 = arith.index_cast %parallel_loop3A_447 : i32 to index
      %parallel_loop3A_449 = tpu.vector_load %arg12[%parallel_loop3A_448] {strides = array<i32>} : memref<32768xi32, #tpu.memory_space<vmem>>, vector<16xi32>,
      tpu.vector_store %arg12[%parallel_loop3A_448], %broadcast_in_dim3A_41 {strides = array<i32>} : memref<32768xi32, #tpu.memory_space<vmem>>, vector<16xi32>,
      %parallel_loop3A_450 = arith.constant 16 : i32
      %parallel_loop3A_451 = arith.muli %parallel_loop3A_265, %parallel_loop3A_450 : i32
      %parallel_loop3A_452 = arith.constant 12288 : i32
      %parallel_loop3A_453 = arith.addi %parallel_loop3A_452, %parallel_loop3A_451 : i32
      %parallel_loop3A_454 = arith.index_cast %parallel_loop3A_453 : i32 to index
      %parallel_loop3A_455 = tpu.vector_load %arg12[%parallel_loop3A_454] {strides = array<i32>} : memref<32768xi32, #tpu.memory_space<vmem>>, vector<16xi32>,
      tpu.vector_store %arg12[%parallel_loop3A_454], %broadcast_in_dim3A_41 {strides = array<i32>} : memref<32768xi32, #tpu.memory_space<vmem>>, vector<16xi32>,
      %parallel_loop3A_456 = arith.constant 16 : i32
      %parallel_loop3A_457 = arith.muli %parallel_loop3A_265, %parallel_loop3A_456 : i32
      %parallel_loop3A_458 = arith.constant 13312 : i32
      %parallel_loop3A_459 = arith.addi %parallel_loop3A_458, %parallel_loop3A_457 : i32
      %parallel_loop3A_460 = arith.index_cast %parallel_loop3A_459 : i32 to index
      %parallel_loop3A_461 = tpu.vector_load %arg12[%parallel_loop3A_460] {strides = array<i32>} : memref<32768xi32, #tpu.memory_space<vmem>>, vector<16xi32>,
      tpu.vector_store %arg12[%parallel_loop3A_460], %broadcast_in_dim3A_41 {strides = array<i32>} : memref<32768xi32, #tpu.memory_space<vmem>>, vector<16xi32>,
      %parallel_loop3A_462 = arith.constant 16 : i32
      %parallel_loop3A_463 = arith.muli %parallel_loop3A_265, %parallel_loop3A_462 : i32
      %parallel_loop3A_464 = arith.constant 14336 : i32
      %parallel_loop3A_465 = arith.addi %parallel_loop3A_464, %parallel_loop3A_463 : i32
      %parallel_loop3A_466 = arith.index_cast %parallel_loop3A_465 : i32 to index
      %parallel_loop3A_467 = tpu.vector_load %arg12[%parallel_loop3A_466] {strides = array<i32>} : memref<32768xi32, #tpu.memory_space<vmem>>, vector<16xi32>,
      tpu.vector_store %arg12[%parallel_loop3A_466], %broadcast_in_dim3A_41 {strides = array<i32>} : memref<32768xi32, #tpu.memory_space<vmem>>, vector<16xi32>,
      %parallel_loop3A_468 = arith.constant 16 : i32
      %parallel_loop3A_469 = arith.muli %parallel_loop3A_265, %parallel_loop3A_468 : i32
      %parallel_loop3A_470 = arith.constant 15360 : i32
      %parallel_loop3A_471 = arith.addi %parallel_loop3A_470, %parallel_loop3A_469 : i32
      %parallel_loop3A_472 = arith.index_cast %parallel_loop3A_471 : i32 to index
      %parallel_loop3A_473 = tpu.vector_load %arg12[%parallel_loop3A_472] {strides = array<i32>} : memref<32768xi32, #tpu.memory_space<vmem>>, vector<16xi32>,
      tpu.vector_store %arg12[%parallel_loop3A_472], %broadcast_in_dim3A_41 {strides = array<i32>} : memref<32768xi32, #tpu.memory_space<vmem>>, vector<16xi32>,
      %parallel_loop3A_474 = arith.constant 16 : i32
      %parallel_loop3A_475 = arith.muli %parallel_loop3A_265, %parallel_loop3A_474 : i32
      %parallel_loop3A_476 = arith.index_cast %parallel_loop3A_475 : i32 to index
      %parallel_loop3A_477 = tpu.vector_load %arg13[%parallel_loop3A_476] {strides = array<i32>} : memref<2048xi32, #tpu.memory_space<vmem>>, vector<16xi32>,
      tpu.vector_store %arg13[%parallel_loop3A_476], %parallel_loop3A_377 {strides = array<i32>} : memref<2048xi32, #tpu.memory_space<vmem>>, vector<16xi32>,
    } {sc.loop_unroll_factor = 2 : i64, sc.parallel_access}
    %mul3A_230 = arith.constant 2048 : i32
    %mul3A_231 = arith.muli %add3A_38, %mul3A_230 : i32
    "tpu.region"() ({
      %run_scoped3A = tpu.sem_alloc : memref<!tpu.dma_semaphore, #tpu.memory_space<semaphore_mem>>
      %dma_start3A_265 = arith.constant 0 : i32
      %dma_start3A_266 = tpu.memref_slice %arg13[%dma_start3A_265] : memref<2048xi32, #tpu.memory_space<vmem>> -> memref<1024xi32, #tpu.memory_space<vmem>>
      %dma_start3A_267 = tpu.memref_slice %arg7[%mul3A_231] : memref<65536xi32, #tpu.memory_space<hbm>> -> memref<1024xi32, #tpu.memory_space<hbm>>
      %dma_start3A_268 = tpu.memref_slice %arg7[%mul3A_231] : memref<65536xi32, #tpu.memory_space<hbm>> -> memref<1024xi32, #tpu.memory_space<hbm>>
      %dma_start3A_269 = arith.constant 0 : i32
      %dma_start3A_270 = tpu.memref_slice %arg13[%dma_start3A_269] : memref<2048xi32, #tpu.memory_space<vmem>> -> memref<1024xi32, #tpu.memory_space<vmem>>
      tpu.enqueue_dma source(%dma_start3A_270 : memref<1024xi32, #tpu.memory_space<vmem>>) target(%dma_start3A_268 : memref<1024xi32, #tpu.memory_space<hbm>>) target_semaphore(%run_scoped3A : memref<!tpu.dma_semaphore, #tpu.memory_space<semaphore_mem>>)
      %dma_wait3A = arith.constant 0 : i32
      %dma_wait3A_271 = tpu.memref_slice %arg13[%dma_wait3A] : memref<2048xi32, #tpu.memory_space<vmem>> -> memref<1024xi32, #tpu.memory_space<vmem>>
      %dma_wait3A_272 = tpu.memref_slice %arg7[%mul3A_231] : memref<65536xi32, #tpu.memory_space<hbm>> -> memref<1024xi32, #tpu.memory_space<hbm>>
      %dma_wait3A_273 = tpu.memref_slice %arg7[%mul3A_231] : memref<65536xi32, #tpu.memory_space<hbm>> -> memref<1024xi32, #tpu.memory_space<hbm>>
      %dma_wait3A_274 = arith.constant 0 : i32
      %dma_wait3A_275 = tpu.memref_slice %arg13[%dma_wait3A_274] : memref<2048xi32, #tpu.memory_space<vmem>> -> memref<1024xi32, #tpu.memory_space<vmem>>
      tpu.wait_dma2 semaphore(%run_scoped3A : memref<!tpu.dma_semaphore, #tpu.memory_space<semaphore_mem>>) src(%dma_wait3A_275 : memref<1024xi32, #tpu.memory_space<vmem>>) dst(%dma_wait3A_273 : memref<1024xi32, #tpu.memory_space<hbm>>)
      tpu.yield
    }) : () -> ()
    %barrier3A_232 = arith.constant 0 : index
    tpu.barrier barrier_id(%barrier3A_232)
    %mul3A_233 = arith.constant 4 : i32
    %mul3A_234 = arith.muli %add3A_30, %mul3A_233 : i32
    %mul3A_235 = arith.constant 2048 : i32
    %mul3A_236 = arith.muli %mul3A_234, %mul3A_235 : i32
    "tpu.region"() ({
      %run_scoped3A = tpu.sem_alloc : memref<!tpu.dma_semaphore, #tpu.memory_space<semaphore_mem>>
      %dma_start3A_265 = arith.constant 0 : i32
      %dma_start3A_266 = tpu.memref_slice %arg14[%dma_start3A_265] : memref<2048xi32, #tpu.memory_space<vmem>> -> memref<1024xi32, #tpu.memory_space<vmem>>
      %dma_start3A_267 = tpu.memref_slice %arg7[%mul3A_236] : memref<65536xi32, #tpu.memory_space<hbm>> -> memref<1024xi32, #tpu.memory_space<hbm>>
      %dma_start3A_268 = arith.constant 0 : i32
      %dma_start3A_269 = tpu.memref_slice %arg14[%dma_start3A_268] : memref<2048xi32, #tpu.memory_space<vmem>> -> memref<1024xi32, #tpu.memory_space<vmem>>
      %dma_start3A_270 = tpu.memref_slice %arg7[%mul3A_236] : memref<65536xi32, #tpu.memory_space<hbm>> -> memref<1024xi32, #tpu.memory_space<hbm>>
      tpu.enqueue_dma source(%dma_start3A_270 : memref<1024xi32, #tpu.memory_space<hbm>>) target(%dma_start3A_269 : memref<1024xi32, #tpu.memory_space<vmem>>) target_semaphore(%run_scoped3A : memref<!tpu.dma_semaphore, #tpu.memory_space<semaphore_mem>>)
      %dma_wait3A = arith.constant 0 : i32
      %dma_wait3A_271 = tpu.memref_slice %arg14[%dma_wait3A] : memref<2048xi32, #tpu.memory_space<vmem>> -> memref<1024xi32, #tpu.memory_space<vmem>>
      %dma_wait3A_272 = tpu.memref_slice %arg7[%mul3A_236] : memref<65536xi32, #tpu.memory_space<hbm>> -> memref<1024xi32, #tpu.memory_space<hbm>>
      %dma_wait3A_273 = arith.constant 0 : i32
      %dma_wait3A_274 = tpu.memref_slice %arg14[%dma_wait3A_273] : memref<2048xi32, #tpu.memory_space<vmem>> -> memref<1024xi32, #tpu.memory_space<vmem>>
      %dma_wait3A_275 = tpu.memref_slice %arg7[%mul3A_236] : memref<65536xi32, #tpu.memory_space<hbm>> -> memref<1024xi32, #tpu.memory_space<hbm>>
      tpu.wait_dma2 semaphore(%run_scoped3A : memref<!tpu.dma_semaphore, #tpu.memory_space<semaphore_mem>>) src(%dma_wait3A_275 : memref<1024xi32, #tpu.memory_space<hbm>>) dst(%dma_wait3A_274 : memref<1024xi32, #tpu.memory_space<vmem>>)
      tpu.yield
    }) : () -> ()
    %add3A_237 = arith.constant 2048 : i32
    %add3A_238 = arith.addi %mul3A_236, %add3A_237 : i32
    "tpu.region"() ({
      %run_scoped3A = tpu.sem_alloc : memref<!tpu.dma_semaphore, #tpu.memory_space<semaphore_mem>>
      %dma_start3A_265 = arith.constant 0 : i32
      %dma_start3A_266 = tpu.memref_slice %arg15[%dma_start3A_265] : memref<2048xi32, #tpu.memory_space<vmem>> -> memref<1024xi32, #tpu.memory_space<vmem>>
      %dma_start3A_267 = tpu.memref_slice %arg7[%add3A_238] : memref<65536xi32, #tpu.memory_space<hbm>> -> memref<1024xi32, #tpu.memory_space<hbm>>
      %dma_start3A_268 = arith.constant 0 : i32
      %dma_start3A_269 = tpu.memref_slice %arg15[%dma_start3A_268] : memref<2048xi32, #tpu.memory_space<vmem>> -> memref<1024xi32, #tpu.memory_space<vmem>>
      %dma_start3A_270 = tpu.memref_slice %arg7[%add3A_238] : memref<65536xi32, #tpu.memory_space<hbm>> -> memref<1024xi32, #tpu.memory_space<hbm>>
      tpu.enqueue_dma source(%dma_start3A_270 : memref<1024xi32, #tpu.memory_space<hbm>>) target(%dma_start3A_269 : memref<1024xi32, #tpu.memory_space<vmem>>) target_semaphore(%run_scoped3A : memref<!tpu.dma_semaphore, #tpu.memory_space<semaphore_mem>>)
      %dma_wait3A = arith.constant 0 : i32
      %dma_wait3A_271 = tpu.memref_slice %arg15[%dma_wait3A] : memref<2048xi32, #tpu.memory_space<vmem>> -> memref<1024xi32, #tpu.memory_space<vmem>>
      %dma_wait3A_272 = tpu.memref_slice %arg7[%add3A_238] : memref<65536xi32, #tpu.memory_space<hbm>> -> memref<1024xi32, #tpu.memory_space<hbm>>
      %dma_wait3A_273 = arith.constant 0 : i32
      %dma_wait3A_274 = tpu.memref_slice %arg15[%dma_wait3A_273] : memref<2048xi32, #tpu.memory_space<vmem>> -> memref<1024xi32, #tpu.memory_space<vmem>>
      %dma_wait3A_275 = tpu.memref_slice %arg7[%add3A_238] : memref<65536xi32, #tpu.memory_space<hbm>> -> memref<1024xi32, #tpu.memory_space<hbm>>
      tpu.wait_dma2 semaphore(%run_scoped3A : memref<!tpu.dma_semaphore, #tpu.memory_space<semaphore_mem>>) src(%dma_wait3A_275 : memref<1024xi32, #tpu.memory_space<hbm>>) dst(%dma_wait3A_274 : memref<1024xi32, #tpu.memory_space<vmem>>)
      tpu.yield
    }) : () -> ()
    %add3A_239 = arith.constant 4096 : i32
    %add3A_240 = arith.addi %mul3A_236, %add3A_239 : i32
    "tpu.region"() ({
      %run_scoped3A = tpu.sem_alloc : memref<!tpu.dma_semaphore, #tpu.memory_space<semaphore_mem>>
      %dma_start3A_265 = arith.constant 0 : i32
      %dma_start3A_266 = tpu.memref_slice %arg16[%dma_start3A_265] : memref<2048xi32, #tpu.memory_space<vmem>> -> memref<1024xi32, #tpu.memory_space<vmem>>
      %dma_start3A_267 = tpu.memref_slice %arg7[%add3A_240] : memref<65536xi32, #tpu.memory_space<hbm>> -> memref<1024xi32, #tpu.memory_space<hbm>>
      %dma_start3A_268 = arith.constant 0 : i32
      %dma_start3A_269 = tpu.memref_slice %arg16[%dma_start3A_268] : memref<2048xi32, #tpu.memory_space<vmem>> -> memref<1024xi32, #tpu.memory_space<vmem>>
      %dma_start3A_270 = tpu.memref_slice %arg7[%add3A_240] : memref<65536xi32, #tpu.memory_space<hbm>> -> memref<1024xi32, #tpu.memory_space<hbm>>
      tpu.enqueue_dma source(%dma_start3A_270 : memref<1024xi32, #tpu.memory_space<hbm>>) target(%dma_start3A_269 : memref<1024xi32, #tpu.memory_space<vmem>>) target_semaphore(%run_scoped3A : memref<!tpu.dma_semaphore, #tpu.memory_space<semaphore_mem>>)
      %dma_wait3A = arith.constant 0 : i32
      %dma_wait3A_271 = tpu.memref_slice %arg16[%dma_wait3A] : memref<2048xi32, #tpu.memory_space<vmem>> -> memref<1024xi32, #tpu.memory_space<vmem>>
      %dma_wait3A_272 = tpu.memref_slice %arg7[%add3A_240] : memref<65536xi32, #tpu.memory_space<hbm>> -> memref<1024xi32, #tpu.memory_space<hbm>>
      %dma_wait3A_273 = arith.constant 0 : i32
      %dma_wait3A_274 = tpu.memref_slice %arg16[%dma_wait3A_273] : memref<2048xi32, #tpu.memory_space<vmem>> -> memref<1024xi32, #tpu.memory_space<vmem>>
      %dma_wait3A_275 = tpu.memref_slice %arg7[%add3A_240] : memref<65536xi32, #tpu.memory_space<hbm>> -> memref<1024xi32, #tpu.memory_space<hbm>>
      tpu.wait_dma2 semaphore(%run_scoped3A : memref<!tpu.dma_semaphore, #tpu.memory_space<semaphore_mem>>) src(%dma_wait3A_275 : memref<1024xi32, #tpu.memory_space<hbm>>) dst(%dma_wait3A_274 : memref<1024xi32, #tpu.memory_space<vmem>>)
      tpu.yield
    }) : () -> ()
    %add3A_241 = arith.constant 6144 : i32
    %add3A_242 = arith.addi %mul3A_236, %add3A_241 : i32
    "tpu.region"() ({
      %run_scoped3A = tpu.sem_alloc : memref<!tpu.dma_semaphore, #tpu.memory_space<semaphore_mem>>
      %dma_start3A_265 = arith.constant 0 : i32
      %dma_start3A_266 = tpu.memref_slice %arg17[%dma_start3A_265] : memref<2048xi32, #tpu.memory_space<vmem>> -> memref<1024xi32, #tpu.memory_space<vmem>>
      %dma_start3A_267 = tpu.memref_slice %arg7[%add3A_242] : memref<65536xi32, #tpu.memory_space<hbm>> -> memref<1024xi32, #tpu.memory_space<hbm>>
      %dma_start3A_268 = arith.constant 0 : i32
      %dma_start3A_269 = tpu.memref_slice %arg17[%dma_start3A_268] : memref<2048xi32, #tpu.memory_space<vmem>> -> memref<1024xi32, #tpu.memory_space<vmem>>
      %dma_start3A_270 = tpu.memref_slice %arg7[%add3A_242] : memref<65536xi32, #tpu.memory_space<hbm>> -> memref<1024xi32, #tpu.memory_space<hbm>>
      tpu.enqueue_dma source(%dma_start3A_270 : memref<1024xi32, #tpu.memory_space<hbm>>) target(%dma_start3A_269 : memref<1024xi32, #tpu.memory_space<vmem>>) target_semaphore(%run_scoped3A : memref<!tpu.dma_semaphore, #tpu.memory_space<semaphore_mem>>)
      %dma_wait3A = arith.constant 0 : i32
      %dma_wait3A_271 = tpu.memref_slice %arg17[%dma_wait3A] : memref<2048xi32, #tpu.memory_space<vmem>> -> memref<1024xi32, #tpu.memory_space<vmem>>
      %dma_wait3A_272 = tpu.memref_slice %arg7[%add3A_242] : memref<65536xi32, #tpu.memory_space<hbm>> -> memref<1024xi32, #tpu.memory_space<hbm>>
      %dma_wait3A_273 = arith.constant 0 : i32
      %dma_wait3A_274 = tpu.memref_slice %arg17[%dma_wait3A_273] : memref<2048xi32, #tpu.memory_space<vmem>> -> memref<1024xi32, #tpu.memory_space<vmem>>
      %dma_wait3A_275 = tpu.memref_slice %arg7[%add3A_242] : memref<65536xi32, #tpu.memory_space<hbm>> -> memref<1024xi32, #tpu.memory_space<hbm>>
      tpu.wait_dma2 semaphore(%run_scoped3A : memref<!tpu.dma_semaphore, #tpu.memory_space<semaphore_mem>>) src(%dma_wait3A_275 : memref<1024xi32, #tpu.memory_space<hbm>>) dst(%dma_wait3A_274 : memref<1024xi32, #tpu.memory_space<vmem>>)
      tpu.yield
    }) : () -> ()
    %scan3A_243 = arith.constant 0 : i32
    %scan3A_244 = arith.constant 0 : i32
    %scan3A_245 = arith.constant 0 : i32
    %scan3A_246 = arith.constant 0 : i32
    %scan3A_247 = arith.constant 0 : i32
    %scan3A_248 = arith.constant 64 : i32
    %scan3A_249 = arith.addi %scan3A_247, %scan3A_248 : i32
    %scan3A_250 = arith.constant 1 : i32
    %scan3A_251:4 = scf.for %scan3A_265 = %scan3A_247 to %scan3A_249 step %scan3A_250 iter_args(%scan3A_266 = %scan3A_243, %scan3A_267 = %scan3A_244, %scan3A_268 = %scan3A_245, %scan3A_269 = %scan3A_246) -> (i32, i32, i32, i32)  : i32 {
      %mul3A_270 = arith.constant 16 : i32
      %mul3A_271 = arith.muli %scan3A_265, %mul3A_270 : i32
      %get3A_272 = arith.index_cast %mul3A_271 : i32 to index
      %get3A_273 = tpu.vector_load %arg14[%get3A_272] {strides = array<i32>} : memref<2048xi32, #tpu.memory_space<vmem>>, vector<16xi32>,
      %get3A_274 = arith.index_cast %mul3A_271 : i32 to index
      %get3A_275 = tpu.vector_load %arg15[%get3A_274] {strides = array<i32>} : memref<2048xi32, #tpu.memory_space<vmem>>, vector<16xi32>,
      %add3A_276 = arith.addi %get3A_273, %get3A_275 : vector<16xi32>
      %get3A_277 = arith.index_cast %mul3A_271 : i32 to index
      %get3A_278 = tpu.vector_load %arg16[%get3A_277] {strides = array<i32>} : memref<2048xi32, #tpu.memory_space<vmem>>, vector<16xi32>,
      %add3A_279 = arith.addi %add3A_276, %get3A_278 : vector<16xi32>
      %get3A_280 = arith.index_cast %mul3A_271 : i32 to index
      %get3A_281 = tpu.vector_load %arg17[%get3A_280] {strides = array<i32>} : memref<2048xi32, #tpu.memory_space<vmem>>, vector<16xi32>,
      %add3A_282 = arith.addi %add3A_279, %get3A_281 : vector<16xi32>
      %cumsum3A = arith.constant true
      %cumsum3A_283 = vector.broadcast %cumsum3A : i1 to vector<16xi1>
      %cumsum3A_284 = tpu.scan <sum>, %add3A_282 masked %cumsum3A_283 : vector<16xi32>, vector<16xi1> -> vector<16xi32>
      %add3A_285 = vector.broadcast %scan3A_266 : i32 to vector<16xi32>
      %add3A_286 = arith.addi %cumsum3A_284, %add3A_285 : vector<16xi32>
      %ge3A = vector.broadcast %sub3A_201 : i32 to vector<16xi32>
      %ge3A_287 = arith.cmpi sge, %add3A_286, %ge3A : vector<16xi32>
      %convert_element_type3A_288 = arith.extui %ge3A_287 : vector<16xi1> to vector<16xi32>
      %reduce_sum3A = arith.constant true
      %reduce_sum3A_289 = vector.broadcast %reduce_sum3A : i1 to vector<16xi1>
      %reduce_sum3A_290 = tpu.scan <sum>, %convert_element_type3A_288 masked %reduce_sum3A_289 : vector<16xi32>, vector<16xi1> -> vector<16xi32>
      %reduce_sum3A_291 = vector.extract %reduce_sum3A_290[15] : i32 from vector<16xi32>
      %reduce_sum3A_292 = arith.constant true
      %reduce_sum3A_293 = vector.broadcast %reduce_sum3A_292 : i1 to vector<16xi1>
      %reduce_sum3A_294 = tpu.scan <sum>, %add3A_282 masked %reduce_sum3A_293 : vector<16xi32>, vector<16xi1> -> vector<16xi32>
      %reduce_sum3A_295 = vector.extract %reduce_sum3A_294[15] : i32 from vector<16xi32>
      %jit3A_296 = arith.constant 0 : i32
      %broadcast_in_dim3A_297 = vector.broadcast %jit3A_296 : i32 to vector<16xi32>
      %select_n3A_298 = arith.select %ge3A_287, %broadcast_in_dim3A_297, %add3A_282 : vector<16xi1>, vector<16xi32>
      %reduce_sum3A_299 = arith.constant true
      %reduce_sum3A_300 = vector.broadcast %reduce_sum3A_299 : i1 to vector<16xi1>
      %reduce_sum3A_301 = tpu.scan <sum>, %select_n3A_298 masked %reduce_sum3A_300 : vector<16xi32>, vector<16xi1> -> vector<16xi32>
      %reduce_sum3A_302 = vector.extract %reduce_sum3A_301[15] : i32 from vector<16xi32>
      %eq3A_303 = arith.constant 0 : i32
      %eq3A_304 = arith.cmpi eq, %scan3A_267, %eq3A_303 : i32
      %gt3A = arith.constant 0 : i32
      %gt3A_305 = arith.cmpi sgt, %reduce_sum3A_291, %gt3A : i32
      %and3A_306 = arith.andi %eq3A_304, %gt3A_305 : i1
      %mul3A_307 = arith.constant 16 : i32
      %mul3A_308 = arith.muli %scan3A_265, %mul3A_307 : i32
      %sub3A_309 = arith.constant 16 : i32
      %sub3A_310 = arith.subi %sub3A_309, %reduce_sum3A_291 : i32
      %add3A_311 = arith.addi %mul3A_308, %sub3A_310 : i32
      %select_n3A_312 = arith.select %and3A_306, %add3A_311, %scan3A_268 : i32
      %add3A_313 = arith.addi %scan3A_266, %reduce_sum3A_302 : i32
      %select_n3A_314 = arith.select %and3A_306, %add3A_313, %scan3A_269 : i32
      %gt3A_315 = arith.constant 0 : i32
      %gt3A_316 = arith.cmpi sgt, %reduce_sum3A_291, %gt3A_315 : i32
      %jit3A_317 = arith.constant 1 : i32
      %select_n3A_318 = arith.select %gt3A_316, %jit3A_317, %scan3A_267 : i32
      %add3A_319 = arith.addi %scan3A_266, %reduce_sum3A_295 : i32
      scf.yield %add3A_319, %select_n3A_318, %select_n3A_312, %select_n3A_314 : i32, i32, i32, i32
    }
    %scan3A_252 = arith.constant 64 : i32
    %shift_left3A_253 = arith.constant 21 : i32
    %shift_left3A_254 = arith.shli %scan3A_147#2, %shift_left3A_253 : i32
    %shift_left3A_255 = arith.constant 10 : i32
    %shift_left3A_256 = arith.shli %scan3A_199#2, %shift_left3A_255 : i32
    %or3A_257 = arith.ori %shift_left3A_254, %shift_left3A_256 : i32
    %or3A_258 = arith.ori %or3A_257, %scan3A_251#2 : i32
    %xor3A = arith.constant -2147483648 : i32
    %xor3A_259 = arith.xori %or3A_258, %xor3A : i32
    %eq3A_260 = arith.constant 0 : i32
    %eq3A_261 = arith.cmpi eq, %select_n3A_28, %eq3A_260 : i32
    %convert_element_type3A_262 = arith.extui %eq3A_261 : i1 to i32
    %cond3A_263 = arith.constant 0 : i32
    %cond3A_264 = arith.cmpi ne, %convert_element_type3A_262, %cond3A_263 : i32
    scf.if %cond3A_264 {
      %add3A_265 = vector.broadcast %xor3A_259 : i32 to vector<16xi32>
      %add3A_266 = arith.addi %broadcast_in_dim3A_41, %add3A_265 : vector<16xi32>
      %swap3A_267 = arith.constant 0 : index
      %swap3A_268 = tpu.vector_load %arg21[%swap3A_267] {strides = array<i32>} : memref<16xi32, #tpu.memory_space<vmem>>, vector<16xi32>,
      tpu.vector_store %arg21[%swap3A_267], %add3A_266 {strides = array<i32>} : memref<16xi32, #tpu.memory_space<vmem>>, vector<16xi32>,
      %mul3A_269 = arith.constant 16 : i32
      %mul3A_270 = arith.muli %add3A_30, %mul3A_269 : i32
      "tpu.region"() ({
        %run_scoped3A = tpu.sem_alloc : memref<!tpu.dma_semaphore, #tpu.memory_space<semaphore_mem>>
        %dma_start3A_271 = tpu.memref_slice %arg5[%mul3A_270] : memref<128xi32, #tpu.memory_space<hbm>> -> memref<16xi32, #tpu.memory_space<hbm>>
        %dma_start3A_272 = tpu.memref_slice %arg5[%mul3A_270] : memref<128xi32, #tpu.memory_space<hbm>> -> memref<16xi32, #tpu.memory_space<hbm>>
        tpu.enqueue_dma source(%arg21 : memref<16xi32, #tpu.memory_space<vmem>>) target(%dma_start3A_272 : memref<16xi32, #tpu.memory_space<hbm>>) target_semaphore(%run_scoped3A : memref<!tpu.dma_semaphore, #tpu.memory_space<semaphore_mem>>)
        %dma_wait3A = tpu.memref_slice %arg5[%mul3A_270] : memref<128xi32, #tpu.memory_space<hbm>> -> memref<16xi32, #tpu.memory_space<hbm>>
        %dma_wait3A_273 = tpu.memref_slice %arg5[%mul3A_270] : memref<128xi32, #tpu.memory_space<hbm>> -> memref<16xi32, #tpu.memory_space<hbm>>
        tpu.wait_dma2 semaphore(%run_scoped3A : memref<!tpu.dma_semaphore, #tpu.memory_space<semaphore_mem>>) src(%arg21 : memref<16xi32, #tpu.memory_space<vmem>>) dst(%dma_wait3A_273 : memref<16xi32, #tpu.memory_space<hbm>>)
        tpu.yield
      }) : () -> ()
    } else {
    }
    return
  }
}

module attributes {stable_mosaic.version = 14 : i64} {
  func.func @_tc_mask_body(%arg0: i32, %arg1: memref<128xi32, #tpu.memory_space<smem>>, %arg2: memref<1x16384x96xf32, #tpu.memory_space<vmem>>, %arg3: memref<1x96xf32, #tpu.memory_space<vmem>>, %arg4: memref<1x16384x96xf32, #tpu.memory_space<vmem>>) attributes {dimension_semantics = [#tpu.dimension_semantics<arbitrary>], iteration_bounds = array<i64: 8>, scalar_prefetch = 0 : i64, scratch_operands = 0 : i64, tpu.core_type = #tpu.core_type<tc>, window_params = [{transform_indices = @transform_0, window_bounds = array<i64: 128>}, {transform_indices = @transform_1, window_bounds = array<i64: 1, 16384, 96>}, {pipeline_mode = #tpu.pipeline_mode<synchronous>, transform_indices = @transform_2, window_bounds = array<i64: 1, 96>}, {transform_indices = @transform_3, window_bounds = array<i64: 1, 16384, 96>}]} {
    %mul3A = arith.constant 16 : i32
    %mul3A_0 = arith.muli %arg0, %mul3A : i32
    %get3A = arith.index_cast %mul3A_0 : i32 to index
    %get3A_1 = memref.load %arg1[%get3A] : memref<128xi32, #tpu.memory_space<smem>>
    %get3A_2 = arith.constant 0 : index
    %get3A_3 = arith.constant 0 : index
    %get3A_4 = arith.constant 0 : index
    %get3A_5 = vector.load %arg2[%get3A_2, %get3A_3, %get3A_4] : memref<1x16384x96xf32, #tpu.memory_space<vmem>>, vector<1x16384x96xf32>
    %get3A_6 = vector.shape_cast %get3A_5 : vector<1x16384x96xf32> to vector<16384x96xf32>
    %get3A_7 = arith.constant 0 : index
    %get3A_8 = arith.constant 0 : index
    %get3A_9 = vector.load %arg3[%get3A_7, %get3A_8] : memref<1x96xf32, #tpu.memory_space<vmem>>, vector<1x96xf32>
    %mul3A_10 = vector.broadcast %get3A_9 : vector<1x96xf32> to vector<16384x96xf32>
    %mul3A_11 = arith.mulf %get3A_6, %mul3A_10 : vector<16384x96xf32>
    %bitcast_convert_type3A = tpu.bitcast %mul3A_11 : vector<16384x96xf32> -> vector<16384x96xi32>
    %lt3A = arith.constant 0 : i32
    %lt3A_12 = vector.broadcast %lt3A : i32 to vector<16384x96xi32>
    %lt3A_13 = arith.cmpi slt, %bitcast_convert_type3A, %lt3A_12 : vector<16384x96xi32>
    %xor3A = arith.constant 2147483647 : i32
    %xor3A_14 = vector.broadcast %xor3A : i32 to vector<16384x96xi32>
    %xor3A_15 = arith.xori %bitcast_convert_type3A, %xor3A_14 : vector<16384x96xi32>
    %select_n3A = arith.select %lt3A_13, %bitcast_convert_type3A, %xor3A_15 : vector<16384x96xi1>, vector<16384x96xi32>
    %xor3A_16 = arith.constant -2147483648 : i32
    %xor3A_17 = vector.broadcast %xor3A_16 : i32 to vector<16384x96xi32>
    %xor3A_18 = arith.xori %select_n3A, %xor3A_17 : vector<16384x96xi32>
    %le3A = vector.broadcast %get3A_1 : i32 to vector<16384x96xi32>
    %le3A_19 = arith.cmpi sle, %xor3A_18, %le3A : vector<16384x96xi32>
    %jit3A = arith.constant 0.000000e+00 : f32
    %broadcast_in_dim3A = vector.broadcast %jit3A : f32 to vector<16384x96xf32>
    %select_n3A_20 = arith.select %le3A_19, %get3A_6, %broadcast_in_dim3A : vector<16384x96xi1>, vector<16384x96xf32>
    %swap3A = arith.constant 0 : index
    %swap3A_21 = arith.constant 0 : index
    %swap3A_22 = arith.constant 0 : index
    %swap3A_23 = vector.load %arg4[%swap3A, %swap3A_21, %swap3A_22] : memref<1x16384x96xf32, #tpu.memory_space<vmem>>, vector<1x16384x96xf32>
    %swap3A_24 = vector.shape_cast %swap3A_23 : vector<1x16384x96xf32> to vector<16384x96xf32>
    %swap3A_25 = vector.shape_cast %select_n3A_20 : vector<16384x96xf32> to vector<1x16384x96xf32>
    tpu.vector_store %arg4[%swap3A, %swap3A_21, %swap3A_22], %swap3A_25 {strides = array<i32>} : memref<1x16384x96xf32, #tpu.memory_space<vmem>>, vector<1x16384x96xf32>,
    return
  }
  func.func @transform_0(%arg0: i32) -> i32 {
    %c0_i32 = arith.constant 0 : i32
    %c0_i32_0 = arith.constant 0 : i32
    return %c0_i32 : i32
  }
  func.func @transform_1(%arg0: i32) -> (i32, i32, i32) {
    %c0_i32 = arith.constant 0 : i32
    %c0_i32_0 = arith.constant 0 : i32
    %c0_i32_1 = arith.constant 0 : i32
    return %arg0, %c0_i32, %c0_i32_0 : i32, i32, i32
  }
  func.func @transform_2(%arg0: i32) -> (i32, i32) {
    %c0_i32 = arith.constant 0 : i32
    %c0_i32_0 = arith.constant 0 : i32
    %c0_i32_1 = arith.constant 0 : i32
    return %c0_i32, %c0_i32_0 : i32, i32
  }
  func.func @transform_3(%arg0: i32) -> (i32, i32, i32) {
    %c0_i32 = arith.constant 0 : i32
    %c0_i32_0 = arith.constant 0 : i32
    %c0_i32_1 = arith.constant 0 : i32
    return %arg0, %c0_i32, %c0_i32_0 : i32, i32, i32
  }
}

</mosaic_0001>

<sc_bundles>
// kernel: kernel.4.cloned.1.call-start
scs
__scs_entry_jumppad:
0x0: {  	(pc) =	sbr.rel $0x88, $3  }
0x1: {  	(tag) =	ssettag $0x0;
	lr =	simm.s32 $0x1  }
0x2: {  	[smem:$0x3F9E] =	sst lr;
	_ =	strace $0xD0000000  }
0x3: {  	_ = 	snop  }
0x4: {  	_ = 	snop  }
0x5: {  	_ = 	snop  }
0x6: {  	_ = 	snop  }
0x7: {  	_ = 	snop  }
__scs_overlays_trampoline_lowered:
0x8: {  	[smem:$0x3FAD] =	sst s0  }
0x9: {  	[smem:$0x3FAE] =	sst s1  }
0xa: {  	[smem:$0x3FAF] =	sst s2  }
0xb: {  	[smem:$0x3FB0] =	sst s3  }
0xc: {  	[smem:$0x3FB1] =	sst s4  }
0xd: {  	[smem:$0x3FB2] =	sst s5  }
0xe: {  	[smem:$0x3FB3] =	sst s6  }
0xf: {  	[smem:$0x3FB4] =	sst s7  }
0x10: {  	[smem:$0x3FB5] =	sst s8  }
0x11: {  	[smem:$0x3FB6] =	sst s9;
	s0 =	simm.s32 @!p0 $0x0  }
0x12: {  	s1 =	sld [smem:$0x3F9C];
	s0 =	simm.s32 @p0 $0x1  }
0x13: {  	[smem:$0x3FB7] =	sst s0;
	s0 =	simm.s32 @!p1 $0x0  }
0x14: {  	s2 =	sld [smem:$0x3F9B];
	s0 =	simm.s32 @p1 $0x1  }
0x15: {  	[smem:$0x3FB8] =	sst s0;
	s0 =	simm.s32 @!p2 $0x0  }
0x16: {  	s3 =	sld [smem:$0x3FDB];
	s0 =	simm.s32 @p2 $0x1  }
0x17: {  	s4 =	simm.s32 $0x1BF5;
	[smem:$0x3FBA] =	sst s0  }
0x18: {  	s0 =	sld [smem:$0x3F9D];
	_ =	swait.ge [sflag:s4], $0x0  }
0x19: {  	s7 =	sld [smem:$0x3F9E]  }
0x1a: {  	s8 =	sadd.s32 $0xFFFFE003, lr  }
0x1b: {  	s9 =	sadd.s32 $0xFFFFFEF7, lr;
	s5 =	simm.s32 $0xFFFFFFFF;
	p2 =	slt.u32 s8, $0xFFFFF086  }
0x1c: {  	p1 =	slt.u32 s9, $0xF7A;
	s5 =	simm.s32 @!p2 $0x0  }
0x1d: {  	s5 =	simm.s32 @p1 $0x1;
	p0 =	seq.s32 s7, s2  }
0x1e: {  	s7 =	smul.u32 @!p0 $0xF7A, s2;
	p2 =	seq.s32 @!p0 s5, $0x0  }
0x1f: {  	s9 =	smul.u32 $0xF7A, s1;
	s8 =	simm.s32 @!p0 $0x1BF5;
	p2 =	por !p2, p0  }
0x20: {  	[sflag:s8] =	ssyncset.s32 @!p0 $0xFFFFF086;
	s6 =	sadd.s32 @!p0 s3, s7;
	s7 =	simm.s32 @!p0 $0x108  }
0x21: {  	s3 =	sadd.s32 s3, s9;
	s6 =	sadd.s32 @!p0 $0x88, s6;
	s7 =	simm.s32 @p2 $0x1082  }
0x22: {  	[simem:s7], [sflag:s8] =	dma.local @!p0 [hbm:s6], $0xF7A  }
0x23: {  	s9 =	sor.u32 $0xD0000000, s2;
	s6 =	simm.s32 $0x108;
	_ =	swait.ge @!p0 [sflag:s8], $0x0  }
0x24: {  	s3 =	sadd.s32 $0x88, s3;
	s6 =	simm.s32 @!p1 $0x1082;
	[sflag:s4] =	ssyncset.s32 $0xFFFFF086  }
0x25: {  	[simem:s6], [sflag:s4] =	dma.local [hbm:s3], $0xF7A  }
0x26: {  	[smem:$0x3F9E] =	sst s1;
	(tag) =	ssettag s2;
	_ =	strace s9  }
0x27: {  	s1 =	sld [smem:$0x3FAE]  }
0x28: {  	s2 =	sld [smem:$0x3FAF]  }
0x29: {  	s4 =	sld [smem:$0x3FB1]  }
0x2a: {  	p0 =	seq.s32 s5, $0x0;
	s5 =	sld [smem:$0x3FB2]  }
0x2b: {  	s6 =	sld [smem:$0x3FB3]  }
0x2c: {  	s7 =	sld [smem:$0x3FB4]  }
0x2d: {  	s3 =	simm.s32 $0x108;
	s8 =	sld [smem:$0x3FB5]  }
0x2e: {  	s3 =	simm.s32 @!p0 $0x1082;
	s9 =	sld [smem:$0x3FB6]  }
0x2f: {  	lr =	sadd.s32 s0, s3;
	s0 =	sld [smem:$0x3FAD]  }
0x30: {  	s3 =	sld [smem:$0x3FB0]  }
0x31: {  	[smem:$0x3FB9] =	sst s10  }
0x32: {  	s10 =	sld [smem:$0x3FB7];
	_ =	sdelay $0x3  }
0x33: {  	p0 =	seq.s32 s10, $0x1;
	s10 =	sld [smem:$0x3FB9];
	_ =	sdelay $0x3  }
0x34: {  	[smem:$0x3FB9] =	sst s10  }
0x35: {  	s10 =	sld [smem:$0x3FB8];
	_ =	sdelay $0x3  }
0x36: {  	p1 =	seq.s32 s10, $0x1;
	s10 =	sld [smem:$0x3FB9];
	_ =	sdelay $0x3  }
0x37: {  	[smem:$0x3FB9] =	sst s10  }
0x38: {  	s10 =	sld [smem:$0x3FBA]  }
0x39: {  	_ = 	snop;
	(pc) =	sbr.ind lr, $3  }
0x3a: {  	_ = 	snop  }
0x3b: {  	_ = 	snop  }
0x3c: {  	p2 =	seq.s32 s10, $0x1;
	s10 =	sld [smem:$0x3FB9]  }
0x3d: {  	_ =	shalt  }
0x3e: {  	_ =	shalt  }
0x3f: {  	_ =	shalt  }
0x40: {  	_ =	shalt  }
0x41: {  	_ =	shalt  }
0x42: {  	_ =	shalt  }
0x43: {  	_ =	shalt  }
0x44: {  	_ =	shalt  }
0x45: {  	_ =	shalt  }
0x46: {  	_ =	shalt  }
0x47: {  	_ =	shalt  }
0x48: {  	_ =	shalt  }
0x49: {  	_ =	shalt  }
0x4a: {  	_ =	shalt  }
0x4b: {  	_ =	shalt  }
0x4c: {  	_ =	shalt  }
0x4d: {  	_ =	shalt  }
0x4e: {  	_ =	shalt  }
0x4f: {  	_ =	shalt  }
0x50: {  	_ =	shalt  }
0x51: {  	_ =	shalt  }
0x52: {  	_ =	shalt  }
0x53: {  	_ =	shalt  }
0x54: {  	_ =	shalt  }
0x55: {  	_ =	shalt  }
0x56: {  	_ =	shalt  }
0x57: {  	_ =	shalt  }
0x58: {  	_ =	shalt  }
0x59: {  	_ =	shalt  }
0x5a: {  	_ =	shalt  }
0x5b: {  	_ =	shalt  }
0x5c: {  	_ =	shalt  }
0x5d: {  	_ =	shalt  }
0x5e: {  	_ =	shalt  }
0x5f: {  	_ =	shalt  }
0x60: {  	_ =	shalt  }
0x61: {  	_ =	shalt  }
0x62: {  	_ =	shalt  }
0x63: {  	_ =	shalt  }
0x64: {  	_ =	shalt  }
0x65: {  	_ =	shalt  }
0x66: {  	_ =	shalt  }
0x67: {  	_ =	shalt  }
0x68: {  	_ =	shalt  }
0x69: {  	_ =	shalt  }
0x6a: {  	_ =	shalt  }
0x6b: {  	_ =	shalt  }
0x6c: {  	_ =	shalt  }
0x6d: {  	_ =	shalt  }
0x6e: {  	_ =	shalt  }
0x6f: {  	_ =	shalt  }
0x70: {  	_ =	shalt  }
0x71: {  	_ =	shalt  }
0x72: {  	_ =	shalt  }
0x73: {  	_ =	shalt  }
0x74: {  	_ =	shalt  }
0x75: {  	_ =	shalt  }
0x76: {  	_ =	shalt  }
0x77: {  	_ =	shalt  }
0x78: {  	_ =	shalt  }
0x79: {  	_ =	shalt  }
0x7a: {  	_ =	shalt  }
0x7b: {  	_ =	shalt  }
0x7c: {  	_ =	shalt  }
0x7d: {  	_ =	shalt  }
0x7e: {  	_ =	shalt  }
0x7f: {  	_ =	shalt  }
0x80: {  	_ =	shalt  }
0x81: {  	_ =	shalt  }
0x82: {  	_ =	shalt  }
0x83: {  	_ =	shalt  }
0x84: {  	_ =	shalt  }
0x85: {  	_ =	shalt  }
0x86: {  	_ =	shalt  }
0x87: {  	_ =	shalt  }
.Lfunc_end0:
.L_simem_size_0:
called_computation.1_lowered:
.L_overlay_start_0:
0x88: {  	s2 =	sld [smem:$0x3FD9]  }
0x89: {  	s3 =	sld [smem:$0x3FFE];
	_ =	sdelay $0x1  }
0x8a: {  	s1 =	srdreg.scid  }
0x8b: {  	s0 =	sand.u32 $0x1, s1  }
0x8c: {  	s17 =	sshll.u32 s0, $0xA;
	s2 =	sadd.s32 s3, s2  }
0x8d: {  	s2 =	sadd.s32 s2, s17  }
0x8e: {  	[smem:$0x3FC5] =	sst s2  }
0x8f: {  	_ = 	snop  }
0x90: {  	s2 =	sld [smem:$0x3FC8]  }
0x91: {  	s18 =	sld [smem:$0x3FD0];
	(tm) =	ssettm $0x1  }
0x92: {  	s4 =	sld [smem:$0x3FFB];
	_ =	sdelay $0x3  }
0x93: {  	_ =	strace s4  }
0x94: {  	s4 =	sld [smem:$0x3FFC];
	_ =	sdelay $0x3  }
0x95: {  	_ =	strace s4  }
0x96: {  	s4 =	sld [smem:$0x3FFD];
	_ =	sdelay $0x3  }
0x97: {  	_ =	strace s4  }
0x98: {  	_ =	strace $0x8FFFFFFF  }
0x99: {  	s19 =	sld [smem:$0x3FDB];
	_ =	sdelay $0x1  }
0x9a: {  	s5 =	simm.s32 $_scs_section_size  }
0x9b: {  	s6 =	simm.s32 $_size__tile_overlayer_lowered;
	s7 =	simm.s32 $_tile_overlayer_lowered  }
0x9c: {  	s22 =	simm.s32 $0x1BFF;
	s21 =	sshll.u32 s7, $0x1;
	s4 =	sadd.s32 s5, s19  }
0x9d: {  	s8 =	simm.s32 $0x0;
	s20 =	sshll.u32 s6, $0x1;
	s6 =	sadd.s32 s21, s4  }
0x9e: {  	[timem:s8], [sflag:s22] =	dma.local [hbm:s6], s20  }
0x9f: {  	_ =	swait.ge [sflag:s22], s20  }
0xa0: {  	s5 =	ssub.s32 $0x0, s20;
	[sflag:s22] =	ssyncset.done $0x0  }
0xa1: {  	[sflag:s22] =	ssyncadd.s32 s5;
	_ =	sdelay $0x1  }
0xa2: {  	s23 =	simm.s32 $0x1B8B  }
0xa3: {  	_ =	swait.ge [sflag:s23], $0x1  }
0xa4: {  	[sflag:s23] =	ssyncset.done $0x0  }
0xa5: {  	s25 =	simm.s32 $0x1B8E;
	s24 =	sld [smem:$0x3FFE];
	[sflag:s23] =	ssyncadd.s32 $0xFFFFFFFF  }
0xa6: {  	s26 =	simm.s32 $execute0_lowered;
	[smem:$0x3FD2] =	sst s25  }
0xa7: {  	s6 =	sshll.u32 s26, $0x1;
	_ =	strace $0x80000046;
	[dreg:$0x1] =	wrdreg $0xFFFFFFFF  }
0xa8: {  	s28 =	simm.s32 $_size_execute0_lowered;
	s4 =	sadd.s32 s4, s6;
	[dreg:$0x0] =	wrdreg $0x0  }
0xa9: {  	s6 =	sshll.u32 s28, $0x1;
	[dreg:$0x2] =	wrdreg s4  }
0xaa: {  	[dreg:$0x3] =	wrdreg s6  }
0xab: {  	[dreg:$0x4] =	wrdreg $0xC0  }
0xac: {  	_ =	task [dreg:s8], $0x5FFFF  }
0xad: {  	[dreg:$0x1] =	wrdreg $0xFFFFFFFF  }
0xae: {  	[dreg:$0x0] =	wrdreg $0x60  }
0xaf: {  	[dreg:$0x2] =	wrdreg s18  }
0xb0: {  	[dreg:$0x3] =	wrdreg s2  }
0xb1: {  	[dreg:$0x4] =	wrdreg s24  }
0xb2: {  	[dreg:$0x5] =	wrdreg $0x9  }
0xb3: {  	_ =	task.clear_ibuf [dreg:s8], $0x6FFFF;
	_ =	strace $0x90000046  }
0xb4: {  	s29 =	simm.s32 $0x9;
	_ =	strace $0x80000048  }
0xb5: {  	_ =	swait.ge [sflag:s29], $0x1  }
0xb6: {  	[sflag:s29] =	ssyncadd.s32 $0xFFFFFFFF  }
0xb7: {  	_ =	strace $0x90000048  }
0xb8: {  	_ =	sfence  }
0xb9: {  	s30 =	sld [smem:$0x0];
	_ =	sdelay $0x2  }
0xba: {  	s31 =	sshll.u32 s1, $0xD;
	s1 =	sshrl.u32 s1, $0x2  }
0xbb: {  	s3 =	sand.u32 $0x4000, s31;
	s1 =	sadd.s32 s1, s30  }
0xbc: {  	s0 =	sor.u32 s3, s0;
	s1 =	sshll.u32 s1, $0x11  }
0xbd: {  	s0 =	sor.u32 s1, s0  }
0xbe: {  	s0 =	sadd.s32 $0x8F2B, s0  }
0xbf: {  	[sflag:s0] =	ssyncadd.remote.s32 $0x1  }
0xc0: {  	_ =	sfence.sel $0xFFFF  }
0xc1: {  	[dreg:$0x0] =	wrdreg $0xFFFFFFFF;
	(pc) =	sbr.abs _section_cstart, $3  }
0xc2: {  	[dreg:$0x1] =	wrdreg $0xFFFFFFFF  }
0xc3: {  	_ =	task.clear_ibuf [dreg:s8], $0x2FFFF;
	_ =	strace $0x9FFFFFFF  }
0xc4: {  	(tm) =	ssettm $0x7FFFFFFF  }
0xc5: {  	_ =	shalt  }
tec
execute0_lowered:
.L_overlay_start_1:
0x0: {  	(tag) =	ssettag $0x1  }
0x1: {  	s1 =	rddreg [dreg:$0x0];
	s0 =	srdreg.scid  }
0x2: {  	s5 =	stileid.u32;
	s2 =	rddreg [dreg:$0x2];
	s6 =	simm.s32 $0x0  }
0x3: {  	s17 =	simm.s32 $0x3;
	s19 =	simm.s32 $0x6000;
	s20 =	simm.s32 $0x1  }
0x4: {  	s0 =	sand.u32 $0x1, s0;
	s3 =	sshrl.u32 s5, $0x2;
	[smem:$0x7FF] =	sst s6  }
0x5: {  	s21 =	sadd.s32 $0x201000, s2;
	s5 =	sand.u32 $0x3, s5;
	s7 =	sadd.s32 $0x203400, s2  }
0x6: {  	s4 =	sshll.u32 s0, $0x2;
	_ =	strace $0x80000047;
	[dreg:$0x4] =	wrdreg s21  }
0x7: {  	s0 =	ssub.s32 $0x2, s0;
	[dreg:$0x5] =	wrdreg s7;
	s3 =	sor.u32 s3, s4  }
0x8: {  	s8 =	smul.u32 $0x60000, s5;
	s23 =	sshrl.u32 s0, $0x1;
	s4 =	sshll.u32 s3, $0x1  }
0x9: {  	s22 =	smul.u32 $0x180000, s3;
	s0 =	ssub.s32 s0, s23;
	s9 =	sshll.u32 s3, $0x2  }
0xa: {  	s3 =	sshll.u32 s3, $0xA;
	s4 =	sadd.s32 s4, s2;
	s2 =	sadd.s32 $0x201200, s2  }
0xb: {  	s24 =	sor.u32 s5, s9;
	s0 =	smax.u32 s0, $0x1;
	s7 =	sadd.s32 s8, s22  }
0xc: {  	s10 =	sshll.u32 s24, $0x8;
	s31 =	sadd.s32 $0x203200, s4;
	[dreg:$0xc] =	wrdreg s0  }
0xd: {  	s8 =	sadd.s32 s2, s3;
	s2 =	sadd.s32 s2, s10;
	[dreg:$0xb] =	wrdreg s31  }
0xe: {  	s21 =	simm.s32 $0xC000;
	s28 =	sadd.s32 $0x100, s8;
	[dreg:$0x7] =	wrdreg s2  }
0xf: {  	p1 =	sne.s32 s5, $0x0;
	s29 =	sadd.s32 $0x200, s8;
	[dreg:$0x8] =	wrdreg s28  }
0x10: {  	s25 =	sshrl.u32 s7, $0x3;
	s30 =	sadd.s32 $0x300, s8;
	[dreg:$0x9] =	wrdreg s29  }
0x11: {  	v0 =	vlaneseq.u32;
	p0 =	sne.s32 s24, $0x0;
	s26 =	sadd.s32 s1, s25;
	[dreg:$0xa] =	wrdreg s30  }
0x12: {  	v1 =	vimm.s32 $0x0;
	v3 =	vimm.s32 $0x1;
	v2 =	vmul.u32 $0x800, v0;
	s22 =	simm.s32 $0x2;
	s24 =	simm.s32 $0x0;
	[dreg:$0x6] =	wrdreg s26  }
.LBB2_1:
0x13: {  	s0 =	rddreg [dreg:$0x1];
	s2 =	simm.s32 $0x0;
	s3 =	simm.s32 $0x16880  }
0x14: {  	[tilespmem:s3], [sflag:$0x3] =	stream.linear.gather [hbm4b:s0+s2], $0x80, $0x38;
	[tilespmem:$0x16A00] =	vst v63  }
0x15: {  	_ =	swait.ge [sflag:s17], $0x80  }
0x16: {  	[sflag:s17] =	ssyncset.done $0x0  }
0x17: {  	s31 =	simm.s32 $0x16900;
	s30 =	rddreg [dreg:$0x4];
	[sflag:s17] =	ssyncadd.s32 $0xFFFFFF80  }
0x18: {  	[tilespmem:s31], [sflag:$0x3] =	stream.linear.gather [hbm4b:s30+s2], $0x80, $0x38;
	[tilespmem:$0x16A00] =	vst v63  }
0x19: {  	_ =	swait.ge [sflag:s17], $0x80  }
0x1a: {  	[sflag:s17] =	ssyncset.done $0x0  }
0x1b: {  	[sflag:s17] =	ssyncadd.s32 $0xFFFFFF80  }
0x1c: {  	v5 =	vld [tilespmem:$0x16880]  }
0x1d: {  	v4 =	vld [tilespmem:$0x16900]  }
0x1e: {  	v6 =	vld [tilespmem:$0x16890]  }
0x1f: {  	v8 =	vld [tilespmem:$0x168B0]  }
0x20: {  	v7 =	vld [tilespmem:$0x168A0]  }
0x21: {  	v9 =	vld [tilespmem:$0x168C0];
	v5 =	vsub.f32 $9.999974810e-02, v5  }
0x22: {  	v10 =	vld [tilespmem:$0x168D0];
	v4 =	vmax.f32 v4, $0.0e+00  }
0x23: {  	v5 =	vmul.f32 v5, v4  }
0x24: {  	v6 =	vsub.f32 $9.999974810e-02, v6;
	v8 =	vsub.f32 $9.999974810e-02, v8  }
0x25: {  	v7 =	vsub.f32 $9.999974810e-02, v7;
	v5 =	vmul.f32 $1.442695020e+00, v5  }
0x26: {  	v61 =	vsub.f32 $9.999974810e-02, v9;
	v6 =	vmul.f32 v6, v4;
	v62 =	vmul.f32 v8, v4  }
0x27: {  	v63 =	vsub.f32 $9.999974810e-02, v10;
	(erf) = vpow2.f32 v5;
	v5 =	vmul.f32 v7, v4  }
0x28: {  	v6 =	vmul.f32 $1.442695020e+00, v6;
	v7 =	vmul.f32 v61, v4  }
0x29: {  	v4 =	vmul.f32 v63, v4;
	v5 =	vmul.f32 $1.442695020e+00, v5  }
0x2a: {  	(erf) = vpow2.f32 v6;
	v6 =	vmul.f32 $1.442695020e+00, v62  }
0x2b: {  	(erf) = vpow2.f32 v5;
	v5 =	vmul.f32 $1.442695020e+00, v7  }
0x2c: {  	v4 =	vmul.f32 $1.442695020e+00, v4;
	(erf) = vpow2.f32 v6  }
0x2d: {  	(erf) = vpow2.f32 v5  }
0x2e: {  	(erf) = vpow2.f32 v4;
	_ =	sdelay $0x3  }
0x2f: {  	v4 =	vpop (erf)  }
0x30: {  	v5 =	vpop (erf);
	[tilespmem:$0x16800] =	vst v4  }
0x31: {  	[tilespmem:$0x16810] =	vst v5;
	v4 =	vpop (erf)  }
0x32: {  	v5 =	vpop (erf);
	[tilespmem:$0x16820] =	vst v4  }
0x33: {  	v4 =	vpop (erf);
	[tilespmem:$0x16830] =	vst v5  }
0x34: {  	[tilespmem:$0x16840] =	vst v4;
	v4 =	vpop (erf)  }
0x35: {  	s0 =	simm.s32 @!p0 $0x0;
	s2 =	simm.s32 @!p0 $0x16800;
	s3 =	rddreg [dreg:$0x5];
	[tilespmem:$0x16850] =	vst v4  }
0x36: {  	[hbm4b:s3+s0] =	stream.linear.scatter @!p0 [tilespmem:s2], [sflag:$0x3], $0x80, $0x38;
	[tilespmem:$0x16A00] =	vst v63  }
0x37: {  	s0 =	simm.s32 @!p0 $0x3  }
0x38: {  	_ =	swait.ge @!p0 [sflag:s0], $0x80  }
0x39: {  	[sflag:s0] =	ssyncset.done @!p0 $0x0  }
0x3a: {  	[sflag:s0] =	ssyncadd.s32 @!p0 $0xFFFFFF80;
	s0 =	simm.s32 $0xC020  }
0x3b: {  	[tilespmem:s0+$0xFFFFFFE0] =	vst v1  }
0x3c: {  	[tilespmem:s0+$0x10] =	vst v1  }
0x3d: {  	s2 =	simm.s32 $0x0;
	[tilespmem:s0+$0x0] =	vst v1  }
.LBB2_2:
0x3e: {  	s2 =	sadd.s32 $0x4, s2  }
0x3f: {  	[tilespmem:s0+$0xFFFFFFF0] =	vst v1;
	s0 =	sadd.s32 $0x40, s0;
	p2 =	slt.u32 s2, $0x7FC  }
.Ltmp0:
0x40: {  	[tilespmem:s0+$0xFFFFFFE0] =	vst v1;
	(pc) =	sbr.rel @p2 .LBB2_2-.Ltmp0, $3  }
0x41: {  	_ =	sdelay $0x1  }
0x42: {  	[tilespmem:s0+$0x10] =	vst v1  }
0x43: {  	[tilespmem:s0+$0x0] =	vst v1  }
0x44: {  	[tilespmem:s0+$0xFFFFFFF0] =	vst v1  }
0x45: {  	v4 =	vld [tilespmem:$0x16800]  }
0x46: {  	v5 =	vld [tilespmem:$0x16810]  }
0x47: {  	v6 =	vld [tilespmem:$0x16820]  }
0x48: {  	v7 =	vld [tilespmem:$0x16830]  }
0x49: {  	s25 =	simm.s32 $0x0;
	s26 =	simm.s32 $0x0;
	v9 =	vld [tilespmem:$0x16850];
	s0 =	rddreg [dreg:$0x6]  }
0x4a: {  	v8 =	vld [tilespmem:$0x16840];
	[tilespmem:s25], [sflag:$0x1] =	stream.linear.gather [hbm4b:s0+s25], $0x6000, $0x38  }
.LBB2_4:
0x4b: {  	s0 =	smul.u32 $0xC000, s26;
	_ =	sdelay $0x1  }
0x4c: {  	s2 =	sadd.s32 s7, s0  }
0x4d: {  	s0 =	sshrl.u32 s2, $0x3  }
0x4e: {  	s0 =	sadd.s32 s1, s0  }
0x4f: {  	s0 =	sadd.s32 $0xC00, s0  }
0x50: {  	[tilespmem:s19], [sflag:$0x2] =	stream.linear.gather [hbm4b:s0+s25], $0x6000, $0x38;
	[tilespmem:$0x16A00] =	vst v63  }
0x51: {  	_ =	swait.ge [sflag:s20], $0x6000  }
0x52: {  	[sflag:s20] =	ssyncset.done $0x0  }
0x53: {  	s3 =	simm.s32 $0x60;
	[sflag:s20] =	ssyncadd.s32 $0xFFFFA000  }
0x54: {  	v10 =	vld [tilespmem:s3+$0xFFFFFFA0]  }
0x55: {  	v11 =	vld [tilespmem:s3+$0xFFFFFFC0]  }
0x56: {  	v12 =	vld [tilespmem:s3+$0xFFFFFFB0]  }
0x57: {  	v13 =	vld [tilespmem:s3+$0x0]  }
0x58: {  	v14 =	vld [tilespmem:s3+$0x10]  }
0x59: {  	v16 =	vld [tilespmem:s3+$0xFFFFFFF0]  }
0x5a: {  	v20 =	vld [tilespmem:s3+$0xFFFFFFE0];
	v10 =	vmul.f32 v10, v4  }
0x5b: {  	v22 =	vld [tilespmem:s3+$0x30]  }
0x5c: {  	v11 =	vmul.f32 v11, v6;
	v12 =	vmul.f32 v12, v5;
	v15 =	vshrl.u32 v10, $0x15  }
0x5d: {  	s31 =	sand.u32 $0x7FC0, s25;
	v13 =	vmul.f32 v13, v4;
	vm0 =	vlt.s32 v10, $0x0;
	v10 =	vxor.u32 $0x3FF, v15  }
0x5e: {  	v19 =	vmul.f32 v14, v5;
	v14 =	vmul.f32 v16, v9;
	v10 =	vsel vm0, v15, v10;
	v15 =	vld [tilespmem:s31+$0x80]  }
0x5f: {  	v23 =	vmul.f32 v20, v8;
	vm1 =	vlt.s32 v11, $0x0;
	v11 =	vshrl.u32 v11, $0x15  }
0x60: {  	v20 =	vmul.f32 v22, v7;
	v17 =	vshrl.u32 v12, $0x15;
	v18 =	vxor.u32 $0x3FF, v11  }
0x61: {  	vm0 =	vlt.s32 v12, $0x0;
	v12 =	vsel vm1, v11, v18;
	v11 =	vxor.u32 $0x3FF, v17  }
0x62: {  	v18 =	vshrl.u32 v13, $0x15;
	vm1 =	vlt.s32 v19, $0x0;
	v11 =	vsel vm0, v17, v11;
	v17 =	vld [tilespmem:s3+$0x40]  }
0x63: {  	v21 =	vxor.u32 $0x3FF, v18;
	v10 =	vor.u32 v2, v10;
	v15 =	vmul.f32 v15, v6  }
0x64: {  	vm0 =	vlt.s32 v13, $0x0;
	v13 =	vshrl.u32 v19, $0x15;
	v11 =	vor.u32 v2, v11  }
0x65: {  	v16 =	vsel vm0, v18, v21;
	v18 =	vxor.u32 $0x3FF, v13;
	v19 =	vshrl.u32 v15, $0x15  }
0x66: {  	v13 =	vsel vm1, v13, v18;
	vm1 =	vlt.s32 v15, $0x0;
	v22 =	vxor.u32 $0x3FF, v19  }
0x67: {  	vm0 =	vlt.s32 v14, $0x0;
	v21 =	vmul.f32 v17, v8;
	v17 =	vsel vm1, v19, v22;
	v19 =	vld [tilespmem:s3+$0xFFFFFFD0]  }
0x68: {  	v16 =	vor.u32 v2, v16;
	v18 =	vshrl.u32 v23, $0x15;
	v15 =	vor.u32 v2, v13;
	v13 =	vld [tilespmem:s3+$0x50]  }
0x69: {  	s16 =	simm.s32 $0x0;
	s0 =	simm.s32 $0x0;
	vm1 =	vlt.s32 v23, $0x0;
	v22 =	vshrl.u32 v20, $0x15;
	s3 =	simm.s32 $0x120;
	v17 =	vor.u32 v2, v17  }
.LBB2_5:
0x6a: {  	v23 =	vld [tilespmem:s3+$0xFFFFFFA0];
	s0 =	sadd.s32 $0x2, s0;
	vm2 =	vlt.s32 v20, $0x0;
	v20 =	vxor.u32 $0x3FF, v22;
	v24 =	vshrl.u32 v21, $0x15;
	s16 =	sadd.s32 $0xC0, s16  }
0x6b: {  	vm3 =	vlt.s32 v21, $0x0;
	v25 =	vld [tilespmem:s3+$0xFFFFFFC0];
	p2 =	slt.u32 s0, $0xFE;
	v20 =	vsel vm2, v22, v20;
	v21 =	vxor.u32 $0x3FF, v24  }
0x6c: {  	v19 =	vmul.f32 v19, v7;
	v26 =	vxor.u32 $0x3FF, v18;
	v22 =	vld [tilespmem:s3+$0xFFFFFFF0];
	v20 =	vor.u32 v2, v20  }
0x6d: {  	v14 =	vshrl.u32 v14, $0x15;
	v13 =	vmul.f32 v13, v9;
	v21 =	vsel vm3, v24, v21;
	v27 =	vld [tilespmem:s3+$0xFFFFFFB0]  }
0x6e: {  	v18 =	vsel vm1, v18, v26;
	v26 =	vxor.u32 $0x3FF, v14;
	v24 =	vshrl.u32 v19, $0x15;
	[tilespmem:v16+s21+$0x0] =	vst.idx.add.s32.msk $0xffff, v3  }
0x6f: {  	vm1 =	vlt.s32 v19, $0x0;
	v19 =	vshrl.u32 v13, $0x15;
	v16 =	vmul.f32 v23, v4;
	v23 =	vld [tilespmem:s3+$0x0]  }
0x70: {  	v14 =	vsel vm0, v14, v26;
	vm0 =	vlt.s32 v13, $0x0;
	v25 =	vmul.f32 v25, v6;
	v28 =	vld [tilespmem:s3+$0x10]  }
0x71: {  	v26 =	vor.u32 v2, v14;
	v29 =	vxor.u32 $0x3FF, v19;
	v13 =	vshrl.u32 v16, $0x15;
	[tilespmem:v15+s21+$0x0] =	vst.idx.add.s32.msk $0xffff, v3  }
0x72: {  	vm2 =	vlt.s32 v16, $0x0;
	v15 =	vor.u32 v2, v21;
	v14 =	vxor.u32 $0x3FF, v13;
	[tilespmem:v17+s21+$0x0] =	vst.idx.add.s32.msk $0xffff, v3  }
0x73: {  	s4 =	sand.u32 $0x7FC0, s16;
	vm3 =	vlt.s32 v25, $0x0;
	v14 =	vsel vm2, v13, v14;
	v13 =	vxor.u32 $0x3FF, v24;
	[tilespmem:v20+s21+$0x0] =	vst.idx.add.s32.msk $0xffff, v3  }
0x74: {  	v16 =	vmul.f32 v27, v5;
	v20 =	vor.u32 v2, v12;
	v17 =	vld [tilespmem:s4+$0x80];
	v21 =	vsel vm1, v24, v13  }
0x75: {  	v18 =	vor.u32 v2, v18;
	v12 =	vshrl.u32 v25, $0x15;
	v23 =	vmul.f32 v23, v4;
	v13 =	vld [tilespmem:s3+$0x50]  }
0x76: {  	v24 =	vshrl.u32 v16, $0x15;
	v25 =	vxor.u32 $0x3FF, v12;
	v28 =	vmul.f32 v28, v5;
	v27 =	vld [tilespmem:s3+$0x30]  }
0x77: {  	vm1 =	vlt.s32 v16, $0x0;
	v12 =	vsel vm3, v12, v25;
	v16 =	vshrl.u32 v23, $0x15;
	v30 =	vld [tilespmem:s3+$0xFFFFFFE0]  }
0x78: {  	v25 =	vxor.u32 $0x3FF, v24;
	vm2 =	vlt.s32 v28, $0x0;
	v31 =	vxor.u32 $0x3FF, v16;
	[tilespmem:v15+s21+$0x0] =	vst.idx.add.s32.msk $0xffff, v3  }
0x79: {  	v21 =	vor.u32 v2, v21;
	v24 =	vsel vm1, v24, v25;
	v15 =	vor.u32 v2, v14;
	v25 =	vld [tilespmem:s3+$0x40]  }
0x7a: {  	vm1 =	vlt.s32 v23, $0x0;
	v14 =	vmul.f32 v22, v9;
	v22 =	vor.u32 v2, v24;
	[tilespmem:v10+s21+$0x0] =	vst.idx.add.s32.msk $0xffff, v3  }
0x7b: {  	v23 =	vshrl.u32 v28, $0x15;
	v31 =	vsel vm1, v16, v31;
	[tilespmem:v11+s21+$0x0] =	vst.idx.add.s32.msk $0xffff, v3;
	v11 =	vsel vm0, v19, v29  }
0x7c: {  	v24 =	vxor.u32 $0x3FF, v23;
	v17 =	vmul.f32 v17, v6;
	[tilespmem:v20+s21+$0x0] =	vst.idx.add.s32.msk $0xffff, v3;
	v28 =	vor.u32 v2, v11  }
.Ltmp1:
0x7d: {  	v16 =	vor.u32 v2, v31;
	v23 =	vsel vm2, v23, v24;
	v10 =	vmovc v15;
	v29 =	vmul.f32 v30, v8;
	v19 =	vld [tilespmem:s3+$0xFFFFFFD0];
	(pc) =	sbr.rel @p2 .LBB2_5-.Ltmp1, $4  }
0x7e: {  	vm0 =	vlt.s32 v14, $0x0;
	vm1 =	vlt.s32 v17, $0x0;
	v17 =	vshrl.u32 v17, $0x15;
	[tilespmem:v21+s21+$0x0] =	vst.idx.add.s32.msk $0xffff, v3;
	v11 =	vmovc v22  }
0x7f: {  	v15 =	vor.u32 v2, v23;
	v20 =	vmul.f32 v27, v7;
	v22 =	vxor.u32 $0x3FF, v17;
	[tilespmem:v18+s21+$0x0] =	vst.idx.add.s32.msk $0xffff, v3  }
0x80: {  	v21 =	vmul.f32 v25, v8;
	v18 =	vshrl.u32 v29, $0x15;
	v17 =	vsel vm1, v17, v22;
	[tilespmem:v26+s21+$0x0] =	vst.idx.add.s32.msk $0xffff, v3  }
0x81: {  	s3 =	sadd.s32 $0xC0, s3;
	vm1 =	vlt.s32 v29, $0x0;
	v22 =	vshrl.u32 v20, $0x15;
	v17 =	vor.u32 v2, v17;
	[tilespmem:v28+s21+$0x0] =	vst.idx.add.s32.msk $0xffff, v3  }
0x82: {  	_ = 	snop  }
0x83: {  	vm2 =	vlt.s32 v20, $0x0;
	v20 =	vxor.u32 $0x3FF, v22;
	v23 =	vshrl.u32 v21, $0x15  }
0x84: {  	vm3 =	vlt.s32 v21, $0x0;
	v19 =	vmul.f32 v19, v7;
	v14 =	vshrl.u32 v14, $0x15  }
0x85: {  	v13 =	vmul.f32 v13, v9;
	v12 =	vor.u32 v2, v12;
	v20 =	vsel vm2, v22, v20  }
0x86: {  	[tilespmem:v16+s21+$0x0] =	vst.idx.add.s32.msk $0xffff, v3;
	v21 =	vxor.u32 $0x3FF, v23;
	v22 =	vxor.u32 $0x3FF, v18;
	v20 =	vor.u32 v2, v20  }
0x87: {  	[tilespmem:v15+s21+$0x0] =	vst.idx.add.s32.msk $0xffff, v3;
	v21 =	vsel vm3, v23, v21;
	v23 =	vshrl.u32 v19, $0x15;
	v16 =	vsel vm1, v18, v22  }
0x88: {  	vm1 =	vlt.s32 v19, $0x0;
	v18 =	vxor.u32 $0x3FF, v14;
	[tilespmem:v17+s21+$0x0] =	vst.idx.add.s32.msk $0xffff, v3;
	v17 =	vshrl.u32 v13, $0x15  }
0x89: {  	v21 =	vor.u32 v2, v21;
	v15 =	vxor.u32 $0x3FF, v23;
	v14 =	vsel vm0, v14, v18  }
0x8a: {  	vm0 =	vlt.s32 v13, $0x0;
	v13 =	vxor.u32 $0x3FF, v17;
	v15 =	vsel vm1, v23, v15  }
0x8b: {  	[tilespmem:v10+s21+$0x0] =	vst.idx.add.s32.msk $0xffff, v3;
	v10 =	vsel vm0, v17, v13;
	v15 =	vor.u32 v2, v15  }
0x8c: {  	[tilespmem:v11+s21+$0x0] =	vst.idx.add.s32.msk $0xffff, v3;
	v10 =	vor.u32 v2, v10  }
0x8d: {  	v16 =	vor.u32 v2, v16;
	[tilespmem:v12+s21+$0x0] =	vst.idx.add.s32.msk $0xffff, v3  }
0x8e: {  	v14 =	vor.u32 v2, v14;
	[tilespmem:v20+s21+$0x0] =	vst.idx.add.s32.msk $0xffff, v3  }
0x8f: {  	[tilespmem:v21+s21+$0x0] =	vst.idx.add.s32.msk $0xffff, v3  }
0x90: {  	p2 =	seq.s32 s26, $0x7;
	[tilespmem:v15+s21+$0x0] =	vst.idx.add.s32.msk $0xffff, v3  }
0x91: {  	s0 =	sshrl.u32 @!p2 s2, $0x3;
	[tilespmem:v10+s21+$0x0] =	vst.idx.add.s32.msk $0xffff, v3  }
0x92: {  	s0 =	sadd.s32 @!p2 s1, s0;
	[tilespmem:v16+s21+$0x0] =	vst.idx.add.s32.msk $0xffff, v3  }
0x93: {  	s2 =	simm.s32 @!p2 $0x0;
	s0 =	sadd.s32 @!p2 $0x1800, s0;
	[tilespmem:v14+s21+$0x0] =	vst.idx.add.s32.msk $0xffff, v3  }
0x94: {  	[tilespmem:s2], [sflag:$0x1] =	stream.linear.gather @!p2 [hbm4b:s0+s2], $0x6000, $0x38;
	[tilespmem:$0x16A00] =	vst v63  }
0x95: {  	_ =	swait.ge [sflag:s22], $0x6000  }
0x96: {  	[sflag:s22] =	ssyncset.done $0x0  }
0x97: {  	s3 =	simm.s32 $0x6060;
	[sflag:s22] =	ssyncadd.s32 $0xFFFFA000  }
0x98: {  	v10 =	vld [tilespmem:s3+$0xFFFFFFA0]  }
0x99: {  	v11 =	vld [tilespmem:s3+$0xFFFFFFC0]  }
0x9a: {  	v12 =	vld [tilespmem:s3+$0xFFFFFFB0]  }
0x9b: {  	v13 =	vld [tilespmem:s3+$0x0]  }
0x9c: {  	v14 =	vld [tilespmem:s3+$0x10]  }
0x9d: {  	v16 =	vld [tilespmem:s3+$0xFFFFFFF0]  }
0x9e: {  	v20 =	vld [tilespmem:s3+$0xFFFFFFE0];
	v10 =	vmul.f32 v10, v4  }
0x9f: {  	v22 =	vld [tilespmem:s3+$0x30]  }
0xa0: {  	s2 =	simm.s32 $0x0;
	v11 =	vmul.f32 v11, v6;
	v12 =	vmul.f32 v12, v5;
	v15 =	vshrl.u32 v10, $0x15  }
0xa1: {  	s31 =	sand.u32 $0x7FC0, s2;
	v13 =	vmul.f32 v13, v4;
	vm0 =	vlt.s32 v10, $0x0;
	v10 =	vxor.u32 $0x3FF, v15  }
0xa2: {  	v19 =	vmul.f32 v14, v5;
	v14 =	vmul.f32 v16, v9;
	v10 =	vsel vm0, v15, v10;
	v15 =	vld [tilespmem:s31+$0x6080]  }
0xa3: {  	v23 =	vmul.f32 v20, v8;
	vm1 =	vlt.s32 v11, $0x0;
	v11 =	vshrl.u32 v11, $0x15  }
0xa4: {  	v20 =	vmul.f32 v22, v7;
	v17 =	vshrl.u32 v12, $0x15;
	v18 =	vxor.u32 $0x3FF, v11  }
0xa5: {  	vm0 =	vlt.s32 v12, $0x0;
	v12 =	vsel vm1, v11, v18;
	v11 =	vxor.u32 $0x3FF, v17  }
0xa6: {  	v18 =	vshrl.u32 v13, $0x15;
	vm1 =	vlt.s32 v19, $0x0;
	v11 =	vsel vm0, v17, v11;
	v17 =	vld [tilespmem:s3+$0x40]  }
0xa7: {  	v21 =	vxor.u32 $0x3FF, v18;
	v10 =	vor.u32 v2, v10;
	v15 =	vmul.f32 v15, v6  }
0xa8: {  	vm0 =	vlt.s32 v13, $0x0;
	v13 =	vshrl.u32 v19, $0x15;
	v11 =	vor.u32 v2, v11  }
0xa9: {  	v16 =	vsel vm0, v18, v21;
	v18 =	vxor.u32 $0x3FF, v13;
	v19 =	vshrl.u32 v15, $0x15  }
0xaa: {  	v13 =	vsel vm1, v13, v18;
	vm1 =	vlt.s32 v15, $0x0;
	v22 =	vxor.u32 $0x3FF, v19  }
0xab: {  	vm0 =	vlt.s32 v14, $0x0;
	v21 =	vmul.f32 v17, v8;
	v17 =	vsel vm1, v19, v22;
	v19 =	vld [tilespmem:s3+$0xFFFFFFD0]  }
0xac: {  	v16 =	vor.u32 v2, v16;
	v18 =	vshrl.u32 v23, $0x15;
	v15 =	vor.u32 v2, v13;
	v13 =	vld [tilespmem:s3+$0x50]  }
0xad: {  	s0 =	simm.s32 $0x0;
	vm1 =	vlt.s32 v23, $0x0;
	v22 =	vshrl.u32 v20, $0x15;
	s3 =	simm.s32 $0x6120;
	v17 =	vor.u32 v2, v17  }
.LBB2_7:
0xae: {  	v23 =	vld [tilespmem:s3+$0xFFFFFFA0];
	s0 =	sadd.s32 $0x2, s0;
	vm2 =	vlt.s32 v20, $0x0;
	v20 =	vxor.u32 $0x3FF, v22;
	v24 =	vshrl.u32 v21, $0x15;
	s2 =	sadd.s32 $0xC0, s2  }
0xaf: {  	vm3 =	vlt.s32 v21, $0x0;
	v25 =	vld [tilespmem:s3+$0xFFFFFFC0];
	p2 =	slt.u32 s0, $0xFE;
	v20 =	vsel vm2, v22, v20;
	v21 =	vxor.u32 $0x3FF, v24  }
0xb0: {  	v19 =	vmul.f32 v19, v7;
	v26 =	vxor.u32 $0x3FF, v18;
	v22 =	vld [tilespmem:s3+$0xFFFFFFF0];
	v20 =	vor.u32 v2, v20  }
0xb1: {  	v14 =	vshrl.u32 v14, $0x15;
	v13 =	vmul.f32 v13, v9;
	v21 =	vsel vm3, v24, v21;
	v27 =	vld [tilespmem:s3+$0xFFFFFFB0]  }
0xb2: {  	v18 =	vsel vm1, v18, v26;
	v26 =	vxor.u32 $0x3FF, v14;
	v24 =	vshrl.u32 v19, $0x15;
	[tilespmem:v16+s21+$0x0] =	vst.idx.add.s32.msk $0xffff, v3  }
0xb3: {  	vm1 =	vlt.s32 v19, $0x0;
	v19 =	vshrl.u32 v13, $0x15;
	v16 =	vmul.f32 v23, v4;
	v23 =	vld [tilespmem:s3+$0x0]  }
0xb4: {  	v14 =	vsel vm0, v14, v26;
	vm0 =	vlt.s32 v13, $0x0;
	v25 =	vmul.f32 v25, v6;
	v28 =	vld [tilespmem:s3+$0x10]  }
0xb5: {  	v26 =	vor.u32 v2, v14;
	v29 =	vxor.u32 $0x3FF, v19;
	v13 =	vshrl.u32 v16, $0x15;
	[tilespmem:v15+s21+$0x0] =	vst.idx.add.s32.msk $0xffff, v3  }
0xb6: {  	vm2 =	vlt.s32 v16, $0x0;
	v15 =	vor.u32 v2, v21;
	v14 =	vxor.u32 $0x3FF, v13;
	[tilespmem:v17+s21+$0x0] =	vst.idx.add.s32.msk $0xffff, v3  }
0xb7: {  	s4 =	sand.u32 $0x7FC0, s2;
	vm3 =	vlt.s32 v25, $0x0;
	v14 =	vsel vm2, v13, v14;
	v13 =	vxor.u32 $0x3FF, v24;
	[tilespmem:v20+s21+$0x0] =	vst.idx.add.s32.msk $0xffff, v3  }
0xb8: {  	v16 =	vmul.f32 v27, v5;
	v20 =	vor.u32 v2, v12;
	v17 =	vld [tilespmem:s4+$0x6080];
	v21 =	vsel vm1, v24, v13  }
0xb9: {  	v18 =	vor.u32 v2, v18;
	v12 =	vshrl.u32 v25, $0x15;
	v23 =	vmul.f32 v23, v4;
	v13 =	vld [tilespmem:s3+$0x50]  }
0xba: {  	v24 =	vshrl.u32 v16, $0x15;
	v25 =	vxor.u32 $0x3FF, v12;
	v28 =	vmul.f32 v28, v5;
	v27 =	vld [tilespmem:s3+$0x30]  }
0xbb: {  	vm1 =	vlt.s32 v16, $0x0;
	v12 =	vsel vm3, v12, v25;
	v16 =	vshrl.u32 v23, $0x15;
	v30 =	vld [tilespmem:s3+$0xFFFFFFE0]  }
0xbc: {  	v25 =	vxor.u32 $0x3FF, v24;
	vm2 =	vlt.s32 v28, $0x0;
	v31 =	vxor.u32 $0x3FF, v16;
	[tilespmem:v15+s21+$0x0] =	vst.idx.add.s32.msk $0xffff, v3  }
0xbd: {  	v21 =	vor.u32 v2, v21;
	v24 =	vsel vm1, v24, v25;
	v15 =	vor.u32 v2, v14;
	v25 =	vld [tilespmem:s3+$0x40]  }
0xbe: {  	vm1 =	vlt.s32 v23, $0x0;
	v14 =	vmul.f32 v22, v9;
	v22 =	vor.u32 v2, v24;
	[tilespmem:v10+s21+$0x0] =	vst.idx.add.s32.msk $0xffff, v3  }
0xbf: {  	v23 =	vshrl.u32 v28, $0x15;
	v31 =	vsel vm1, v16, v31;
	[tilespmem:v11+s21+$0x0] =	vst.idx.add.s32.msk $0xffff, v3;
	v11 =	vsel vm0, v19, v29  }
0xc0: {  	v24 =	vxor.u32 $0x3FF, v23;
	v17 =	vmul.f32 v17, v6;
	[tilespmem:v20+s21+$0x0] =	vst.idx.add.s32.msk $0xffff, v3;
	v28 =	vor.u32 v2, v11  }
.Ltmp2:
0xc1: {  	v16 =	vor.u32 v2, v31;
	v23 =	vsel vm2, v23, v24;
	v10 =	vmovc v15;
	v29 =	vmul.f32 v30, v8;
	v19 =	vld [tilespmem:s3+$0xFFFFFFD0];
	(pc) =	sbr.rel @p2 .LBB2_7-.Ltmp2, $4  }
0xc2: {  	vm0 =	vlt.s32 v14, $0x0;
	vm1 =	vlt.s32 v17, $0x0;
	v17 =	vshrl.u32 v17, $0x15;
	[tilespmem:v21+s21+$0x0] =	vst.idx.add.s32.msk $0xffff, v3;
	v11 =	vmovc v22  }
0xc3: {  	v15 =	vor.u32 v2, v23;
	v20 =	vmul.f32 v27, v7;
	v22 =	vxor.u32 $0x3FF, v17;
	[tilespmem:v18+s21+$0x0] =	vst.idx.add.s32.msk $0xffff, v3  }
0xc4: {  	v21 =	vmul.f32 v25, v8;
	v18 =	vshrl.u32 v29, $0x15;
	v17 =	vsel vm1, v17, v22;
	[tilespmem:v26+s21+$0x0] =	vst.idx.add.s32.msk $0xffff, v3  }
0xc5: {  	s3 =	sadd.s32 $0xC0, s3;
	vm1 =	vlt.s32 v29, $0x0;
	v22 =	vshrl.u32 v20, $0x15;
	v17 =	vor.u32 v2, v17;
	[tilespmem:v28+s21+$0x0] =	vst.idx.add.s32.msk $0xffff, v3  }
0xc6: {  	vm2 =	vlt.s32 v20, $0x0;
	v55 =	vxor.u32 $0x3FF, v22  }
0xc7: {  	v23 =	vshrl.u32 v21, $0x15;
	vm3 =	vlt.s32 v21, $0x0;
	v19 =	vmul.f32 v19, v7  }
0xc8: {  	v57 =	vxor.u32 $0x3FF, v18;
	v13 =	vmul.f32 v13, v9;
	v20 =	vsel vm2, v22, v55  }
0xc9: {  	v12 =	vor.u32 v2, v12;
	v56 =	vxor.u32 $0x3FF, v23;
	v20 =	vor.u32 v2, v20  }
0xca: {  	[tilespmem:v16+s21+$0x0] =	vst.idx.add.s32.msk $0xffff, v3;
	v21 =	vsel vm3, v23, v56;
	v58 =	vshrl.u32 v19, $0x15;
	vm14 =	vlt.s32 v19, $0x0  }
0xcb: {  	[tilespmem:v10+s21+$0x0] =	vst.idx.add.s32.msk $0xffff, v3;
	v62 =	vshrl.u32 v13, $0x15;
	vm15 =	vlt.s32 v13, $0x0;
	v60 =	vxor.u32 $0x3FF, v58  }
0xcc: {  	[tilespmem:v15+s21+$0x0] =	vst.idx.add.s32.msk $0xffff, v3;
	v21 =	vor.u32 v2, v21;
	v63 =	vxor.u32 $0x3FF, v62;
	v15 =	vsel vm14, v58, v60  }
0xcd: {  	v14 =	vshrl.u32 v14, $0x15;
	[tilespmem:v11+s21+$0x0] =	vst.idx.add.s32.msk $0xffff, v3;
	v10 =	vsel vm15, v62, v63;
	v15 =	vor.u32 v2, v15  }
0xce: {  	v59 =	vsel vm1, v18, v57;
	v61 =	vxor.u32 $0x3FF, v14;
	[tilespmem:v17+s21+$0x0] =	vst.idx.add.s32.msk $0xffff, v3;
	v10 =	vor.u32 v2, v10  }
0xcf: {  	s26 =	sadd.s32 $0x1, s26;
	v14 =	vsel vm0, v14, v61;
	v16 =	vor.u32 v2, v59;
	[tilespmem:v12+s21+$0x0] =	vst.idx.add.s32.msk $0xffff, v3  }
0xd0: {  	p2 =	sne.s32 s26, $0x8;
	v14 =	vor.u32 v2, v14;
	[tilespmem:v20+s21+$0x0] =	vst.idx.add.s32.msk $0xffff, v3  }
.Ltmp3:
0xd1: {  	[tilespmem:v21+s21+$0x0] =	vst.idx.add.s32.msk $0xffff, v3;
	(pc) =	sbr.rel @p2 .LBB2_4-.Ltmp3, $4  }
0xd2: {  	[tilespmem:v15+s21+$0x0] =	vst.idx.add.s32.msk $0xffff, v3  }
0xd3: {  	[tilespmem:v10+s21+$0x0] =	vst.idx.add.s32.msk $0xffff, v3  }
0xd4: {  	[tilespmem:v16+s21+$0x0] =	vst.idx.add.s32.msk $0xffff, v3  }
0xd5: {  	[tilespmem:v14+s21+$0x0] =	vst.idx.add.s32.msk $0xffff, v3  }
0xd6: {  	s2 =	simm.s32 $0x0  }
0xd7: {  	v15 =	vld [tilespmem:s2+$0xC010]  }
0xd8: {  	v16 =	vld [tilespmem:s2+$0xC810]  }
0xd9: {  	v17 =	vld [tilespmem:s2+$0xD010]  }
0xda: {  	v18 =	vld [tilespmem:s2+$0xD810]  }
0xdb: {  	v19 =	vld [tilespmem:s2+$0xE010]  }
0xdc: {  	v20 =	vld [tilespmem:s2+$0xE810]  }
0xdd: {  	v21 =	vld [tilespmem:s2+$0xF010]  }
0xde: {  	v22 =	vld [tilespmem:s2+$0xF810]  }
0xdf: {  	v23 =	vld [tilespmem:s2+$0x10010]  }
0xe0: {  	v24 =	vld [tilespmem:s2+$0x10810]  }
0xe1: {  	v25 =	vld [tilespmem:s2+$0x11010]  }
0xe2: {  	s26 =	simm.s32 $0x0;
	v26 =	vld [tilespmem:s2+$0x11810]  }
0xe3: {  	s25 =	sand.u32 $0x7E0, s26;
	v27 =	vld [tilespmem:s2+$0x12010]  }
0xe4: {  	v4 =	vld [tilespmem:s25+$0x13800]  }
0xe5: {  	v5 =	vld [tilespmem:s25+$0x13000]  }
0xe6: {  	v6 =	vld [tilespmem:s25+$0x12800]  }
0xe7: {  	[tilespmem:s2+$0xC010] =	vst v1;
	v7 =	vld [tilespmem:s25+$0x12000]  }
0xe8: {  	[tilespmem:s2+$0xC810] =	vst v1;
	v8 =	vld [tilespmem:s25+$0x11800]  }
0xe9: {  	[tilespmem:s2+$0xD010] =	vst v1;
	v9 =	vld [tilespmem:s25+$0x11000]  }
0xea: {  	[tilespmem:s2+$0xD810] =	vst v1;
	v10 =	vld [tilespmem:s25+$0x10800]  }
0xeb: {  	[tilespmem:s2+$0xE010] =	vst v1;
	v12 =	vld [tilespmem:s25+$0x10000]  }
0xec: {  	[tilespmem:s2+$0xE810] =	vst v1;
	v11 =	vld [tilespmem:s25+$0xF800];
	v15 =	vadd.s32 v15, v16  }
0xed: {  	[tilespmem:s2+$0xF010] =	vst v1;
	v13 =	vld [tilespmem:s25+$0xF000];
	v16 =	vadd.s32 v17, v15  }
0xee: {  	[tilespmem:s2+$0xF810] =	vst v1;
	v14 =	vld [tilespmem:s25+$0xE800];
	v16 =	vadd.s32 v18, v16  }
0xef: {  	[tilespmem:s2+$0x10010] =	vst v1;
	v15 =	vld [tilespmem:s25+$0xE000];
	v17 =	vadd.s32 v19, v16  }
0xf0: {  	[tilespmem:s2+$0x10810] =	vst v1;
	v16 =	vld [tilespmem:s25+$0xD800];
	v17 =	vadd.s32 v20, v17  }
0xf1: {  	[tilespmem:s2+$0x11010] =	vst v1;
	v19 =	vld [tilespmem:s2+$0x12810];
	v18 =	vadd.s32 v21, v17  }
0xf2: {  	[tilespmem:s2+$0x11810] =	vst v1;
	v20 =	vld [tilespmem:s2+$0x13010];
	v18 =	vadd.s32 v22, v18  }
0xf3: {  	[tilespmem:s2+$0x12010] =	vst v1;
	v17 =	vld [tilespmem:s25+$0xD000];
	v21 =	vadd.s32 v23, v18  }
0xf4: {  	[tilespmem:s2+$0x12810] =	vst v1;
	v18 =	vld [tilespmem:s25+$0xC800];
	v22 =	vadd.s32 v24, v21  }
0xf5: {  	[tilespmem:s2+$0x13010] =	vst v1;
	v21 =	vld [tilespmem:s2+$0x13810];
	v23 =	vadd.s32 v25, v22  }
0xf6: {  	v22 =	vld [tilespmem:s2+$0xC000];
	[tilespmem:s2+$0xC000] =	vst v1;
	v23 =	vadd.s32 v26, v23  }
0xf7: {  	s0 =	simm.s32 $0x0;
	s3 =	simm.s32 $0x20;
	[tilespmem:s25+$0xC800] =	vst v1;
	v23 =	vadd.s32 v27, v23  }
.LBB2_10:
0xf8: {  	s4 =	sand.u32 $0x7E0, s3;
	[tilespmem:s25+$0xD000] =	vst v1;
	v19 =	vadd.s32 v19, v23  }
0xf9: {  	v23 =	vld [tilespmem:s4+$0x13800];
	[tilespmem:s25+$0xD800] =	vst v1;
	v19 =	vadd.s32 v20, v19  }
0xfa: {  	v20 =	vld [tilespmem:s4+$0x13000];
	[tilespmem:s25+$0xE000] =	vst v1;
	v19 =	vadd.s32 v21, v19  }
0xfb: {  	v21 =	vld [tilespmem:s4+$0x12800];
	v18 =	vadd.s32 v22, v18;
	[tilespmem:s2+$0x14010] =	vst v19  }
0xfc: {  	v19 =	vld [tilespmem:s4+$0x12000];
	v17 =	vadd.s32 v17, v18;
	[tilespmem:s25+$0xE800] =	vst v1  }
0xfd: {  	v18 =	vld [tilespmem:s4+$0x11800];
	v16 =	vadd.s32 v16, v17;
	[tilespmem:s25+$0xF000] =	vst v1  }
0xfe: {  	v17 =	vld [tilespmem:s4+$0x11000];
	v15 =	vadd.s32 v15, v16;
	[tilespmem:s25+$0xF800] =	vst v1  }
0xff: {  	v16 =	vld [tilespmem:s4+$0x10800];
	v14 =	vadd.s32 v14, v15;
	[tilespmem:s25+$0x10000] =	vst v1  }
0x100: {  	v22 =	vld [tilespmem:s4+$0x10000];
	v13 =	vadd.s32 v13, v14;
	[tilespmem:s25+$0x10800] =	vst v1  }
0x101: {  	v14 =	vadd.s32 v11, v13;
	v11 =	vld [tilespmem:s4+$0xF800];
	[tilespmem:s25+$0x11000] =	vst v1  }
0x102: {  	v13 =	vld [tilespmem:s4+$0xF000];
	v12 =	vadd.s32 v12, v14;
	[tilespmem:s25+$0x11800] =	vst v1  }
0x103: {  	v14 =	vld [tilespmem:s4+$0xE800];
	v24 =	vadd.s32 v10, v12;
	[tilespmem:s25+$0x12000] =	vst v1  }
0x104: {  	v15 =	vld [tilespmem:s4+$0xE000];
	v25 =	vadd.s32 v9, v24;
	[tilespmem:s25+$0x12800] =	vst v1;
	v9 =	vmov v17;
	v10 =	vmov v16  }
0x105: {  	v16 =	vld [tilespmem:s4+$0xD800];
	v24 =	vadd.s32 v8, v25;
	[tilespmem:s25+$0x13000] =	vst v1;
	v8 =	vmov v18;
	v12 =	vmov v22  }
0x106: {  	s26 =	sadd.s32 $0x80, s26;
	v17 =	vld [tilespmem:s4+$0xD000];
	v22 =	vadd.s32 v7, v24;
	[tilespmem:s25+$0x13800] =	vst v1;
	v7 =	vmov v19;
	s25 =	smov.u32 s4  }
0x107: {  	s4 =	sshra.s32 s26, $0x2;
	v18 =	vld [tilespmem:s25+$0xC800];
	v19 =	vadd.s32 v6, v22;
	[tilespmem:s2+$0x13810] =	vst v1;
	v6 =	vmov v21  }
0x108: {  	s0 =	sadd.s32 $0x2, s0;
	v21 =	vld [tilespmem:s4+$0xC010];
	[tilespmem:s4+$0xC010] =	vst v1;
	v19 =	vadd.s32 v5, v19;
	v5 =	vmov v20  }
0x109: {  	p2 =	slt.u32 s0, $0x7E;
	v20 =	vld [tilespmem:s4+$0xC810];
	[tilespmem:s4+$0xC810] =	vst v1;
	v19 =	vadd.s32 v4, v19;
	v4 =	vmov v23  }
0x10a: {  	v22 =	vld [tilespmem:s4+$0xD010];
	[tilespmem:s2+$0x14000] =	vst v19;
	s2 =	smov.u32 s4  }
0x10b: {  	v19 =	vld [tilespmem:s2+$0xD810];
	[tilespmem:s2+$0xD010] =	vst v1  }
0x10c: {  	v23 =	vld [tilespmem:s2+$0xE010];
	[tilespmem:s2+$0xD810] =	vst v1  }
0x10d: {  	v24 =	vld [tilespmem:s2+$0xE810];
	[tilespmem:s2+$0xE010] =	vst v1  }
0x10e: {  	v20 =	vadd.s32 v21, v20;
	v21 =	vld [tilespmem:s2+$0xF010];
	[tilespmem:s2+$0xE810] =	vst v1  }
0x10f: {  	v20 =	vadd.s32 v22, v20;
	v22 =	vld [tilespmem:s2+$0xF810];
	[tilespmem:s2+$0xF010] =	vst v1  }
0x110: {  	v19 =	vadd.s32 v19, v20;
	v20 =	vld [tilespmem:s2+$0x10010];
	[tilespmem:s2+$0xF810] =	vst v1  }
0x111: {  	v19 =	vadd.s32 v23, v19;
	v23 =	vld [tilespmem:s2+$0x10810];
	[tilespmem:s2+$0x10010] =	vst v1  }
0x112: {  	v19 =	vadd.s32 v24, v19;
	v24 =	vld [tilespmem:s2+$0x11010];
	[tilespmem:s2+$0x10810] =	vst v1  }
0x113: {  	v19 =	vadd.s32 v21, v19;
	v25 =	vld [tilespmem:s2+$0x11810];
	[tilespmem:s2+$0x11010] =	vst v1  }
0x114: {  	v19 =	vadd.s32 v22, v19;
	v26 =	vld [tilespmem:s2+$0x12010];
	[tilespmem:s2+$0x11810] =	vst v1  }
.Ltmp4:
0x115: {  	v20 =	vadd.s32 v20, v19;
	v19 =	vld [tilespmem:s2+$0x12810];
	[tilespmem:s2+$0x12010] =	vst v1;
	(pc) =	sbr.rel @p2 .LBB2_10-.Ltmp4, $4  }
0x116: {  	v21 =	vadd.s32 v23, v20;
	v20 =	vld [tilespmem:s2+$0x13010];
	[tilespmem:s2+$0x12810] =	vst v1  }
0x117: {  	v23 =	vadd.s32 v24, v21;
	v21 =	vld [tilespmem:s2+$0x13810];
	[tilespmem:s2+$0x13010] =	vst v1  }
0x118: {  	v22 =	vld [tilespmem:s2+$0xC000];
	[tilespmem:s2+$0xC000] =	vst v1;
	v23 =	vadd.s32 v25, v23  }
0x119: {  	s3 =	sadd.s32 $0x20, s3;
	[tilespmem:s25+$0xC800] =	vst v1;
	v23 =	vadd.s32 v26, v23  }
0x11a: {  	_ =	sdelay $0x1  }
0x11b: {  	[tilespmem:s25+$0xD000] =	vst v1  }
0x11c: {  	[tilespmem:s25+$0xD800] =	vst v1;
	v18 =	vadd.s32 v22, v18  }
0x11d: {  	[tilespmem:s25+$0xE000] =	vst v1;
	v17 =	vadd.s32 v17, v18  }
0x11e: {  	[tilespmem:s25+$0xE800] =	vst v1;
	v16 =	vadd.s32 v16, v17  }
0x11f: {  	[tilespmem:s25+$0xF000] =	vst v1;
	v15 =	vadd.s32 v15, v16  }
0x120: {  	[tilespmem:s25+$0xF800] =	vst v1;
	v14 =	vadd.s32 v14, v15  }
0x121: {  	[tilespmem:s25+$0x10000] =	vst v1;
	v13 =	vadd.s32 v13, v14  }
0x122: {  	[tilespmem:s25+$0x10800] =	vst v1;
	v11 =	vadd.s32 v11, v13  }
0x123: {  	[tilespmem:s25+$0x11000] =	vst v1;
	v11 =	vadd.s32 v12, v11  }
0x124: {  	[tilespmem:s25+$0x11800] =	vst v1;
	v10 =	vadd.s32 v10, v11  }
0x125: {  	[tilespmem:s25+$0x12000] =	vst v1;
	v9 =	vadd.s32 v9, v10  }
0x126: {  	[tilespmem:s25+$0x12800] =	vst v1;
	v8 =	vadd.s32 v8, v9  }
0x127: {  	v19 =	vadd.s32 v19, v23;
	[tilespmem:s25+$0x13000] =	vst v1;
	v7 =	vadd.s32 v7, v8  }
0x128: {  	[tilespmem:s25+$0x13800] =	vst v1;
	v19 =	vadd.s32 v20, v19;
	v6 =	vadd.s32 v6, v7  }
0x129: {  	[tilespmem:s2+$0x13810] =	vst v1;
	v19 =	vadd.s32 v21, v19;
	v5 =	vadd.s32 v5, v6  }
0x12a: {  	[tilespmem:s2+$0x14010] =	vst v19;
	v4 =	vadd.s32 v4, v5  }
0x12b: {  	[tilespmem:s2+$0x14000] =	vst v4  }
0x12c: {  	s3 =	simm.s32 $0x14000;
	s2 =	simm.s32 $0x0;
	s0 =	rddreg [dreg:$0x7]  }
0x12d: {  	[hbm4b:s0+s2] =	stream.linear.scatter [tilespmem:s3], [sflag:$0x3], $0x800, $0x38;
	[tilespmem:$0x16A00] =	vst v63  }
0x12e: {  	_ =	swait.ge [sflag:s17], $0x800  }
0x12f: {  	[sflag:s17] =	ssyncset.done $0x0  }
0x130: {  	[sflag:s17] =	ssyncadd.s32 $0xFFFFF800  }
0x131: {  	s23 =	simm.s32 $0x14800;
	[bflag:$0x0] =	sbarrier.arrive $0xFFFF  }
0x132: {  	[tilespmem:s23], [sflag:$0x3] =	stream.linear.gather [hbm4b:s8+s2], $0x800, $0x38;
	[tilespmem:$0x16A00] =	vst v63  }
0x133: {  	_ =	swait.ge [sflag:s17], $0x800  }
0x134: {  	[sflag:s17] =	ssyncset.done $0x0  }
0x135: {  	s25 =	simm.s32 $0x15000;
	s4 =	rddreg [dreg:$0x8];
	[sflag:s17] =	ssyncadd.s32 $0xFFFFF800  }
0x136: {  	[tilespmem:s25], [sflag:$0x3] =	stream.linear.gather [hbm4b:s4+s2], $0x800, $0x38;
	[tilespmem:$0x16A00] =	vst v63  }
0x137: {  	_ =	swait.ge [sflag:s17], $0x800  }
0x138: {  	[sflag:s17] =	ssyncset.done $0x0  }
0x139: {  	s26 =	simm.s32 $0x15800;
	s5 =	rddreg [dreg:$0x9];
	[sflag:s17] =	ssyncadd.s32 $0xFFFFF800  }
0x13a: {  	[tilespmem:s26], [sflag:$0x3] =	stream.linear.gather [hbm4b:s5+s2], $0x800, $0x38;
	[tilespmem:$0x16A00] =	vst v63  }
0x13b: {  	_ =	swait.ge [sflag:s17], $0x800  }
0x13c: {  	[sflag:s17] =	ssyncset.done $0x0  }
0x13d: {  	s31 =	simm.s32 $0x16000;
	s6 =	rddreg [dreg:$0xa];
	[sflag:s17] =	ssyncadd.s32 $0xFFFFF800  }
0x13e: {  	[tilespmem:s31], [sflag:$0x3] =	stream.linear.gather [hbm4b:s6+s2], $0x800, $0x38;
	[tilespmem:$0x16A00] =	vst v63  }
0x13f: {  	_ =	swait.ge [sflag:s17], $0x800  }
0x140: {  	[sflag:s17] =	ssyncset.done $0x0  }
0x141: {  	[sflag:s17] =	ssyncadd.s32 $0xFFFFF800  }
0x142: {  	v4 =	vld [tilespmem:s23+$0x0]  }
0x143: {  	v5 =	vld [tilespmem:s25+$0x0]  }
0x144: {  	v6 =	vld [tilespmem:s26+$0x0]  }
0x145: {  	v7 =	vld [tilespmem:s31+$0x0];
	_ =	sdelay $0x2  }
0x146: {  	s4 =	simm.s32 $0x14810;
	v4 =	vadd.s32 v4, v5  }
0x147: {  	s5 =	simm.s32 $0x15010;
	v5 =	vld [tilespmem:s4+$0x0];
	v4 =	vadd.s32 v6, v4  }
0x148: {  	s6 =	simm.s32 $0x15810;
	v6 =	vld [tilespmem:s5+$0x0];
	v4 =	vadd.s32 v7, v4  }
0x149: {  	s9 =	simm.s32 $0x16010;
	v7 =	vld [tilespmem:s6+$0x0];
	(xrf0) =	vadd.scan.msk.s32 $0xffff, v4  }
0x14a: {  	v8 =	vld [tilespmem:s9+$0x0];
	_ =	sdelay $0x2  }
0x14b: {  	v5 =	vadd.s32 v5, v6  }
0x14c: {  	v5 =	vadd.s32 v7, v5  }
0x14d: {  	v5 =	vadd.s32 v8, v5;
	v6, _, _ =	vpop (xrf0)  }
0x14e: {  	(xrf0) =	vadd.scan.msk.s32 $0xffff, v5;
	(v2sf) =	vpush v6, $0xF  }
0x14f: {  	v6 =	vadd.s32 s2, v6  }
0x150: {  	vm0 =	vgt.s32 v6, $0x26665  }
0x151: {  	v6 =	vsel vm0, $0x1, v1;
	_ =	sdelay $0x1  }
0x152: {  	s10 =	simm.s32 $0x14820  }
0x153: {  	s11 =	simm.s32 $0x15020;
	v7 =	vld [tilespmem:s10+$0x0];
	(xrf0) =	vadd.scan.msk.s32 $0xffff, v6;
	v6, _, _ =	vpop (xrf0)  }
0x154: {  	s12 =	simm.s32 $0x15820;
	v8 =	vld [tilespmem:s11+$0x0];
	(v2sf) =	vpush v6, $0xF  }
0x155: {  	s13 =	simm.s32 $0x16020;
	v53 =	vld [tilespmem:s12+$0x0]  }
0x156: {  	v54 =	vld [tilespmem:s13+$0x0];
	_ =	sdelay $0x2  }
0x157: {  	s14 =	simm.s32 $0x14830;
	v7 =	vadd.s32 v7, v8  }
0x158: {  	s15 =	simm.s32 $0x15030;
	v56 =	vld [tilespmem:s14+$0x0];
	v4 =	vsel vm0, $0x0, v4;
	v7 =	vadd.s32 v53, v7;
	v55, _, _ =	vpop (xrf0)  }
0x159: {  	s16 =	simm.s32 $0x15830;
	v57 =	vld [tilespmem:s15+$0x0];
	(xrf0) =	vadd.scan.msk.s32 $0xffff, v4;
	v7 =	vadd.s32 v54, v7;
	(v2sf) =	vpush v55, $0xF  }
0x15a: {  	s23 =	simm.s32 $0x16030;
	v8 =	vld [tilespmem:s16+$0x0];
	(xrf0) =	vadd.scan.msk.s32 $0xffff, v7;
	s18 =	spop (v2sf)  }
0x15b: {  	v58 =	vld [tilespmem:s23+$0x0];
	s28 =	sadd.s32 $0x0, s18  }
0x15c: {  	v4 =	vadd.s32 s28, v6  }
0x15d: {  	vm14 =	vgt.s32 v4, $0x26665  }
0x15e: {  	v6 =	vadd.s32 v56, v57;
	v4 =	vsel vm14, $0x1, v1  }
0x15f: {  	v5 =	vsel vm14, $0x0, v5;
	(xrf0) =	vadd.scan.msk.s32 $0xffff, v4;
	v4 =	vadd.s32 v8, v6;
	v8, _, _ =	vpop (xrf0)  }
0x160: {  	s26 =	simm.s32 $0x15040;
	v4 =	vadd.s32 v58, v4;
	(xrf0) =	vadd.scan.msk.s32 $0xffff, v5;
	v60, _, _ =	vpop (xrf0);
	(v2sf) =	vpush v8, $0xF  }
0x161: {  	s25 =	simm.s32 $0x14840;
	v6 =	vld [tilespmem:s26+$0x0];
	s31 =	spop (v2sf);
	(xrf0) =	vadd.scan.msk.s32 $0xffff, v4;
	(v2sf) =	vpush v60, $0xF  }
0x162: {  	v5 =	vld [tilespmem:s25+$0x0];
	s5 =	sadd.s32 s28, s31  }
0x163: {  	v8 =	vadd.s32 s5, v60;
	_ =	sdelay $0x1  }
0x164: {  	v62, _, _ =	vpop (xrf0)  }
0x165: {  	s18 =	simm.s32 $0x15840;
	vm15 =	vgt.s32 v8, $0x26665;
	(v2sf) =	vpush v62, $0xF;
	v8, _, _ =	vpop (xrf0)  }
0x166: {  	s6 =	simm.s32 $0x16040;
	v59 =	vld [tilespmem:s18+$0x0];
	v5 =	vadd.s32 v5, v6;
	v6, _, _ =	vpop (xrf0);
	(v2sf) =	vpush v8, $0xF  }
0x167: {  	v61 =	vld [tilespmem:s6+$0x0];
	s15 =	spop (v2sf);
	(v2sf) =	vpush v6, $0xF;
	_ =	sdelay $0x1  }
0x168: {  	s29 =	simm.s32 $0x20;
	s3 =	simm.s32 $0x30;
	s0 =	simm.s32 $0x50;
	v63 =	vsel vm15, $0x1, v1  }
0x169: {  	s9 =	simm.s32 $0x15050;
	s14 =	simm.s32 $0x0;
	s23 =	simm.s32 $0x14850;
	(xrf0) =	vadd.scan.msk.s32 $0xffff, v63  }
0x16a: {  	s4 =	simm.s32 $0x10;
	s10 =	simm.s32 $0x60;
	s16 =	simm.s32 $0x40;
	v7 =	vsel vm15, $0x0, v7;
	v5 =	vadd.s32 v59, v5  }
0x16b: {  	s26 =	simm.s32 $0x0;
	s25 =	simm.s32 $0x0;
	s30 =	smov.u32 s5;
	(xrf0) =	vadd.scan.msk.s32 $0xffff, v7;
	v5 =	vadd.s32 v61, v5  }
.LBB2_12:
0x16c: {  	p2 =	sne.s32 s10, $0x800;
	(xrf0) =	vadd.scan.msk.s32 $0xffff, v5;
	p4 =	seq.s32 s2, $0x0;
	p3 =	sgt.s32 s15, $0x0  }
0x16d: {  	s18 =	sadd.s32 $0x10, s18;
	v7 =	vld [tilespmem:s23+$0x0];
	p4 =	por !p4, !p3;
	s11 =	spop (v2sf)  }
0x16e: {  	v8 =	vld [tilespmem:s9+$0x0];
	s31 =	spop (v2sf);
	p4 =	por !p4, !p4;
	s11 =	sadd.s32 s14, s11  }
0x16f: {  	s6 =	sadd.s32 $0x10, s6;
	v9 =	vld [tilespmem:s18+$0x0];
	s5 =	sadd.s32 s5, s31;
	v10, _, _ =	vpop (xrf0);
	s26 =	smov.u32 @p4 s11  }
0x170: {  	s4 =	ssub.s32 s4, s15;
	s14 =	smov.u32 s28;
	s28 =	smov.u32 s30;
	v11 =	vld [tilespmem:s6+$0x0];
	v12 =	vadd.s32 s5, v6;
	(v2sf) =	vpush v10, $0xF  }
.Ltmp5:
0x171: {  	s25 =	smov.u32 @p4 s4;
	s30 =	smov.u32 s5;
	vm0 =	vgt.s32 v12, $0x26665;
	v10, _, _ =	vpop (xrf0);
	(pc) =	sbr.rel @p2 .LBB2_12-.Ltmp5, $4  }
0x172: {  	s4 =	smov.u32 s29;
	s29 =	smov.u32 s3;
	s3 =	smov.u32 s16;
	v6, _, _ =	vpop (xrf0);
	v12 =	vsel vm0, $0x1, v1;
	(v2sf) =	vpush v10, $0xF  }
0x173: {  	s16 =	smov.u32 s0;
	s0 =	smov.u32 s10;
	v7 =	vadd.s32 v7, v8;
	(v2sf) =	vpush v6, $0xF;
	(xrf0) =	vadd.scan.msk.s32 $0xffff, v12  }
0x174: {  	s23 =	sadd.s32 $0x10, s23;
	s9 =	sadd.s32 $0x10, s9;
	v8 =	vsel vm0, $0x0, v4;
	v4 =	vmov v5;
	v7 =	vadd.s32 v9, v7  }
0x175: {  	s2 =	simm.s32 @p3 $0x1;
	s10 =	sadd.s32 $0x10, s10;
	v5 =	vadd.s32 v11, v7;
	(xrf0) =	vadd.scan.msk.s32 $0xffff, v8;
	s15 =	spop (v2sf)  }
0x176: {  	_ =	sdelay $0x6  }
0x177: {  	(xrf0) =	vadd.scan.msk.s32 $0xffff, v5;
	s9 =	spop (v2sf)  }
0x178: {  	s6 =	spop (v2sf)  }
0x179: {  	s6 =	sadd.s32 s5, s6  }
0x17a: {  	v6 =	vadd.s32 s6, v6;
	s10 =	spop (v2sf)  }
0x17b: {  	v7, _, _ =	vpop (xrf0);
	s11 =	spop (v2sf)  }
0x17c: {  	v8, _, _ =	vpop (xrf0);
	s23 =	spop (v2sf)  }
0x17d: {  	vm0 =	vgt.s32 v6, $0x26665;
	v6, _, _ =	vpop (xrf0);
	s5 =	sadd.s32 s6, s23  }
0x17e: {  	v9 =	vsel vm0, $0x1, v1;
	v10 =	vadd.s32 s5, v6  }
0x17f: {  	v4 =	vsel vm0, $0x0, v4;
	(xrf0) =	vadd.scan.msk.s32 $0xffff, v9;
	vm15 =	vgt.s32 v10, $0x26665  }
0x180: {  	(xrf0) =	vadd.scan.msk.s32 $0xffff, v4;
	v4 =	vsel vm15, $0x1, v1  }
0x181: {  	(xrf0) =	vadd.scan.msk.s32 $0xffff, v4;
	v4 =	vsel vm15, $0x0, v5  }
0x182: {  	(xrf0) =	vadd.scan.msk.s32 $0xffff, v4  }
0x183: {  	(v2sf) =	vpush v7, $0xF  }
0x184: {  	(v2sf) =	vpush v8, $0xF  }
0x185: {  	(v2sf) =	vpush v6, $0xF;
	v4, _, _ =	vpop (xrf0)  }
0x186: {  	(v2sf) =	vpush v4, $0xF;
	v4, _, _ =	vpop (xrf0)  }
0x187: {  	(v2sf) =	vpush v4, $0xF;
	v4, _, _ =	vpop (xrf0)  }
0x188: {  	(v2sf) =	vpush v4, $0xF;
	v4, _, _ =	vpop (xrf0)  }
0x189: {  	(v2sf) =	vpush v4, $0xF;
	_ =	sdelay $0x4  }
0x18a: {  	p2 =	seq.s32 s2, $0x0;
	p3 =	sgt.s32 s15, $0x0  }
0x18b: {  	s4 =	ssub.s32 s4, s15;
	p2 =	por !p2, !p3;
	s2 =	simm.s32 @p3 $0x1  }
0x18c: {  	s9 =	sadd.s32 s14, s9;
	p2 =	por !p2, !p2;
	p3 =	seq.s32 s2, $0x0  }
0x18d: {  	s26 =	smov.u32 @p2 s9;
	s25 =	smov.u32 @p2 s4;
	p4 =	sgt.s32 s10, $0x0  }
0x18e: {  	s10 =	ssub.s32 s29, s10;
	p5 =	por !p3, !p4;
	s31 =	spop (v2sf)  }
0x18f: {  	s2 =	simm.s32 @p4 $0x1;
	p2 =	por !p5, !p5;
	s12 =	spop (v2sf)  }
0x190: {  	s11 =	sadd.s32 s28, s11;
	p6 =	seq.s32 s2, $0x0;
	s13 =	spop (v2sf)  }
0x191: {  	s28 =	simm.s32 $0x0;
	s26 =	smov.u32 @p2 s11;
	s15 =	spop (v2sf)  }
0x192: {  	s25 =	smov.u32 @p2 s10;
	p4 =	sgt.s32 s31, $0x0;
	s14 =	spop (v2sf)  }
0x193: {  	s3 =	ssub.s32 s3, s31;
	p5 =	por !p6, !p4;
	s18 =	spop (v2sf)  }
0x194: {  	s2 =	simm.s32 @p4 $0x1;
	p2 =	por !p5, !p5;
	s23 =	spop (v2sf)  }
0x195: {  	s4 =	sadd.s32 s30, s12;
	p6 =	seq.s32 s2, $0x0;
	[bflag:$0x0] =	sbarrier.arrive $0xFFFF  }
0x196: {  	s26 =	smov.u32 @p2 s4;
	s25 =	smov.u32 @p2 s3;
	p4 =	sgt.s32 s15, $0x0;
	v4 =	vld [tilespmem:$0x16800]  }
0x197: {  	s3 =	ssub.s32 s16, s15;
	p3 =	por !p6, !p4;
	s2 =	simm.s32 @p4 $0x1;
	v5 =	vld [tilespmem:$0x16810]  }
0x198: {  	p2 =	por !p3, !p3;
	p5 =	seq.s32 s2, $0x0;
	p6 =	sgt.s32 s18, $0x0;
	v6 =	vld [tilespmem:$0x16820]  }
0x199: {  	s2 =	sadd.s32 s6, s14;
	s25 =	smov.u32 @p2 s3;
	p3 =	por !p5, !p6;
	v7 =	vld [tilespmem:$0x16830]  }
0x19a: {  	s0 =	ssub.s32 s0, s18;
	v8 =	vld [tilespmem:$0x16840];
	p3 =	por !p3, !p3;
	s31 =	rddreg [dreg:$0x6]  }
0x19b: {  	v9 =	vld [tilespmem:$0x16850];
	[tilespmem:s28], [sflag:$0x1] =	stream.linear.gather [hbm4b:s31+s28], $0x6000, $0x38  }
0x19c: {  	s26 =	smov.u32 @p2 s2;
	s2 =	sadd.s32 s5, s23;
	s25 =	smov.u32 @p3 s0  }
0x19d: {  	s29 =	simm.s32 $0x0;
	s26 =	smov.u32 @p3 s2;
	v10 =	vmov s25  }
.LBB2_14:
0x19e: {  	s0 =	smul.u32 $0xC000, s29;
	_ =	sdelay $0x1  }
0x19f: {  	s30 =	sadd.s32 s7, s0  }
0x1a0: {  	s0 =	sshrl.u32 s30, $0x3  }
0x1a1: {  	s0 =	sadd.s32 s1, s0  }
0x1a2: {  	s0 =	sadd.s32 $0xC00, s0  }
0x1a3: {  	[tilespmem:s19], [sflag:$0x2] =	stream.linear.gather [hbm4b:s0+s28], $0x6000, $0x38;
	[tilespmem:$0x16A00] =	vst v63  }
0x1a4: {  	_ =	swait.ge [sflag:s20], $0x6000  }
0x1a5: {  	[sflag:s20] =	ssyncset.done $0x0  }
0x1a6: {  	s2 =	sand.u32 $0x7FC0, s28;
	[sflag:s20] =	ssyncadd.s32 $0xFFFFA000  }
0x1a7: {  	s23 =	simm.s32 $0x60;
	v11 =	vld [tilespmem:s2+$0x80]  }
0x1a8: {  	v12 =	vld [tilespmem:s23+$0xFFFFFFE0]  }
0x1a9: {  	v13 =	vld [tilespmem:s23+$0xFFFFFFD0]  }
0x1aa: {  	v14 =	vld [tilespmem:s23+$0x0]  }
0x1ab: {  	v15 =	vld [tilespmem:s23+$0x30]  }
0x1ac: {  	v18 =	vld [tilespmem:s23+$0xFFFFFFB0];
	_ =	sdelay $0x1  }
0x1ad: {  	v11 =	vmul.f32 v11, v6  }
0x1ae: {  	v16 =	vld [tilespmem:s23+$0x40];
	v20 =	vmul.f32 v13, v7;
	v13 =	vmul.f32 v12, v8  }
0x1af: {  	v17 =	vld [tilespmem:s23+$0xFFFFFFA0];
	v21 =	vmul.f32 v15, v7;
	v14 =	vmul.f32 v14, v4  }
0x1b0: {  	v12 =	vld [tilespmem:s23+$0x10];
	v18 =	vmul.f32 v18, v5;
	vm0 =	vlt.s32 v11, $0x0;
	v19 =	vxor.u32 $0x7FFFFFFF, v11  }
0x1b1: {  	vm1 =	vlt.s32 v13, $0x0;
	v25 =	vxor.u32 $0x7FFFFFFF, v13;
	v60 =	vxor.u32 $0x7FFFFFFF, v21  }
0x1b2: {  	vm4 =	vlt.s32 v18, $0x0;
	vm6 =	vlt.s32 v21, $0x0;
	v11 =	vsel vm0, v11, v19  }
0x1b3: {  	vm0 =	vlt.s32 v14, $0x0;
	v15 =	vshrl.u32 v11, $0xA;
	v22 =	vshrl.u32 v11, $0x15  }
0x1b4: {  	v11 =	vmul.f32 v16, v8;
	v16 =	vmul.f32 v17, v4;
	v17 =	vxor.u32 $0x7FFFFFFF, v14  }
0x1b5: {  	v14 =	vsel vm0, v14, v17;
	v17 =	vmul.f32 v12, v5;
	v26 =	vand.u32 $0x7FF, v15  }
0x1b6: {  	vm5 =	veq.s32 v22, v10;
	v12 =	vshrl.u32 v14, $0xA;
	v14 =	vshrl.u32 v14, $0x15  }
0x1b7: {  	v63 =	vld [tilespmem:s23+$0xFFFFFFF0];
	v23 =	vxor.u32 $0x7FFFFFFF, v16;
	vm0 =	vlt.s32 v11, $0x0;
	v19 =	vxor.u32 $0x7FFFFFFF, v11  }
0x1b8: {  	vm3 =	vlt.s32 v16, $0x0;
	v26 =	vor.u32 v2, v26;
	vm2 =	veq.s32 v14, v10  }
0x1b9: {  	v15 =	vld [tilespmem:s23+$0xFFFFFFC0];
	v14 =	vxor.u32 $0x7FFFFFFF, v18;
	v24 =	vand.u32 $0x7FF, v12;
	v12 =	vsel vm0, v11, v19  }
0x1ba: {  	v11 =	vsel vm1, v13, v25;
	v19 =	vxor.u32 $0x7FFFFFFF, v20;
	vm1 =	vlt.s32 v20, $0x0  }
0x1bb: {  	vm13 =	vlt.s32 v17, $0x0;
	v28 =	vxor.u32 $0x7FFFFFFF, v17;
	v23 =	vsel vm3, v16, v23  }
0x1bc: {  	v16 =	vmul.f32 v63, v9;
	v13 =	vshrl.u32 v11, $0xA;
	v27 =	vshrl.u32 v12, $0xA  }
0x1bd: {  	v11 =	vshrl.u32 v11, $0x15;
	v14 =	vsel vm4, v18, v14;
	v18 =	vor.u32 v2, v24  }
0x1be: {  	v13 =	vand.u32 $0x7FF, v13;
	v62 =	vmul.f32 v15, v6;
	v15 =	vsel vm13, v17, v28  }
0x1bf: {  	v17 =	vsel vm1, v20, v19;
	v19 =	vshrl.u32 v15, $0xA;
	v15 =	vshrl.u32 v15, $0x15  }
0x1c0: {  	v30 =	vld [tilespmem:s23+$0x50];
	vm0 =	veq.s32 v11, v10;
	vm14 =	veq.s32 v15, v10;
	v15 =	vand.u32 $0x7FF, v19  }
0x1c1: {  	v61 =	vshrl.u32 v14, $0xA;
	v14 =	vshrl.u32 v14, $0x15;
	v22 =	vor.u32 v2, v15  }
0x1c2: {  	v11 =	vor.u32 v2, v13;
	vm1 =	veq.s32 v14, v10;
	v14 =	vand.u32 $0x7FF, v61  }
0x1c3: {  	v13 =	vand.u32 $0x7FF, v27;
	v14 =	vor.u32 v2, v14;
	v29 =	vxor.u32 $0x7FFFFFFF, v62  }
0x1c4: {  	v19 =	vshrl.u32 v17, $0xA;
	v15 =	vshrl.u32 v17, $0x15;
	v17 =	vsel vm6, v21, v60  }
0x1c5: {  	vm15 =	vlt.s32 v62, $0x0;
	[tilespmem:v18+s21+$0x0] =	vst.idx.add.s32.msk vm2, v3;
	v18 =	vmul.f32 v30, v9;
	v21 =	vshrl.u32 v17, $0xA  }
0x1c6: {  	v20 =	vshrl.u32 v17, $0x15;
	v17 =	vand.u32 $0x7FF, v21;
	v21 =	vshrl.u32 v23, $0xA;
	[tilespmem:v22+s21+$0x0] =	vst.idx.add.s32.msk vm14, v3  }
0x1c7: {  	s31 =	simm.s32 $0xC0;
	s0 =	simm.s32 $0x120;
	s2 =	simm.s32 $0x0;
	v23 =	vshrl.u32 v23, $0x15;
	v21 =	vand.u32 $0x7FF, v21;
	v22 =	vsel vm15, v62, v29;
	[tilespmem:v26+s21+$0x0] =	vst.idx.add.s32.msk vm5, v3  }
.LBB2_15:
0x1c8: {  	v24 =	vld [tilespmem:s0+$0xFFFFFFE0];
	s3 =	sand.u32 $0x7FC0, s31;
	s2 =	sadd.s32 $0x2, s2;
	v25 =	vshrl.u32 v22, $0xA;
	v19 =	vand.u32 $0x7FF, v19;
	v12 =	vshrl.u32 v12, $0x15  }
0x1c9: {  	vm7 =	veq.s32 v23, v10;
	v22 =	vshrl.u32 v22, $0x15;
	v26 =	vld [tilespmem:s3+$0x80];
	p2 =	slt.u32 s2, $0xFE;
	vm2 =	veq.s32 v12, v10  }
0x1ca: {  	v21 =	vor.u32 v2, v21;
	v13 =	vor.u32 v2, v13;
	vm3 =	veq.s32 v22, v10;
	v12 =	vld [tilespmem:s0+$0xFFFFFFD0]  }
0x1cb: {  	v23 =	vxor.u32 $0x7FFFFFFF, v16;
	vm5 =	veq.s32 v20, v10;
	v25 =	vand.u32 $0x7FF, v25;
	v22 =	vld [tilespmem:s0+$0x0]  }
0x1cc: {  	vm6 =	vlt.s32 v18, $0x0;
	v27 =	vxor.u32 $0x7FFFFFFF, v18;
	v25 =	vor.u32 v2, v25;
	v20 =	vld [tilespmem:s0+$0x40]  }
0x1cd: {  	vm8 =	vlt.s32 v16, $0x0;
	vm4 =	veq.s32 v15, v10;
	v15 =	vsel vm6, v18, v27;
	v28 =	vld [tilespmem:s0+$0x30]  }
0x1ce: {  	v19 =	vor.u32 v2, v19;
	v27 =	vshrl.u32 v15, $0x15;
	v18 =	vld [tilespmem:s0+$0xFFFFFFB0];
	v26 =	vmul.f32 v26, v6  }
0x1cf: {  	v17 =	vor.u32 v2, v17;
	v15 =	vshrl.u32 v15, $0xA;
	vm6 =	veq.s32 v27, v10;
	v29 =	vld [tilespmem:s0+$0xFFFFFFA0]  }
0x1d0: {  	v16 =	vsel vm8, v16, v23;
	vm9 =	vlt.s32 v26, $0x0;
	v27 =	vxor.u32 $0x7FFFFFFF, v26;
	[tilespmem:v21+s21+$0x0] =	vst.idx.add.s32.msk vm7, v3  }
0x1d1: {  	v21 =	vmul.f32 v12, v7;
	v12 =	vsel vm9, v26, v27;
	[tilespmem:v14+s21+$0x0] =	vst.idx.add.s32.msk vm1, v3;
	v14 =	vand.u32 $0x7FF, v15  }
0x1d2: {  	v15 =	vmul.f32 v24, v8;
	v23 =	vld [tilespmem:s0+$0x10];
	v24 =	vmul.f32 v28, v7;
	v14 =	vor.u32 v2, v14  }
0x1d3: {  	v26 =	vshrl.u32 v12, $0xA;
	v27 =	vshrl.u32 v12, $0x15;
	v12 =	vshrl.u32 v16, $0x15;
	[tilespmem:v25+s21+$0x0] =	vst.idx.add.s32.msk vm3, v3  }
0x1d4: {  	v22 =	vmul.f32 v22, v4;
	v20 =	vmul.f32 v20, v8;
	v16 =	vshrl.u32 v16, $0xA;
	[tilespmem:v17+s21+$0x0] =	vst.idx.add.s32.msk vm5, v3  }
0x1d5: {  	vm3 =	vlt.s32 v15, $0x0;
	v16 =	vand.u32 $0x7FF, v16;
	v17 =	vmul.f32 v29, v4;
	[tilespmem:v13+s21+$0x0] =	vst.idx.add.s32.msk vm2, v3  }
0x1d6: {  	vm1 =	vlt.s32 v22, $0x0;
	v16 =	vor.u32 v2, v16;
	v13 =	vxor.u32 $0x7FFFFFFF, v22;
	[tilespmem:v19+s21+$0x0] =	vst.idx.add.s32.msk vm4, v3  }
0x1d7: {  	v18 =	vmul.f32 v18, v5;
	v13 =	vsel vm1, v22, v13;
	v19 =	vmul.f32 v23, v5  }
0x1d8: {  	vm4 =	veq.s32 v12, v10;
	v22 =	vshrl.u32 v13, $0xA;
	v13 =	vshrl.u32 v13, $0x15;
	[tilespmem:v14+s21+$0x0] =	vst.idx.add.s32.msk vm6, v3  }
0x1d9: {  	vm5 =	vlt.s32 v20, $0x0;
	v23 =	vxor.u32 $0x7FFFFFFF, v17;
	vm1 =	veq.s32 v13, v10;
	[tilespmem:v11+s21+$0x0] =	vst.idx.add.s32.msk vm0, v3  }
0x1da: {  	v13 =	vxor.u32 $0x7FFFFFFF, v18;
	v14 =	vand.u32 $0x7FF, v22;
	v11 =	vxor.u32 $0x7FFFFFFF, v20  }
0x1db: {  	vm2 =	vlt.s32 v17, $0x0;
	v22 =	vxor.u32 $0x7FFFFFFF, v15;
	v12 =	vsel vm5, v20, v11  }
0x1dc: {  	v11 =	vsel vm3, v15, v22;
	v20 =	vxor.u32 $0x7FFFFFFF, v24;
	v22 =	vand.u32 $0x7FF, v26  }
0x1dd: {  	v25 =	vxor.u32 $0x7FFFFFFF, v21;
	v26 =	vshrl.u32 v11, $0xA;
	v28 =	vshrl.u32 v12, $0xA;
	v15 =	vld [tilespmem:s0+$0xFFFFFFC0]  }
0x1de: {  	vm3 =	vlt.s32 v21, $0x0;
	v11 =	vshrl.u32 v11, $0x15;
	v26 =	vand.u32 $0x7FF, v26;
	[tilespmem:v16+s21+$0x0] =	vst.idx.add.s32.msk vm4, v3  }
0x1df: {  	vm0 =	veq.s32 v11, v10;
	v11 =	vor.u32 v2, v26;
	vm4 =	vlt.s32 v18, $0x0  }
0x1e0: {  	v14 =	vor.u32 v2, v14;
	v16 =	vsel vm4, v18, v13;
	vm4 =	vlt.s32 v19, $0x0  }
0x1e1: {  	v26 =	vxor.u32 $0x7FFFFFFF, v19;
	v13 =	vand.u32 $0x7FF, v28;
	v18 =	vshrl.u32 v16, $0xA  }
0x1e2: {  	v16 =	vshrl.u32 v16, $0x15;
	v28 =	vmul.f32 v15, v6;
	v15 =	vsel vm4, v19, v26  }
0x1e3: {  	v21 =	vsel vm3, v21, v25;
	v26 =	vld [tilespmem:s0+$0xFFFFFFF0];
	v19 =	vshrl.u32 v15, $0xA;
	v15 =	vshrl.u32 v15, $0x15  }
0x1e4: {  	v25 =	vxor.u32 $0x7FFFFFFF, v28;
	v29 =	vld [tilespmem:s0+$0x50];
	vm3 =	veq.s32 v15, v10;
	v15 =	vand.u32 $0x7FF, v19  }
0x1e5: {  	vm4 =	veq.s32 v27, v10;
	v19 =	vshrl.u32 v21, $0xA;
	[tilespmem:v14+s21+$0x0] =	vst.idx.add.s32.msk vm1, v3;
	v27 =	vor.u32 v2, v15  }
0x1e6: {  	vm5 =	vlt.s32 v24, $0x0;
	v30 =	vor.u32 v2, v22;
	v15 =	vshrl.u32 v21, $0x15  }
.Ltmp6:
0x1e7: {  	vm1 =	veq.s32 v16, v10;
	v14 =	vand.u32 $0x7FF, v18;
	v16 =	vsel vm5, v24, v20;
	(pc) =	sbr.rel @p2 .LBB2_15-.Ltmp6, $4  }
0x1e8: {  	vm5 =	vlt.s32 v28, $0x0;
	v14 =	vor.u32 v2, v14;
	v18 =	vshrl.u32 v16, $0xA  }
0x1e9: {  	v21 =	vsel vm2, v17, v23;
	v20 =	vshrl.u32 v16, $0x15;
	v17 =	vand.u32 $0x7FF, v18  }
0x1ea: {  	v24 =	vshrl.u32 v21, $0xA;
	v16 =	vmul.f32 v26, v9;
	v18 =	vmul.f32 v29, v9;
	[tilespmem:v27+s21+$0x0] =	vst.idx.add.s32.msk vm3, v3  }
0x1eb: {  	s31 =	sadd.s32 $0xC0, s31;
	s0 =	sadd.s32 $0xC0, s0;
	v22 =	vsel vm5, v28, v25;
	v23 =	vshrl.u32 v21, $0x15;
	v21 =	vand.u32 $0x7FF, v24;
	[tilespmem:v30+s21+$0x0] =	vst.idx.add.s32.msk vm4, v3  }
0x1ec: {  	v24 =	vshrl.u32 v22, $0xA;
	v19 =	vand.u32 $0x7FF, v19;
	v12 =	vshrl.u32 v12, $0x15  }
0x1ed: {  	v22 =	vshrl.u32 v22, $0x15;
	vm2 =	veq.s32 v23, v10;
	v13 =	vor.u32 v2, v13  }
0x1ee: {  	vm5 =	veq.s32 v20, v10;
	vm3 =	veq.s32 v12, v10;
	v12 =	vor.u32 v2, v21  }
0x1ef: {  	vm6 =	vlt.s32 v18, $0x0;
	vm7 =	vlt.s32 v16, $0x0;
	v21 =	vand.u32 $0x7FF, v24  }
0x1f0: {  	v17 =	vor.u32 v2, v17;
	v20 =	vor.u32 v2, v21;
	v21 =	vxor.u32 $0x7FFFFFFF, v18  }
0x1f1: {  	vm8 =	veq.s32 v15, v10;
	vm4 =	veq.s32 v22, v10;
	v15 =	vsel vm6, v18, v21  }
0x1f2: {  	v22 =	vxor.u32 $0x7FFFFFFF, v16;
	v18 =	vor.u32 v2, v19;
	v19 =	vshrl.u32 v15, $0x15  }
0x1f3: {  	v16 =	vsel vm7, v16, v22;
	v15 =	vshrl.u32 v15, $0xA;
	vm9 =	veq.s32 v19, v10;
	[tilespmem:v12+s21+$0x0] =	vst.idx.add.s32.msk vm2, v3  }
0x1f4: {  	v12 =	vand.u32 $0x7FF, v15;
	v15 =	vshrl.u32 v16, $0xA;
	[tilespmem:v14+s21+$0x0] =	vst.idx.add.s32.msk vm1, v3;
	v14 =	vshrl.u32 v16, $0x15  }
0x1f5: {  	[tilespmem:v17+s21+$0x0] =	vst.idx.add.s32.msk vm5, v3;
	v12 =	vor.u32 v2, v12;
	v15 =	vand.u32 $0x7FF, v15;
	vm1 =	veq.s32 v14, v10  }
0x1f6: {  	[tilespmem:v13+s21+$0x0] =	vst.idx.add.s32.msk vm3, v3;
	v14 =	vor.u32 v2, v15  }
0x1f7: {  	[tilespmem:v20+s21+$0x0] =	vst.idx.add.s32.msk vm4, v3  }
0x1f8: {  	p2 =	seq.s32 s29, $0x7;
	[tilespmem:v18+s21+$0x0] =	vst.idx.add.s32.msk vm8, v3  }
0x1f9: {  	s0 =	sshrl.u32 @!p2 s30, $0x3;
	[tilespmem:v11+s21+$0x0] =	vst.idx.add.s32.msk vm0, v3  }
0x1fa: {  	s0 =	sadd.s32 @!p2 s1, s0;
	[tilespmem:v12+s21+$0x0] =	vst.idx.add.s32.msk vm9, v3  }
0x1fb: {  	s2 =	simm.s32 @!p2 $0x0;
	s0 =	sadd.s32 @!p2 $0x1800, s0;
	[tilespmem:v14+s21+$0x0] =	vst.idx.add.s32.msk vm1, v3  }
0x1fc: {  	[tilespmem:s2], [sflag:$0x1] =	stream.linear.gather @!p2 [hbm4b:s0+s2], $0x6000, $0x38;
	[tilespmem:$0x16A00] =	vst v63  }
0x1fd: {  	_ =	swait.ge [sflag:s22], $0x6000  }
0x1fe: {  	s18 =	simm.s32 $0x0;
	[sflag:s22] =	ssyncset.done $0x0  }
0x1ff: {  	s23 =	sand.u32 $0x7FC0, s18;
	[sflag:s22] =	ssyncadd.s32 $0xFFFFA000  }
0x200: {  	s31 =	simm.s32 $0x6060;
	v11 =	vld [tilespmem:s23+$0x6080]  }
0x201: {  	v12 =	vld [tilespmem:s31+$0xFFFFFFE0]  }
0x202: {  	v13 =	vld [tilespmem:s31+$0xFFFFFFD0]  }
0x203: {  	v14 =	vld [tilespmem:s31+$0x0]  }
0x204: {  	v15 =	vld [tilespmem:s31+$0x30]  }
0x205: {  	v18 =	vld [tilespmem:s31+$0xFFFFFFB0];
	_ =	sdelay $0x1  }
0x206: {  	v11 =	vmul.f32 v11, v6  }
0x207: {  	v16 =	vld [tilespmem:s31+$0x40];
	v20 =	vmul.f32 v13, v7;
	v13 =	vmul.f32 v12, v8  }
0x208: {  	v17 =	vld [tilespmem:s31+$0xFFFFFFA0];
	v21 =	vmul.f32 v15, v7;
	v14 =	vmul.f32 v14, v4  }
0x209: {  	v12 =	vld [tilespmem:s31+$0x10];
	v18 =	vmul.f32 v18, v5;
	vm0 =	vlt.s32 v11, $0x0;
	v19 =	vxor.u32 $0x7FFFFFFF, v11  }
0x20a: {  	vm1 =	vlt.s32 v13, $0x0;
	v25 =	vxor.u32 $0x7FFFFFFF, v13;
	v60 =	vxor.u32 $0x7FFFFFFF, v21  }
0x20b: {  	vm10 =	vlt.s32 v18, $0x0;
	vm14 =	vlt.s32 v21, $0x0;
	v11 =	vsel vm0, v11, v19  }
0x20c: {  	vm0 =	vlt.s32 v14, $0x0;
	v15 =	vshrl.u32 v11, $0xA;
	v22 =	vshrl.u32 v11, $0x15  }
0x20d: {  	v11 =	vmul.f32 v16, v8;
	v16 =	vmul.f32 v17, v4;
	v17 =	vxor.u32 $0x7FFFFFFF, v14  }
0x20e: {  	v14 =	vsel vm0, v14, v17;
	v17 =	vmul.f32 v12, v5;
	v26 =	vand.u32 $0x7FF, v15  }
0x20f: {  	vm13 =	veq.s32 v22, v10;
	v12 =	vshrl.u32 v14, $0xA;
	v14 =	vshrl.u32 v14, $0x15  }
0x210: {  	v63 =	vld [tilespmem:s31+$0xFFFFFFF0];
	v23 =	vxor.u32 $0x7FFFFFFF, v16;
	vm0 =	vlt.s32 v11, $0x0;
	v19 =	vxor.u32 $0x7FFFFFFF, v11  }
0x211: {  	vm3 =	vlt.s32 v16, $0x0;
	v26 =	vor.u32 v2, v26;
	vm2 =	veq.s32 v14, v10  }
0x212: {  	v15 =	vld [tilespmem:s31+$0xFFFFFFC0];
	v14 =	vxor.u32 $0x7FFFFFFF, v18;
	v59 =	vand.u32 $0x7FF, v12;
	v12 =	vsel vm0, v11, v19  }
0x213: {  	v11 =	vsel vm1, v13, v25;
	v19 =	vxor.u32 $0x7FFFFFFF, v20;
	vm1 =	vlt.s32 v20, $0x0  }
0x214: {  	vm11 =	vlt.s32 v17, $0x0;
	v28 =	vxor.u32 $0x7FFFFFFF, v17;
	v23 =	vsel vm3, v16, v23  }
0x215: {  	v16 =	vmul.f32 v63, v9;
	v13 =	vshrl.u32 v11, $0xA;
	v27 =	vshrl.u32 v12, $0xA  }
0x216: {  	v11 =	vshrl.u32 v11, $0x15;
	v14 =	vsel vm10, v18, v14;
	v18 =	vor.u32 v2, v59  }
0x217: {  	v13 =	vand.u32 $0x7FF, v13;
	v62 =	vmul.f32 v15, v6;
	v15 =	vsel vm11, v17, v28  }
0x218: {  	v17 =	vsel vm1, v20, v19;
	v19 =	vshrl.u32 v15, $0xA;
	v15 =	vshrl.u32 v15, $0x15  }
0x219: {  	v30 =	vld [tilespmem:s31+$0x50];
	vm0 =	veq.s32 v11, v10;
	vm12 =	veq.s32 v15, v10;
	v15 =	vand.u32 $0x7FF, v19  }
0x21a: {  	v61 =	vshrl.u32 v14, $0xA;
	v14 =	vshrl.u32 v14, $0x15;
	v22 =	vor.u32 v2, v15  }
0x21b: {  	v11 =	vor.u32 v2, v13;
	vm1 =	veq.s32 v14, v10;
	v14 =	vand.u32 $0x7FF, v61  }
0x21c: {  	v13 =	vand.u32 $0x7FF, v27;
	v14 =	vor.u32 v2, v14;
	v29 =	vxor.u32 $0x7FFFFFFF, v62  }
0x21d: {  	v19 =	vshrl.u32 v17, $0xA;
	v15 =	vshrl.u32 v17, $0x15;
	v17 =	vsel vm14, v21, v60  }
0x21e: {  	vm15 =	vlt.s32 v62, $0x0;
	[tilespmem:v18+s21+$0x0] =	vst.idx.add.s32.msk vm2, v3;
	v18 =	vmul.f32 v30, v9;
	v21 =	vshrl.u32 v17, $0xA  }
0x21f: {  	v20 =	vshrl.u32 v17, $0x15;
	v17 =	vand.u32 $0x7FF, v21;
	v21 =	vshrl.u32 v23, $0xA;
	[tilespmem:v22+s21+$0x0] =	vst.idx.add.s32.msk vm12, v3  }
0x220: {  	s30 =	simm.s32 $0xC0;
	s2 =	simm.s32 $0x0;
	s0 =	simm.s32 $0x6120;
	v23 =	vshrl.u32 v23, $0x15;
	v21 =	vand.u32 $0x7FF, v21;
	v22 =	vsel vm15, v62, v29;
	[tilespmem:v26+s21+$0x0] =	vst.idx.add.s32.msk vm13, v3  }
.LBB2_17:
0x221: {  	v24 =	vld [tilespmem:s0+$0xFFFFFFE0];
	s3 =	sand.u32 $0x7FC0, s30;
	s2 =	sadd.s32 $0x2, s2;
	v25 =	vshrl.u32 v22, $0xA;
	v19 =	vand.u32 $0x7FF, v19;
	v12 =	vshrl.u32 v12, $0x15  }
0x222: {  	vm7 =	veq.s32 v23, v10;
	v22 =	vshrl.u32 v22, $0x15;
	v26 =	vld [tilespmem:s3+$0x6080];
	p2 =	slt.u32 s2, $0xFE;
	vm2 =	veq.s32 v12, v10  }
0x223: {  	v21 =	vor.u32 v2, v21;
	v13 =	vor.u32 v2, v13;
	vm3 =	veq.s32 v22, v10;
	v12 =	vld [tilespmem:s0+$0xFFFFFFD0]  }
0x224: {  	v23 =	vxor.u32 $0x7FFFFFFF, v16;
	vm5 =	veq.s32 v20, v10;
	v25 =	vand.u32 $0x7FF, v25;
	v22 =	vld [tilespmem:s0+$0x0]  }
0x225: {  	vm6 =	vlt.s32 v18, $0x0;
	v27 =	vxor.u32 $0x7FFFFFFF, v18;
	v25 =	vor.u32 v2, v25;
	v20 =	vld [tilespmem:s0+$0x40]  }
0x226: {  	vm8 =	vlt.s32 v16, $0x0;
	vm4 =	veq.s32 v15, v10;
	v15 =	vsel vm6, v18, v27;
	v28 =	vld [tilespmem:s0+$0x30]  }
0x227: {  	v19 =	vor.u32 v2, v19;
	v27 =	vshrl.u32 v15, $0x15;
	v18 =	vld [tilespmem:s0+$0xFFFFFFB0];
	v26 =	vmul.f32 v26, v6  }
0x228: {  	v17 =	vor.u32 v2, v17;
	v15 =	vshrl.u32 v15, $0xA;
	vm6 =	veq.s32 v27, v10;
	v29 =	vld [tilespmem:s0+$0xFFFFFFA0]  }
0x229: {  	v16 =	vsel vm8, v16, v23;
	vm9 =	vlt.s32 v26, $0x0;
	v27 =	vxor.u32 $0x7FFFFFFF, v26;
	[tilespmem:v21+s21+$0x0] =	vst.idx.add.s32.msk vm7, v3  }
0x22a: {  	v21 =	vmul.f32 v12, v7;
	v12 =	vsel vm9, v26, v27;
	[tilespmem:v14+s21+$0x0] =	vst.idx.add.s32.msk vm1, v3;
	v14 =	vand.u32 $0x7FF, v15  }
0x22b: {  	v15 =	vmul.f32 v24, v8;
	v23 =	vld [tilespmem:s0+$0x10];
	v24 =	vmul.f32 v28, v7;
	v14 =	vor.u32 v2, v14  }
0x22c: {  	v26 =	vshrl.u32 v12, $0xA;
	v27 =	vshrl.u32 v12, $0x15;
	v12 =	vshrl.u32 v16, $0x15;
	[tilespmem:v25+s21+$0x0] =	vst.idx.add.s32.msk vm3, v3  }
0x22d: {  	v22 =	vmul.f32 v22, v4;
	v20 =	vmul.f32 v20, v8;
	v16 =	vshrl.u32 v16, $0xA;
	[tilespmem:v17+s21+$0x0] =	vst.idx.add.s32.msk vm5, v3  }
0x22e: {  	vm3 =	vlt.s32 v15, $0x0;
	v16 =	vand.u32 $0x7FF, v16;
	v17 =	vmul.f32 v29, v4;
	[tilespmem:v13+s21+$0x0] =	vst.idx.add.s32.msk vm2, v3  }
0x22f: {  	vm1 =	vlt.s32 v22, $0x0;
	v16 =	vor.u32 v2, v16;
	v13 =	vxor.u32 $0x7FFFFFFF, v22;
	[tilespmem:v19+s21+$0x0] =	vst.idx.add.s32.msk vm4, v3  }
0x230: {  	v18 =	vmul.f32 v18, v5;
	v13 =	vsel vm1, v22, v13;
	v19 =	vmul.f32 v23, v5  }
0x231: {  	vm4 =	veq.s32 v12, v10;
	v22 =	vshrl.u32 v13, $0xA;
	v13 =	vshrl.u32 v13, $0x15;
	[tilespmem:v14+s21+$0x0] =	vst.idx.add.s32.msk vm6, v3  }
0x232: {  	vm5 =	vlt.s32 v20, $0x0;
	v23 =	vxor.u32 $0x7FFFFFFF, v17;
	vm1 =	veq.s32 v13, v10;
	[tilespmem:v11+s21+$0x0] =	vst.idx.add.s32.msk vm0, v3  }
0x233: {  	v13 =	vxor.u32 $0x7FFFFFFF, v18;
	v14 =	vand.u32 $0x7FF, v22;
	v11 =	vxor.u32 $0x7FFFFFFF, v20  }
0x234: {  	vm2 =	vlt.s32 v17, $0x0;
	v22 =	vxor.u32 $0x7FFFFFFF, v15;
	v12 =	vsel vm5, v20, v11  }
0x235: {  	v11 =	vsel vm3, v15, v22;
	v20 =	vxor.u32 $0x7FFFFFFF, v24;
	v22 =	vand.u32 $0x7FF, v26  }
0x236: {  	v25 =	vxor.u32 $0x7FFFFFFF, v21;
	v26 =	vshrl.u32 v11, $0xA;
	v28 =	vshrl.u32 v12, $0xA;
	v15 =	vld [tilespmem:s0+$0xFFFFFFC0]  }
0x237: {  	vm3 =	vlt.s32 v21, $0x0;
	v11 =	vshrl.u32 v11, $0x15;
	v26 =	vand.u32 $0x7FF, v26;
	[tilespmem:v16+s21+$0x0] =	vst.idx.add.s32.msk vm4, v3  }
0x238: {  	vm0 =	veq.s32 v11, v10;
	v11 =	vor.u32 v2, v26;
	vm4 =	vlt.s32 v18, $0x0  }
0x239: {  	v14 =	vor.u32 v2, v14;
	v16 =	vsel vm4, v18, v13;
	vm4 =	vlt.s32 v19, $0x0  }
0x23a: {  	v26 =	vxor.u32 $0x7FFFFFFF, v19;
	v13 =	vand.u32 $0x7FF, v28;
	v18 =	vshrl.u32 v16, $0xA  }
0x23b: {  	v16 =	vshrl.u32 v16, $0x15;
	v28 =	vmul.f32 v15, v6;
	v15 =	vsel vm4, v19, v26  }
0x23c: {  	v21 =	vsel vm3, v21, v25;
	v26 =	vld [tilespmem:s0+$0xFFFFFFF0];
	v19 =	vshrl.u32 v15, $0xA;
	v15 =	vshrl.u32 v15, $0x15  }
0x23d: {  	v25 =	vxor.u32 $0x7FFFFFFF, v28;
	v29 =	vld [tilespmem:s0+$0x50];
	vm3 =	veq.s32 v15, v10;
	v15 =	vand.u32 $0x7FF, v19  }
0x23e: {  	vm4 =	veq.s32 v27, v10;
	v19 =	vshrl.u32 v21, $0xA;
	[tilespmem:v14+s21+$0x0] =	vst.idx.add.s32.msk vm1, v3;
	v27 =	vor.u32 v2, v15  }
0x23f: {  	vm5 =	vlt.s32 v24, $0x0;
	v30 =	vor.u32 v2, v22;
	v15 =	vshrl.u32 v21, $0x15  }
.Ltmp7:
0x240: {  	vm1 =	veq.s32 v16, v10;
	v14 =	vand.u32 $0x7FF, v18;
	v16 =	vsel vm5, v24, v20;
	(pc) =	sbr.rel @p2 .LBB2_17-.Ltmp7, $4  }
0x241: {  	vm5 =	vlt.s32 v28, $0x0;
	v14 =	vor.u32 v2, v14;
	v18 =	vshrl.u32 v16, $0xA  }
0x242: {  	v21 =	vsel vm2, v17, v23;
	v20 =	vshrl.u32 v16, $0x15;
	v17 =	vand.u32 $0x7FF, v18  }
0x243: {  	v24 =	vshrl.u32 v21, $0xA;
	v16 =	vmul.f32 v26, v9;
	v18 =	vmul.f32 v29, v9;
	[tilespmem:v27+s21+$0x0] =	vst.idx.add.s32.msk vm3, v3  }
0x244: {  	s30 =	sadd.s32 $0xC0, s30;
	s0 =	sadd.s32 $0xC0, s0;
	v22 =	vsel vm5, v28, v25;
	v23 =	vshrl.u32 v21, $0x15;
	v21 =	vand.u32 $0x7FF, v24;
	[tilespmem:v30+s21+$0x0] =	vst.idx.add.s32.msk vm4, v3  }
0x245: {  	v24 =	vshrl.u32 v22, $0xA  }
0x246: {  	v19 =	vand.u32 $0x7FF, v19;
	v12 =	vshrl.u32 v12, $0x15;
	v51 =	vshrl.u32 v22, $0x15  }
0x247: {  	vm2 =	veq.s32 v23, v10;
	v52 =	vor.u32 v2, v21;
	v13 =	vor.u32 v2, v13  }
0x248: {  	v54 =	vxor.u32 $0x7FFFFFFF, v16;
	vm5 =	veq.s32 v20, v10;
	vm6 =	vlt.s32 v18, $0x0  }
0x249: {  	v56 =	vxor.u32 $0x7FFFFFFF, v18;
	vm7 =	vlt.s32 v16, $0x0;
	v17 =	vor.u32 v2, v17  }
0x24a: {  	vm8 =	veq.s32 v15, v10;
	vm3 =	veq.s32 v12, v10;
	vm4 =	veq.s32 v51, v10  }
0x24b: {  	v53 =	vand.u32 $0x7FF, v24;
	v57 =	vsel vm6, v18, v56;
	v58 =	vor.u32 v2, v19  }
0x24c: {  	v55 =	vor.u32 v2, v53;
	v59 =	vshrl.u32 v57, $0x15;
	v15 =	vshrl.u32 v57, $0xA  }
0x24d: {  	v16 =	vsel vm7, v16, v54;
	vm14 =	veq.s32 v59, v10;
	v60 =	vand.u32 $0x7FF, v15;
	[tilespmem:v52+s21+$0x0] =	vst.idx.add.s32.msk vm2, v3  }
0x24e: {  	v61 =	vshrl.u32 v16, $0x15;
	v62 =	vshrl.u32 v16, $0xA;
	v12 =	vor.u32 v2, v60;
	[tilespmem:v17+s21+$0x0] =	vst.idx.add.s32.msk vm5, v3  }
0x24f: {  	s29 =	sadd.s32 $0x1, s29;
	v15 =	vand.u32 $0x7FF, v62;
	vm15 =	veq.s32 v61, v10;
	[tilespmem:v14+s21+$0x0] =	vst.idx.add.s32.msk vm1, v3  }
0x250: {  	p2 =	sne.s32 s29, $0x8;
	v63 =	vor.u32 v2, v15;
	[tilespmem:v13+s21+$0x0] =	vst.idx.add.s32.msk vm3, v3  }
.Ltmp8:
0x251: {  	[tilespmem:v55+s21+$0x0] =	vst.idx.add.s32.msk vm4, v3;
	(pc) =	sbr.rel @p2 .LBB2_14-.Ltmp8, $4  }
0x252: {  	[tilespmem:v58+s21+$0x0] =	vst.idx.add.s32.msk vm8, v3  }
0x253: {  	[tilespmem:v12+s21+$0x0] =	vst.idx.add.s32.msk vm14, v3  }
0x254: {  	[tilespmem:v11+s21+$0x0] =	vst.idx.add.s32.msk vm0, v3  }
0x255: {  	[tilespmem:v63+s21+$0x0] =	vst.idx.add.s32.msk vm15, v3  }
0x256: {  	s2 =	simm.s32 $0x0  }
0x257: {  	v15 =	vld [tilespmem:s2+$0xC010]  }
0x258: {  	v16 =	vld [tilespmem:s2+$0xC810]  }
0x259: {  	v17 =	vld [tilespmem:s2+$0xD010]  }
0x25a: {  	v18 =	vld [tilespmem:s2+$0xD810]  }
0x25b: {  	v19 =	vld [tilespmem:s2+$0xE010]  }
0x25c: {  	v20 =	vld [tilespmem:s2+$0xE810]  }
0x25d: {  	v21 =	vld [tilespmem:s2+$0xF010]  }
0x25e: {  	v22 =	vld [tilespmem:s2+$0xF810]  }
0x25f: {  	v23 =	vld [tilespmem:s2+$0x10010]  }
0x260: {  	v24 =	vld [tilespmem:s2+$0x10810]  }
0x261: {  	v25 =	vld [tilespmem:s2+$0x11010]  }
0x262: {  	s29 =	simm.s32 $0x0;
	v26 =	vld [tilespmem:s2+$0x11810]  }
0x263: {  	s28 =	sand.u32 $0x7E0, s29;
	v27 =	vld [tilespmem:s2+$0x12010]  }
0x264: {  	v4 =	vld [tilespmem:s28+$0x13800]  }
0x265: {  	v5 =	vld [tilespmem:s28+$0x13000]  }
0x266: {  	v6 =	vld [tilespmem:s28+$0x12800]  }
0x267: {  	[tilespmem:s2+$0xC010] =	vst v1;
	v7 =	vld [tilespmem:s28+$0x12000]  }
0x268: {  	[tilespmem:s2+$0xC810] =	vst v1;
	v8 =	vld [tilespmem:s28+$0x11800]  }
0x269: {  	[tilespmem:s2+$0xD010] =	vst v1;
	v9 =	vld [tilespmem:s28+$0x11000]  }
0x26a: {  	[tilespmem:s2+$0xD810] =	vst v1;
	v10 =	vld [tilespmem:s28+$0x10800]  }
0x26b: {  	[tilespmem:s2+$0xE010] =	vst v1;
	v12 =	vld [tilespmem:s28+$0x10000]  }
0x26c: {  	[tilespmem:s2+$0xE810] =	vst v1;
	v11 =	vld [tilespmem:s28+$0xF800];
	v15 =	vadd.s32 v15, v16  }
0x26d: {  	[tilespmem:s2+$0xF010] =	vst v1;
	v13 =	vld [tilespmem:s28+$0xF000];
	v16 =	vadd.s32 v17, v15  }
0x26e: {  	[tilespmem:s2+$0xF810] =	vst v1;
	v14 =	vld [tilespmem:s28+$0xE800];
	v16 =	vadd.s32 v18, v16  }
0x26f: {  	[tilespmem:s2+$0x10010] =	vst v1;
	v15 =	vld [tilespmem:s28+$0xE000];
	v17 =	vadd.s32 v19, v16  }
0x270: {  	[tilespmem:s2+$0x10810] =	vst v1;
	v16 =	vld [tilespmem:s28+$0xD800];
	v17 =	vadd.s32 v20, v17  }
0x271: {  	[tilespmem:s2+$0x11010] =	vst v1;
	v19 =	vld [tilespmem:s2+$0x12810];
	v18 =	vadd.s32 v21, v17  }
0x272: {  	[tilespmem:s2+$0x11810] =	vst v1;
	v20 =	vld [tilespmem:s2+$0x13010];
	v18 =	vadd.s32 v22, v18  }
0x273: {  	[tilespmem:s2+$0x12010] =	vst v1;
	v17 =	vld [tilespmem:s28+$0xD000];
	v21 =	vadd.s32 v23, v18  }
0x274: {  	[tilespmem:s2+$0x12810] =	vst v1;
	v18 =	vld [tilespmem:s28+$0xC800];
	v22 =	vadd.s32 v24, v21  }
0x275: {  	[tilespmem:s2+$0x13010] =	vst v1;
	v21 =	vld [tilespmem:s2+$0x13810];
	v23 =	vadd.s32 v25, v22  }
0x276: {  	v22 =	vld [tilespmem:s2+$0xC000];
	[tilespmem:s2+$0xC000] =	vst v1;
	v23 =	vadd.s32 v26, v23  }
0x277: {  	s0 =	simm.s32 $0x0;
	s3 =	simm.s32 $0x20;
	[tilespmem:s28+$0xC800] =	vst v1;
	v23 =	vadd.s32 v27, v23  }
.LBB2_20:
0x278: {  	s4 =	sand.u32 $0x7E0, s3;
	[tilespmem:s28+$0xD000] =	vst v1;
	v19 =	vadd.s32 v19, v23  }
0x279: {  	v23 =	vld [tilespmem:s4+$0x13800];
	[tilespmem:s28+$0xD800] =	vst v1;
	v19 =	vadd.s32 v20, v19  }
0x27a: {  	v20 =	vld [tilespmem:s4+$0x13000];
	[tilespmem:s28+$0xE000] =	vst v1;
	v19 =	vadd.s32 v21, v19  }
0x27b: {  	v21 =	vld [tilespmem:s4+$0x12800];
	v18 =	vadd.s32 v22, v18;
	[tilespmem:s2+$0x14010] =	vst v19  }
0x27c: {  	v19 =	vld [tilespmem:s4+$0x12000];
	v17 =	vadd.s32 v17, v18;
	[tilespmem:s28+$0xE800] =	vst v1  }
0x27d: {  	v18 =	vld [tilespmem:s4+$0x11800];
	v16 =	vadd.s32 v16, v17;
	[tilespmem:s28+$0xF000] =	vst v1  }
0x27e: {  	v17 =	vld [tilespmem:s4+$0x11000];
	v15 =	vadd.s32 v15, v16;
	[tilespmem:s28+$0xF800] =	vst v1  }
0x27f: {  	v16 =	vld [tilespmem:s4+$0x10800];
	v14 =	vadd.s32 v14, v15;
	[tilespmem:s28+$0x10000] =	vst v1  }
0x280: {  	v22 =	vld [tilespmem:s4+$0x10000];
	v13 =	vadd.s32 v13, v14;
	[tilespmem:s28+$0x10800] =	vst v1  }
0x281: {  	v14 =	vadd.s32 v11, v13;
	v11 =	vld [tilespmem:s4+$0xF800];
	[tilespmem:s28+$0x11000] =	vst v1  }
0x282: {  	v13 =	vld [tilespmem:s4+$0xF000];
	v12 =	vadd.s32 v12, v14;
	[tilespmem:s28+$0x11800] =	vst v1  }
0x283: {  	v14 =	vld [tilespmem:s4+$0xE800];
	v24 =	vadd.s32 v10, v12;
	[tilespmem:s28+$0x12000] =	vst v1  }
0x284: {  	v15 =	vld [tilespmem:s4+$0xE000];
	v25 =	vadd.s32 v9, v24;
	[tilespmem:s28+$0x12800] =	vst v1;
	v9 =	vmov v17;
	v10 =	vmov v16  }
0x285: {  	v16 =	vld [tilespmem:s4+$0xD800];
	v24 =	vadd.s32 v8, v25;
	[tilespmem:s28+$0x13000] =	vst v1;
	v8 =	vmov v18;
	v12 =	vmov v22  }
0x286: {  	s29 =	sadd.s32 $0x80, s29;
	v17 =	vld [tilespmem:s4+$0xD000];
	v22 =	vadd.s32 v7, v24;
	[tilespmem:s28+$0x13800] =	vst v1;
	v7 =	vmov v19;
	s28 =	smov.u32 s4  }
0x287: {  	s4 =	sshra.s32 s29, $0x2;
	v18 =	vld [tilespmem:s28+$0xC800];
	v19 =	vadd.s32 v6, v22;
	[tilespmem:s2+$0x13810] =	vst v1;
	v6 =	vmov v21  }
0x288: {  	s0 =	sadd.s32 $0x2, s0;
	v21 =	vld [tilespmem:s4+$0xC010];
	[tilespmem:s4+$0xC010] =	vst v1;
	v19 =	vadd.s32 v5, v19;
	v5 =	vmov v20  }
0x289: {  	p2 =	slt.u32 s0, $0x7E;
	v20 =	vld [tilespmem:s4+$0xC810];
	[tilespmem:s4+$0xC810] =	vst v1;
	v19 =	vadd.s32 v4, v19;
	v4 =	vmov v23  }
0x28a: {  	v22 =	vld [tilespmem:s4+$0xD010];
	[tilespmem:s2+$0x14000] =	vst v19;
	s2 =	smov.u32 s4  }
0x28b: {  	v19 =	vld [tilespmem:s2+$0xD810];
	[tilespmem:s2+$0xD010] =	vst v1  }
0x28c: {  	v23 =	vld [tilespmem:s2+$0xE010];
	[tilespmem:s2+$0xD810] =	vst v1  }
0x28d: {  	v24 =	vld [tilespmem:s2+$0xE810];
	[tilespmem:s2+$0xE010] =	vst v1  }
0x28e: {  	v20 =	vadd.s32 v21, v20;
	v21 =	vld [tilespmem:s2+$0xF010];
	[tilespmem:s2+$0xE810] =	vst v1  }
0x28f: {  	v20 =	vadd.s32 v22, v20;
	v22 =	vld [tilespmem:s2+$0xF810];
	[tilespmem:s2+$0xF010] =	vst v1  }
0x290: {  	v19 =	vadd.s32 v19, v20;
	v20 =	vld [tilespmem:s2+$0x10010];
	[tilespmem:s2+$0xF810] =	vst v1  }
0x291: {  	v19 =	vadd.s32 v23, v19;
	v23 =	vld [tilespmem:s2+$0x10810];
	[tilespmem:s2+$0x10010] =	vst v1  }
0x292: {  	v19 =	vadd.s32 v24, v19;
	v24 =	vld [tilespmem:s2+$0x11010];
	[tilespmem:s2+$0x10810] =	vst v1  }
0x293: {  	v19 =	vadd.s32 v21, v19;
	v25 =	vld [tilespmem:s2+$0x11810];
	[tilespmem:s2+$0x11010] =	vst v1  }
0x294: {  	v19 =	vadd.s32 v22, v19;
	v26 =	vld [tilespmem:s2+$0x12010];
	[tilespmem:s2+$0x11810] =	vst v1  }
.Ltmp9:
0x295: {  	v20 =	vadd.s32 v20, v19;
	v19 =	vld [tilespmem:s2+$0x12810];
	[tilespmem:s2+$0x12010] =	vst v1;
	(pc) =	sbr.rel @p2 .LBB2_20-.Ltmp9, $4  }
0x296: {  	v21 =	vadd.s32 v23, v20;
	v20 =	vld [tilespmem:s2+$0x13010];
	[tilespmem:s2+$0x12810] =	vst v1  }
0x297: {  	v23 =	vadd.s32 v24, v21;
	v21 =	vld [tilespmem:s2+$0x13810];
	[tilespmem:s2+$0x13010] =	vst v1  }
0x298: {  	v22 =	vld [tilespmem:s2+$0xC000];
	[tilespmem:s2+$0xC000] =	vst v1;
	v23 =	vadd.s32 v25, v23  }
0x299: {  	s3 =	sadd.s32 $0x20, s3;
	[tilespmem:s28+$0xC800] =	vst v1;
	v23 =	vadd.s32 v26, v23  }
0x29a: {  	_ =	sdelay $0x1  }
0x29b: {  	[tilespmem:s28+$0xD000] =	vst v1  }
0x29c: {  	[tilespmem:s28+$0xD800] =	vst v1;
	v18 =	vadd.s32 v22, v18  }
0x29d: {  	[tilespmem:s28+$0xE000] =	vst v1;
	v17 =	vadd.s32 v17, v18  }
0x29e: {  	[tilespmem:s28+$0xE800] =	vst v1;
	v16 =	vadd.s32 v16, v17  }
0x29f: {  	[tilespmem:s28+$0xF000] =	vst v1;
	v15 =	vadd.s32 v15, v16  }
0x2a0: {  	[tilespmem:s28+$0xF800] =	vst v1;
	v14 =	vadd.s32 v14, v15  }
0x2a1: {  	[tilespmem:s28+$0x10000] =	vst v1;
	v13 =	vadd.s32 v13, v14  }
0x2a2: {  	[tilespmem:s28+$0x10800] =	vst v1;
	v11 =	vadd.s32 v11, v13  }
0x2a3: {  	[tilespmem:s28+$0x11000] =	vst v1;
	v11 =	vadd.s32 v12, v11  }
0x2a4: {  	[tilespmem:s28+$0x11800] =	vst v1;
	v10 =	vadd.s32 v10, v11  }
0x2a5: {  	[tilespmem:s28+$0x12000] =	vst v1;
	v9 =	vadd.s32 v9, v10  }
0x2a6: {  	[tilespmem:s28+$0x12800] =	vst v1;
	v8 =	vadd.s32 v8, v9  }
0x2a7: {  	v19 =	vadd.s32 v19, v23;
	[tilespmem:s28+$0x13000] =	vst v1;
	v7 =	vadd.s32 v7, v8  }
0x2a8: {  	[tilespmem:s28+$0x13800] =	vst v1;
	v19 =	vadd.s32 v20, v19;
	v6 =	vadd.s32 v6, v7  }
0x2a9: {  	[tilespmem:s2+$0x13810] =	vst v1;
	v19 =	vadd.s32 v21, v19;
	v5 =	vadd.s32 v5, v6  }
0x2aa: {  	[tilespmem:s2+$0x14010] =	vst v19;
	v4 =	vadd.s32 v4, v5  }
0x2ab: {  	[tilespmem:s2+$0x14000] =	vst v4  }
0x2ac: {  	s3 =	simm.s32 $0x14000;
	s2 =	simm.s32 $0x0;
	s0 =	rddreg [dreg:$0x7]  }
0x2ad: {  	[hbm4b:s0+s2] =	stream.linear.scatter [tilespmem:s3], [sflag:$0x3], $0x800, $0x38;
	[tilespmem:$0x16A00] =	vst v63  }
0x2ae: {  	_ =	swait.ge [sflag:s17], $0x800  }
0x2af: {  	[sflag:s17] =	ssyncset.done $0x0  }
0x2b0: {  	[sflag:s17] =	ssyncadd.s32 $0xFFFFF800  }
0x2b1: {  	s13 =	simm.s32 $0x14800;
	[bflag:$0x0] =	sbarrier.arrive $0xFFFF  }
0x2b2: {  	[tilespmem:s13], [sflag:$0x3] =	stream.linear.gather [hbm4b:s8+s2], $0x800, $0x38;
	[tilespmem:$0x16A00] =	vst v63  }
0x2b3: {  	_ =	swait.ge [sflag:s17], $0x800  }
0x2b4: {  	[sflag:s17] =	ssyncset.done $0x0  }
0x2b5: {  	s14 =	simm.s32 $0x15000;
	s4 =	rddreg [dreg:$0x8];
	[sflag:s17] =	ssyncadd.s32 $0xFFFFF800  }
0x2b6: {  	[tilespmem:s14], [sflag:$0x3] =	stream.linear.gather [hbm4b:s4+s2], $0x800, $0x38;
	[tilespmem:$0x16A00] =	vst v63  }
0x2b7: {  	_ =	swait.ge [sflag:s17], $0x800  }
0x2b8: {  	[sflag:s17] =	ssyncset.done $0x0  }
0x2b9: {  	s15 =	simm.s32 $0x15800;
	s5 =	rddreg [dreg:$0x9];
	[sflag:s17] =	ssyncadd.s32 $0xFFFFF800  }
0x2ba: {  	[tilespmem:s15], [sflag:$0x3] =	stream.linear.gather [hbm4b:s5+s2], $0x800, $0x38;
	[tilespmem:$0x16A00] =	vst v63  }
0x2bb: {  	_ =	swait.ge [sflag:s17], $0x800  }
0x2bc: {  	[sflag:s17] =	ssyncset.done $0x0  }
0x2bd: {  	s16 =	simm.s32 $0x16000;
	s6 =	rddreg [dreg:$0xa];
	[sflag:s17] =	ssyncadd.s32 $0xFFFFF800  }
0x2be: {  	[tilespmem:s16], [sflag:$0x3] =	stream.linear.gather [hbm4b:s6+s2], $0x800, $0x38;
	[tilespmem:$0x16A00] =	vst v63  }
0x2bf: {  	_ =	swait.ge [sflag:s17], $0x800  }
0x2c0: {  	[sflag:s17] =	ssyncset.done $0x0  }
0x2c1: {  	[sflag:s17] =	ssyncadd.s32 $0xFFFFF800  }
0x2c2: {  	v4 =	vld [tilespmem:s13+$0x0]  }
0x2c3: {  	v5 =	vld [tilespmem:s14+$0x0]  }
0x2c4: {  	v6 =	vld [tilespmem:s15+$0x0]  }
0x2c5: {  	v7 =	vld [tilespmem:s16+$0x0];
	_ =	sdelay $0x2  }
0x2c6: {  	s23 =	simm.s32 $0x15010;
	v4 =	vadd.s32 v4, v5  }
0x2c7: {  	s18 =	simm.s32 $0x14810;
	v4 =	vadd.s32 v6, v4;
	v6 =	vld [tilespmem:s23+$0x0]  }
0x2c8: {  	s4 =	simm.s32 $0x15810;
	v5 =	vadd.s32 v7, v4;
	v4 =	vld [tilespmem:s18+$0x0]  }
0x2c9: {  	s5 =	simm.s32 $0x16010;
	v7 =	vld [tilespmem:s4+$0x0];
	(xrf0) =	vadd.scan.msk.s32 $0xffff, v5  }
0x2ca: {  	v8 =	vld [tilespmem:s5+$0x0];
	_ =	sdelay $0x2  }
0x2cb: {  	v4 =	vadd.s32 v4, v6  }
0x2cc: {  	v4 =	vadd.s32 v7, v4  }
0x2cd: {  	v6, _, _ =	vpop (xrf0);
	v7 =	vadd.s32 v8, v4  }
0x2ce: {  	s28 =	ssub.s32 $0x26666, s26;
	(v2sf) =	vpush v6, $0xF;
	(xrf0) =	vadd.scan.msk.s32 $0xffff, v7  }
0x2cf: {  	v4 =	vmov s28;
	v6 =	vadd.s32 s2, v6  }
0x2d0: {  	vm0 =	vge.s32 v6, v4  }
0x2d1: {  	v6 =	vsel vm0, $0x1, v1;
	_ =	sdelay $0x1  }
0x2d2: {  	s9 =	simm.s32 $0x15020  }
0x2d3: {  	s6 =	simm.s32 $0x14820;
	v48 =	vld [tilespmem:s9+$0x0];
	(xrf0) =	vadd.scan.msk.s32 $0xffff, v6;
	v6, _, _ =	vpop (xrf0)  }
0x2d4: {  	s10 =	simm.s32 $0x15820;
	v8 =	vld [tilespmem:s6+$0x0];
	(v2sf) =	vpush v6, $0xF  }
0x2d5: {  	s11 =	simm.s32 $0x16020;
	v49 =	vld [tilespmem:s10+$0x0]  }
0x2d6: {  	v50 =	vld [tilespmem:s11+$0x0];
	_ =	sdelay $0x2  }
0x2d7: {  	s12 =	simm.s32 $0x14830;
	v8 =	vadd.s32 v8, v48  }
0x2d8: {  	s13 =	simm.s32 $0x15030;
	v52 =	vld [tilespmem:s12+$0x0];
	v5 =	vsel vm0, $0x0, v5;
	v8 =	vadd.s32 v49, v8;
	v51, _, _ =	vpop (xrf0)  }
0x2d9: {  	s14 =	simm.s32 $0x15830;
	v53 =	vld [tilespmem:s13+$0x0];
	(xrf0) =	vadd.scan.msk.s32 $0xffff, v5;
	v8 =	vadd.s32 v50, v8;
	(v2sf) =	vpush v51, $0xF  }
0x2da: {  	s16 =	simm.s32 $0x16030;
	v54 =	vld [tilespmem:s14+$0x0];
	(xrf0) =	vadd.scan.msk.s32 $0xffff, v8;
	s15 =	spop (v2sf)  }
0x2db: {  	v55 =	vld [tilespmem:s16+$0x0];
	s30 =	sadd.s32 $0x0, s15  }
0x2dc: {  	v5 =	vadd.s32 s30, v6  }
0x2dd: {  	vm14 =	vge.s32 v5, v4  }
0x2de: {  	v6 =	vadd.s32 v52, v53;
	v5 =	vsel vm14, $0x1, v1  }
0x2df: {  	v56, _, _ =	vpop (xrf0);
	(xrf0) =	vadd.scan.msk.s32 $0xffff, v5;
	v5 =	vadd.s32 v54, v6;
	v6 =	vsel vm14, $0x0, v7  }
0x2e0: {  	s23 =	simm.s32 $0x15040;
	v58, _, _ =	vpop (xrf0);
	(v2sf) =	vpush v56, $0xF;
	v5 =	vadd.s32 v55, v5;
	(xrf0) =	vadd.scan.msk.s32 $0xffff, v6  }
0x2e1: {  	s18 =	simm.s32 $0x14840;
	v7 =	vld [tilespmem:s23+$0x0];
	(xrf0) =	vadd.scan.msk.s32 $0xffff, v5;
	s26 =	spop (v2sf);
	(v2sf) =	vpush v58, $0xF  }
0x2e2: {  	v6 =	vld [tilespmem:s18+$0x0];
	_ =	sdelay $0x2  }
0x2e3: {  	v61, _, _ =	vpop (xrf0)  }
0x2e4: {  	s5 =	simm.s32 $0x15840;
	(v2sf) =	vpush v61, $0xF;
	v62, _, _ =	vpop (xrf0)  }
0x2e5: {  	v57 =	vld [tilespmem:s5+$0x0];
	s14 =	simm.s32 $0x16040;
	s4 =	sadd.s32 s30, s26;
	v6 =	vadd.s32 v6, v7;
	v7, _, _ =	vpop (xrf0);
	(v2sf) =	vpush v62, $0xF  }
0x2e6: {  	v59 =	vld [tilespmem:s14+$0x0];
	v60 =	vadd.s32 s4, v58;
	s23 =	spop (v2sf);
	(v2sf) =	vpush v7, $0xF  }
0x2e7: {  	vm15 =	vge.s32 v60, v4  }
0x2e8: {  	s31 =	simm.s32 $0x40;
	s29 =	simm.s32 $0x0;
	s3 =	simm.s32 $0x30;
	v63 =	vsel vm15, $0x1, v1  }
0x2e9: {  	s0 =	simm.s32 $0x50;
	s9 =	simm.s32 $0x14850;
	s10 =	simm.s32 $0x15050;
	(xrf0) =	vadd.scan.msk.s32 $0xffff, v63  }
0x2ea: {  	s11 =	simm.s32 $0x60;
	s16 =	simm.s32 $0x20;
	s15 =	simm.s32 $0x0;
	v8 =	vsel vm15, $0x0, v8;
	v6 =	vadd.s32 v57, v6  }
0x2eb: {  	s18 =	simm.s32 $0x10;
	s26 =	simm.s32 $0x0;
	s6 =	smov.u32 s4;
	v6 =	vadd.s32 v59, v6;
	(xrf0) =	vadd.scan.msk.s32 $0xffff, v8  }
.LBB2_22:
0x2ec: {  	p2 =	sne.s32 s11, $0x800;
	(xrf0) =	vadd.scan.msk.s32 $0xffff, v6;
	p4 =	seq.s32 s2, $0x0;
	p3 =	sgt.s32 s23, $0x0  }
0x2ed: {  	s5 =	sadd.s32 $0x10, s5;
	v8 =	vld [tilespmem:s9+$0x0];
	p4 =	por !p4, !p3;
	s12 =	spop (v2sf)  }
0x2ee: {  	v9 =	vld [tilespmem:s10+$0x0];
	s13 =	spop (v2sf);
	p4 =	por !p4, !p4;
	s12 =	sadd.s32 s15, s12  }
0x2ef: {  	s14 =	sadd.s32 $0x10, s14;
	v10 =	vld [tilespmem:s5+$0x0];
	s4 =	sadd.s32 s4, s13;
	v11, _, _ =	vpop (xrf0);
	s29 =	smov.u32 @p4 s12  }
0x2f0: {  	s15 =	smov.u32 s30;
	s30 =	smov.u32 s6;
	s12 =	ssub.s32 s18, s23;
	v12 =	vld [tilespmem:s14+$0x0];
	v13 =	vadd.s32 s4, v7;
	(v2sf) =	vpush v11, $0xF  }
.Ltmp10:
0x2f1: {  	s26 =	smov.u32 @p4 s12;
	s6 =	smov.u32 s4;
	vm0 =	vge.s32 v13, v4;
	v11, _, _ =	vpop (xrf0);
	(pc) =	sbr.rel @p2 .LBB2_22-.Ltmp10, $4  }
0x2f2: {  	s18 =	smov.u32 s16;
	s16 =	smov.u32 s3;
	s3 =	smov.u32 s31;
	v7, _, _ =	vpop (xrf0);
	v13 =	vsel vm0, $0x1, v1;
	(v2sf) =	vpush v11, $0xF  }
0x2f3: {  	s31 =	smov.u32 s0;
	s0 =	smov.u32 s11;
	v8 =	vadd.s32 v8, v9;
	(v2sf) =	vpush v7, $0xF;
	(xrf0) =	vadd.scan.msk.s32 $0xffff, v13  }
0x2f4: {  	s9 =	sadd.s32 $0x10, s9;
	s10 =	sadd.s32 $0x10, s10;
	v9 =	vsel vm0, $0x0, v5;
	v5 =	vmov v6;
	v8 =	vadd.s32 v10, v8  }
0x2f5: {  	s2 =	simm.s32 @p3 $0x1;
	s11 =	sadd.s32 $0x10, s11;
	v6 =	vadd.s32 v12, v8;
	(xrf0) =	vadd.scan.msk.s32 $0xffff, v9;
	s23 =	spop (v2sf)  }
0x2f6: {  	_ =	sdelay $0x6  }
0x2f7: {  	(xrf0) =	vadd.scan.msk.s32 $0xffff, v6;
	s9 =	spop (v2sf)  }
0x2f8: {  	s5 =	spop (v2sf)  }
0x2f9: {  	s5 =	sadd.s32 s4, s5  }
0x2fa: {  	v7 =	vadd.s32 s5, v7;
	s10 =	spop (v2sf)  }
0x2fb: {  	v8, _, _ =	vpop (xrf0);
	s11 =	spop (v2sf)  }
0x2fc: {  	v9, _, _ =	vpop (xrf0);
	s14 =	spop (v2sf)  }
0x2fd: {  	vm0 =	vge.s32 v7, v4;
	v7, _, _ =	vpop (xrf0);
	s4 =	sadd.s32 s5, s14  }
0x2fe: {  	v10 =	vsel vm0, $0x1, v1;
	v11 =	vadd.s32 s4, v7  }
0x2ff: {  	v5 =	vsel vm0, $0x0, v5;
	(xrf0) =	vadd.scan.msk.s32 $0xffff, v10;
	vm15 =	vge.s32 v11, v4  }
0x300: {  	(xrf0) =	vadd.scan.msk.s32 $0xffff, v5;
	v4 =	vsel vm15, $0x1, v1  }
0x301: {  	(xrf0) =	vadd.scan.msk.s32 $0xffff, v4;
	v4 =	vsel vm15, $0x0, v6  }
0x302: {  	(xrf0) =	vadd.scan.msk.s32 $0xffff, v4  }
0x303: {  	(v2sf) =	vpush v8, $0xF  }
0x304: {  	(v2sf) =	vpush v9, $0xF  }
0x305: {  	(v2sf) =	vpush v7, $0xF;
	v4, _, _ =	vpop (xrf0)  }
0x306: {  	(v2sf) =	vpush v4, $0xF;
	v4, _, _ =	vpop (xrf0)  }
0x307: {  	(v2sf) =	vpush v4, $0xF;
	v4, _, _ =	vpop (xrf0)  }
0x308: {  	(v2sf) =	vpush v4, $0xF;
	v4, _, _ =	vpop (xrf0)  }
0x309: {  	(v2sf) =	vpush v4, $0xF;
	_ =	sdelay $0x3  }
0x30a: {  	p2 =	seq.s32 s2, $0x0;
	p3 =	sgt.s32 s23, $0x0  }
0x30b: {  	p2 =	por !p2, !p3;
	s2 =	simm.s32 @p3 $0x1  }
0x30c: {  	s9 =	sadd.s32 s15, s9;
	p2 =	por !p2, !p2;
	p3 =	seq.s32 s2, $0x0  }
0x30d: {  	s29 =	smov.u32 @p2 s9;
	s9 =	ssub.s32 s18, s23;
	s18 =	sshll.u32 s25, $0xB  }
0x30e: {  	s26 =	smov.u32 @p2 s9;
	p4 =	sgt.s32 s10, $0x0;
	s10 =	ssub.s32 s16, s10  }
0x30f: {  	p3 =	por !p3, !p4;
	s2 =	simm.s32 @p4 $0x1;
	s12 =	spop (v2sf)  }
0x310: {  	p2 =	por !p3, !p3;
	s9 =	sadd.s32 s30, s11;
	s23 =	spop (v2sf)  }
0x311: {  	p6 =	seq.s32 s2, $0x0;
	s30 =	simm.s32 $0x0;
	s14 =	spop (v2sf)  }
0x312: {  	s29 =	smov.u32 @p2 s9;
	s26 =	smov.u32 @p2 s10;
	s11 =	spop (v2sf)  }
0x313: {  	p4 =	sgt.s32 s12, $0x0;
	s3 =	ssub.s32 s3, s12;
	s13 =	spop (v2sf)  }
0x314: {  	p3 =	por !p6, !p4;
	s2 =	simm.s32 @p4 $0x1;
	s15 =	spop (v2sf)  }
0x315: {  	p2 =	por !p3, !p3;
	s6 =	sadd.s32 s6, s23;
	s16 =	spop (v2sf)  }
0x316: {  	p3 =	seq.s32 s2, $0x0;
	p4 =	sgt.s32 s11, $0x0;
	[bflag:$0x0] =	sbarrier.arrive $0xFFFF  }
0x317: {  	s29 =	smov.u32 @p2 s6;
	s26 =	smov.u32 @p2 s3;
	s2 =	simm.s32 @p4 $0x1;
	v4 =	vld [tilespmem:$0x16800]  }
0x318: {  	p4 =	por !p3, !p4;
	p5 =	seq.s32 s2, $0x0;
	p6 =	sgt.s32 s15, $0x0;
	v5 =	vld [tilespmem:$0x16810]  }
0x319: {  	s3 =	ssub.s32 s31, s11;
	p2 =	por !p4, !p4;
	p6 =	por !p5, !p6;
	v6 =	vld [tilespmem:$0x16820]  }
0x31a: {  	s26 =	smov.u32 @p2 s3;
	s0 =	ssub.s32 s0, s15;
	v7 =	vld [tilespmem:$0x16830];
	p3 =	por !p6, !p6  }
0x31b: {  	s2 =	sadd.s32 s5, s13;
	v8 =	vld [tilespmem:$0x16840];
	s23 =	rddreg [dreg:$0x6];
	s26 =	smov.u32 @p3 s0  }
0x31c: {  	v9 =	vld [tilespmem:$0x16850];
	[tilespmem:s30], [sflag:$0x1] =	stream.linear.gather [hbm4b:s23+s30], $0x6000, $0x38  }
0x31d: {  	s29 =	smov.u32 @p2 s2;
	s2 =	sadd.s32 s4, s16;
	s0 =	sor.u32 s18, s26  }
0x31e: {  	s31 =	simm.s32 $0x0;
	s29 =	smov.u32 @p3 s2;
	v10 =	vmov s0  }
.LBB2_24:
0x31f: {  	s0 =	smul.u32 $0xC000, s31;
	_ =	sdelay $0x1  }
0x320: {  	s2 =	sadd.s32 s7, s0  }
0x321: {  	s0 =	sshrl.u32 s2, $0x3  }
0x322: {  	s0 =	sadd.s32 s1, s0  }
0x323: {  	s0 =	sadd.s32 $0xC00, s0  }
0x324: {  	[tilespmem:s19], [sflag:$0x2] =	stream.linear.gather [hbm4b:s0+s30], $0x6000, $0x38;
	[tilespmem:$0x16A00] =	vst v63  }
0x325: {  	_ =	swait.ge [sflag:s20], $0x6000  }
0x326: {  	[sflag:s20] =	ssyncset.done $0x0  }
0x327: {  	s23 =	simm.s32 $0x60;
	[sflag:s20] =	ssyncadd.s32 $0xFFFFA000  }
0x328: {  	v11 =	vld [tilespmem:s23+$0x0]  }
0x329: {  	v12 =	vld [tilespmem:s23+$0x10]  }
0x32a: {  	v13 =	vld [tilespmem:s23+$0x30]  }
0x32b: {  	v14 =	vld [tilespmem:s23+$0x40]  }
0x32c: {  	s3 =	sand.u32 $0x7FC0, s30;
	v15 =	vld [tilespmem:s23+$0x50]  }
0x32d: {  	v16 =	vld [tilespmem:s3+$0x80]  }
0x32e: {  	v23 =	vld [tilespmem:s23+$0xFFFFFFC0]  }
0x32f: {  	v25 =	vld [tilespmem:s23+$0xFFFFFFD0]  }
0x330: {  	v17 =	vmul.f32 v11, v4  }
0x331: {  	v12 =	vmul.f32 v12, v5;
	v13 =	vmul.f32 v13, v7  }
0x332: {  	v14 =	vmul.f32 v14, v8;
	v15 =	vmul.f32 v15, v9  }
0x333: {  	v11 =	vmul.u32 $0x400, v0;
	v16 =	vmul.f32 v16, v6;
	v59 =	vmul.f32 v23, v6  }
0x334: {  	v60 =	vmul.f32 v25, v7;
	vm0 =	vlt.s32 v17, $0x0;
	v18 =	vxor.u32 $0x7FFFFFFF, v17  }
0x335: {  	vm1 =	vlt.s32 v12, $0x0;
	v19 =	vxor.u32 $0x7FFFFFFF, v12;
	vm2 =	vlt.s32 v13, $0x0  }
0x336: {  	v20 =	vxor.u32 $0x7FFFFFFF, v13;
	vm3 =	vlt.s32 v14, $0x0;
	v21 =	vxor.u32 $0x7FFFFFFF, v14  }
0x337: {  	vm12 =	vlt.s32 v15, $0x0;
	vm13 =	vlt.s32 v16, $0x0;
	v17 =	vsel vm0, v17, v18  }
0x338: {  	v18 =	vxor.u32 $0x7FFFFFFF, v15;
	v12 =	vsel vm1, v12, v19;
	v13 =	vsel vm2, v13, v20  }
0x339: {  	v14 =	vsel vm3, v14, v21;
	v19 =	vxor.u32 $0x7FFFFFFF, v16;
	v15 =	vsel vm12, v15, v18  }
0x33a: {  	v18 =	vand.u32 $0x3FF, v17;
	v57 =	vand.u32 $0x3FF, v12;
	v22 =	vand.u32 $0x3FF, v13  }
0x33b: {  	v17 =	vshrl.u32 v17, $0xA;
	v12 =	vshrl.u32 v12, $0xA;
	v16 =	vsel vm13, v16, v19  }
0x33c: {  	v19 =	vand.u32 $0x3FF, v14;
	v13 =	vshrl.u32 v13, $0xA;
	vm14 =	veq.s32 v17, v10;
	v17 =	vld [tilespmem:s23+$0xFFFFFFA0]  }
0x33d: {  	v14 =	vshrl.u32 v14, $0xA;
	vm12 =	vlt.s32 v59, $0x0;
	vm15 =	veq.s32 v12, v10;
	v12 =	vld [tilespmem:s23+$0xFFFFFFE0]  }
0x33e: {  	vm13 =	vlt.s32 v60, $0x0;
	v24 =	vshrl.u32 v16, $0xA;
	vm9 =	veq.s32 v13, v10;
	v13 =	vld [tilespmem:s23+$0xFFFFFFF0]  }
0x33f: {  	v56 =	vld [tilespmem:s23+$0xFFFFFFB0];
	v18 =	vor.u32 v11, v18;
	v21 =	vor.u32 v11, v57;
	v16 =	vand.u32 $0x3FF, v16  }
0x340: {  	v58 =	vshrl.u32 v15, $0xA;
	vm4 =	veq.s32 v14, v10;
	vm8 =	veq.s32 v24, v10  }
0x341: {  	v14 =	vor.u32 v11, v22;
	v19 =	vor.u32 v11, v19;
	v16 =	vor.u32 v11, v16  }
0x342: {  	v15 =	vand.u32 $0x3FF, v15;
	v17 =	vmul.f32 v17, v4;
	v12 =	vmul.f32 v12, v8  }
0x343: {  	vm5 =	veq.s32 v58, v10;
	v15 =	vor.u32 v11, v15;
	v61 =	vmul.f32 v13, v9  }
0x344: {  	[tilespmem:v18+s21+$0x0] =	vst.idx.add.s32.msk vm14, v3;
	v18 =	vmul.f32 v56, v5;
	vm10 =	vlt.s32 v17, $0x0;
	vm14 =	vlt.s32 v12, $0x0  }
0x345: {  	[tilespmem:v21+s21+$0x0] =	vst.idx.add.s32.msk vm15, v3;
	v62 =	vxor.u32 $0x7FFFFFFF, v12;
	vm15 =	vlt.s32 v61, $0x0;
	v63 =	vxor.u32 $0x7FFFFFFF, v61  }
0x346: {  	[tilespmem:v16+s21+$0x0] =	vst.idx.add.s32.msk vm8, v3;
	v16 =	vxor.u32 $0x7FFFFFFF, v17;
	vm11 =	vlt.s32 v18, $0x0;
	v13 =	vxor.u32 $0x7FFFFFFF, v18  }
0x347: {  	[tilespmem:v14+s21+$0x0] =	vst.idx.add.s32.msk vm9, v3;
	v14 =	vxor.u32 $0x7FFFFFFF, v59;
	v17 =	vsel vm10, v17, v16;
	v16 =	vsel vm11, v18, v13  }
0x348: {  	v13 =	vsel vm14, v12, v62;
	v12 =	vsel vm15, v61, v63;
	[tilespmem:v19+s21+$0x0] =	vst.idx.add.s32.msk vm4, v3;
	v19 =	vxor.u32 $0x7FFFFFFF, v60  }
0x349: {  	s16 =	simm.s32 $0x0;
	s0 =	simm.s32 $0x0;
	s3 =	simm.s32 $0x120;
	[tilespmem:v15+s21+$0x0] =	vst.idx.add.s32.msk vm5, v3;
	v15 =	vsel vm12, v59, v14;
	v14 =	vsel vm13, v60, v19  }
.LBB2_25:
0x34a: {  	v18 =	vld [tilespmem:s3+$0x0];
	v19 =	vshrl.u32 v17, $0xA;
	v20 =	vshrl.u32 v16, $0xA;
	v21 =	vshrl.u32 v15, $0xA  }
0x34b: {  	v23 =	vshrl.u32 v14, $0xA;
	v24 =	vshrl.u32 v13, $0xA;
	v25 =	vshrl.u32 v12, $0xA;
	v22 =	vld [tilespmem:s3+$0x10]  }
0x34c: {  	v17 =	vand.u32 $0x3FF, v17;
	v16 =	vand.u32 $0x3FF, v16;
	v15 =	vand.u32 $0x3FF, v15;
	v26 =	vld [tilespmem:s3+$0x30]  }
0x34d: {  	v14 =	vand.u32 $0x3FF, v14;
	v13 =	vand.u32 $0x3FF, v13;
	v12 =	vand.u32 $0x3FF, v12;
	s16 =	sadd.s32 $0xC0, s16;
	v27 =	vld [tilespmem:s3+$0x40]  }
0x34e: {  	s4 =	sand.u32 $0x7FC0, s16;
	vm5 =	veq.s32 v19, v10;
	vm4 =	veq.s32 v20, v10;
	vm3 =	veq.s32 v21, v10;
	v28 =	vld [tilespmem:s3+$0x50]  }
0x34f: {  	vm2 =	veq.s32 v23, v10;
	vm1 =	veq.s32 v24, v10;
	vm0 =	veq.s32 v25, v10;
	v19 =	vld [tilespmem:s4+$0x80]  }
0x350: {  	v17 =	vor.u32 v11, v17;
	v16 =	vor.u32 v11, v16;
	v15 =	vor.u32 v11, v15;
	v20 =	vld [tilespmem:s3+$0xFFFFFFB0]  }
0x351: {  	v14 =	vor.u32 v11, v14;
	v13 =	vor.u32 v11, v13;
	v18 =	vmul.f32 v18, v4;
	v21 =	vld [tilespmem:s3+$0xFFFFFFC0]  }
0x352: {  	v12 =	vor.u32 v11, v12;
	v22 =	vmul.f32 v22, v5;
	v24 =	vmul.f32 v26, v7;
	v23 =	vld [tilespmem:s3+$0xFFFFFFD0]  }
0x353: {  	v26 =	vmul.f32 v27, v8;
	v25 =	vld [tilespmem:s3+$0xFFFFFFE0];
	v27 =	vmul.f32 v28, v9  }
0x354: {  	vm6 =	vlt.s32 v18, $0x0;
	v29 =	vxor.u32 $0x7FFFFFFF, v18;
	v28 =	vld [tilespmem:s3+$0xFFFFFFF0];
	v19 =	vmul.f32 v19, v6  }
0x355: {  	vm7 =	vlt.s32 v22, $0x0;
	v31 =	vxor.u32 $0x7FFFFFFF, v22;
	vm8 =	vlt.s32 v24, $0x0;
	v30 =	vld [tilespmem:s3+$0xFFFFFFA0]  }
0x356: {  	s0 =	sadd.s32 $0x2, s0;
	v32 =	vxor.u32 $0x7FFFFFFF, v24;
	vm9 =	vlt.s32 v26, $0x0;
	v33 =	vxor.u32 $0x7FFFFFFF, v26;
	[tilespmem:v17+s21+$0x0] =	vst.idx.add.s32.msk vm5, v3  }
0x357: {  	p2 =	slt.u32 s0, $0xFE;
	v17 =	vsel vm6, v18, v29;
	vm5 =	vlt.s32 v27, $0x0;
	v18 =	vxor.u32 $0x7FFFFFFF, v27;
	[tilespmem:v16+s21+$0x0] =	vst.idx.add.s32.msk vm4, v3  }
0x358: {  	v16 =	vsel vm7, v22, v31;
	v22 =	vsel vm8, v24, v32;
	v24 =	vsel vm9, v26, v33  }
0x359: {  	vm4 =	vlt.s32 v19, $0x0;
	v26 =	vxor.u32 $0x7FFFFFFF, v19;
	v18 =	vsel vm5, v27, v18;
	[tilespmem:v15+s21+$0x0] =	vst.idx.add.s32.msk vm3, v3  }
0x35a: {  	v27 =	vand.u32 $0x3FF, v16;
	v29 =	vand.u32 $0x3FF, v22;
	v15 =	vand.u32 $0x3FF, v17;
	[tilespmem:v14+s21+$0x0] =	vst.idx.add.s32.msk vm2, v3  }
0x35b: {  	v16 =	vshrl.u32 v16, $0xA;
	v14 =	vshrl.u32 v17, $0xA;
	v17 =	vand.u32 $0x3FF, v24;
	[tilespmem:v13+s21+$0x0] =	vst.idx.add.s32.msk vm1, v3  }
0x35c: {  	v13 =	vsel vm4, v19, v26;
	vm1 =	veq.s32 v14, v10;
	v14 =	vshrl.u32 v22, $0xA;
	[tilespmem:v12+s21+$0x0] =	vst.idx.add.s32.msk vm0, v3  }
0x35d: {  	v15 =	vor.u32 v11, v15;
	vm0 =	veq.s32 v16, v10;
	v12 =	vshrl.u32 v13, $0xA  }
0x35e: {  	v13 =	vand.u32 $0x3FF, v13;
	vm2 =	veq.s32 v12, v10;
	v12 =	vor.u32 v11, v27  }
0x35f: {  	vm3 =	veq.s32 v14, v10;
	v14 =	vshrl.u32 v24, $0xA;
	v13 =	vor.u32 v11, v13  }
0x360: {  	v16 =	vor.u32 v11, v29;
	vm4 =	veq.s32 v14, v10;
	v14 =	vshrl.u32 v18, $0xA  }
0x361: {  	vm5 =	veq.s32 v14, v10;
	v14 =	vor.u32 v11, v17;
	v17 =	vand.u32 $0x3FF, v18  }
0x362: {  	v18 =	vmul.f32 v30, v4;
	[tilespmem:v15+s21+$0x0] =	vst.idx.add.s32.msk vm1, v3;
	v15 =	vor.u32 v11, v17  }
0x363: {  	v19 =	vmul.f32 v20, v5;
	v20 =	vmul.f32 v21, v6;
	[tilespmem:v12+s21+$0x0] =	vst.idx.add.s32.msk vm0, v3  }
0x364: {  	v21 =	vmul.f32 v25, v8;
	vm0 =	vlt.s32 v18, $0x0;
	v12 =	vmul.f32 v23, v7;
	[tilespmem:v13+s21+$0x0] =	vst.idx.add.s32.msk vm2, v3  }
0x365: {  	v22 =	vmul.f32 v28, v9;
	vm1 =	vlt.s32 v19, $0x0;
	v13 =	vxor.u32 $0x7FFFFFFF, v18;
	[tilespmem:v16+s21+$0x0] =	vst.idx.add.s32.msk vm3, v3  }
.Ltmp11:
0x366: {  	v23 =	vxor.u32 $0x7FFFFFFF, v20;
	vm2 =	vlt.s32 v20, $0x0;
	v16 =	vxor.u32 $0x7FFFFFFF, v19;
	[tilespmem:v14+s21+$0x0] =	vst.idx.add.s32.msk vm4, v3;
	(pc) =	sbr.rel @p2 .LBB2_25-.Ltmp11, $4  }
0x367: {  	vm3 =	vlt.s32 v12, $0x0;
	v14 =	vxor.u32 $0x7FFFFFFF, v12;
	vm4 =	vlt.s32 v21, $0x0;
	[tilespmem:v15+s21+$0x0] =	vst.idx.add.s32.msk vm5, v3  }
0x368: {  	v24 =	vxor.u32 $0x7FFFFFFF, v21;
	v25 =	vxor.u32 $0x7FFFFFFF, v22;
	vm5 =	vlt.s32 v22, $0x0  }
0x369: {  	v17 =	vsel vm0, v18, v13;
	v16 =	vsel vm1, v19, v16;
	v15 =	vsel vm2, v20, v23  }
0x36a: {  	s3 =	sadd.s32 $0xC0, s3;
	v14 =	vsel vm3, v12, v14;
	v13 =	vsel vm4, v21, v24;
	v12 =	vsel vm5, v22, v25  }
0x36b: {  	v18 =	vshrl.u32 v17, $0xA;
	v19 =	vshrl.u32 v16, $0xA  }
0x36c: {  	v20 =	vshrl.u32 v15, $0xA;
	v21 =	vshrl.u32 v14, $0xA;
	v22 =	vshrl.u32 v13, $0xA  }
0x36d: {  	v23 =	vshrl.u32 v12, $0xA;
	v17 =	vand.u32 $0x3FF, v17;
	vm0 =	veq.s32 v18, v10  }
0x36e: {  	v16 =	vand.u32 $0x3FF, v16;
	vm1 =	veq.s32 v19, v10;
	v17 =	vor.u32 v11, v17  }
0x36f: {  	v15 =	vand.u32 $0x3FF, v15;
	vm2 =	veq.s32 v20, v10;
	v16 =	vor.u32 v11, v16  }
0x370: {  	v14 =	vand.u32 $0x3FF, v14;
	vm3 =	veq.s32 v21, v10;
	v15 =	vor.u32 v11, v15  }
0x371: {  	v13 =	vand.u32 $0x3FF, v13;
	vm4 =	veq.s32 v22, v10;
	v14 =	vor.u32 v11, v14  }
0x372: {  	v12 =	vand.u32 $0x3FF, v12;
	vm5 =	veq.s32 v23, v10;
	v13 =	vor.u32 v11, v13  }
0x373: {  	v12 =	vor.u32 v11, v12;
	[tilespmem:v17+s21+$0x0] =	vst.idx.add.s32.msk vm0, v3  }
0x374: {  	[tilespmem:v16+s21+$0x0] =	vst.idx.add.s32.msk vm1, v3  }
0x375: {  	p2 =	seq.s32 s31, $0x7;
	[tilespmem:v15+s21+$0x0] =	vst.idx.add.s32.msk vm2, v3  }
0x376: {  	s0 =	sshrl.u32 @!p2 s2, $0x3;
	[tilespmem:v14+s21+$0x0] =	vst.idx.add.s32.msk vm3, v3  }
0x377: {  	s0 =	sadd.s32 @!p2 s1, s0;
	[tilespmem:v13+s21+$0x0] =	vst.idx.add.s32.msk vm4, v3  }
0x378: {  	s2 =	simm.s32 @!p2 $0x0;
	s0 =	sadd.s32 @!p2 $0x1800, s0;
	[tilespmem:v12+s21+$0x0] =	vst.idx.add.s32.msk vm5, v3  }
0x379: {  	[tilespmem:s2], [sflag:$0x1] =	stream.linear.gather @!p2 [hbm4b:s0+s2], $0x6000, $0x38;
	[tilespmem:$0x16A00] =	vst v63  }
0x37a: {  	_ =	swait.ge [sflag:s22], $0x6000  }
0x37b: {  	[sflag:s22] =	ssyncset.done $0x0  }
0x37c: {  	s23 =	simm.s32 $0x6060;
	[sflag:s22] =	ssyncadd.s32 $0xFFFFA000  }
0x37d: {  	v12 =	vld [tilespmem:s23+$0xFFFFFFF0]  }
0x37e: {  	v14 =	vld [tilespmem:s23+$0x40]  }
0x37f: {  	v15 =	vld [tilespmem:s23+$0xFFFFFFD0]  }
0x380: {  	v17 =	vld [tilespmem:s23+$0x30]  }
0x381: {  	s2 =	simm.s32 $0x0;
	v18 =	vld [tilespmem:s23+$0x10]  }
0x382: {  	s3 =	sand.u32 $0x7FC0, s2;
	v20 =	vld [tilespmem:s23+$0xFFFFFFC0]  }
0x383: {  	v25 =	vld [tilespmem:s3+$0x6080]  }
0x384: {  	v13 =	vld [tilespmem:s23+$0x0]  }
0x385: {  	v16 =	vld [tilespmem:s23+$0xFFFFFFE0];
	v12 =	vmul.f32 v12, v9  }
0x386: {  	v15 =	vmul.f32 v15, v7;
	v24 =	vmul.f32 v14, v8  }
0x387: {  	v17 =	vmul.f32 v17, v7;
	v18 =	vmul.f32 v18, v5  }
0x388: {  	v14 =	vld [tilespmem:s23+$0xFFFFFFA0];
	v20 =	vmul.f32 v20, v6;
	v27 =	vmul.f32 v25, v6;
	vm0 =	vlt.s32 v12, $0x0  }
0x389: {  	v19 =	vxor.u32 $0x7FFFFFFF, v12;
	vm1 =	vlt.s32 v17, $0x0;
	v22 =	vxor.u32 $0x7FFFFFFF, v17  }
0x38a: {  	v12 =	vsel vm0, v12, v19;
	v19 =	vmul.f32 v16, v8;
	v16 =	vmul.f32 v13, v4  }
0x38b: {  	v30 =	vxor.u32 $0x7FFFFFFF, v27;
	vm0 =	vlt.s32 v15, $0x0;
	v13 =	vxor.u32 $0x7FFFFFFF, v15  }
0x38c: {  	v13 =	vsel vm0, v15, v13;
	vm0 =	vlt.s32 v16, $0x0;
	v21 =	vxor.u32 $0x7FFFFFFF, v16  }
0x38d: {  	v15 =	vld [tilespmem:s23+$0xFFFFFFB0];
	v23 =	vmul.f32 v14, v4;
	vm2 =	vlt.s32 v19, $0x0;
	v14 =	vsel vm1, v17, v22  }
0x38e: {  	vm1 =	vlt.s32 v20, $0x0;
	v22 =	vxor.u32 $0x7FFFFFFF, v18;
	v17 =	vxor.u32 $0x7FFFFFFF, v20  }
0x38f: {  	v21 =	vsel vm0, v16, v21;
	vm0 =	vlt.s32 v18, $0x0;
	v16 =	vshrl.u32 v14, $0xA  }
0x390: {  	v14 =	vand.u32 $0x3FF, v14;
	v17 =	vsel vm1, v20, v17;
	vm1 =	vlt.s32 v27, $0x0  }
0x391: {  	vm3 =	vlt.s32 v23, $0x0;
	v20 =	vxor.u32 $0x7FFFFFFF, v23;
	v32 =	vsel vm0, v18, v22  }
0x392: {  	v18 =	vld [tilespmem:s23+$0x50];
	v22 =	vand.u32 $0x3FF, v21;
	v14 =	vor.u32 v11, v14;
	v26 =	vmul.f32 v15, v5  }
0x393: {  	v21 =	vshrl.u32 v21, $0xA;
	v23 =	vsel vm3, v23, v20;
	v15 =	vxor.u32 $0x7FFFFFFF, v19  }
0x394: {  	v15 =	vsel vm2, v19, v15;
	v19 =	vxor.u32 $0x7FFFFFFF, v26;
	vm0 =	vlt.s32 v26, $0x0  }
0x395: {  	v20 =	vor.u32 v11, v22;
	v25 =	vshrl.u32 v32, $0xA;
	v26 =	vsel vm0, v26, v19  }
0x396: {  	vm3 =	vlt.s32 v24, $0x0;
	v32 =	vand.u32 $0x3FF, v32;
	v28 =	vshrl.u32 v26, $0xA  }
0x397: {  	v22 =	vand.u32 $0x3FF, v23;
	vm0 =	veq.s32 v28, v10;
	v28 =	vmul.f32 v18, v9  }
0x398: {  	vm2 =	veq.s32 v21, v10;
	v19 =	vshrl.u32 v13, $0xA;
	v18 =	vxor.u32 $0x7FFFFFFF, v24  }
0x399: {  	v18 =	vsel vm3, v24, v18;
	vm3 =	vlt.s32 v28, $0x0;
	v29 =	vxor.u32 $0x7FFFFFFF, v28  }
0x39a: {  	v21 =	vand.u32 $0x3FF, v26;
	v26 =	vshrl.u32 v15, $0xA;
	v31 =	vsel vm3, v28, v29  }
0x39b: {  	s0 =	simm.s32 $0x0;
	s3 =	simm.s32 $0x6120;
	v24 =	vshrl.u32 v17, $0xA;
	v28 =	vshrl.u32 v18, $0xA;
	v29 =	vshrl.u32 v31, $0xA  }
.LBB2_27:
0x39c: {  	v33 =	vld [tilespmem:s3+$0x0];
	s0 =	sadd.s32 $0x2, s0;
	v27 =	vsel vm1, v27, v30;
	v30 =	vand.u32 $0x3FF, v18;
	v31 =	vand.u32 $0x3FF, v31;
	s2 =	sadd.s32 $0xC0, s2  }
0x39d: {  	v23 =	vshrl.u32 v23, $0xA;
	v34 =	vshrl.u32 v12, $0xA;
	v18 =	vld [tilespmem:s3+$0x50];
	p2 =	slt.u32 s0, $0xFE;
	v35 =	vshrl.u32 v27, $0xA  }
0x39e: {  	vm8 =	veq.s32 v25, v10;
	vm4 =	veq.s32 v23, v10;
	v23 =	vor.u32 v11, v32;
	v36 =	vld [tilespmem:s3+$0xFFFFFFF0]  }
0x39f: {  	v22 =	vor.u32 v11, v22;
	v12 =	vand.u32 $0x3FF, v12;
	vm1 =	veq.s32 v29, v10;
	v25 =	vld [tilespmem:s3+$0x40]  }
0x3a0: {  	v32 =	vor.u32 v11, v12;
	v12 =	vand.u32 $0x3FF, v27;
	vm7 =	veq.s32 v35, v10;
	v29 =	vld [tilespmem:s3+$0x10]  }
0x3a1: {  	vm3 =	veq.s32 v26, v10;
	v13 =	vand.u32 $0x3FF, v13;
	[tilespmem:v20+s21+$0x0] =	vst.idx.add.s32.msk vm2, v3;
	v20 =	vor.u32 v11, v12  }
0x3a2: {  	vm5 =	veq.s32 v28, v10;
	s4 =	sand.u32 $0x7FC0, s2;
	vm2 =	veq.s32 v24, v10;
	v24 =	vor.u32 v11, v13;
	v12 =	vld [tilespmem:s3+$0xFFFFFFD0]  }
0x3a3: {  	v21 =	vor.u32 v11, v21;
	v27 =	vor.u32 v11, v30;
	v13 =	vld [tilespmem:s3+$0xFFFFFFE0];
	v26 =	vmul.f32 v36, v9  }
0x3a4: {  	v17 =	vand.u32 $0x3FF, v17;
	vm9 =	veq.s32 v16, v10;
	v30 =	vor.u32 v11, v31;
	v28 =	vld [tilespmem:s3+$0x30]  }
0x3a5: {  	v17 =	vor.u32 v11, v17;
	vm10 =	vlt.s32 v26, $0x0;
	v16 =	vxor.u32 $0x7FFFFFFF, v26;
	[tilespmem:v22+s21+$0x0] =	vst.idx.add.s32.msk vm4, v3  }
0x3a6: {  	vm6 =	veq.s32 v19, v10;
	v15 =	vand.u32 $0x3FF, v15;
	vm4 =	veq.s32 v34, v10;
	[tilespmem:v23+s21+$0x0] =	vst.idx.add.s32.msk vm8, v3  }
0x3a7: {  	v19 =	vld [tilespmem:s3+$0xFFFFFFC0];
	v22 =	vmul.f32 v12, v7;
	v12 =	vsel vm10, v26, v16;
	v26 =	vmul.f32 v25, v8  }
0x3a8: {  	v31 =	vor.u32 v11, v15;
	v25 =	vmul.f32 v33, v4;
	v16 =	vld [tilespmem:s3+$0xFFFFFFA0];
	v23 =	vmul.f32 v13, v8  }
0x3a9: {  	vm8 =	vlt.s32 v22, $0x0;
	v13 =	vxor.u32 $0x7FFFFFFF, v22;
	v15 =	vmul.f32 v28, v7;
	[tilespmem:v20+s21+$0x0] =	vst.idx.add.s32.msk vm7, v3  }
0x3aa: {  	vm7 =	vlt.s32 v25, $0x0;
	v20 =	vmul.f32 v29, v5;
	v13 =	vsel vm8, v22, v13;
	[tilespmem:v14+s21+$0x0] =	vst.idx.add.s32.msk vm9, v3  }
0x3ab: {  	v22 =	vxor.u32 $0x7FFFFFFF, v25;
	v14 =	vld [tilespmem:s3+$0xFFFFFFB0];
	vm8 =	vlt.s32 v15, $0x0;
	v28 =	vxor.u32 $0x7FFFFFFF, v15  }
0x3ac: {  	v25 =	vsel vm7, v25, v22;
	vm7 =	vlt.s32 v20, $0x0;
	v19 =	vmul.f32 v19, v6;
	v29 =	vld [tilespmem:s4+$0x6080]  }
0x3ad: {  	vm9 =	vlt.s32 v23, $0x0;
	v15 =	vsel vm8, v15, v28;
	v22 =	vmul.f32 v16, v4;
	[tilespmem:v27+s21+$0x0] =	vst.idx.add.s32.msk vm5, v3  }
0x3ae: {  	v27 =	vxor.u32 $0x7FFFFFFF, v20;
	v16 =	vshrl.u32 v15, $0xA;
	vm5 =	vlt.s32 v19, $0x0;
	[tilespmem:v21+s21+$0x0] =	vst.idx.add.s32.msk vm0, v3  }
0x3af: {  	v28 =	vand.u32 $0x3FF, v15;
	v21 =	vxor.u32 $0x7FFFFFFF, v19;
	vm0 =	vlt.s32 v22, $0x0;
	[tilespmem:v17+s21+$0x0] =	vst.idx.add.s32.msk vm2, v3  }
0x3b0: {  	v17 =	vsel vm5, v19, v21;
	v33 =	vmul.f32 v14, v5;
	v14 =	vxor.u32 $0x7FFFFFFF, v23;
	[tilespmem:v24+s21+$0x0] =	vst.idx.add.s32.msk vm6, v3  }
0x3b1: {  	v34 =	vsel vm7, v20, v27;
	v19 =	vxor.u32 $0x7FFFFFFF, v22;
	v15 =	vsel vm9, v23, v14;
	[tilespmem:v31+s21+$0x0] =	vst.idx.add.s32.msk vm3, v3  }
0x3b2: {  	v20 =	vand.u32 $0x3FF, v25;
	v14 =	vor.u32 v11, v28;
	v21 =	vxor.u32 $0x7FFFFFFF, v33;
	[tilespmem:v30+s21+$0x0] =	vst.idx.add.s32.msk vm1, v3  }
0x3b3: {  	v20 =	vor.u32 v11, v20;
	v23 =	vsel vm0, v22, v19;
	vm0 =	vlt.s32 v33, $0x0;
	[tilespmem:v32+s21+$0x0] =	vst.idx.add.s32.msk vm4, v3  }
0x3b4: {  	v27 =	vmul.f32 v29, v6;
	v22 =	vand.u32 $0x3FF, v23;
	v21 =	vsel vm0, v33, v21  }
0x3b5: {  	v28 =	vshrl.u32 v25, $0xA;
	v25 =	vshrl.u32 v34, $0xA;
	v24 =	vshrl.u32 v21, $0xA  }
0x3b6: {  	v19 =	vshrl.u32 v13, $0xA;
	vm2 =	veq.s32 v28, v10;
	v30 =	vxor.u32 $0x7FFFFFFF, v27  }
.Ltmp12:
0x3b7: {  	v28 =	vmul.f32 v18, v9;
	vm1 =	vlt.s32 v27, $0x0;
	vm0 =	veq.s32 v24, v10;
	(pc) =	sbr.rel @p2 .LBB2_27-.Ltmp12, $4  }
0x3b8: {  	vm3 =	vlt.s32 v26, $0x0;
	v18 =	vxor.u32 $0x7FFFFFFF, v26;
	v21 =	vand.u32 $0x3FF, v21  }
0x3b9: {  	v18 =	vsel vm3, v26, v18;
	vm3 =	vlt.s32 v28, $0x0;
	v29 =	vxor.u32 $0x7FFFFFFF, v28  }
0x3ba: {  	v26 =	vshrl.u32 v15, $0xA;
	v24 =	vshrl.u32 v17, $0xA;
	v31 =	vsel vm3, v28, v29  }
0x3bb: {  	s3 =	sadd.s32 $0xC0, s3;
	v32 =	vand.u32 $0x3FF, v34;
	v28 =	vshrl.u32 v18, $0xA;
	v29 =	vshrl.u32 v31, $0xA  }
0x3bc: {  	v23 =	vshrl.u32 v23, $0xA;
	v27 =	vsel vm1, v27, v30;
	vm3 =	veq.s32 v25, v10  }
0x3bd: {  	v56 =	vor.u32 v11, v32;
	vm10 =	veq.s32 v23, v10;
	v55 =	vshrl.u32 v27, $0xA  }
0x3be: {  	v22 =	vor.u32 v11, v22;
	v57 =	vand.u32 $0x3FF, v27;
	vm4 =	veq.s32 v55, v10  }
0x3bf: {  	v23 =	vor.u32 v11, v57  }
0x3c0: {  	vm5 =	veq.s32 v16, v10;
	v60 =	vor.u32 v11, v21  }
0x3c1: {  	v58 =	vand.u32 $0x3FF, v18;
	[tilespmem:v20+s21+$0x0] =	vst.idx.add.s32.msk vm2, v3;
	vm11 =	veq.s32 v24, v10;
	v17 =	vand.u32 $0x3FF, v17  }
0x3c2: {  	vm6 =	veq.s32 v28, v10;
	v59 =	vand.u32 $0x3FF, v31;
	v17 =	vor.u32 v11, v17;
	[tilespmem:v56+s21+$0x0] =	vst.idx.add.s32.msk vm3, v3  }
0x3c3: {  	v13 =	vand.u32 $0x3FF, v13;
	vm12 =	veq.s32 v19, v10;
	v16 =	vor.u32 v11, v58;
	[tilespmem:v22+s21+$0x0] =	vst.idx.add.s32.msk vm10, v3  }
0x3c4: {  	vm13 =	veq.s32 v26, v10;
	v15 =	vand.u32 $0x3FF, v15;
	v13 =	vor.u32 v11, v13;
	[tilespmem:v23+s21+$0x0] =	vst.idx.add.s32.msk vm4, v3  }
0x3c5: {  	v61 =	vshrl.u32 v12, $0xA;
	vm14 =	veq.s32 v29, v10;
	v15 =	vor.u32 v11, v15;
	[tilespmem:v60+s21+$0x0] =	vst.idx.add.s32.msk vm0, v3  }
0x3c6: {  	v62 =	vand.u32 $0x3FF, v12;
	s31 =	sadd.s32 $0x1, s31;
	v63 =	vor.u32 v11, v59;
	vm15 =	veq.s32 v61, v10;
	[tilespmem:v14+s21+$0x0] =	vst.idx.add.s32.msk vm5, v3  }
0x3c7: {  	p2 =	sne.s32 s31, $0x8;
	v11 =	vor.u32 v11, v62;
	[tilespmem:v17+s21+$0x0] =	vst.idx.add.s32.msk vm11, v3  }
.Ltmp13:
0x3c8: {  	[tilespmem:v16+s21+$0x0] =	vst.idx.add.s32.msk vm6, v3;
	(pc) =	sbr.rel @p2 .LBB2_24-.Ltmp13, $4  }
0x3c9: {  	[tilespmem:v13+s21+$0x0] =	vst.idx.add.s32.msk vm12, v3  }
0x3ca: {  	[tilespmem:v15+s21+$0x0] =	vst.idx.add.s32.msk vm13, v3  }
0x3cb: {  	[tilespmem:v63+s21+$0x0] =	vst.idx.add.s32.msk vm14, v3  }
0x3cc: {  	[tilespmem:v11+s21+$0x0] =	vst.idx.add.s32.msk vm15, v3  }
0x3cd: {  	s2 =	simm.s32 $0xE010;
	s0 =	simm.s32 $0x0  }
0x3ce: {  	v4 =	vld [tilespmem:s2+$0xFFFFDFF0];
	s3 =	sand.u32 $0x3E0, s0  }
0x3cf: {  	v5 =	vld [tilespmem:s3+$0xFC00]  }
0x3d0: {  	v6 =	vld [tilespmem:s3+$0xF800]  }
0x3d1: {  	v7 =	vld [tilespmem:s3+$0xF400]  }
0x3d2: {  	v8 =	vld [tilespmem:s3+$0xF000]  }
0x3d3: {  	v9 =	vld [tilespmem:s3+$0xEC00]  }
0x3d4: {  	v10 =	vld [tilespmem:s3+$0xE800]  }
0x3d5: {  	v11 =	vld [tilespmem:s3+$0xE400]  }
0x3d6: {  	v12 =	vld [tilespmem:s3+$0xE000]  }
0x3d7: {  	v13 =	vld [tilespmem:s3+$0xDC00]  }
0x3d8: {  	v14 =	vld [tilespmem:s3+$0xD800]  }
0x3d9: {  	v15 =	vld [tilespmem:s3+$0xC400]  }
0x3da: {  	v16 =	vld [tilespmem:s3+$0xC800]  }
0x3db: {  	v17 =	vld [tilespmem:s3+$0xCC00]  }
0x3dc: {  	v18 =	vld [tilespmem:s3+$0xD000]  }
0x3dd: {  	v19 =	vld [tilespmem:s3+$0xD400];
	[tilespmem:s2+$0xFFFFDFF0] =	vst v1  }
0x3de: {  	v47 =	vld [tilespmem:s2+$0xFFFFE000];
	[tilespmem:s3+$0xC400] =	vst v1;
	v4 =	vadd.s32 v4, v15  }
0x3df: {  	v48 =	vld [tilespmem:s2+$0xFFFFE400];
	[tilespmem:s3+$0xC800] =	vst v1;
	v4 =	vadd.s32 v16, v4  }
0x3e0: {  	v49 =	vld [tilespmem:s2+$0xFFFFE800];
	[tilespmem:s3+$0xCC00] =	vst v1;
	v4 =	vadd.s32 v17, v4  }
0x3e1: {  	v50 =	vld [tilespmem:s2+$0xFFFFEC00];
	[tilespmem:s3+$0xD000] =	vst v1;
	v4 =	vadd.s32 v18, v4  }
0x3e2: {  	v51 =	vld [tilespmem:s2+$0xFFFFF000];
	[tilespmem:s3+$0xD400] =	vst v1;
	v4 =	vadd.s32 v19, v4  }
0x3e3: {  	v52 =	vld [tilespmem:s2+$0xFFFFF400];
	[tilespmem:s3+$0xD800] =	vst v1;
	v4 =	vadd.s32 v14, v4  }
0x3e4: {  	v54 =	vld [tilespmem:s2+$0xFFFFF800];
	[tilespmem:s3+$0xDC00] =	vst v1;
	v53 =	vadd.s32 v47, v48;
	v4 =	vadd.s32 v13, v4  }
0x3e5: {  	v56 =	vld [tilespmem:s2+$0xFFFFFC00];
	[tilespmem:s3+$0xE000] =	vst v1;
	v55 =	vadd.s32 v49, v53;
	v4 =	vadd.s32 v12, v4  }
0x3e6: {  	v58 =	vld [tilespmem:s2+$0x0];
	[tilespmem:s3+$0xE400] =	vst v1;
	v57 =	vadd.s32 v50, v55;
	v4 =	vadd.s32 v11, v4  }
0x3e7: {  	v60 =	vld [tilespmem:s2+$0x400];
	[tilespmem:s3+$0xE800] =	vst v1;
	v59 =	vadd.s32 v51, v57;
	v4 =	vadd.s32 v10, v4  }
0x3e8: {  	v62 =	vld [tilespmem:s2+$0x800];
	[tilespmem:s3+$0xEC00] =	vst v1;
	v61 =	vadd.s32 v52, v59;
	v4 =	vadd.s32 v9, v4  }
0x3e9: {  	v63 =	vld [tilespmem:s2+$0xC00];
	[tilespmem:s3+$0xF000] =	vst v1;
	v4 =	vadd.s32 v8, v4;
	v8 =	vadd.s32 v54, v61  }
0x3ea: {  	[tilespmem:s3+$0xF400] =	vst v1;
	v4 =	vadd.s32 v7, v4;
	v7 =	vadd.s32 v56, v8;
	v8 =	vld [tilespmem:s2+$0x1000]  }
0x3eb: {  	[tilespmem:s3+$0xF800] =	vst v1;
	v6 =	vadd.s32 v6, v4;
	v7 =	vadd.s32 v58, v7;
	v4 =	vld [tilespmem:s2+$0x1400]  }
0x3ec: {  	s0 =	simm.s32 $0x14010;
	[tilespmem:s3+$0xFC00] =	vst v1;
	v6 =	vadd.s32 v5, v6;
	v7 =	vadd.s32 v60, v7;
	v5 =	vld [tilespmem:s2+$0x1800]  }
0x3ed: {  	[tilespmem:s0+$0xFFFFFFF0] =	vst v6;
	v7 =	vadd.s32 v62, v7;
	v6 =	vld [tilespmem:s2+$0x1C00]  }
0x3ee: {  	[tilespmem:s2+$0xFFFFE000] =	vst v1;
	v7 =	vadd.s32 v63, v7  }
0x3ef: {  	s16 =	simm.s32 $0xE030;
	s30 =	simm.s32 $0x20;
	[tilespmem:s2+$0xFFFFE400] =	vst v1;
	s3 =	simm.s32 $0x0;
	v7 =	vadd.s32 v8, v7  }
.LBB2_30:
0x3f0: {  	v8 =	vld [tilespmem:s16+$0xFFFFDFF0];
	s4 =	sand.u32 $0x3E0, s30;
	v4 =	vadd.s32 v4, v7;
	[tilespmem:s2+$0xFFFFE800] =	vst v1  }
0x3f1: {  	v7 =	vld [tilespmem:s4+$0xFC00];
	v4 =	vadd.s32 v5, v4;
	[tilespmem:s2+$0xFFFFEC00] =	vst v1  }
0x3f2: {  	v5 =	vld [tilespmem:s4+$0xF800];
	v4 =	vadd.s32 v6, v4;
	[tilespmem:s2+$0xFFFFF000] =	vst v1  }
0x3f3: {  	v6 =	vld [tilespmem:s4+$0xF400];
	[tilespmem:s2+$0xFFFFF400] =	vst v1  }
0x3f4: {  	v9 =	vld [tilespmem:s4+$0xF000];
	[tilespmem:s2+$0xFFFFF800] =	vst v1  }
0x3f5: {  	v10 =	vld [tilespmem:s4+$0xEC00];
	[tilespmem:s2+$0xFFFFFC00] =	vst v1  }
0x3f6: {  	v11 =	vld [tilespmem:s4+$0xE800];
	[tilespmem:s2+$0x0] =	vst v1  }
0x3f7: {  	v12 =	vld [tilespmem:s4+$0xE400];
	[tilespmem:s2+$0x400] =	vst v1  }
0x3f8: {  	v13 =	vld [tilespmem:s4+$0xE000];
	[tilespmem:s2+$0x800] =	vst v1  }
0x3f9: {  	v14 =	vld [tilespmem:s4+$0xDC00];
	[tilespmem:s2+$0xC00] =	vst v1  }
0x3fa: {  	s3 =	sadd.s32 $0x2, s3;
	v15 =	vld [tilespmem:s4+$0xD800];
	[tilespmem:s2+$0x1000] =	vst v1  }
0x3fb: {  	p2 =	slt.u32 s3, $0x3E;
	v16 =	vld [tilespmem:s4+$0xC400];
	[tilespmem:s2+$0x1400] =	vst v1  }
0x3fc: {  	v17 =	vld [tilespmem:s4+$0xC800];
	[tilespmem:s2+$0x1800] =	vst v1  }
0x3fd: {  	v18 =	vld [tilespmem:s4+$0xCC00];
	[tilespmem:s2+$0x1C00] =	vst v1;
	s2 =	smov.u32 s16  }
0x3fe: {  	v19 =	vld [tilespmem:s4+$0xD000];
	[tilespmem:s0+$0x0] =	vst v4  }
0x3ff: {  	v4 =	vld [tilespmem:s4+$0xD400];
	[tilespmem:s16+$0xFFFFDFF0] =	vst v1  }
0x400: {  	v8 =	vadd.s32 v8, v16;
	[tilespmem:s4+$0xC400] =	vst v1;
	v16 =	vld [tilespmem:s16+$0xFFFFE000]  }
0x401: {  	v8 =	vadd.s32 v17, v8;
	[tilespmem:s4+$0xC800] =	vst v1;
	v17 =	vld [tilespmem:s16+$0xFFFFE400]  }
0x402: {  	v8 =	vadd.s32 v18, v8;
	[tilespmem:s4+$0xCC00] =	vst v1;
	v18 =	vld [tilespmem:s16+$0xFFFFE800]  }
0x403: {  	v8 =	vadd.s32 v19, v8;
	[tilespmem:s4+$0xD000] =	vst v1;
	v19 =	vld [tilespmem:s16+$0xFFFFEC00]  }
0x404: {  	v4 =	vadd.s32 v4, v8;
	[tilespmem:s4+$0xD400] =	vst v1;
	v8 =	vld [tilespmem:s16+$0xFFFFF000]  }
0x405: {  	v4 =	vadd.s32 v15, v4;
	[tilespmem:s4+$0xD800] =	vst v1;
	v15 =	vld [tilespmem:s16+$0xFFFFF400]  }
0x406: {  	v4 =	vadd.s32 v14, v4;
	[tilespmem:s4+$0xDC00] =	vst v1;
	v14 =	vadd.s32 v16, v17;
	v16 =	vld [tilespmem:s16+$0xFFFFF800]  }
0x407: {  	v4 =	vadd.s32 v13, v4;
	[tilespmem:s4+$0xE000] =	vst v1;
	v13 =	vadd.s32 v18, v14;
	v14 =	vld [tilespmem:s16+$0xFFFFFC00]  }
0x408: {  	v4 =	vadd.s32 v12, v4;
	[tilespmem:s4+$0xE400] =	vst v1;
	v12 =	vadd.s32 v19, v13;
	v13 =	vld [tilespmem:s16+$0x0]  }
0x409: {  	v4 =	vadd.s32 v11, v4;
	[tilespmem:s4+$0xE800] =	vst v1;
	v8 =	vadd.s32 v8, v12;
	v11 =	vld [tilespmem:s16+$0x400]  }
0x40a: {  	v4 =	vadd.s32 v10, v4;
	[tilespmem:s4+$0xEC00] =	vst v1;
	v8 =	vadd.s32 v15, v8;
	v10 =	vld [tilespmem:s16+$0x800]  }
0x40b: {  	v4 =	vadd.s32 v9, v4;
	[tilespmem:s4+$0xF000] =	vst v1;
	v8 =	vadd.s32 v16, v8;
	v9 =	vld [tilespmem:s16+$0xC00]  }
0x40c: {  	v4 =	vadd.s32 v6, v4;
	[tilespmem:s4+$0xF400] =	vst v1;
	v6 =	vadd.s32 v14, v8;
	v8 =	vld [tilespmem:s16+$0x1000]  }
.Ltmp14:
0x40d: {  	v5 =	vadd.s32 v5, v4;
	[tilespmem:s4+$0xF800] =	vst v1;
	v6 =	vadd.s32 v13, v6;
	v4 =	vld [tilespmem:s16+$0x1400];
	(pc) =	sbr.rel @p2 .LBB2_30-.Ltmp14, $4  }
0x40e: {  	s0 =	sadd.s32 $0x20, s0;
	v7 =	vadd.s32 v7, v5;
	[tilespmem:s4+$0xFC00] =	vst v1;
	v6 =	vadd.s32 v11, v6;
	v5 =	vld [tilespmem:s16+$0x1800]  }
0x40f: {  	[tilespmem:s0+$0xFFFFFFF0] =	vst v7;
	v7 =	vadd.s32 v10, v6;
	v6 =	vld [tilespmem:s16+$0x1C00]  }
0x410: {  	v7 =	vadd.s32 v9, v7;
	[tilespmem:s16+$0xFFFFE000] =	vst v1  }
0x411: {  	s30 =	sadd.s32 $0x20, s30;
	s16 =	sadd.s32 $0x20, s16;
	v7 =	vadd.s32 v8, v7;
	[tilespmem:s2+$0xFFFFE400] =	vst v1  }
0x412: {  	[tilespmem:s2+$0xFFFFE800] =	vst v1  }
0x413: {  	[tilespmem:s2+$0xFFFFEC00] =	vst v1  }
0x414: {  	[tilespmem:s2+$0xFFFFF000] =	vst v1  }
0x415: {  	[tilespmem:s2+$0xFFFFF400] =	vst v1  }
0x416: {  	[tilespmem:s2+$0xFFFFF800] =	vst v1  }
0x417: {  	[tilespmem:s2+$0xFFFFFC00] =	vst v1  }
0x418: {  	[tilespmem:s2+$0x0] =	vst v1  }
0x419: {  	[tilespmem:s2+$0x400] =	vst v1  }
0x41a: {  	[tilespmem:s2+$0x800] =	vst v1  }
0x41b: {  	[tilespmem:s2+$0xC00] =	vst v1  }
0x41c: {  	[tilespmem:s2+$0x1000] =	vst v1  }
0x41d: {  	v4 =	vadd.s32 v4, v7;
	[tilespmem:s2+$0x1400] =	vst v1  }
0x41e: {  	[tilespmem:s2+$0x1800] =	vst v1;
	v4 =	vadd.s32 v5, v4  }
0x41f: {  	[tilespmem:s2+$0x1C00] =	vst v1;
	v4 =	vadd.s32 v6, v4  }
0x420: {  	[tilespmem:s0+$0x0] =	vst v4  }
0x421: {  	s2 =	simm.s32 $0x0;
	s3 =	simm.s32 $0x14000;
	s0 =	rddreg [dreg:$0x7]  }
0x422: {  	[hbm4b:s0+s2] =	stream.linear.scatter [tilespmem:s3], [sflag:$0x3], $0x400, $0x38;
	[tilespmem:$0x16A00] =	vst v63  }
0x423: {  	_ =	swait.ge [sflag:s17], $0x400  }
0x424: {  	[sflag:s17] =	ssyncset.done $0x0  }
0x425: {  	[sflag:s17] =	ssyncadd.s32 $0xFFFFFC00  }
0x426: {  	s13 =	simm.s32 $0x14800;
	[bflag:$0x0] =	sbarrier.arrive $0xFFFF  }
0x427: {  	[tilespmem:s13], [sflag:$0x3] =	stream.linear.gather [hbm4b:s8+s2], $0x400, $0x38;
	[tilespmem:$0x16A00] =	vst v63  }
0x428: {  	_ =	swait.ge [sflag:s17], $0x400  }
0x429: {  	[sflag:s17] =	ssyncset.done $0x0  }
0x42a: {  	s14 =	simm.s32 $0x15000;
	s4 =	rddreg [dreg:$0x8];
	[sflag:s17] =	ssyncadd.s32 $0xFFFFFC00  }
0x42b: {  	[tilespmem:s14], [sflag:$0x3] =	stream.linear.gather [hbm4b:s4+s2], $0x400, $0x38;
	[tilespmem:$0x16A00] =	vst v63  }
0x42c: {  	_ =	swait.ge [sflag:s17], $0x400  }
0x42d: {  	[sflag:s17] =	ssyncset.done $0x0  }
0x42e: {  	s15 =	simm.s32 $0x15800;
	s5 =	rddreg [dreg:$0x9];
	[sflag:s17] =	ssyncadd.s32 $0xFFFFFC00  }
0x42f: {  	[tilespmem:s15], [sflag:$0x3] =	stream.linear.gather [hbm4b:s5+s2], $0x400, $0x38;
	[tilespmem:$0x16A00] =	vst v63  }
0x430: {  	_ =	swait.ge [sflag:s17], $0x400  }
0x431: {  	[sflag:s17] =	ssyncset.done $0x0  }
0x432: {  	s16 =	simm.s32 $0x16000;
	s6 =	rddreg [dreg:$0xa];
	[sflag:s17] =	ssyncadd.s32 $0xFFFFFC00  }
0x433: {  	[tilespmem:s16], [sflag:$0x3] =	stream.linear.gather [hbm4b:s6+s2], $0x400, $0x38;
	[tilespmem:$0x16A00] =	vst v63  }
0x434: {  	_ =	swait.ge [sflag:s17], $0x400  }
0x435: {  	[sflag:s17] =	ssyncset.done $0x0  }
0x436: {  	[sflag:s17] =	ssyncadd.s32 $0xFFFFFC00  }
0x437: {  	v4 =	vld [tilespmem:s13+$0x0]  }
0x438: {  	v5 =	vld [tilespmem:s14+$0x0]  }
0x439: {  	v6 =	vld [tilespmem:s15+$0x0]  }
0x43a: {  	v7 =	vld [tilespmem:s16+$0x0];
	_ =	sdelay $0x2  }
0x43b: {  	v4 =	vadd.s32 v4, v5  }
0x43c: {  	v4 =	vadd.s32 v6, v4  }
0x43d: {  	v4 =	vadd.s32 v7, v4  }
0x43e: {  	(xrf0) =	vadd.scan.msk.s32 $0xffff, v4;
	_ =	sdelay $0x2  }
0x43f: {  	s23 =	simm.s32 $0x15010  }
0x440: {  	s18 =	simm.s32 $0x14810;
	v6 =	vld [tilespmem:s23+$0x0]  }
0x441: {  	s30 =	simm.s32 $0x15810;
	v4 =	vld [tilespmem:s18+$0x0]  }
0x442: {  	s31 =	simm.s32 $0x16010;
	v7 =	vld [tilespmem:s30+$0x0];
	v5, _, _ =	vpop (xrf0)  }
0x443: {  	v8 =	vld [tilespmem:s31+$0x0];
	(v2sf) =	vpush v5, $0xF;
	_ =	sdelay $0x1  }
0x444: {  	s3 =	simm.s32 $0x14820  }
0x445: {  	s4 =	simm.s32 $0x15020;
	v4 =	vadd.s32 v4, v6;
	v6 =	vld [tilespmem:s3+$0x0]  }
0x446: {  	v4 =	vadd.s32 v7, v4;
	v7 =	vld [tilespmem:s4+$0x0]  }
0x447: {  	v4 =	vadd.s32 v8, v4  }
0x448: {  	s9 =	ssub.s32 s28, s29;
	(xrf0) =	vadd.scan.msk.s32 $0xffff, v4  }
0x449: {  	v5 =	vadd.s32 s2, v5;
	v4 =	vmov s9  }
0x44a: {  	s5 =	simm.s32 $0x15820;
	vm0 =	vge.s32 v5, v4  }
0x44b: {  	s6 =	simm.s32 $0x16020;
	v55 =	vld [tilespmem:s5+$0x0];
	v5 =	vadd.s32 v6, v7;
	v6 =	vsel vm0, $0x1, v1  }
0x44c: {  	v9 =	vld [tilespmem:s6+$0x0];
	(xrf0) =	vadd.scan.msk.s32 $0xffff, v6;
	_ =	sdelay $0x1  }
0x44d: {  	v7, _, _ =	vpop (xrf0)  }
0x44e: {  	(v2sf) =	vpush v7, $0xF  }
0x44f: {  	v5 =	vadd.s32 v55, v5  }
0x450: {  	v5 =	vadd.s32 v9, v5;
	s10 =	spop (v2sf)  }
0x451: {  	s11 =	simm.s32 $0x14830;
	(xrf0) =	vadd.scan.msk.s32 $0xffff, v5;
	v6, _, _ =	vpop (xrf0);
	s0 =	sadd.s32 $0x0, s10  }
0x452: {  	s12 =	simm.s32 $0x15030;
	(v2sf) =	vpush v6, $0xF;
	v6 =	vld [tilespmem:s11+$0x0];
	v5 =	vadd.s32 s0, v7  }
0x453: {  	s13 =	simm.s32 $0x15830;
	v7 =	vld [tilespmem:s12+$0x0];
	vm13 =	vge.s32 v5, v4  }
0x454: {  	s14 =	simm.s32 $0x16030;
	v56 =	vld [tilespmem:s13+$0x0];
	v5 =	vsel vm13, $0x1, v1  }
0x455: {  	v57 =	vld [tilespmem:s14+$0x0];
	_ =	sdelay $0x1  }
0x456: {  	(xrf0) =	vadd.scan.msk.s32 $0xffff, v5;
	v5, _, _ =	vpop (xrf0)  }
0x457: {  	v6 =	vadd.s32 v6, v7;
	(v2sf) =	vpush v5, $0xF  }
0x458: {  	s15 =	simm.s32 $0x14840;
	v6 =	vadd.s32 v56, v6  }
0x459: {  	s16 =	simm.s32 $0x15040;
	v11 =	vld [tilespmem:s15+$0x0];
	v6 =	vadd.s32 v57, v6  }
0x45a: {  	v58 =	vld [tilespmem:s16+$0x0];
	s18 =	simm.s32 $0x15840;
	(xrf0) =	vadd.scan.msk.s32 $0xffff, v6  }
0x45b: {  	s23 =	simm.s32 $0x16040;
	v7 =	vld [tilespmem:s18+$0x0]  }
0x45c: {  	v59 =	vld [tilespmem:s23+$0x0];
	s28 =	spop (v2sf);
	v10, _, _ =	vpop (xrf0)  }
0x45d: {  	s0 =	sadd.s32 s0, s28;
	(v2sf) =	vpush v10, $0xF  }
0x45e: {  	v5 =	vadd.s32 s0, v5  }
0x45f: {  	vm14 =	vge.s32 v5, v4;
	v5 =	vadd.s32 v11, v58  }
0x460: {  	s29 =	simm.s32 $0x14850;
	v6 =	vsel vm14, $0x1, v1;
	v5 =	vadd.s32 v7, v5;
	v61, _, _ =	vpop (xrf0)  }
0x461: {  	s30 =	simm.s32 $0x15050;
	v7 =	vld [tilespmem:s29+$0x0];
	(xrf0) =	vadd.scan.msk.s32 $0xffff, v6;
	v5 =	vadd.s32 v59, v5;
	s9 =	spop (v2sf);
	(v2sf) =	vpush v61, $0xF  }
0x462: {  	s31 =	simm.s32 $0x15850;
	v6 =	vld [tilespmem:s30+$0x0];
	(xrf0) =	vadd.scan.msk.s32 $0xffff, v5  }
0x463: {  	v5 =	vld [tilespmem:s31+$0x0];
	_ =	sdelay $0x2  }
0x464: {  	s6 =	simm.s32 $0x16050;
	s10 =	spop (v2sf)  }
0x465: {  	p3 =	por $0x1, $0x1;
	v60 =	vld [tilespmem:s6+$0x0];
	v6 =	vadd.s32 v7, v6;
	v7, _, _ =	vpop (xrf0);
	s14 =	sadd.s32 s0, s10  }
0x466: {  	s5 =	simm.s32 $0x20;
	s16 =	simm.s32 $0x60;
	s15 =	simm.s32 $0x70;
	v6 =	vadd.s32 v5, v6;
	(v2sf) =	vpush v7, $0xF;
	v5, _, _ =	vpop (xrf0);
	v62 =	vadd.s32 s14, v61  }
0x467: {  	s3 =	simm.s32 $0x50;
	s4 =	simm.s32 $0x40;
	s11 =	simm.s32 $0x15860;
	(v2sf) =	vpush v5, $0xF;
	vm15 =	vge.s32 v62, v4  }
0x468: {  	p2 =	sgt.s32 s9, $0x0;
	s0 =	ssub.s32 $0x10, s9;
	s9 =	simm.s32 $0x0;
	v63 =	vsel vm15, $0x1, v1  }
0x469: {  	s18 =	simm.s32 $0x30;
	s10 =	simm.s32 $0x15060;
	s9 =	smov.u32 @p2 s0;
	(xrf0) =	vadd.scan.msk.s32 $0xffff, v63  }
0x46a: {  	v6 =	vadd.s32 v60, v6;
	s0 =	simm.s32 $0x0;
	p2 =	por p2, p2;
	s23 =	spop (v2sf)  }
0x46b: {  	s0 =	smov.u32 @p3 s9;
	s9 =	simm.s32 $0x14860;
	p3 =	sgt.s32 s23, $0x0;
	(xrf0) =	vadd.scan.msk.s32 $0xffff, v6  }
.LBB2_32:
0x46c: {  	p4 =	sne.s32 s15, $0x400  }
0x46d: {  	v6 =	vld [tilespmem:s9+$0x0];
	s5 =	ssub.s32 s5, s23;
	s2 =	simm.s32 @p2 $0x1;
	s13 =	smov.u32 s0  }
0x46e: {  	v7 =	vld [tilespmem:s10+$0x0];
	s12 =	spop (v2sf);
	p2 =	seq.s32 s2, $0x0;
	s13 =	smov.u32 @p3 s5  }
0x46f: {  	s6 =	sadd.s32 $0x10, s6;
	v8 =	vld [tilespmem:s11+$0x0];
	s14 =	sadd.s32 s14, s12;
	v9, _, _ =	vpop (xrf0);
	s0 =	smov.u32 @p2 s13  }
0x470: {  	s5 =	smov.u32 s18;
	s18 =	smov.u32 s4;
	s4 =	smov.u32 s3;
	v10 =	vld [tilespmem:s6+$0x0];
	v11 =	vadd.s32 s14, v5;
	(v2sf) =	vpush v9, $0xF  }
0x471: {  	s3 =	smov.u32 s16;
	s16 =	smov.u32 s15;
	p2 =	por p3, p3;
	vm0 =	vge.s32 v11, v4  }
.Ltmp15:
0x472: {  	v5, _, _ =	vpop (xrf0);
	v9 =	vsel vm0, $0x1, v1;
	(pc) =	sbr.rel @p4 .LBB2_32-.Ltmp15, $4  }
0x473: {  	v6 =	vadd.s32 v6, v7;
	(v2sf) =	vpush v5, $0xF;
	(xrf0) =	vadd.scan.msk.s32 $0xffff, v9  }
0x474: {  	v6 =	vadd.s32 v8, v6  }
0x475: {  	s9 =	sadd.s32 $0x10, s9;
	s10 =	sadd.s32 $0x10, s10;
	v6 =	vadd.s32 v10, v6;
	s23 =	spop (v2sf)  }
0x476: {  	s15 =	sadd.s32 $0x10, s15;
	s11 =	sadd.s32 $0x10, s11;
	(xrf0) =	vadd.scan.msk.s32 $0xffff, v6;
	p3 =	sgt.s32 s23, $0x0  }
0x477: {  	_ =	sdelay $0x5  }
0x478: {  	s6 =	spop (v2sf)  }
0x479: {  	s6 =	sadd.s32 s14, s6  }
0x47a: {  	v5 =	vadd.s32 s6, v5;
	_ =	sdelay $0x1  }
0x47b: {  	s9 =	spop (v2sf)  }
0x47c: {  	vm0 =	vge.s32 v5, v4;
	v5, _, _ =	vpop (xrf0);
	s10 =	spop (v2sf)  }
0x47d: {  	v6 =	vsel vm0, $0x1, v1;
	v7, _, _ =	vpop (xrf0);
	s6 =	sadd.s32 s6, s10  }
0x47e: {  	(xrf0) =	vadd.scan.msk.s32 $0xffff, v6;
	v63 =	vadd.s32 s6, v7  }
0x47f: {  	vm15 =	vge.s32 v63, v4  }
0x480: {  	v4 =	vsel vm15, $0x1, v1  }
0x481: {  	(v2sf) =	vpush v5, $0xF;
	(xrf0) =	vadd.scan.msk.s32 $0xffff, v4;
	_ =	sdelay $0x2  }
0x482: {  	(v2sf) =	vpush v7, $0xF;
	v4, _, _ =	vpop (xrf0)  }
0x483: {  	(v2sf) =	vpush v4, $0xF;
	_ =	sdelay $0x1  }
0x484: {  	v4, _, _ =	vpop (xrf0)  }
0x485: {  	(v2sf) =	vpush v4, $0xF;
	_ =	sdelay $0x1  }
0x486: {  	s5 =	ssub.s32 s5, s23;
	s2 =	simm.s32 @p2 $0x1;
	s6 =	smov.u32 s0  }
0x487: {  	p2 =	seq.s32 s2, $0x0;
	s6 =	smov.u32 @p3 s5  }
0x488: {  	s5 =	ssub.s32 s18, s9;
	s0 =	smov.u32 @p2 s6;
	p2 =	por p3, p3  }
0x489: {  	p3 =	sgt.s32 s9, $0x0;
	s2 =	simm.s32 @p2 $0x1;
	s6 =	smov.u32 s0  }
0x48a: {  	p2 =	seq.s32 s2, $0x0;
	s6 =	smov.u32 @p3 s5  }
0x48b: {  	s0 =	smov.u32 @p2 s6;
	p2 =	por p3, p3  }
0x48c: {  	s2 =	simm.s32 @p2 $0x1;
	s23 =	spop (v2sf)  }
0x48d: {  	s5 =	smov.u32 s0;
	p3 =	sgt.s32 s23, $0x0;
	s4 =	ssub.s32 s4, s23  }
0x48e: {  	p2 =	seq.s32 s2, $0x0;
	s5 =	smov.u32 @p3 s4  }
0x48f: {  	s28 =	spop (v2sf);
	s0 =	smov.u32 @p2 s5;
	p2 =	por p3, p3  }
0x490: {  	s2 =	simm.s32 @p2 $0x1;
	s29 =	spop (v2sf)  }
0x491: {  	s4 =	smov.u32 s0;
	p3 =	sgt.s32 s29, $0x0;
	s3 =	ssub.s32 s3, s29  }
0x492: {  	p2 =	seq.s32 s2, $0x0;
	s4 =	smov.u32 @p3 s3  }
0x493: {  	s0 =	smov.u32 @p2 s4;
	p2 =	por p3, p3;
	s30 =	spop (v2sf)  }
0x494: {  	s2 =	simm.s32 @p2 $0x1;
	p2 =	sgt.s32 s30, $0x0  }
0x495: {  	s3 =	ssub.s32 s16, s30;
	p3 =	seq.s32 s2, $0x0;
	s2 =	smov.u32 s0  }
0x496: {  	s4 =	sshll.u32 @!p1 s26, $0xA;
	s2 =	smov.u32 @p2 s3;
	s3 =	sshll.u32 @!p1 s25, $0x15  }
0x497: {  	s0 =	smov.u32 @p3 s2;
	s2 =	sor.u32 @!p1 s3, s4  }
0x498: {  	s0 =	sor.u32 @!p1 s0, s2  }
0x499: {  	s0 =	sxor.u32 @!p1 $0x80000000, s0  }
0x49a: {  	v4 =	vmov @!p1 s0  }
0x49b: {  	s3 =	rddreg [dreg:$0xb];
	s2 =	simm.s32 @!p1 $0x16980;
	s0 =	simm.s32 @!p1 $0x0;
	[tilespmem:$0x16980] =	vst @!p1 v4  }
0x49c: {  	[hbm4b:s3+s0] =	stream.linear.scatter @!p1 [tilespmem:s2], [sflag:$0x3], $0x10, $0x38;
	[tilespmem:$0x16A00] =	vst v63  }
0x49d: {  	s0 =	simm.s32 @!p1 $0x3  }
0x49e: {  	_ =	swait.ge @!p1 [sflag:s0], $0x10  }
0x49f: {  	s24 =	sadd.s32 $0x1, s24;
	s31 =	rddreg [dreg:$0xc]  }
0x4a0: {  	p2 =	sne.s32 s24, s31  }
.Ltmp16:
0x4a1: {  	_ = 	snop;
	(pc) =	sbr.rel @p2 .LBB2_1-.Ltmp16, $3  }
0x4a2: {  	_ =	sdelay $0x1  }
0x4a3: {  	[sflag:s0] =	ssyncset.done @!p1 $0x0  }
0x4a4: {  	[sflag:s0] =	ssyncadd.s32 @!p1 $0xFFFFFFF0  }
0x4a5: {  	_ =	sfence.sel $0x180000  }
0x4a6: {  	[bflag:$0x0] =	sbarrier.arrive $0xFFFF  }
0x4a7: {  	_ =	strace $0x90000047  }
0x4a8: {  	s0 =	stileid.u32;
	[bflag:$0x2] =	sbarrier.arrive $0xFFFF  }
0x4a9: {  	p0 =	sne.s32 s0, $0x0;
	s0 =	rddreg [dreg:$0x3]  }
0x4aa: {  	s0 =	sadd.s32 @!p0 $0x100000, s0  }
0x4ab: {  	[sflag:s0] =	ssyncadd.tile.s32 @!p0 $0x1;
	_ =	shalt  }
.Lfunc_end2:
_tile_overlayer_lowered:
.L_overlay_start_2:
0x4ac: {  	(tag) =	ssettag $0x2  }
0x4ad: {  	s0 =	rddreg [dreg:$0x0];
	s2 =	stileid.u32  }
0x4ae: {  	s1 =	rddreg [dreg:$0x1];
	p0 =	sne.s32 s2, $0x0  }
0x4af: {  	s3 =	rddreg [dreg:$0x2];
	[bflag:$0x3] =	sbarrier.arrive $0xFFFF;
	s2 =	simm.s32 @!p0 $0x1C03  }
0x4b0: {  	[timem:s3], [sflag:s2] =	dma.local @!p0 [hbm:s0], s1  }
0x4b1: {  	s0 =	simm.s32 @!p0 $0x3  }
0x4b2: {  	_ =	swait.ge @!p0 [sflag:s0], s1  }
0x4b3: {  	s1 =	ssub.s32 @!p0 $0x0, s1;
	[sflag:s0] =	ssyncset.done @!p0 $0x0  }
0x4b4: {  	[sflag:s0] =	ssyncadd.s32 @!p0 s1  }
0x4b5: {  	[bflag:$0x3] =	sbarrier.arrive $0xFFFF  }
0x4b6: {  	_ =	shalt  }

// kernel: sparse-core-data-format-call.cloned.1.call-start
scs
called_computation_lowered:
.L_overlay_start_0:
0x0: {  	s2 =	sld [smem:$0x3FD9]  }
0x1: {  	s3 =	sld [smem:$0x3FFE];
	_ =	sdelay $0x1  }
0x2: {  	s1 =	srdreg.scid  }
0x3: {  	s0 =	sand.u32 $0x1, s1  }
0x4: {  	s18 =	sshll.u32 s0, $0xA;
	s2 =	sadd.s32 s3, s2  }
0x5: {  	s2 =	sadd.s32 s2, s18  }
0x6: {  	[smem:$0x3FC5] =	sst s2  }
0x7: {  	_ = 	snop  }
0x8: {  	s2 =	sld [smem:$0x3FD0];
	(tm) =	ssettm $0x1  }
0x9: {  	s19 =	sld [smem:$0x3FFB];
	_ =	sdelay $0x3  }
0xa: {  	_ =	strace s19  }
0xb: {  	s3 =	sld [smem:$0x3FFC];
	_ =	sdelay $0x3  }
0xc: {  	_ =	strace s3  }
0xd: {  	s3 =	sld [smem:$0x3FFD];
	_ =	sdelay $0x3  }
0xe: {  	_ =	strace s3  }
0xf: {  	_ =	strace $0x8FFFFFFF  }
0x10: {  	s20 =	sld [smem:$0x3FDB];
	_ =	sdelay $0x1  }
0x11: {  	s4 =	simm.s32 $_scs_section_size  }
0x12: {  	s5 =	simm.s32 $_size__tile_overlayer_lowered;
	s6 =	simm.s32 $_tile_overlayer_lowered  }
0x13: {  	s23 =	simm.s32 $0x1BFF;
	s22 =	sshll.u32 s6, $0x1;
	s3 =	sadd.s32 s4, s20  }
0x14: {  	s7 =	simm.s32 $0x0;
	s21 =	sshll.u32 s5, $0x1;
	s5 =	sadd.s32 s22, s3  }
0x15: {  	[timem:s7], [sflag:s23] =	dma.local [hbm:s5], s21  }
0x16: {  	_ =	swait.ge [sflag:s23], s21  }
0x17: {  	s4 =	ssub.s32 $0x0, s21;
	[sflag:s23] =	ssyncset.done $0x0  }
0x18: {  	[sflag:s23] =	ssyncadd.s32 s4;
	_ =	sdelay $0x1  }
0x19: {  	s24 =	simm.s32 $0x1B8B  }
0x1a: {  	_ =	swait.ge [sflag:s24], $0x1  }
0x1b: {  	[sflag:s24] =	ssyncset.done $0x0  }
0x1c: {  	s26 =	simm.s32 $0x1B8E;
	s25 =	sld [smem:$0x3FFE];
	[sflag:s24] =	ssyncadd.s32 $0xFFFFFFFF  }
0x1d: {  	s27 =	simm.s32 $execute0_lowered;
	[smem:$0x3FD2] =	sst s26  }
0x1e: {  	s5 =	sshll.u32 s27, $0x1;
	_ =	strace $0x80000049;
	[dreg:$0x1] =	wrdreg $0xFFFFFFFF  }
0x1f: {  	s28 =	simm.s32 $_size_execute0_lowered;
	s3 =	sadd.s32 s3, s5;
	[dreg:$0x0] =	wrdreg $0x0  }
0x20: {  	s5 =	sshll.u32 s28, $0x1;
	[dreg:$0x2] =	wrdreg s3  }
0x21: {  	[dreg:$0x3] =	wrdreg s5  }
0x22: {  	[dreg:$0x4] =	wrdreg $0xC0  }
0x23: {  	_ =	task [dreg:s7], $0x5FFFF  }
0x24: {  	[dreg:$0x1] =	wrdreg $0xFFFFFFFF  }
0x25: {  	[dreg:$0x0] =	wrdreg $0x60  }
0x26: {  	[dreg:$0x2] =	wrdreg s25  }
0x27: {  	[dreg:$0x3] =	wrdreg s2  }
0x28: {  	[dreg:$0x4] =	wrdreg $0x9  }
0x29: {  	_ =	task.clear_ibuf [dreg:s7], $0x5FFFF;
	_ =	strace $0x90000049  }
0x2a: {  	s29 =	simm.s32 $0x9;
	_ =	strace $0x8000004B  }
0x2b: {  	_ =	swait.ge [sflag:s29], $0x1  }
0x2c: {  	[sflag:s29] =	ssyncadd.s32 $0xFFFFFFFF  }
0x2d: {  	_ =	strace $0x9000004B  }
0x2e: {  	_ =	sfence  }
0x2f: {  	s30 =	sld [smem:$0x0];
	_ =	sdelay $0x2  }
0x30: {  	s31 =	sshll.u32 s1, $0xD;
	s1 =	sshrl.u32 s1, $0x2  }
0x31: {  	s3 =	sand.u32 $0x4000, s31;
	s1 =	sadd.s32 s1, s30  }
0x32: {  	s0 =	sor.u32 s3, s0;
	s1 =	sshll.u32 s1, $0x11  }
0x33: {  	s0 =	sor.u32 s1, s0  }
0x34: {  	s0 =	sadd.s32 $0x8F2B, s0  }
0x35: {  	[sflag:s0] =	ssyncadd.remote.s32 $0x1  }
0x36: {  	_ =	sfence.sel $0xFFFF  }
0x37: {  	[dreg:$0x0] =	wrdreg $0xFFFFFFFF;
	(pc) =	sbr.abs _section_cstart, $3  }
0x38: {  	[dreg:$0x1] =	wrdreg $0xFFFFFFFF  }
0x39: {  	_ =	task.clear_ibuf [dreg:s7], $0x2FFFF;
	_ =	strace $0x9FFFFFFF  }
0x3a: {  	(tm) =	ssettm $0x7FFFFFFF  }
0x3b: {  	_ =	shalt  }
tec
execute0_lowered:
.L_overlay_start_1:
0x0: {  	(tag) =	ssettag $0x1  }
0x1: {  	s3 =	rddreg [dreg:$0x0]  }
0x2: {  	s2 =	rddreg [dreg:$0x1]  }
0x3: {  	s1 =	srdreg.scid;
	s0 =	rddreg [dreg:$0x2];
	_ =	strace $0x8000004A  }
0x4: {  	s7 =	simm.s32 $0x2;
	p0 =	por $0x0, $0x0;
	s13 =	simm.s32 $0x0  }
0x5: {  	s14 =	simm.s32 $0x0;
	s9 =	simm.s32 $0x0;
	s10 =	simm.s32 $0x0  }
.Ltmp0:
0x6: {  	s8 =	simm.s32 $0x0;
	s4 =	sshll.u32 s1, $0x4;
	(pc) =	sbr.rel .LBB1_1-.Ltmp0, $4  }
0x7: {  	s1 =	stileid.u32;
	s3 =	sadd.s32 $0x201000, s3;
	s4 =	sand.u32 $0x10, s4  }
0x8: {  	s5 =	sand.u32 $0x7, s1;
	s6 =	sor.u32 s1, s4;
	s4 =	simm.s32 $0x1  }
0x9: {  	s12 =	smov.u32 s5;
	[sflag:s4] =	ssyncpa.u1 $0x0;
	s6 =	sshrl.u32 s6, $0x3  }
0xa: {  	[sflag:s7] =	ssyncpa.u1 $0x0;
	s7 =	simm.s32 $0x0;
	s11 =	smov.u32 s6  }
.LBB1_5:
0xb: {  	p1 =	slt.u32 s8, $0x2;
	s16 =	smov.u32 s14;
	s8 =	sadd.s32 $0x1, s8  }
0xc: {  	p0 =	por !p0, !p0;
	p2 =	sgt.s32 @!p1 s14, $0x7;
	s15 =	sshra.s32 @!p1 s14, $0x1F  }
0xd: {  	p3 =	sgt.s32 @!p1 s13, $0x7F;
	s17 =	sshra.s32 @!p1 s13, $0x1F;
	p2 =	por !p2, p1  }
0xe: {  	s14 =	sand.u32 @!p1 s15, s14;
	p3 =	por !p3, p1;
	s15 =	smov.u32 s13  }
0xf: {  	s13 =	sand.u32 @!p1 s17, s13;
	s16 =	simm.s32 @p2 $0x7;
	s15 =	simm.s32 @p3 $0x7F  }
0x10: {  	s17 =	smov.u32 s12;
	s14 =	ssub.s32 @!p1 s16, s14;
	s13 =	ssub.s32 @!p1 s15, s13  }
0x11: {  	s15 =	sadd.s32 @!p1 $0xFFFFFFF9, s14;
	s14 =	ssub.s32 @!p1 $0x8, s14;
	s16 =	sadd.s32 @!p1 $0xFFFFFF81, s13  }
0x12: {  	p2 =	sgt.s32 @!p1 s15, $0x0;
	p3 =	sgt.s32 @!p1 s16, $0x0;
	s14 =	smul.u32 @!p1 $0xC000, s14  }
0x13: {  	s13 =	ssub.s32 @!p1 $0x80, s13;
	p3 =	por !p3, p1;
	p2 =	por !p2, p1  }
0x14: {  	s15 =	sadd.s32 $0x4, s11;
	s13 =	simm.s32 @!p3 $0x0;
	s14 =	simm.s32 @!p2 $0x0  }
0x15: {  	p2 =	sgt.s32 s15, $0x7F;
	s13 =	smul.u32 @!p1 s13, s14;
	s14 =	sadd.s32 $0x8, s12  }
0x16: {  	s15 =	smov.u32 @p2 s6;
	s17 =	smov.u32 @p2 s14;
	p2 =	sne.s32 s8, $0x22  }
.Ltmp1:
0x17: {  	s16 =	simm.s32 @!p1 $0x2;
	s14 =	smov.u32 s10;
	(pc) =	sbr.rel @!p2 .LBB1_6-.Ltmp1, $4  }
0x18: {  	s10 =	smov.u32 s12;
	s13 =	sshrl.u32 @!p1 s13, $0x2;
	p3 =	sgt.s32 s17, $0x7  }
0x19: {  	_ =	swait.ge @!p1 [sflag:s16], s13;
	s18 =	ssub.s32 @!p1 $0x0, s13;
	s13 =	smov.u32 s9  }
0x1a: {  	s17 =	smov.u32 @p3 s5;
	s9 =	smov.u32 s11;
	[sflag:s16] =	ssyncset.done @!p1 $0x0  }
0x1b: {  	s11 =	smov.u32 s15;
	s12 =	smov.u32 s17;
	[sflag:s16] =	ssyncadd.s32 @!p1 s18  }
.LBB1_1:
0x1c: {  	p1 =	sgt.u32 s8, $0x1F  }
0x1d: {  	s15 =	sxor.u32 @!p1 $0xFFFFFFFF, s8;
	s16 =	sshll.u32 @!p1 s12, $0x12  }
0x1e: {  	s17 =	sshll.u32 @!p1 s11, $0xB;
	s15 =	sshll.u32 @!p1 s15, $0xE;
	s16 =	sadd.s32 @!p1 s3, s16  }
0x1f: {  	s15 =	sand.u32 @!p1 $0x4000, s15;
	s16 =	sadd.s32 @!p1 s17, s16;
	s17 =	simm.s32 @!p1 $0x0  }
0x20: {  	[tilespmem:s15], [sflag:$0x1] =	stream.linear.gather @!p1 [hbm4b:s16+s17], $0x4000, $0x38;
	[tilespmem:$0x10100] =	vst v63  }
0x21: {  	p1 =	seq.s32 s8, $0x0  }
0x22: {  	p2 =	seq.s32 @!p1 s8, $0x21  }
0x23: {  	p1 =	por p1, p2  }
.Ltmp2:
0x24: {  	_ = 	snop;
	(pc) =	sbr.rel @p1 .LBB1_5-.Ltmp2, $1  }
0x25: {  	_ =	sdelay $0x3  }
0x26: {  	s15 =	simm.s32 $0x1  }
0x27: {  	_ =	swait.ge [sflag:s4], $0x4000;
	s15 =	simm.s32 @!p0 $0x0  }
0x28: {  	[sflag:s4] =	ssyncset.done $0x0;
	s16 =	sshll.u32 s15, $0xE  }
0x29: {  	[sflag:s4] =	ssyncadd.s32 $0xFFFFC000;
	s16 =	sor.u32 $0x40, s16  }
0x2a: {  	s15 =	smul.u32 $0x10200, s15;
	v0 =	vld [tilespmem:s16+$0x30]  }
0x2b: {  	v1 =	vld [tilespmem:s16+$0xFFFFFFD0]  }
0x2c: {  	s15 =	sshrl.u32 s15, $0x2;
	v5 =	vld [tilespmem:s16+$0xFFFFFFE0]  }
0x2d: {  	v6 =	vld [tilespmem:s16+$0xFFFFFFF0];
	s17 =	sor.u32 $0x8000, s15  }
0x2e: {  	s31 =	sand.u32 $0x1, s8;
	v4 =	vld [tilespmem:s16+$0x0];
	s18 =	sadd.s32 $0x0, s17  }
0x2f: {  	v3 =	vld [tilespmem:s16+$0x10];
	s15 =	smul.u32 $0x10200, s31;
	[tilespmem:s18+$0x3870 ss:$0x81] =	vst.msk $0xffff, v0  }
0x30: {  	v2 =	vld [tilespmem:s16+$0x20];
	[tilespmem:s18+$0x810 ss:$0x81] =	vst.msk $0xffff, v1  }
0x31: {  	s15 =	sshrl.u32 s15, $0x2;
	v0 =	vld [tilespmem:s16+$0xFFFFFFC0];
	[tilespmem:s18+$0x1020 ss:$0x81] =	vst.msk $0xffff, v5;
	s16 =	sadd.s32 $0x80, s16  }
0x32: {  	s19 =	simm.s32 $0x4;
	s20 =	simm.s32 $0x8;
	s15 =	sor.u32 $0x8000, s15;
	[tilespmem:s18+$0x1830 ss:$0x81] =	vst.msk $0xffff, v6;
	v1 =	vld [tilespmem:s16+$0x30]  }
.LBB1_3:
0x33: {  	p1 =	sne.s32 s20, $0x1FC;
	v5 =	vld [tilespmem:s16+$0xFFFFFFD0];
	[tilespmem:s18+$0x2040 ss:$0x81] =	vst.msk $0xffff, v4  }
0x34: {  	v6 =	vld [tilespmem:s16+$0xFFFFFFE0];
	[tilespmem:s18+$0x2850 ss:$0x81] =	vst.msk $0xffff, v3  }
0x35: {  	s21 =	sshra.s32 s19, $0x2;
	s19 =	smov.u32 s20;
	v7 =	vld [tilespmem:s16+$0xFFFFFFF0];
	[tilespmem:s18+$0x3060 ss:$0x81] =	vst.msk $0xffff, v2  }
.Ltmp3:
0x36: {  	v4 =	vld [tilespmem:s16+$0x0];
	[tilespmem:s18+$0x0 ss:$0x81] =	vst.msk $0xffff, v0;
	s18 =	sadd.s32 s21, s17;
	(pc) =	sbr.rel @p1 .LBB1_3-.Ltmp3, $4  }
0x37: {  	v3 =	vld [tilespmem:s16+$0x10];
	[tilespmem:s18+$0x3870 ss:$0x81] =	vst.msk $0xffff, v1  }
0x38: {  	[tilespmem:s18+$0x810 ss:$0x81] =	vst.msk $0xffff, v5;
	v2 =	vld [tilespmem:s16+$0x20]  }
0x39: {  	v0 =	vld [tilespmem:s16+$0xFFFFFFC0];
	[tilespmem:s18+$0x1020 ss:$0x81] =	vst.msk $0xffff, v6;
	s16 =	sadd.s32 $0x80, s16  }
0x3a: {  	s20 =	sadd.s32 $0x4, s20;
	v1 =	vld [tilespmem:s16+$0x30];
	[tilespmem:s18+$0x1830 ss:$0x81] =	vst.msk $0xffff, v7  }
0x3b: {  	p1 =	sgt.s32 s10, $0x7;
	s20 =	smov.u32 s10;
	v5 =	vld [tilespmem:s16+$0xFFFFFFD0];
	[tilespmem:s18+$0x2040 ss:$0x81] =	vst.msk $0xffff, v4  }
0x3c: {  	s21 =	sshra.s32 s10, $0x1F;
	v58 =	vld [tilespmem:s16+$0xFFFFFFE0];
	s22 =	sshra.s32 s9, $0x1F;
	s19 =	sshra.s32 s19, $0x2;
	[tilespmem:s18+$0x2850 ss:$0x81] =	vst.msk $0xffff, v3  }
0x3d: {  	v59 =	vld [tilespmem:s16+$0xFFFFFFF0];
	s20 =	simm.s32 @!p1 $0x7;
	s21 =	sand.u32 s21, s10;
	p1 =	sgt.s32 s9, $0x7F;
	[tilespmem:s18+$0x3060 ss:$0x81] =	vst.msk $0xffff, v2  }
0x3e: {  	v60 =	vld [tilespmem:s16+$0x0];
	s17 =	sadd.s32 s19, s17;
	s20 =	ssub.s32 s20, s21;
	s21 =	smov.u32 s9;
	[tilespmem:s18+$0x0 ss:$0x81] =	vst.msk $0xffff, v0  }
0x3f: {  	v61 =	vld [tilespmem:s16+$0x10];
	s29 =	smul.u32 $0x30000, s10;
	s22 =	sand.u32 s22, s9;
	s21 =	simm.s32 @!p1 $0x7F;
	[tilespmem:s17+$0x3870 ss:$0x81] =	vst.msk $0xffff, v1  }
0x40: {  	v62 =	vld [tilespmem:s16+$0x20];
	s30 =	smul.u32 $0x600, s9;
	s26 =	ssub.s32 $0x8, s20;
	s27 =	ssub.s32 s21, s22;
	[tilespmem:s17+$0x810 ss:$0x81] =	vst.msk $0xffff, v5  }
0x41: {  	v63 =	vld [tilespmem:s16+$0xFFFFFFC0];
	s20 =	sadd.s32 $0xFFFFFFF9, s20;
	s18 =	smul.u32 $0xC000, s26;
	s21 =	sadd.s32 $0xFFFFFF81, s27;
	[tilespmem:s17+$0x1020 ss:$0x81] =	vst.msk $0xffff, v58  }
0x42: {  	p1 =	sgt.s32 s20, $0x0;
	s19 =	ssub.s32 $0x80, s27;
	[tilespmem:s17+$0x1830 ss:$0x81] =	vst.msk $0xffff, v59;
	p2 =	sgt.s32 s21, $0x0  }
.Ltmp4:
0x43: {  	[tilespmem:s17+$0x2040 ss:$0x81] =	vst.msk $0xffff, v60;
	s18 =	simm.s32 @p1 $0x0;
	s19 =	simm.s32 @p2 $0x0;
	(pc) =	sbr.rel .LBB1_5-.Ltmp4, $4  }
0x44: {  	[tilespmem:s17+$0x2850 ss:$0x81] =	vst.msk $0xffff, v61;
	s28 =	smul.u32 s19, s18  }
0x45: {  	[tilespmem:s17+$0x3060 ss:$0x81] =	vst.msk $0xffff, v62;
	s18 =	sadd.s32 s2, s29  }
0x46: {  	[tilespmem:s17+$0x0 ss:$0x81] =	vst.msk $0xffff, v63;
	s31 =	sadd.s32 s30, s18;
	s16 =	sshrl.u32 s28, $0x2  }
0x47: {  	[hbm4b:s31+s7] =	stream.linear.scatter [tilespmem:s15], [sflag:$0x2], s16, $0x20;
	[tilespmem:$0x10100] =	vst v63  }
.LBB1_6:
0x48: {  	_ =	sfence.sel $0x180000  }
0x49: {  	s2 =	simm.s32 $0x1;
	[bflag:$0x0] =	sbarrier.arrive $0xFFFF  }
0x4a: {  	s31 =	simm.s32 $0x2;
	[sflag:s2] =	ssyncpa.u1 $0x1  }
0x4b: {  	[sflag:s31] =	ssyncpa.u1 $0x1  }
0x4c: {  	p0 =	sne.s32 s1, $0x0;
	_ =	strace $0x9000004A  }
0x4d: {  	s0 =	sadd.s32 @!p0 $0x100000, s0;
	[bflag:$0x2] =	sbarrier.arrive $0xFFFF  }
0x4e: {  	[sflag:s0] =	ssyncadd.tile.s32 @!p0 $0x1;
	_ =	shalt  }
.Lfunc_end1:
_tile_overlayer_lowered:
.L_overlay_start_2:
0x4f: {  	(tag) =	ssettag $0x2  }
0x50: {  	s0 =	rddreg [dreg:$0x0];
	s2 =	stileid.u32  }
0x51: {  	s1 =	rddreg [dreg:$0x1];
	p0 =	sne.s32 s2, $0x0  }
0x52: {  	s3 =	rddreg [dreg:$0x2];
	[bflag:$0x3] =	sbarrier.arrive $0xFFFF;
	s2 =	simm.s32 @!p0 $0x1C01  }
0x53: {  	[timem:s3], [sflag:s2] =	dma.local @!p0 [hbm:s0], s1  }
0x54: {  	s0 =	simm.s32 @!p0 $0x1  }
0x55: {  	_ =	swait.ge @!p0 [sflag:s0], s1  }
0x56: {  	s1 =	ssub.s32 @!p0 $0x0, s1;
	[sflag:s0] =	ssyncset.done @!p0 $0x0  }
0x57: {  	[sflag:s0] =	ssyncadd.s32 @!p0 s1  }
0x58: {  	[bflag:$0x3] =	sbarrier.arrive $0xFFFF  }
0x59: {  	_ =	shalt  }

</sc_bundles>
